<compile_context>
chip_gen: v7x
topology: tpu7x:2x2x1
jax: 0.10.2.dev20260603
libtpu: 0.0.44.dev20260713+nightly
codegen_flags: <defaults>
</compile_context>

<pallas_src>
import functools

import jax
import jax.numpy as jnp
from jax import lax
from jax.experimental import pallas as pl
from jax.experimental.pallas import tpu as pltpu
from jax.experimental.pallas import tpu_sc as plsc

N = 100000
E = 3200000
F_IN = 128
C = 16

NC = 2
NS = 16
NW = NC * NS

CH = 128
CPW = 782
TOTCH = NW * CPW
E_PAD = TOTCH * CH
NP = N + 16
RPT = NP // NS
ORPT = N // NS
GS = 5
IB = 2 * GS
NIB = CPW // IB
IBT = CPW - NIB * IB
ZR = 133

DEG_CB = 10000
DEG_EPW = E // NW
DEG_NB = DEG_EPW // DEG_CB

B = 2000
GRID = N // B


def _vmesh():
    return plsc.VectorSubcoreMesh(core_axis_name="c", subcore_axis_name="s")


def _sc_degree(col):

    @functools.partial(
        pl.kernel,
        out_type=jax.ShapeDtypeStruct((GRID, NW, B), jnp.float32),
        mesh=_vmesh(),
        compiler_params=pltpu.CompilerParams(needs_layout_passes=False, use_tc_tiling_on_sc=False),
        scratch_types=[
            pltpu.VMEM((N,), jnp.float32),
            pltpu.VMEM((2, DEG_CB), jnp.int32),
            pltpu.SemaphoreType.DMA,
            pltpu.SemaphoreType.DMA,
        ],
    )
    def k(col_hbm, out_hbm, deg_v, colbuf_v, dsa, dsb):
        wid = lax.axis_index("s") * NC + lax.axis_index("c")
        base = wid * DEG_EPW
        dsem = (dsa, dsb)

        def zero_body(i, _):
            deg_v[pl.ds(i * 16, 16)] = jnp.zeros((16,), jnp.float32)
            return 0

        lax.fori_loop(0, N // 16, zero_body, 0)

        ones = jnp.ones((16,), jnp.float32)

        pltpu.async_copy(col_hbm.at[pl.ds(base, DEG_CB)], colbuf_v.at[0], dsa)

        def blk2_body(p, _):
            for iset in range(2):
                b = 2 * p + iset

                @pl.when(b + 1 < DEG_NB)
                def _():
                    pltpu.async_copy(
                        col_hbm.at[pl.ds(base + (b + 1) * DEG_CB, DEG_CB)],
                        colbuf_v.at[1 - iset], dsem[1 - iset])

                pltpu.make_async_copy(col_hbm.at[pl.ds(0, DEG_CB)],
                                      colbuf_v.at[iset], dsem[iset]).wait()

                def inner(i, _):
                    idx = colbuf_v[iset, pl.ds(i * 16, 16)]
                    plsc.addupdate_scatter(deg_v, [idx], ones)
                    return 0

                lax.fori_loop(0, DEG_CB // 16, inner, 0)
            return 0

        lax.fori_loop(0, DEG_NB // 2, blk2_body, 0)

        def out_body(i, _):
            pltpu.sync_copy(deg_v.at[pl.ds(i * B, B)], out_hbm.at[i, wid, :])
            return 0

        lax.fori_loop(0, GRID, out_body, 0)

    return k(col)


def _sc_edge_pass(xp, rowc, colc):

    @functools.partial(
        pl.kernel,
        out_type=jax.ShapeDtypeStruct((NC, N, 16), jnp.float32),
        mesh=_vmesh(),
        compiler_params=pltpu.CompilerParams(needs_layout_passes=False, use_tc_tiling_on_sc=False),
        scratch_types=[
            pltpu.VMEM((2, IB, CH), jnp.int32),
            pltpu.VMEM((2, IB, CH), jnp.int32),
            pltpu.VMEM((2, GS * CH, 16), jnp.float32),
            pltpu.VMEM((1, CH), jnp.int32),
            pltpu.VMEM((ZR, 16), jnp.float32),
            pltpu.VMEM_SHARED((NP, 16), jnp.float32),
            pltpu.SemaphoreType.DMA,
            pltpu.SemaphoreType.DMA,
            pltpu.SemaphoreType.DMA,
            pltpu.SemaphoreType.DMA,
            pltpu.SemaphoreType.DMA,
            pltpu.SemaphoreType.DMA,
        ],
    )
    def k(xp_hbm, row_hbm, col_hbm, out_hbm, rowb, colb, bufs, dumidx, zb,
          acc, gsa, gsb, ssa, ssb, isa, isb):
        cid = lax.axis_index("c")
        sid = lax.axis_index("s")
        wid = sid * NC + cid
        ssem = (ssa, ssb)
        gsem = (gsa, gsb)

        def zb_body(i, _):
            zb[i, :] = jnp.zeros((16,), jnp.float32)
            return 0

        lax.fori_loop(0, ZR, zb_body, 0)

        def zcopy(t, _):
            pltpu.sync_copy(zb, acc.at[pl.ds(sid * RPT + t * ZR, ZR), :])
            return 0

        lax.fori_loop(0, RPT // ZR, zcopy, 0)

        for i in range(CH // 16):
            dumidx[0, pl.ds(i * 16, 16)] = jnp.full((16,), N, jnp.int32)
        def buf_zero(i, _):
            h = i // (GS * CH)
            r = i % (GS * CH)
            bufs[h, r, :] = jnp.zeros((16,), jnp.float32)
            return 0

        lax.fori_loop(0, 2 * GS * CH, buf_zero, 0)
        plsc.subcore_barrier()

        def prime(i, _):
            pltpu.async_copy(bufs.at[0, pl.ds(0, CH), :],
                             acc.at[dumidx.at[0]], ssa, add=True)
            pltpu.async_copy(bufs.at[1, pl.ds(0, CH), :],
                             acc.at[dumidx.at[0]], ssb, add=True)
            return 0

        lax.fori_loop(0, GS, prime, 0)

        base_ch = wid * CPW
        isem = (isa, isb)

        def stage(b, s, sem):
            c0 = base_ch + b * IB
            pltpu.async_copy(row_hbm.at[pl.ds(c0, IB), :], rowb.at[s], sem)
            pltpu.async_copy(col_hbm.at[pl.ds(c0, IB), :], colb.at[s], sem)

        stage(0, 0, isa)

        def blk2(p, _):
            for iset in range(2):
                b = 2 * p + iset

                @pl.when(b + 1 < NIB)
                def _():
                    stage(b + 1, 1 - iset, isem[1 - iset])

                pltpu.make_async_copy(row_hbm.at[pl.ds(0, IB), :],
                                      rowb.at[iset], isem[iset]).wait()
                pltpu.make_async_copy(col_hbm.at[pl.ds(0, IB), :],
                                      colb.at[iset], isem[iset]).wait()
                for half in range(2):
                    pltpu.make_async_copy(xp_hbm.at[pl.ds(0, GS * CH), :],
                                          bufs.at[half], ssem[half]).wait()
                    gd = []
                    for g in range(GS):
                        gd.append(pltpu.async_copy(
                            xp_hbm.at[rowb.at[iset, half * GS + g]],
                            bufs.at[half, pl.ds(g * CH, CH), :], gsem[half]))
                    for g in range(GS):
                        gd[g].wait()
                        pltpu.async_copy(bufs.at[half, pl.ds(g * CH, CH), :],
                                         acc.at[colb.at[iset, half * GS + g]],
                                         ssem[half], add=True)
            return 0

        lax.fori_loop(0, NIB // 2, blk2, 0)

        for half in range(2):
            pltpu.make_async_copy(xp_hbm.at[pl.ds(0, GS * CH), :],
                                  bufs.at[half], ssem[half]).wait()

        c0t = base_ch + NIB * IB
        pltpu.sync_copy(row_hbm.at[pl.ds(c0t, IBT), :],
                        rowb.at[0, pl.ds(0, IBT), :])
        pltpu.sync_copy(col_hbm.at[pl.ds(c0t, IBT), :],
                        colb.at[0, pl.ds(0, IBT), :])
        def tail(t, _):
            g = pltpu.async_copy(xp_hbm.at[rowb.at[0, t]],
                                 bufs.at[0, pl.ds(0, CH), :], gsa)
            g.wait()
            s = pltpu.async_copy(bufs.at[0, pl.ds(0, CH), :],
                                 acc.at[colb.at[0, t]], ssa, add=True)
            s.wait()
            return 0

        lax.fori_loop(0, IBT, tail, 0)
        plsc.subcore_barrier()
        pltpu.sync_copy(acc.at[pl.ds(sid * ORPT, ORPT), :],
                        out_hbm.at[cid, pl.ds(sid * ORPT, ORPT), :])

    return k(xp, rowc, colc)


NF = N // 8


def _bcast_rows(v_row):
    ones16 = jnp.ones((1, 16), jnp.float32)
    return lax.dot_general(v_row, ones16, (((0,), (0,)), ((), ())),
                           preferred_element_type=jnp.float32)


def _k1a_body(x_ref, wk_ref, bnn_ref, gi_ref, wgn_ref, bgn_ref, xw_ref):
    k = pl.program_id(0)
    part = jnp.dot(x_ref[...], wk_ref[...],
                   preferred_element_type=jnp.float32)

    @pl.when(k == 0)
    def _():
        gvec = jnp.dot(gi_ref[...], wgn_ref[...],
                       preferred_element_type=jnp.float32) + bgn_ref[...]
        gt = jnp.concatenate([gvec + bnn_ref[...]] * 8, axis=1)
        xw_ref[...] = part + gt

    @pl.when(k > 0)
    def _():
        xw_ref[...] = xw_ref[...] + part


def _tc_k1a(x2, wk1, bnn, gi, wgn, bgn):
    return pl.pallas_call(
        _k1a_body,
        grid=(8,),
        in_specs=[
            pl.BlockSpec((NF, F_IN), lambda k: (0, k)),
            pl.BlockSpec((F_IN, 128), lambda k: (k, 0)),
            pl.BlockSpec((1, 16), lambda k: (0, 0)),
            pl.BlockSpec((1, 16), lambda k: (0, 0)),
            pl.BlockSpec((16, 16), lambda k: (0, 0)),
            pl.BlockSpec((1, 16), lambda k: (0, 0)),
        ],
        out_specs=pl.BlockSpec((NF, 128), lambda k: (0, 0)),
        out_shape=jax.ShapeDtypeStruct((NF, 128), jnp.float32),
    )(x2, wk1, bnn, gi, wgn, bgn)


def _k1bx_body(degp_ref, dinv_ref):
    deg = jnp.sum(degp_ref[0], axis=0, keepdims=True) + 1.0
    dinv_ref[0] = lax.rsqrt(deg)


def _tc_k1bx(deg_parts):
    return pl.pallas_call(
        _k1bx_body,
        grid=(GRID,),
        in_specs=[pl.BlockSpec((1, NW, B), lambda i: (i, 0, 0))],
        out_specs=pl.BlockSpec((1, 1, B), lambda i: (i, 0, 0)),
        out_shape=jax.ShapeDtypeStruct((GRID, 1, B), jnp.float32),
    )(deg_parts)


def _k1by_body(xw_ref, dinv8_ref, r8_ref, xp_ref, dinv_ref):
    dinvf = jnp.dot(dinv8_ref[...], r8_ref[...],
                    preferred_element_type=jnp.float32)
    dinv_ref[...] = dinvf
    xp_ref[...] = xw_ref[...] * dinvf


def _tc_k1by(xw, dinv8, r8):
    return pl.pallas_call(
        _k1by_body,
        out_shape=[
            jax.ShapeDtypeStruct((NF, 128), jnp.float32),
            jax.ShapeDtypeStruct((NF, 128), jnp.float32),
        ],
    )(xw, dinv8, r8)


def _k4a_body(s_ref, xp_ref, dinv_ref, h_ref, gmax_ref):
    out1 = dinv_ref[...] * (s_ref[0:NF] + s_ref[NF:2 * NF] + xp_ref[...])
    h_ref[...] = jnp.maximum(out1, 0.0)
    gmax_ref[...] = jnp.max(out1, axis=0, keepdims=True)


def _tc_k4a(sf, xpf, dinvf):
    return pl.pallas_call(
        _k4a_body,
        out_shape=[
            jax.ShapeDtypeStruct((NF, 128), jnp.float32),
            jax.ShapeDtypeStruct((1, 128), jnp.float32),
        ],
    )(sf, xpf, dinvf)


def _k4b_body(h_ref, dinv_ref, gmax_ref, gi_ref, wgg_ref, bgg_ref, wng_ref,
              bng_ref, wgn_ref, bgn_ref, wk_ref, bt_ref, xp2_ref):
    g128 = gmax_ref[...]
    gmax = g128[:, 0:16]
    for j in range(1, 8):
        gmax = jnp.maximum(gmax, g128[:, 16 * j:16 * j + 16])
    glob1 = (jnp.dot(gi_ref[...], wgg_ref[...],
                     preferred_element_type=jnp.float32) + bgg_ref[...]
             + jnp.dot(gmax, wng_ref[...],
                       preferred_element_type=jnp.float32) + bng_ref[...])
    gvec2 = jnp.dot(glob1, wgn_ref[...],
                    preferred_element_type=jnp.float32) + bgn_ref[...]
    gvec2t = jnp.concatenate([gvec2] * 8, axis=1)
    xw2 = jnp.dot(h_ref[...], wk_ref[...],
                  preferred_element_type=jnp.float32) + bt_ref[...] + gvec2t
    xp2_ref[...] = xw2 * dinv_ref[...]


def _tc_k4b(h, dinvf, gmax, gi, wgg, bgg, wng, bng, wgn, bgn, wk2, bt2):
    return pl.pallas_call(
        _k4b_body,
        out_shape=jax.ShapeDtypeStruct((NF, 128), jnp.float32),
    )(h, dinvf, gmax, gi, wgg, bgg, wng, bng, wgn, bgn, wk2, bt2)


def _k6_body(s_ref, xp_ref, dinv_ref, out_ref):
    z = dinv_ref[...] * (s_ref[0:NF] + s_ref[NF:2 * NF] + xp_ref[...])
    out_ref[...] = 1.0 / (1.0 + jnp.exp(-z))


def _tc_k6(sf, xpf, dinvf):
    return pl.pallas_call(
        _k6_body,
        out_shape=jax.ShapeDtypeStruct((NF, 128), jnp.float32),
    )(sf, xpf, dinvf)


def kernel(x, edge_index, W_nn1, b_nn1, W_gn1, b_gn1, W_gg1, b_gg1, W_ng1,
           b_ng1, W_nn2, b_nn2, W_gn2, b_gn2, W_gg2, b_gg2, W_ng2, b_ng2,
           glob_init):
    row = edge_index[0]
    col = edge_index[1]
    pad = E_PAD - E
    rowc = jnp.concatenate([row, jnp.zeros((pad,), jnp.int32)]).reshape(TOTCH, CH)
    colc = jnp.concatenate([col, jnp.full((pad,), N, jnp.int32)]).reshape(TOTCH, CH)

    wk2 = jnp.kron(jnp.eye(8, dtype=jnp.float32), W_nn2)
    bt2 = jnp.tile(b_nn2, 8).reshape(1, 128)

    wk1 = jnp.kron(jnp.eye(8, dtype=jnp.float32), W_nn1)
    r8 = jnp.kron(jnp.eye(8, dtype=jnp.float32),
                  jnp.ones((1, 16), jnp.float32))
    x2 = x.reshape(NF, 8 * F_IN)

    deg_parts = _sc_degree(col)
    xw1 = _tc_k1a(x2, wk1, b_nn1.reshape(1, 16), glob_init, W_gn1,
                  b_gn1.reshape(1, 16))
    dinv8 = _tc_k1bx(deg_parts).reshape(NF, 8)
    xp1f, dinvf = _tc_k1by(xw1, dinv8, r8)
    s1 = _sc_edge_pass(xp1f.reshape(N, 16), rowc, colc)
    h, gmax = _tc_k4a(s1.reshape(2 * NF, 128), xp1f, dinvf)
    xp2f = _tc_k4b(h, dinvf, gmax, glob_init, W_gg1, b_gg1.reshape(1, 16),
                   W_ng1, b_ng1.reshape(1, 16), W_gn2, b_gn2.reshape(1, 16),
                   wk2, bt2)
    s2 = _sc_edge_pass(xp2f.reshape(N, 16), rowc, colc)
    return _tc_k6(s2.reshape(2 * NF, 128), xp2f, dinvf).reshape(N, 16)

# --- scband reference (transcript-rebuilt; emitter-appended) ---
"""Pipeline reference for scband-gcn-15977278341809 (READ-ONLY COPY).

The authoritative reference and input builder live on the scoring server;
editing this copy changes nothing except your own understanding.
"""

import jax, jax.numpy as jnp
import numpy as np

N = 100000
E = 3200000
F_IN = 128
C = 16
G = 16
LBL = 16

def _lin_init(key, fan_in, fan_out):
    kw, kb = jax.random.split(key)
    bound = 1.0 / np.sqrt(fan_in)
    W = jax.random.uniform(kw, (fan_in, fan_out), jnp.float32, -bound, bound)
    b = jax.random.uniform(kb, (fan_out,), jnp.float32, -bound, bound)
    return W, b

def setup_inputs(seed: int = 0) -> dict:
    key = jax.random.key(seed)
    ks = jax.random.split(key, 12)
    x = jax.random.normal(ks[0], (N, F_IN), dtype=jnp.float32)
    edge_index = jax.random.randint(ks[1], (2, E), 0, N, dtype=jnp.int32)
    W_nn1, b_nn1 = _lin_init(ks[2], F_IN, C)
    W_gn1, b_gn1 = _lin_init(ks[3], G, C)
    W_gg1, b_gg1 = _lin_init(ks[4], G, G)
    W_ng1, b_ng1 = _lin_init(ks[5], C, G)
    W_nn2, b_nn2 = _lin_init(ks[6], C, LBL)
    W_gn2, b_gn2 = _lin_init(ks[7], G, LBL)
    W_gg2, b_gg2 = _lin_init(ks[8], G, G)
    W_ng2, b_ng2 = _lin_init(ks[9], LBL, G)
    glob_init = jax.random.normal(ks[10], (1, G), dtype=jnp.float32)
    return {"x": x, "edge_index": edge_index,
            "W_nn1": W_nn1, "b_nn1": b_nn1, "W_gn1": W_gn1, "b_gn1": b_gn1,
            "W_gg1": W_gg1, "b_gg1": b_gg1, "W_ng1": W_ng1, "b_ng1": b_ng1,
            "W_nn2": W_nn2, "b_nn2": b_nn2, "W_gn2": W_gn2, "b_gn2": b_gn2,
            "W_gg2": W_gg2, "b_gg2": b_gg2, "W_ng2": W_ng2, "b_ng2": b_ng2,
            "glob_init": glob_init}

def _gcn_conv_glob(x, glob, edge_index, W_nn, b_nn, W_gn, b_gn, W_gg, b_gg, W_ng, b_ng):
    n = x.shape[0]
    loops = jnp.arange(n, dtype=edge_index.dtype)
    ei = jnp.concatenate([edge_index, jnp.stack([loops, loops])], axis=1)
    x = x @ W_nn + b_nn
    globs = glob @ W_gn + b_gn
    # single graph: graph_assignment == 0 everywhere, so every node gets globs[0]
    x = x + globs[0][None, :]
    row, col = ei[0], ei[1]
    deg = jax.ops.segment_sum(jnp.ones((ei.shape[1],), dtype=x.dtype), col, num_segments=n)
    deg_inv_sqrt = jnp.where(deg > 0, 1.0 / jnp.sqrt(jnp.maximum(deg, 1e-12)), 0.0)
    norm = deg_inv_sqrt[row] * deg_inv_sqrt[col]
    msg = norm[:, None] * jnp.take(x, row, axis=0)
    out = jax.ops.segment_sum(msg, col, num_segments=n)
    glob_new = glob @ W_gg + b_gg
    graph_parts = jnp.max(out, axis=0, keepdims=True)
    glob_new = glob_new + (graph_parts @ W_ng + b_ng)
    return out, glob_new

def reference(x, edge_index, W_nn1, b_nn1, W_gn1, b_gn1, W_gg1, b_gg1, W_ng1, b_ng1,
              W_nn2, b_nn2, W_gn2, b_gn2, W_gg2, b_gg2, W_ng2, b_ng2, glob_init):
    glob = glob_init  # num_graphs = 1 -> repeat(1, 1)
    h, glob = _gcn_conv_glob(x, glob, edge_index, W_nn1, b_nn1, W_gn1, b_gn1, W_gg1, b_gg1, W_ng1, b_ng1)
    h = jax.nn.relu(h)
    h, glob = _gcn_conv_glob(h, glob, edge_index, W_nn2, b_nn2, W_gn2, b_gn2, W_gg2, b_gg2, W_ng2, b_ng2)
    return jax.nn.sigmoid(h)

if __name__ == "__main__":
    import jax
    _d = setup_inputs()
    print(jax.jit(kernel)(*tuple(_d.values())))

</pallas_src>

<mosaic_0001>
#map = affine_map<(d0, d1) -> (0)>
#map1 = affine_map<(d0, d1) -> (0, 0, 0)>
module attributes {stable_mosaic.version = 14 : i64} {
  func.func @k(%arg0: i32, %arg1: i32, %arg2: memref<3200000xi32, #tpu.memory_space<hbm>>, %arg3: memref<50x32x2000xf32, #tpu.memory_space<hbm>>, %arg4: memref<100000xf32, #tpu.memory_space<vmem>>, %arg5: memref<2x10000xi32, #tpu.memory_space<vmem>>, %arg6: memref<!tpu.dma_semaphore, #tpu.memory_space<semaphore_mem>>, %arg7: memref<!tpu.dma_semaphore, #tpu.memory_space<semaphore_mem>>) attributes {dimension_semantics = [#tpu.dimension_semantics<core_parallel>, #tpu.dimension_semantics<subcore_parallel>], iteration_bounds = array<i64: 2, 16>, scalar_prefetch = 0 : i64, scratch_operands = 4 : i64, tpu.core_type = #tpu.core_type<sc_vector_subcore>, window_params = [{transform_indices = #map}, {transform_indices = #map1}]} {
    %mul3A = arith.constant 2 : i32
    %mul3A_0 = arith.muli %arg1, %mul3A : i32
    %add3A = arith.addi %mul3A_0, %arg0 : i32
    %mul3A_1 = arith.constant 100000 : i32
    %mul3A_2 = arith.muli %add3A, %mul3A_1 : i32
    %scan3A = arith.constant 0 : i32
    %scan3A_3 = arith.constant 0 : i32
    %scan3A_4 = arith.constant 6250 : i32
    %scan3A_5 = arith.addi %scan3A_3, %scan3A_4 : i32
    %scan3A_6 = arith.constant 1 : i32
    %scan3A_7 = scf.for %scan3A_32 = %scan3A_3 to %scan3A_5 step %scan3A_6 iter_args(%scan3A_33 = %scan3A) -> (i32)  : i32 {
      %broadcast_in_dim3A_34 = arith.constant 0.000000e+00 : f32
      %broadcast_in_dim3A_35 = vector.broadcast %broadcast_in_dim3A_34 : f32 to vector<16xf32>
      %mul3A_36 = arith.constant 16 : i32
      %mul3A_37 = arith.muli %scan3A_32, %mul3A_36 : i32
      %swap3A = arith.index_cast %mul3A_37 : i32 to index
      %swap3A_38 = tpu.vector_load %arg4[%swap3A] {strides = array<i32>} : memref<100000xf32, #tpu.memory_space<vmem>>, vector<16xf32>,
      tpu.vector_store %arg4[%swap3A], %broadcast_in_dim3A_35 {strides = array<i32>} : memref<100000xf32, #tpu.memory_space<vmem>>, vector<16xf32>,
      %scan3A_39 = arith.constant 0 : i32
      scf.yield %scan3A_39 : i32
    }
    %scan3A_8 = arith.constant 6250 : i32
    %broadcast_in_dim3A = arith.constant 1.000000e+00 : f32
    %broadcast_in_dim3A_9 = vector.broadcast %broadcast_in_dim3A : f32 to vector<16xf32>
    %dma_start3A = arith.constant 0 : i32
    %dma_start3A_10 = arith.constant 0 : i32
    %dma_start3A_11 = tpu.memref_slice %arg5[%dma_start3A, %dma_start3A_10] : memref<2x10000xi32, #tpu.memory_space<vmem>> -> memref<1x10000xi32, #tpu.memory_space<vmem>>
    %dma_start3A_12 = tpu.memref_squeeze %dma_start3A_11 : memref<1x10000xi32, #tpu.memory_space<vmem>> -> memref<10000xi32, #tpu.memory_space<vmem>>
    %dma_start3A_13 = tpu.memref_slice %arg2[%mul3A_2] : memref<3200000xi32, #tpu.memory_space<hbm>> -> memref<10000xi32, #tpu.memory_space<hbm>>
    %dma_start3A_14 = arith.constant 0 : i32
    %dma_start3A_15 = tpu.memref_slice %arg5[%dma_start3A, %dma_start3A_14] : memref<2x10000xi32, #tpu.memory_space<vmem>> -> memref<1x10000xi32, #tpu.memory_space<vmem>>
    %dma_start3A_16 = tpu.memref_squeeze %dma_start3A_15 : memref<1x10000xi32, #tpu.memory_space<vmem>> -> memref<10000xi32, #tpu.memory_space<vmem>>
    %dma_start3A_17 = tpu.memref_slice %arg2[%mul3A_2] : memref<3200000xi32, #tpu.memory_space<hbm>> -> memref<10000xi32, #tpu.memory_space<hbm>>
    tpu.enqueue_dma source(%dma_start3A_17 : memref<10000xi32, #tpu.memory_space<hbm>>) target(%dma_start3A_16 : memref<10000xi32, #tpu.memory_space<vmem>>) target_semaphore(%arg6 : memref<!tpu.dma_semaphore, #tpu.memory_space<semaphore_mem>>)
    %scan3A_18 = arith.constant 0 : i32
    %scan3A_19 = arith.constant 0 : i32
    %scan3A_20 = arith.constant 5 : i32
    %scan3A_21 = arith.addi %scan3A_19, %scan3A_20 : i32
    %scan3A_22 = arith.constant 1 : i32
    %scan3A_23 = scf.for %scan3A_32 = %scan3A_19 to %scan3A_21 step %scan3A_22 iter_args(%scan3A_33 = %scan3A_18) -> (i32)  : i32 {
      %mul3A_34 = arith.constant 2 : i32
      %mul3A_35 = arith.muli %mul3A_34, %scan3A_32 : i32
      %add3A_36 = arith.constant 0 : i32
      %add3A_37 = arith.addi %mul3A_35, %add3A_36 : i32
      %add3A_38 = arith.constant 1 : i32
      %add3A_39 = arith.addi %add3A_37, %add3A_38 : i32
      %lt3A = arith.constant 10 : i32
      %lt3A_40 = arith.cmpi slt, %add3A_39, %lt3A : i32
      %convert_element_type3A = arith.extui %lt3A_40 : i1 to i32
      %cond3A = arith.constant 0 : i32
      %cond3A_41 = arith.cmpi ne, %convert_element_type3A, %cond3A : i32
      scf.if %cond3A_41 {
        %add3A_89 = arith.constant 1 : i32
        %add3A_90 = arith.addi %add3A_37, %add3A_89 : i32
        %mul3A_91 = arith.constant 10000 : i32
        %mul3A_92 = arith.muli %add3A_90, %mul3A_91 : i32
        %add3A_93 = arith.addi %mul3A_2, %mul3A_92 : i32
        %dma_start3A_94 = arith.constant 1 : i32
        %dma_start3A_95 = arith.constant 0 : i32
        %dma_start3A_96 = tpu.memref_slice %arg5[%dma_start3A_94, %dma_start3A_95] : memref<2x10000xi32, #tpu.memory_space<vmem>> -> memref<1x10000xi32, #tpu.memory_space<vmem>>
        %dma_start3A_97 = tpu.memref_squeeze %dma_start3A_96 : memref<1x10000xi32, #tpu.memory_space<vmem>> -> memref<10000xi32, #tpu.memory_space<vmem>>
        %dma_start3A_98 = tpu.memref_slice %arg2[%add3A_93] : memref<3200000xi32, #tpu.memory_space<hbm>> -> memref<10000xi32, #tpu.memory_space<hbm>>
        %dma_start3A_99 = arith.constant 0 : i32
        %dma_start3A_100 = tpu.memref_slice %arg5[%dma_start3A_94, %dma_start3A_99] : memref<2x10000xi32, #tpu.memory_space<vmem>> -> memref<1x10000xi32, #tpu.memory_space<vmem>>
        %dma_start3A_101 = tpu.memref_squeeze %dma_start3A_100 : memref<1x10000xi32, #tpu.memory_space<vmem>> -> memref<10000xi32, #tpu.memory_space<vmem>>
        %dma_start3A_102 = tpu.memref_slice %arg2[%add3A_93] : memref<3200000xi32, #tpu.memory_space<hbm>> -> memref<10000xi32, #tpu.memory_space<hbm>>
        tpu.enqueue_dma source(%dma_start3A_102 : memref<10000xi32, #tpu.memory_space<hbm>>) target(%dma_start3A_101 : memref<10000xi32, #tpu.memory_space<vmem>>) target_semaphore(%arg7 : memref<!tpu.dma_semaphore, #tpu.memory_space<semaphore_mem>>)
      } else {
      }
      %dma_wait3A = arith.constant 0 : i32
      %dma_wait3A_42 = arith.constant 0 : i32
      %dma_wait3A_43 = tpu.memref_slice %arg5[%dma_wait3A, %dma_wait3A_42] : memref<2x10000xi32, #tpu.memory_space<vmem>> -> memref<1x10000xi32, #tpu.memory_space<vmem>>
      %dma_wait3A_44 = tpu.memref_squeeze %dma_wait3A_43 : memref<1x10000xi32, #tpu.memory_space<vmem>> -> memref<10000xi32, #tpu.memory_space<vmem>>
      %dma_wait3A_45 = arith.constant 0 : i32
      %dma_wait3A_46 = tpu.memref_slice %arg2[%dma_wait3A_45] : memref<3200000xi32, #tpu.memory_space<hbm>> -> memref<10000xi32, #tpu.memory_space<hbm>>
      %dma_wait3A_47 = arith.constant 0 : i32
      %dma_wait3A_48 = tpu.memref_slice %arg5[%dma_wait3A, %dma_wait3A_47] : memref<2x10000xi32, #tpu.memory_space<vmem>> -> memref<1x10000xi32, #tpu.memory_space<vmem>>
      %dma_wait3A_49 = tpu.memref_squeeze %dma_wait3A_48 : memref<1x10000xi32, #tpu.memory_space<vmem>> -> memref<10000xi32, #tpu.memory_space<vmem>>
      %dma_wait3A_50 = arith.constant 0 : i32
      %dma_wait3A_51 = tpu.memref_slice %arg2[%dma_wait3A_50] : memref<3200000xi32, #tpu.memory_space<hbm>> -> memref<10000xi32, #tpu.memory_space<hbm>>
      tpu.wait_dma2 semaphore(%arg6 : memref<!tpu.dma_semaphore, #tpu.memory_space<semaphore_mem>>) src(%dma_wait3A_51 : memref<10000xi32, #tpu.memory_space<hbm>>) dst(%dma_wait3A_49 : memref<10000xi32, #tpu.memory_space<vmem>>)
      %scan3A_52 = arith.constant 0 : i32
      %scan3A_53 = arith.constant 0 : i32
      %scan3A_54 = arith.constant 625 : i32
      %scan3A_55 = arith.addi %scan3A_53, %scan3A_54 : i32
      %scan3A_56 = arith.constant 1 : i32
      %scan3A_57 = scf.for %scan3A_89 = %scan3A_53 to %scan3A_55 step %scan3A_56 iter_args(%scan3A_90 = %scan3A_52) -> (i32)  : i32 {
        %mul3A_91 = arith.constant 16 : i32
        %mul3A_92 = arith.muli %scan3A_89, %mul3A_91 : i32
        %get3A = arith.constant 0 : i32
        %get3A_93 = arith.index_cast %get3A : i32 to index
        %get3A_94 = arith.index_cast %mul3A_92 : i32 to index
        %get3A_95 = tpu.vector_load %arg5[%get3A_93, %get3A_94] {strides = array<i32>} : memref<2x10000xi32, #tpu.memory_space<vmem>>, vector<16xi32>,
        tpu.vector_store_idx %arg4[%get3A_95], %broadcast_in_dim3A_9 {add = true} : memref<100000xf32, #tpu.memory_space<vmem>>[vector<16xi32>], vector<16xf32>,
        %scan3A_96 = arith.constant 0 : i32
        scf.yield %scan3A_96 : i32
      }
      %scan3A_58 = arith.constant 625 : i32
      %mul3A_59 = arith.constant 2 : i32
      %mul3A_60 = arith.muli %mul3A_59, %scan3A_32 : i32
      %add3A_61 = arith.constant 1 : i32
      %add3A_62 = arith.addi %mul3A_60, %add3A_61 : i32
      %add3A_63 = arith.constant 1 : i32
      %add3A_64 = arith.addi %add3A_62, %add3A_63 : i32
      %lt3A_65 = arith.constant 10 : i32
      %lt3A_66 = arith.cmpi slt, %add3A_64, %lt3A_65 : i32
      %convert_element_type3A_67 = arith.extui %lt3A_66 : i1 to i32
      %cond3A_68 = arith.constant 0 : i32
      %cond3A_69 = arith.cmpi ne, %convert_element_type3A_67, %cond3A_68 : i32
      scf.if %cond3A_69 {
        %add3A_89 = arith.constant 1 : i32
        %add3A_90 = arith.addi %add3A_62, %add3A_89 : i32
        %mul3A_91 = arith.constant 10000 : i32
        %mul3A_92 = arith.muli %add3A_90, %mul3A_91 : i32
        %add3A_93 = arith.addi %mul3A_2, %mul3A_92 : i32
        %dma_start3A_94 = arith.constant 0 : i32
        %dma_start3A_95 = arith.constant 0 : i32
        %dma_start3A_96 = tpu.memref_slice %arg5[%dma_start3A_94, %dma_start3A_95] : memref<2x10000xi32, #tpu.memory_space<vmem>> -> memref<1x10000xi32, #tpu.memory_space<vmem>>
        %dma_start3A_97 = tpu.memref_squeeze %dma_start3A_96 : memref<1x10000xi32, #tpu.memory_space<vmem>> -> memref<10000xi32, #tpu.memory_space<vmem>>
        %dma_start3A_98 = tpu.memref_slice %arg2[%add3A_93] : memref<3200000xi32, #tpu.memory_space<hbm>> -> memref<10000xi32, #tpu.memory_space<hbm>>
        %dma_start3A_99 = arith.constant 0 : i32
        %dma_start3A_100 = tpu.memref_slice %arg5[%dma_start3A_94, %dma_start3A_99] : memref<2x10000xi32, #tpu.memory_space<vmem>> -> memref<1x10000xi32, #tpu.memory_space<vmem>>
        %dma_start3A_101 = tpu.memref_squeeze %dma_start3A_100 : memref<1x10000xi32, #tpu.memory_space<vmem>> -> memref<10000xi32, #tpu.memory_space<vmem>>
        %dma_start3A_102 = tpu.memref_slice %arg2[%add3A_93] : memref<3200000xi32, #tpu.memory_space<hbm>> -> memref<10000xi32, #tpu.memory_space<hbm>>
        tpu.enqueue_dma source(%dma_start3A_102 : memref<10000xi32, #tpu.memory_space<hbm>>) target(%dma_start3A_101 : memref<10000xi32, #tpu.memory_space<vmem>>) target_semaphore(%arg6 : memref<!tpu.dma_semaphore, #tpu.memory_space<semaphore_mem>>)
      } else {
      }
      %dma_wait3A_70 = arith.constant 1 : i32
      %dma_wait3A_71 = arith.constant 0 : i32
      %dma_wait3A_72 = tpu.memref_slice %arg5[%dma_wait3A_70, %dma_wait3A_71] : memref<2x10000xi32, #tpu.memory_space<vmem>> -> memref<1x10000xi32, #tpu.memory_space<vmem>>
      %dma_wait3A_73 = tpu.memref_squeeze %dma_wait3A_72 : memref<1x10000xi32, #tpu.memory_space<vmem>> -> memref<10000xi32, #tpu.memory_space<vmem>>
      %dma_wait3A_74 = arith.constant 0 : i32
      %dma_wait3A_75 = tpu.memref_slice %arg2[%dma_wait3A_74] : memref<3200000xi32, #tpu.memory_space<hbm>> -> memref<10000xi32, #tpu.memory_space<hbm>>
      %dma_wait3A_76 = arith.constant 0 : i32
      %dma_wait3A_77 = tpu.memref_slice %arg5[%dma_wait3A_70, %dma_wait3A_76] : memref<2x10000xi32, #tpu.memory_space<vmem>> -> memref<1x10000xi32, #tpu.memory_space<vmem>>
      %dma_wait3A_78 = tpu.memref_squeeze %dma_wait3A_77 : memref<1x10000xi32, #tpu.memory_space<vmem>> -> memref<10000xi32, #tpu.memory_space<vmem>>
      %dma_wait3A_79 = arith.constant 0 : i32
      %dma_wait3A_80 = tpu.memref_slice %arg2[%dma_wait3A_79] : memref<3200000xi32, #tpu.memory_space<hbm>> -> memref<10000xi32, #tpu.memory_space<hbm>>
      tpu.wait_dma2 semaphore(%arg7 : memref<!tpu.dma_semaphore, #tpu.memory_space<semaphore_mem>>) src(%dma_wait3A_80 : memref<10000xi32, #tpu.memory_space<hbm>>) dst(%dma_wait3A_78 : memref<10000xi32, #tpu.memory_space<vmem>>)
      %scan3A_81 = arith.constant 0 : i32
      %scan3A_82 = arith.constant 0 : i32
      %scan3A_83 = arith.constant 625 : i32
      %scan3A_84 = arith.addi %scan3A_82, %scan3A_83 : i32
      %scan3A_85 = arith.constant 1 : i32
      %scan3A_86 = scf.for %scan3A_89 = %scan3A_82 to %scan3A_84 step %scan3A_85 iter_args(%scan3A_90 = %scan3A_81) -> (i32)  : i32 {
        %mul3A_91 = arith.constant 16 : i32
        %mul3A_92 = arith.muli %scan3A_89, %mul3A_91 : i32
        %get3A = arith.constant 1 : i32
        %get3A_93 = arith.index_cast %get3A : i32 to index
        %get3A_94 = arith.index_cast %mul3A_92 : i32 to index
        %get3A_95 = tpu.vector_load %arg5[%get3A_93, %get3A_94] {strides = array<i32>} : memref<2x10000xi32, #tpu.memory_space<vmem>>, vector<16xi32>,
        tpu.vector_store_idx %arg4[%get3A_95], %broadcast_in_dim3A_9 {add = true} : memref<100000xf32, #tpu.memory_space<vmem>>[vector<16xi32>], vector<16xf32>,
        %scan3A_96 = arith.constant 0 : i32
        scf.yield %scan3A_96 : i32
      }
      %scan3A_87 = arith.constant 625 : i32
      %scan3A_88 = arith.constant 0 : i32
      scf.yield %scan3A_88 : i32
    }
    %scan3A_24 = arith.constant 5 : i32
    %scan3A_25 = arith.constant 0 : i32
    %scan3A_26 = arith.constant 0 : i32
    %scan3A_27 = arith.constant 50 : i32
    %scan3A_28 = arith.addi %scan3A_26, %scan3A_27 : i32
    %scan3A_29 = arith.constant 1 : i32
    %scan3A_30 = scf.for %scan3A_32 = %scan3A_26 to %scan3A_28 step %scan3A_29 iter_args(%scan3A_33 = %scan3A_25) -> (i32)  : i32 {
      %mul3A_34 = arith.constant 2000 : i32
      %mul3A_35 = arith.muli %scan3A_32, %mul3A_34 : i32
      "tpu.region"() ({
        %run_scoped3A = tpu.sem_alloc : memref<!tpu.dma_semaphore, #tpu.memory_space<semaphore_mem>>
        %dma_start3A_37 = tpu.memref_slice %arg4[%mul3A_35] : memref<100000xf32, #tpu.memory_space<vmem>> -> memref<2000xf32, #tpu.memory_space<vmem>>
        %dma_start3A_38 = arith.constant 0 : i32
        %dma_start3A_39 = tpu.memref_slice %arg3[%scan3A_32, %add3A, %dma_start3A_38] : memref<50x32x2000xf32, #tpu.memory_space<hbm>> -> memref<1x1x2000xf32, #tpu.memory_space<hbm>>
        %dma_start3A_40 = tpu.memref_squeeze %dma_start3A_39 : memref<1x1x2000xf32, #tpu.memory_space<hbm>> -> memref<2000xf32, #tpu.memory_space<hbm>>
        %dma_start3A_41 = arith.constant 0 : i32
        %dma_start3A_42 = tpu.memref_slice %arg3[%scan3A_32, %add3A, %dma_start3A_41] : memref<50x32x2000xf32, #tpu.memory_space<hbm>> -> memref<1x1x2000xf32, #tpu.memory_space<hbm>>
        %dma_start3A_43 = tpu.memref_squeeze %dma_start3A_42 : memref<1x1x2000xf32, #tpu.memory_space<hbm>> -> memref<2000xf32, #tpu.memory_space<hbm>>
        %dma_start3A_44 = tpu.memref_slice %arg4[%mul3A_35] : memref<100000xf32, #tpu.memory_space<vmem>> -> memref<2000xf32, #tpu.memory_space<vmem>>
        tpu.enqueue_dma source(%dma_start3A_44 : memref<2000xf32, #tpu.memory_space<vmem>>) target(%dma_start3A_43 : memref<2000xf32, #tpu.memory_space<hbm>>) target_semaphore(%run_scoped3A : memref<!tpu.dma_semaphore, #tpu.memory_space<semaphore_mem>>)
        %dma_wait3A = tpu.memref_slice %arg4[%mul3A_35] : memref<100000xf32, #tpu.memory_space<vmem>> -> memref<2000xf32, #tpu.memory_space<vmem>>
        %dma_wait3A_45 = arith.constant 0 : i32
        %dma_wait3A_46 = tpu.memref_slice %arg3[%scan3A_32, %add3A, %dma_wait3A_45] : memref<50x32x2000xf32, #tpu.memory_space<hbm>> -> memref<1x1x2000xf32, #tpu.memory_space<hbm>>
        %dma_wait3A_47 = tpu.memref_squeeze %dma_wait3A_46 : memref<1x1x2000xf32, #tpu.memory_space<hbm>> -> memref<2000xf32, #tpu.memory_space<hbm>>
        %dma_wait3A_48 = arith.constant 0 : i32
        %dma_wait3A_49 = tpu.memref_slice %arg3[%scan3A_32, %add3A, %dma_wait3A_48] : memref<50x32x2000xf32, #tpu.memory_space<hbm>> -> memref<1x1x2000xf32, #tpu.memory_space<hbm>>
        %dma_wait3A_50 = tpu.memref_squeeze %dma_wait3A_49 : memref<1x1x2000xf32, #tpu.memory_space<hbm>> -> memref<2000xf32, #tpu.memory_space<hbm>>
        %dma_wait3A_51 = tpu.memref_slice %arg4[%mul3A_35] : memref<100000xf32, #tpu.memory_space<vmem>> -> memref<2000xf32, #tpu.memory_space<vmem>>
        tpu.wait_dma2 semaphore(%run_scoped3A : memref<!tpu.dma_semaphore, #tpu.memory_space<semaphore_mem>>) src(%dma_wait3A_51 : memref<2000xf32, #tpu.memory_space<vmem>>) dst(%dma_wait3A_50 : memref<2000xf32, #tpu.memory_space<hbm>>)
        tpu.yield
      }) : () -> ()
      %scan3A_36 = arith.constant 0 : i32
      scf.yield %scan3A_36 : i32
    }
    %scan3A_31 = arith.constant 50 : i32
    return
  }
}

#map = affine_map<(d0, d1) -> (0, 0)>
#map1 = affine_map<(d0, d1) -> (0, 0, 0)>
module attributes {stable_mosaic.version = 14 : i64} {
  func.func @k(%arg0: i32, %arg1: i32, %arg2: memref<100000x16xf32, #tpu.memory_space<hbm>>, %arg3: memref<25024x128xi32, #tpu.memory_space<hbm>>, %arg4: memref<25024x128xi32, #tpu.memory_space<hbm>>, %arg5: memref<2x100000x16xf32, #tpu.memory_space<hbm>>, %arg6: memref<2x10x128xi32, #tpu.memory_space<vmem>>, %arg7: memref<2x10x128xi32, #tpu.memory_space<vmem>>, %arg8: memref<2x640x16xf32, #tpu.memory_space<vmem>>, %arg9: memref<1x128xi32, #tpu.memory_space<vmem>>, %arg10: memref<133x16xf32, #tpu.memory_space<vmem>>, %arg11: memref<100016x16xf32, #tpu.memory_space<vmem_shared>>, %arg12: memref<!tpu.dma_semaphore, #tpu.memory_space<semaphore_mem>>, %arg13: memref<!tpu.dma_semaphore, #tpu.memory_space<semaphore_mem>>, %arg14: memref<!tpu.dma_semaphore, #tpu.memory_space<semaphore_mem>>, %arg15: memref<!tpu.dma_semaphore, #tpu.memory_space<semaphore_mem>>, %arg16: memref<!tpu.dma_semaphore, #tpu.memory_space<semaphore_mem>>, %arg17: memref<!tpu.dma_semaphore, #tpu.memory_space<semaphore_mem>>) attributes {dimension_semantics = [#tpu.dimension_semantics<core_parallel>, #tpu.dimension_semantics<subcore_parallel>], iteration_bounds = array<i64: 2, 16>, scalar_prefetch = 0 : i64, scratch_operands = 12 : i64, tpu.core_type = #tpu.core_type<sc_vector_subcore>, window_params = [{transform_indices = #map}, {transform_indices = #map}, {transform_indices = #map}, {transform_indices = #map1}]} {
    %mul3A = arith.constant 2 : i32
    %mul3A_0 = arith.muli %arg1, %mul3A : i32
    %add3A = arith.addi %mul3A_0, %arg0 : i32
    %scan3A = arith.constant 0 : i32
    %scan3A_1 = arith.constant 0 : i32
    %scan3A_2 = arith.constant 133 : i32
    %scan3A_3 = arith.addi %scan3A_1, %scan3A_2 : i32
    %scan3A_4 = arith.constant 1 : i32
    %scan3A_5 = scf.for %scan3A_154 = %scan3A_1 to %scan3A_3 step %scan3A_4 iter_args(%scan3A_155 = %scan3A) -> (i32)  : i32 {
      %broadcast_in_dim3A_156 = arith.constant 0.000000e+00 : f32
      %broadcast_in_dim3A_157 = vector.broadcast %broadcast_in_dim3A_156 : f32 to vector<16xf32>
      %swap3A_158 = arith.index_cast %scan3A_154 : i32 to index
      %swap3A_159 = arith.constant 0 : index
      %swap3A_160 = tpu.vector_load %arg10[%swap3A_158, %swap3A_159] {strides = array<i32>} : memref<133x16xf32, #tpu.memory_space<vmem>>, vector<16xf32>,
      tpu.vector_store %arg10[%swap3A_158, %swap3A_159], %broadcast_in_dim3A_157 {strides = array<i32>} : memref<133x16xf32, #tpu.memory_space<vmem>>, vector<16xf32>,
      %scan3A_161 = arith.constant 0 : i32
      scf.yield %scan3A_161 : i32
    }
    %scan3A_6 = arith.constant 133 : i32
    %scan3A_7 = arith.constant 0 : i32
    %scan3A_8 = arith.constant 0 : i32
    %scan3A_9 = arith.constant 47 : i32
    %scan3A_10 = arith.addi %scan3A_8, %scan3A_9 : i32
    %scan3A_11 = arith.constant 1 : i32
    %scan3A_12 = scf.for %scan3A_154 = %scan3A_8 to %scan3A_10 step %scan3A_11 iter_args(%scan3A_155 = %scan3A_7) -> (i32)  : i32 {
      %mul3A_156 = arith.constant 6251 : i32
      %mul3A_157 = arith.muli %arg1, %mul3A_156 : i32
      %mul3A_158 = arith.constant 133 : i32
      %mul3A_159 = arith.muli %scan3A_154, %mul3A_158 : i32
      %add3A_160 = arith.addi %mul3A_157, %mul3A_159 : i32
      "tpu.region"() ({
        %run_scoped3A_162 = tpu.sem_alloc : memref<!tpu.dma_semaphore, #tpu.memory_space<semaphore_mem>>
        %dma_start3A_163 = arith.constant 0 : i32
        %dma_start3A_164 = tpu.memref_slice %arg11[%add3A_160, %dma_start3A_163] : memref<100016x16xf32, #tpu.memory_space<vmem_shared>> -> memref<133x16xf32, #tpu.memory_space<vmem_shared>>
        %dma_start3A_165 = arith.constant 0 : i32
        %dma_start3A_166 = tpu.memref_slice %arg11[%add3A_160, %dma_start3A_165] : memref<100016x16xf32, #tpu.memory_space<vmem_shared>> -> memref<133x16xf32, #tpu.memory_space<vmem_shared>>
        tpu.enqueue_dma source(%arg10 : memref<133x16xf32, #tpu.memory_space<vmem>>) target(%dma_start3A_166 : memref<133x16xf32, #tpu.memory_space<vmem_shared>>) target_semaphore(%run_scoped3A_162 : memref<!tpu.dma_semaphore, #tpu.memory_space<semaphore_mem>>)
        %dma_wait3A_167 = arith.constant 0 : i32
        %dma_wait3A_168 = tpu.memref_slice %arg11[%add3A_160, %dma_wait3A_167] : memref<100016x16xf32, #tpu.memory_space<vmem_shared>> -> memref<133x16xf32, #tpu.memory_space<vmem_shared>>
        %dma_wait3A_169 = arith.constant 0 : i32
        %dma_wait3A_170 = tpu.memref_slice %arg11[%add3A_160, %dma_wait3A_169] : memref<100016x16xf32, #tpu.memory_space<vmem_shared>> -> memref<133x16xf32, #tpu.memory_space<vmem_shared>>
        tpu.wait_dma2 semaphore(%run_scoped3A_162 : memref<!tpu.dma_semaphore, #tpu.memory_space<semaphore_mem>>) src(%arg10 : memref<133x16xf32, #tpu.memory_space<vmem>>) dst(%dma_wait3A_170 : memref<133x16xf32, #tpu.memory_space<vmem_shared>>)
        tpu.yield
      }) : () -> ()
      %scan3A_161 = arith.constant 0 : i32
      scf.yield %scan3A_161 : i32
    }
    %scan3A_13 = arith.constant 47 : i32
    %broadcast_in_dim3A = arith.constant 100000 : i32
    %broadcast_in_dim3A_14 = vector.broadcast %broadcast_in_dim3A : i32 to vector<16xi32>
    %swap3A = arith.constant 0 : i32
    %swap3A_15 = arith.index_cast %swap3A : i32 to index
    %swap3A_16 = arith.constant 0 : index
    %swap3A_17 = tpu.vector_load %arg9[%swap3A_15, %swap3A_16] {strides = array<i32>} : memref<1x128xi32, #tpu.memory_space<vmem>>, vector<16xi32>,
    tpu.vector_store %arg9[%swap3A_15, %swap3A_16], %broadcast_in_dim3A_14 {strides = array<i32>} : memref<1x128xi32, #tpu.memory_space<vmem>>, vector<16xi32>,
    %broadcast_in_dim3A_18 = arith.constant 100000 : i32
    %broadcast_in_dim3A_19 = vector.broadcast %broadcast_in_dim3A_18 : i32 to vector<16xi32>
    %swap3A_20 = arith.constant 0 : i32
    %swap3A_21 = arith.index_cast %swap3A_20 : i32 to index
    %swap3A_22 = arith.constant 16 : index
    %swap3A_23 = tpu.vector_load %arg9[%swap3A_21, %swap3A_22] {strides = array<i32>} : memref<1x128xi32, #tpu.memory_space<vmem>>, vector<16xi32>,
    tpu.vector_store %arg9[%swap3A_21, %swap3A_22], %broadcast_in_dim3A_19 {strides = array<i32>} : memref<1x128xi32, #tpu.memory_space<vmem>>, vector<16xi32>,
    %broadcast_in_dim3A_24 = arith.constant 100000 : i32
    %broadcast_in_dim3A_25 = vector.broadcast %broadcast_in_dim3A_24 : i32 to vector<16xi32>
    %swap3A_26 = arith.constant 0 : i32
    %swap3A_27 = arith.index_cast %swap3A_26 : i32 to index
    %swap3A_28 = arith.constant 32 : index
    %swap3A_29 = tpu.vector_load %arg9[%swap3A_27, %swap3A_28] {strides = array<i32>} : memref<1x128xi32, #tpu.memory_space<vmem>>, vector<16xi32>,
    tpu.vector_store %arg9[%swap3A_27, %swap3A_28], %broadcast_in_dim3A_25 {strides = array<i32>} : memref<1x128xi32, #tpu.memory_space<vmem>>, vector<16xi32>,
    %broadcast_in_dim3A_30 = arith.constant 100000 : i32
    %broadcast_in_dim3A_31 = vector.broadcast %broadcast_in_dim3A_30 : i32 to vector<16xi32>
    %swap3A_32 = arith.constant 0 : i32
    %swap3A_33 = arith.index_cast %swap3A_32 : i32 to index
    %swap3A_34 = arith.constant 48 : index
    %swap3A_35 = tpu.vector_load %arg9[%swap3A_33, %swap3A_34] {strides = array<i32>} : memref<1x128xi32, #tpu.memory_space<vmem>>, vector<16xi32>,
    tpu.vector_store %arg9[%swap3A_33, %swap3A_34], %broadcast_in_dim3A_31 {strides = array<i32>} : memref<1x128xi32, #tpu.memory_space<vmem>>, vector<16xi32>,
    %broadcast_in_dim3A_36 = arith.constant 100000 : i32
    %broadcast_in_dim3A_37 = vector.broadcast %broadcast_in_dim3A_36 : i32 to vector<16xi32>
    %swap3A_38 = arith.constant 0 : i32
    %swap3A_39 = arith.index_cast %swap3A_38 : i32 to index
    %swap3A_40 = arith.constant 64 : index
    %swap3A_41 = tpu.vector_load %arg9[%swap3A_39, %swap3A_40] {strides = array<i32>} : memref<1x128xi32, #tpu.memory_space<vmem>>, vector<16xi32>,
    tpu.vector_store %arg9[%swap3A_39, %swap3A_40], %broadcast_in_dim3A_37 {strides = array<i32>} : memref<1x128xi32, #tpu.memory_space<vmem>>, vector<16xi32>,
    %broadcast_in_dim3A_42 = arith.constant 100000 : i32
    %broadcast_in_dim3A_43 = vector.broadcast %broadcast_in_dim3A_42 : i32 to vector<16xi32>
    %swap3A_44 = arith.constant 0 : i32
    %swap3A_45 = arith.index_cast %swap3A_44 : i32 to index
    %swap3A_46 = arith.constant 80 : index
    %swap3A_47 = tpu.vector_load %arg9[%swap3A_45, %swap3A_46] {strides = array<i32>} : memref<1x128xi32, #tpu.memory_space<vmem>>, vector<16xi32>,
    tpu.vector_store %arg9[%swap3A_45, %swap3A_46], %broadcast_in_dim3A_43 {strides = array<i32>} : memref<1x128xi32, #tpu.memory_space<vmem>>, vector<16xi32>,
    %broadcast_in_dim3A_48 = arith.constant 100000 : i32
    %broadcast_in_dim3A_49 = vector.broadcast %broadcast_in_dim3A_48 : i32 to vector<16xi32>
    %swap3A_50 = arith.constant 0 : i32
    %swap3A_51 = arith.index_cast %swap3A_50 : i32 to index
    %swap3A_52 = arith.constant 96 : index
    %swap3A_53 = tpu.vector_load %arg9[%swap3A_51, %swap3A_52] {strides = array<i32>} : memref<1x128xi32, #tpu.memory_space<vmem>>, vector<16xi32>,
    tpu.vector_store %arg9[%swap3A_51, %swap3A_52], %broadcast_in_dim3A_49 {strides = array<i32>} : memref<1x128xi32, #tpu.memory_space<vmem>>, vector<16xi32>,
    %broadcast_in_dim3A_54 = arith.constant 100000 : i32
    %broadcast_in_dim3A_55 = vector.broadcast %broadcast_in_dim3A_54 : i32 to vector<16xi32>
    %swap3A_56 = arith.constant 0 : i32
    %swap3A_57 = arith.index_cast %swap3A_56 : i32 to index
    %swap3A_58 = arith.constant 112 : index
    %swap3A_59 = tpu.vector_load %arg9[%swap3A_57, %swap3A_58] {strides = array<i32>} : memref<1x128xi32, #tpu.memory_space<vmem>>, vector<16xi32>,
    tpu.vector_store %arg9[%swap3A_57, %swap3A_58], %broadcast_in_dim3A_55 {strides = array<i32>} : memref<1x128xi32, #tpu.memory_space<vmem>>, vector<16xi32>,
    %scan3A_60 = arith.constant 0 : i32
    %scan3A_61 = arith.constant 0 : i32
    %scan3A_62 = arith.constant 1280 : i32
    %scan3A_63 = arith.addi %scan3A_61, %scan3A_62 : i32
    %scan3A_64 = arith.constant 1 : i32
    %scan3A_65 = scf.for %scan3A_154 = %scan3A_61 to %scan3A_63 step %scan3A_64 iter_args(%scan3A_155 = %scan3A_60) -> (i32)  : i32 {
      %jit3A = arith.constant 640 : i32
      %div3A = arith.divsi %scan3A_154, %jit3A : i32
      %sign3A = arith.constant 0 : i32
      %sign3A_156 = arith.cmpi sgt, %scan3A_154, %sign3A : i32
      %sign3A_157 = arith.extui %sign3A_156 : i1 to i32
      %sign3A_158 = arith.constant 0 : i32
      %sign3A_159 = arith.cmpi slt, %scan3A_154, %sign3A_158 : i32
      %sign3A_160 = arith.extui %sign3A_159 : i1 to i32
      %sign3A_161 = arith.subi %sign3A_157, %sign3A_160 : i32
      %sign3A_162 = arith.constant 0 : i32
      %sign3A_163 = arith.cmpi sgt, %jit3A, %sign3A_162 : i32
      %sign3A_164 = arith.extui %sign3A_163 : i1 to i32
      %sign3A_165 = arith.constant 0 : i32
      %sign3A_166 = arith.cmpi slt, %jit3A, %sign3A_165 : i32
      %sign3A_167 = arith.extui %sign3A_166 : i1 to i32
      %sign3A_168 = arith.subi %sign3A_164, %sign3A_167 : i32
      %ne3A = arith.cmpi ne, %sign3A_161, %sign3A_168 : i32
      %rem3A = arith.remsi %scan3A_154, %jit3A : i32
      %ne3A_169 = arith.constant 0 : i32
      %ne3A_170 = arith.cmpi ne, %rem3A, %ne3A_169 : i32
      %and3A = arith.andi %ne3A, %ne3A_170 : i1
      %sub3A = arith.constant 1 : i32
      %sub3A_171 = arith.subi %div3A, %sub3A : i32
      %select_n3A = arith.select %and3A, %sub3A_171, %div3A : i32
      %jit3A_172 = arith.constant 640 : i32
      %eq3A = arith.constant 0 : i32
      %eq3A_173 = arith.cmpi eq, %jit3A_172, %eq3A : i32
      %jit3A_174 = arith.constant 1 : i32
      %select_n3A_175 = arith.select %eq3A_173, %jit3A_174, %jit3A_172 : i32
      %rem3A_176 = arith.remsi %scan3A_154, %select_n3A_175 : i32
      %ne3A_177 = arith.constant 0 : i32
      %ne3A_178 = arith.cmpi ne, %rem3A_176, %ne3A_177 : i32
      %lt3A = arith.constant 0 : i32
      %lt3A_179 = arith.cmpi slt, %rem3A_176, %lt3A : i32
      %lt3A_180 = arith.constant 0 : i32
      %lt3A_181 = arith.cmpi slt, %select_n3A_175, %lt3A_180 : i32
      %ne3A_182 = arith.xori %lt3A_179, %lt3A_181 : i1
      %and3A_183 = arith.andi %ne3A_182, %ne3A_178 : i1
      %add3A_184 = arith.addi %rem3A_176, %select_n3A_175 : i32
      %select_n3A_185 = arith.select %and3A_183, %add3A_184, %rem3A_176 : i32
      %broadcast_in_dim3A_186 = arith.constant 0.000000e+00 : f32
      %broadcast_in_dim3A_187 = vector.broadcast %broadcast_in_dim3A_186 : f32 to vector<16xf32>
      %swap3A_188 = arith.index_cast %select_n3A : i32 to index
      %swap3A_189 = arith.index_cast %select_n3A_185 : i32 to index
      %swap3A_190 = arith.constant 0 : index
      %swap3A_191 = tpu.vector_load %arg8[%swap3A_188, %swap3A_189, %swap3A_190] {strides = array<i32>} : memref<2x640x16xf32, #tpu.memory_space<vmem>>, vector<16xf32>,
      tpu.vector_store %arg8[%swap3A_188, %swap3A_189, %swap3A_190], %broadcast_in_dim3A_187 {strides = array<i32>} : memref<2x640x16xf32, #tpu.memory_space<vmem>>, vector<16xf32>,
      %scan3A_192 = arith.constant 0 : i32
      scf.yield %scan3A_192 : i32
    }
    %scan3A_66 = arith.constant 1280 : i32
    %barrier3A = arith.constant 0 : index
    tpu.barrier barrier_id(%barrier3A)
    %scan3A_67 = arith.constant 0 : i32
    %scan3A_68 = arith.constant 0 : i32
    %scan3A_69 = arith.constant 5 : i32
    %scan3A_70 = arith.addi %scan3A_68, %scan3A_69 : i32
    %scan3A_71 = arith.constant 1 : i32
    %scan3A_72 = scf.for %scan3A_154 = %scan3A_68 to %scan3A_70 step %scan3A_71 iter_args(%scan3A_155 = %scan3A_67) -> (i32)  : i32 {
      %dma_start3A_156 = arith.constant 0 : i32
      %dma_start3A_157 = arith.constant 0 : i32
      %dma_start3A_158 = arith.constant 0 : i32
      %dma_start3A_159 = arith.constant 0 : i32
      %dma_start3A_160 = tpu.memref_slice %arg8[%dma_start3A_156, %dma_start3A_158, %dma_start3A_159] : memref<2x640x16xf32, #tpu.memory_space<vmem>> -> memref<1x128x16xf32, #tpu.memory_space<vmem>>
      %dma_start3A_161 = tpu.memref_squeeze %dma_start3A_160 : memref<1x128x16xf32, #tpu.memory_space<vmem>> -> memref<128x16xf32, #tpu.memory_space<vmem>>
      %dma_start3A_162 = arith.constant 0 : i32
      %dma_start3A_163 = tpu.memref_slice %arg9[%dma_start3A_157, %dma_start3A_162] : memref<1x128xi32, #tpu.memory_space<vmem>> -> memref<1x128xi32, #tpu.memory_space<vmem>>
      %dma_start3A_164 = tpu.memref_squeeze %dma_start3A_163 : memref<1x128xi32, #tpu.memory_space<vmem>> -> memref<128xi32, #tpu.memory_space<vmem>>
      %dma_start3A_165 = arith.constant 0 : i32
      %dma_start3A_166 = arith.constant 0 : i32
      %dma_start3A_167 = tpu.memref_slice %arg11[%dma_start3A_165, %dma_start3A_166] : memref<100016x16xf32, #tpu.memory_space<vmem_shared>> -> memref<100016x16xf32, #tpu.memory_space<vmem_shared>>
      tpu.enqueue_indirect_dma source(%dma_start3A_161 : memref<128x16xf32, #tpu.memory_space<vmem>>) target(%dma_start3A_167 : memref<100016x16xf32, #tpu.memory_space<vmem_shared>>) offsets(%dma_start3A_164 : memref<128xi32, #tpu.memory_space<vmem>>) semaphore(%arg14 : memref<!tpu.dma_semaphore, #tpu.memory_space<semaphore_mem>>) {add = true}
      %dma_start3A_168 = arith.constant 1 : i32
      %dma_start3A_169 = arith.constant 0 : i32
      %dma_start3A_170 = arith.constant 0 : i32
      %dma_start3A_171 = arith.constant 0 : i32
      %dma_start3A_172 = tpu.memref_slice %arg8[%dma_start3A_168, %dma_start3A_170, %dma_start3A_171] : memref<2x640x16xf32, #tpu.memory_space<vmem>> -> memref<1x128x16xf32, #tpu.memory_space<vmem>>
      %dma_start3A_173 = tpu.memref_squeeze %dma_start3A_172 : memref<1x128x16xf32, #tpu.memory_space<vmem>> -> memref<128x16xf32, #tpu.memory_space<vmem>>
      %dma_start3A_174 = arith.constant 0 : i32
      %dma_start3A_175 = tpu.memref_slice %arg9[%dma_start3A_169, %dma_start3A_174] : memref<1x128xi32, #tpu.memory_space<vmem>> -> memref<1x128xi32, #tpu.memory_space<vmem>>
      %dma_start3A_176 = tpu.memref_squeeze %dma_start3A_175 : memref<1x128xi32, #tpu.memory_space<vmem>> -> memref<128xi32, #tpu.memory_space<vmem>>
      %dma_start3A_177 = arith.constant 0 : i32
      %dma_start3A_178 = arith.constant 0 : i32
      %dma_start3A_179 = tpu.memref_slice %arg11[%dma_start3A_177, %dma_start3A_178] : memref<100016x16xf32, #tpu.memory_space<vmem_shared>> -> memref<100016x16xf32, #tpu.memory_space<vmem_shared>>
      tpu.enqueue_indirect_dma source(%dma_start3A_173 : memref<128x16xf32, #tpu.memory_space<vmem>>) target(%dma_start3A_179 : memref<100016x16xf32, #tpu.memory_space<vmem_shared>>) offsets(%dma_start3A_176 : memref<128xi32, #tpu.memory_space<vmem>>) semaphore(%arg15 : memref<!tpu.dma_semaphore, #tpu.memory_space<semaphore_mem>>) {add = true}
      %scan3A_180 = arith.constant 0 : i32
      scf.yield %scan3A_180 : i32
    }
    %scan3A_73 = arith.constant 5 : i32
    %mul3A_74 = arith.constant 782 : i32
    %mul3A_75 = arith.muli %add3A, %mul3A_74 : i32
    %add3A_76 = arith.constant 0 : i32
    %add3A_77 = arith.addi %mul3A_75, %add3A_76 : i32
    %dma_start3A = arith.constant 0 : i32
    %dma_start3A_78 = arith.constant 0 : i32
    %dma_start3A_79 = arith.constant 0 : i32
    %dma_start3A_80 = tpu.memref_slice %arg6[%dma_start3A, %dma_start3A_78, %dma_start3A_79] : memref<2x10x128xi32, #tpu.memory_space<vmem>> -> memref<1x10x128xi32, #tpu.memory_space<vmem>>
    %dma_start3A_81 = tpu.memref_squeeze %dma_start3A_80 : memref<1x10x128xi32, #tpu.memory_space<vmem>> -> memref<10x128xi32, #tpu.memory_space<vmem>>
    %dma_start3A_82 = arith.constant 0 : i32
    %dma_start3A_83 = tpu.memref_slice %arg3[%add3A_77, %dma_start3A_82] : memref<25024x128xi32, #tpu.memory_space<hbm>> -> memref<10x128xi32, #tpu.memory_space<hbm>>
    %dma_start3A_84 = arith.constant 0 : i32
    %dma_start3A_85 = arith.constant 0 : i32
    %dma_start3A_86 = tpu.memref_slice %arg6[%dma_start3A, %dma_start3A_84, %dma_start3A_85] : memref<2x10x128xi32, #tpu.memory_space<vmem>> -> memref<1x10x128xi32, #tpu.memory_space<vmem>>
    %dma_start3A_87 = tpu.memref_squeeze %dma_start3A_86 : memref<1x10x128xi32, #tpu.memory_space<vmem>> -> memref<10x128xi32, #tpu.memory_space<vmem>>
    %dma_start3A_88 = arith.constant 0 : i32
    %dma_start3A_89 = tpu.memref_slice %arg3[%add3A_77, %dma_start3A_88] : memref<25024x128xi32, #tpu.memory_space<hbm>> -> memref<10x128xi32, #tpu.memory_space<hbm>>
    tpu.enqueue_dma source(%dma_start3A_89 : memref<10x128xi32, #tpu.memory_space<hbm>>) target(%dma_start3A_87 : memref<10x128xi32, #tpu.memory_space<vmem>>) target_semaphore(%arg16 : memref<!tpu.dma_semaphore, #tpu.memory_space<semaphore_mem>>)
    %dma_start3A_90 = arith.constant 0 : i32
    %dma_start3A_91 = arith.constant 0 : i32
    %dma_start3A_92 = arith.constant 0 : i32
    %dma_start3A_93 = tpu.memref_slice %arg7[%dma_start3A_90, %dma_start3A_91, %dma_start3A_92] : memref<2x10x128xi32, #tpu.memory_space<vmem>> -> memref<1x10x128xi32, #tpu.memory_space<vmem>>
    %dma_start3A_94 = tpu.memref_squeeze %dma_start3A_93 : memref<1x10x128xi32, #tpu.memory_space<vmem>> -> memref<10x128xi32, #tpu.memory_space<vmem>>
    %dma_start3A_95 = arith.constant 0 : i32
    %dma_start3A_96 = tpu.memref_slice %arg4[%add3A_77, %dma_start3A_95] : memref<25024x128xi32, #tpu.memory_space<hbm>> -> memref<10x128xi32, #tpu.memory_space<hbm>>
    %dma_start3A_97 = arith.constant 0 : i32
    %dma_start3A_98 = arith.constant 0 : i32
    %dma_start3A_99 = tpu.memref_slice %arg7[%dma_start3A_90, %dma_start3A_97, %dma_start3A_98] : memref<2x10x128xi32, #tpu.memory_space<vmem>> -> memref<1x10x128xi32, #tpu.memory_space<vmem>>
    %dma_start3A_100 = tpu.memref_squeeze %dma_start3A_99 : memref<1x10x128xi32, #tpu.memory_space<vmem>> -> memref<10x128xi32, #tpu.memory_space<vmem>>
    %dma_start3A_101 = arith.constant 0 : i32
    %dma_start3A_102 = tpu.memref_slice %arg4[%add3A_77, %dma_start3A_101] : memref<25024x128xi32, #tpu.memory_space<hbm>> -> memref<10x128xi32, #tpu.memory_space<hbm>>
    tpu.enqueue_dma source(%dma_start3A_102 : memref<10x128xi32, #tpu.memory_space<hbm>>) target(%dma_start3A_100 : memref<10x128xi32, #tpu.memory_space<vmem>>) target_semaphore(%arg16 : memref<!tpu.dma_semaphore, #tpu.memory_space<semaphore_mem>>)
    %scan3A_103 = arith.constant 0 : i32
    %scan3A_104 = arith.constant 0 : i32
    %scan3A_105 = arith.constant 39 : i32
    %scan3A_106 = arith.addi %scan3A_104, %scan3A_105 : i32
    %scan3A_107 = arith.constant 1 : i32
    %scan3A_108 = scf.for %scan3A_154 = %scan3A_104 to %scan3A_106 step %scan3A_107 iter_args(%scan3A_155 = %scan3A_103) -> (i32)  : i32 {
      %mul3A_156 = arith.constant 2 : i32
      %mul3A_157 = arith.muli %mul3A_156, %scan3A_154 : i32
      %add3A_158 = arith.constant 0 : i32
      %add3A_159 = arith.addi %mul3A_157, %add3A_158 : i32
      %add3A_160 = arith.constant 1 : i32
      %add3A_161 = arith.addi %add3A_159, %add3A_160 : i32
      %lt3A = arith.constant 78 : i32
      %lt3A_162 = arith.cmpi slt, %add3A_161, %lt3A : i32
      %convert_element_type3A = arith.extui %lt3A_162 : i1 to i32
      %cond3A = arith.constant 0 : i32
      %cond3A_163 = arith.cmpi ne, %convert_element_type3A, %cond3A : i32
      scf.if %cond3A_163 {
        %add3A_1076 = arith.constant 1 : i32
        %add3A_1077 = arith.addi %add3A_159, %add3A_1076 : i32
        %mul3A_1078 = arith.constant 10 : i32
        %mul3A_1079 = arith.muli %add3A_1077, %mul3A_1078 : i32
        %add3A_1080 = arith.addi %mul3A_75, %mul3A_1079 : i32
        %dma_start3A_1081 = arith.constant 1 : i32
        %dma_start3A_1082 = arith.constant 0 : i32
        %dma_start3A_1083 = arith.constant 0 : i32
        %dma_start3A_1084 = tpu.memref_slice %arg6[%dma_start3A_1081, %dma_start3A_1082, %dma_start3A_1083] : memref<2x10x128xi32, #tpu.memory_space<vmem>> -> memref<1x10x128xi32, #tpu.memory_space<vmem>>
        %dma_start3A_1085 = tpu.memref_squeeze %dma_start3A_1084 : memref<1x10x128xi32, #tpu.memory_space<vmem>> -> memref<10x128xi32, #tpu.memory_space<vmem>>
        %dma_start3A_1086 = arith.constant 0 : i32
        %dma_start3A_1087 = tpu.memref_slice %arg3[%add3A_1080, %dma_start3A_1086] : memref<25024x128xi32, #tpu.memory_space<hbm>> -> memref<10x128xi32, #tpu.memory_space<hbm>>
        %dma_start3A_1088 = arith.constant 0 : i32
        %dma_start3A_1089 = arith.constant 0 : i32
        %dma_start3A_1090 = tpu.memref_slice %arg6[%dma_start3A_1081, %dma_start3A_1088, %dma_start3A_1089] : memref<2x10x128xi32, #tpu.memory_space<vmem>> -> memref<1x10x128xi32, #tpu.memory_space<vmem>>
        %dma_start3A_1091 = tpu.memref_squeeze %dma_start3A_1090 : memref<1x10x128xi32, #tpu.memory_space<vmem>> -> memref<10x128xi32, #tpu.memory_space<vmem>>
        %dma_start3A_1092 = arith.constant 0 : i32
        %dma_start3A_1093 = tpu.memref_slice %arg3[%add3A_1080, %dma_start3A_1092] : memref<25024x128xi32, #tpu.memory_space<hbm>> -> memref<10x128xi32, #tpu.memory_space<hbm>>
        tpu.enqueue_dma source(%dma_start3A_1093 : memref<10x128xi32, #tpu.memory_space<hbm>>) target(%dma_start3A_1091 : memref<10x128xi32, #tpu.memory_space<vmem>>) target_semaphore(%arg17 : memref<!tpu.dma_semaphore, #tpu.memory_space<semaphore_mem>>)
        %dma_start3A_1094 = arith.constant 1 : i32
        %dma_start3A_1095 = arith.constant 0 : i32
        %dma_start3A_1096 = arith.constant 0 : i32
        %dma_start3A_1097 = tpu.memref_slice %arg7[%dma_start3A_1094, %dma_start3A_1095, %dma_start3A_1096] : memref<2x10x128xi32, #tpu.memory_space<vmem>> -> memref<1x10x128xi32, #tpu.memory_space<vmem>>
        %dma_start3A_1098 = tpu.memref_squeeze %dma_start3A_1097 : memref<1x10x128xi32, #tpu.memory_space<vmem>> -> memref<10x128xi32, #tpu.memory_space<vmem>>
        %dma_start3A_1099 = arith.constant 0 : i32
        %dma_start3A_1100 = tpu.memref_slice %arg4[%add3A_1080, %dma_start3A_1099] : memref<25024x128xi32, #tpu.memory_space<hbm>> -> memref<10x128xi32, #tpu.memory_space<hbm>>
        %dma_start3A_1101 = arith.constant 0 : i32
        %dma_start3A_1102 = arith.constant 0 : i32
        %dma_start3A_1103 = tpu.memref_slice %arg7[%dma_start3A_1094, %dma_start3A_1101, %dma_start3A_1102] : memref<2x10x128xi32, #tpu.memory_space<vmem>> -> memref<1x10x128xi32, #tpu.memory_space<vmem>>
        %dma_start3A_1104 = tpu.memref_squeeze %dma_start3A_1103 : memref<1x10x128xi32, #tpu.memory_space<vmem>> -> memref<10x128xi32, #tpu.memory_space<vmem>>
        %dma_start3A_1105 = arith.constant 0 : i32
        %dma_start3A_1106 = tpu.memref_slice %arg4[%add3A_1080, %dma_start3A_1105] : memref<25024x128xi32, #tpu.memory_space<hbm>> -> memref<10x128xi32, #tpu.memory_space<hbm>>
        tpu.enqueue_dma source(%dma_start3A_1106 : memref<10x128xi32, #tpu.memory_space<hbm>>) target(%dma_start3A_1104 : memref<10x128xi32, #tpu.memory_space<vmem>>) target_semaphore(%arg17 : memref<!tpu.dma_semaphore, #tpu.memory_space<semaphore_mem>>)
      } else {
      }
      %dma_wait3A_164 = arith.constant 0 : i32
      %dma_wait3A_165 = arith.constant 0 : i32
      %dma_wait3A_166 = arith.constant 0 : i32
      %dma_wait3A_167 = tpu.memref_slice %arg6[%dma_wait3A_164, %dma_wait3A_165, %dma_wait3A_166] : memref<2x10x128xi32, #tpu.memory_space<vmem>> -> memref<1x10x128xi32, #tpu.memory_space<vmem>>
      %dma_wait3A_168 = tpu.memref_squeeze %dma_wait3A_167 : memref<1x10x128xi32, #tpu.memory_space<vmem>> -> memref<10x128xi32, #tpu.memory_space<vmem>>
      %dma_wait3A_169 = arith.constant 0 : i32
      %dma_wait3A_170 = arith.constant 0 : i32
      %dma_wait3A_171 = tpu.memref_slice %arg3[%dma_wait3A_169, %dma_wait3A_170] : memref<25024x128xi32, #tpu.memory_space<hbm>> -> memref<10x128xi32, #tpu.memory_space<hbm>>
      %dma_wait3A_172 = arith.constant 0 : i32
      %dma_wait3A_173 = arith.constant 0 : i32
      %dma_wait3A_174 = tpu.memref_slice %arg6[%dma_wait3A_164, %dma_wait3A_172, %dma_wait3A_173] : memref<2x10x128xi32, #tpu.memory_space<vmem>> -> memref<1x10x128xi32, #tpu.memory_space<vmem>>
      %dma_wait3A_175 = tpu.memref_squeeze %dma_wait3A_174 : memref<1x10x128xi32, #tpu.memory_space<vmem>> -> memref<10x128xi32, #tpu.memory_space<vmem>>
      %dma_wait3A_176 = arith.constant 0 : i32
      %dma_wait3A_177 = arith.constant 0 : i32
      %dma_wait3A_178 = tpu.memref_slice %arg3[%dma_wait3A_176, %dma_wait3A_177] : memref<25024x128xi32, #tpu.memory_space<hbm>> -> memref<10x128xi32, #tpu.memory_space<hbm>>
      tpu.wait_dma2 semaphore(%arg16 : memref<!tpu.dma_semaphore, #tpu.memory_space<semaphore_mem>>) src(%dma_wait3A_178 : memref<10x128xi32, #tpu.memory_space<hbm>>) dst(%dma_wait3A_175 : memref<10x128xi32, #tpu.memory_space<vmem>>)
      %dma_wait3A_179 = arith.constant 0 : i32
      %dma_wait3A_180 = arith.constant 0 : i32
      %dma_wait3A_181 = arith.constant 0 : i32
      %dma_wait3A_182 = tpu.memref_slice %arg7[%dma_wait3A_179, %dma_wait3A_180, %dma_wait3A_181] : memref<2x10x128xi32, #tpu.memory_space<vmem>> -> memref<1x10x128xi32, #tpu.memory_space<vmem>>
      %dma_wait3A_183 = tpu.memref_squeeze %dma_wait3A_182 : memref<1x10x128xi32, #tpu.memory_space<vmem>> -> memref<10x128xi32, #tpu.memory_space<vmem>>
      %dma_wait3A_184 = arith.constant 0 : i32
      %dma_wait3A_185 = arith.constant 0 : i32
      %dma_wait3A_186 = tpu.memref_slice %arg4[%dma_wait3A_184, %dma_wait3A_185] : memref<25024x128xi32, #tpu.memory_space<hbm>> -> memref<10x128xi32, #tpu.memory_space<hbm>>
      %dma_wait3A_187 = arith.constant 0 : i32
      %dma_wait3A_188 = arith.constant 0 : i32
      %dma_wait3A_189 = tpu.memref_slice %arg7[%dma_wait3A_179, %dma_wait3A_187, %dma_wait3A_188] : memref<2x10x128xi32, #tpu.memory_space<vmem>> -> memref<1x10x128xi32, #tpu.memory_space<vmem>>
      %dma_wait3A_190 = tpu.memref_squeeze %dma_wait3A_189 : memref<1x10x128xi32, #tpu.memory_space<vmem>> -> memref<10x128xi32, #tpu.memory_space<vmem>>
      %dma_wait3A_191 = arith.constant 0 : i32
      %dma_wait3A_192 = arith.constant 0 : i32
      %dma_wait3A_193 = tpu.memref_slice %arg4[%dma_wait3A_191, %dma_wait3A_192] : memref<25024x128xi32, #tpu.memory_space<hbm>> -> memref<10x128xi32, #tpu.memory_space<hbm>>
      tpu.wait_dma2 semaphore(%arg16 : memref<!tpu.dma_semaphore, #tpu.memory_space<semaphore_mem>>) src(%dma_wait3A_193 : memref<10x128xi32, #tpu.memory_space<hbm>>) dst(%dma_wait3A_190 : memref<10x128xi32, #tpu.memory_space<vmem>>)
      %dma_wait3A_194 = arith.constant 0 : i32
      %dma_wait3A_195 = arith.constant 0 : i32
      %dma_wait3A_196 = arith.constant 0 : i32
      %dma_wait3A_197 = tpu.memref_slice %arg8[%dma_wait3A_194, %dma_wait3A_195, %dma_wait3A_196] : memref<2x640x16xf32, #tpu.memory_space<vmem>> -> memref<1x640x16xf32, #tpu.memory_space<vmem>>
      %dma_wait3A_198 = tpu.memref_squeeze %dma_wait3A_197 : memref<1x640x16xf32, #tpu.memory_space<vmem>> -> memref<640x16xf32, #tpu.memory_space<vmem>>
      %dma_wait3A_199 = arith.constant 0 : i32
      %dma_wait3A_200 = arith.constant 0 : i32
      %dma_wait3A_201 = tpu.memref_slice %arg2[%dma_wait3A_199, %dma_wait3A_200] : memref<100000x16xf32, #tpu.memory_space<hbm>> -> memref<640x16xf32, #tpu.memory_space<hbm>>
      %dma_wait3A_202 = arith.constant 0 : i32
      %dma_wait3A_203 = arith.constant 0 : i32
      %dma_wait3A_204 = tpu.memref_slice %arg8[%dma_wait3A_194, %dma_wait3A_202, %dma_wait3A_203] : memref<2x640x16xf32, #tpu.memory_space<vmem>> -> memref<1x640x16xf32, #tpu.memory_space<vmem>>
      %dma_wait3A_205 = tpu.memref_squeeze %dma_wait3A_204 : memref<1x640x16xf32, #tpu.memory_space<vmem>> -> memref<640x16xf32, #tpu.memory_space<vmem>>
      %dma_wait3A_206 = arith.constant 0 : i32
      %dma_wait3A_207 = arith.constant 0 : i32
      %dma_wait3A_208 = tpu.memref_slice %arg2[%dma_wait3A_206, %dma_wait3A_207] : memref<100000x16xf32, #tpu.memory_space<hbm>> -> memref<640x16xf32, #tpu.memory_space<hbm>>
      tpu.wait_dma2 semaphore(%arg14 : memref<!tpu.dma_semaphore, #tpu.memory_space<semaphore_mem>>) src(%dma_wait3A_208 : memref<640x16xf32, #tpu.memory_space<hbm>>) dst(%dma_wait3A_205 : memref<640x16xf32, #tpu.memory_space<vmem>>)
      %dma_start3A_209 = arith.constant 0 : i32
      %dma_start3A_210 = arith.constant 0 : i32
      %dma_start3A_211 = arith.constant 0 : i32
      %dma_start3A_212 = arith.constant 0 : i32
      %dma_start3A_213 = arith.constant 0 : i32
      %dma_start3A_214 = tpu.memref_slice %arg8[%dma_start3A_211, %dma_start3A_212, %dma_start3A_213] : memref<2x640x16xf32, #tpu.memory_space<vmem>> -> memref<1x128x16xf32, #tpu.memory_space<vmem>>
      %dma_start3A_215 = tpu.memref_squeeze %dma_start3A_214 : memref<1x128x16xf32, #tpu.memory_space<vmem>> -> memref<128x16xf32, #tpu.memory_space<vmem>>
      %dma_start3A_216 = arith.constant 0 : i32
      %dma_start3A_217 = tpu.memref_slice %arg6[%dma_start3A_209, %dma_start3A_210, %dma_start3A_216] : memref<2x10x128xi32, #tpu.memory_space<vmem>> -> memref<1x1x128xi32, #tpu.memory_space<vmem>>
      %dma_start3A_218 = tpu.memref_squeeze %dma_start3A_217 : memref<1x1x128xi32, #tpu.memory_space<vmem>> -> memref<128xi32, #tpu.memory_space<vmem>>
      %dma_start3A_219 = arith.constant 0 : i32
      %dma_start3A_220 = arith.constant 0 : i32
      %dma_start3A_221 = tpu.memref_slice %arg2[%dma_start3A_219, %dma_start3A_220] : memref<100000x16xf32, #tpu.memory_space<hbm>> -> memref<100000x16xf32, #tpu.memory_space<hbm>>
      tpu.enqueue_indirect_dma source(%dma_start3A_221 : memref<100000x16xf32, #tpu.memory_space<hbm>>) target(%dma_start3A_215 : memref<128x16xf32, #tpu.memory_space<vmem>>) offsets(%dma_start3A_218 : memref<128xi32, #tpu.memory_space<vmem>>) semaphore(%arg12 : memref<!tpu.dma_semaphore, #tpu.memory_space<semaphore_mem>>)
      %dma_start3A_222 = arith.constant 0 : i32
      %dma_start3A_223 = arith.constant 1 : i32
      %dma_start3A_224 = arith.constant 0 : i32
      %dma_start3A_225 = arith.constant 128 : i32
      %dma_start3A_226 = arith.constant 0 : i32
      %dma_start3A_227 = tpu.memref_slice %arg8[%dma_start3A_224, %dma_start3A_225, %dma_start3A_226] : memref<2x640x16xf32, #tpu.memory_space<vmem>> -> memref<1x128x16xf32, #tpu.memory_space<vmem>>
      %dma_start3A_228 = tpu.memref_squeeze %dma_start3A_227 : memref<1x128x16xf32, #tpu.memory_space<vmem>> -> memref<128x16xf32, #tpu.memory_space<vmem>>
      %dma_start3A_229 = arith.constant 0 : i32
      %dma_start3A_230 = tpu.memref_slice %arg6[%dma_start3A_222, %dma_start3A_223, %dma_start3A_229] : memref<2x10x128xi32, #tpu.memory_space<vmem>> -> memref<1x1x128xi32, #tpu.memory_space<vmem>>
      %dma_start3A_231 = tpu.memref_squeeze %dma_start3A_230 : memref<1x1x128xi32, #tpu.memory_space<vmem>> -> memref<128xi32, #tpu.memory_space<vmem>>
      %dma_start3A_232 = arith.constant 0 : i32
      %dma_start3A_233 = arith.constant 0 : i32
      %dma_start3A_234 = tpu.memref_slice %arg2[%dma_start3A_232, %dma_start3A_233] : memref<100000x16xf32, #tpu.memory_space<hbm>> -> memref<100000x16xf32, #tpu.memory_space<hbm>>
      tpu.enqueue_indirect_dma source(%dma_start3A_234 : memref<100000x16xf32, #tpu.memory_space<hbm>>) target(%dma_start3A_228 : memref<128x16xf32, #tpu.memory_space<vmem>>) offsets(%dma_start3A_231 : memref<128xi32, #tpu.memory_space<vmem>>) semaphore(%arg12 : memref<!tpu.dma_semaphore, #tpu.memory_space<semaphore_mem>>)
      %dma_start3A_235 = arith.constant 0 : i32
      %dma_start3A_236 = arith.constant 2 : i32
      %dma_start3A_237 = arith.constant 0 : i32
      %dma_start3A_238 = arith.constant 256 : i32
      %dma_start3A_239 = arith.constant 0 : i32
      %dma_start3A_240 = tpu.memref_slice %arg8[%dma_start3A_237, %dma_start3A_238, %dma_start3A_239] : memref<2x640x16xf32, #tpu.memory_space<vmem>> -> memref<1x128x16xf32, #tpu.memory_space<vmem>>
      %dma_start3A_241 = tpu.memref_squeeze %dma_start3A_240 : memref<1x128x16xf32, #tpu.memory_space<vmem>> -> memref<128x16xf32, #tpu.memory_space<vmem>>
      %dma_start3A_242 = arith.constant 0 : i32
      %dma_start3A_243 = tpu.memref_slice %arg6[%dma_start3A_235, %dma_start3A_236, %dma_start3A_242] : memref<2x10x128xi32, #tpu.memory_space<vmem>> -> memref<1x1x128xi32, #tpu.memory_space<vmem>>
      %dma_start3A_244 = tpu.memref_squeeze %dma_start3A_243 : memref<1x1x128xi32, #tpu.memory_space<vmem>> -> memref<128xi32, #tpu.memory_space<vmem>>
      %dma_start3A_245 = arith.constant 0 : i32
      %dma_start3A_246 = arith.constant 0 : i32
      %dma_start3A_247 = tpu.memref_slice %arg2[%dma_start3A_245, %dma_start3A_246] : memref<100000x16xf32, #tpu.memory_space<hbm>> -> memref<100000x16xf32, #tpu.memory_space<hbm>>
      tpu.enqueue_indirect_dma source(%dma_start3A_247 : memref<100000x16xf32, #tpu.memory_space<hbm>>) target(%dma_start3A_241 : memref<128x16xf32, #tpu.memory_space<vmem>>) offsets(%dma_start3A_244 : memref<128xi32, #tpu.memory_space<vmem>>) semaphore(%arg12 : memref<!tpu.dma_semaphore, #tpu.memory_space<semaphore_mem>>)
      %dma_start3A_248 = arith.constant 0 : i32
      %dma_start3A_249 = arith.constant 3 : i32
      %dma_start3A_250 = arith.constant 0 : i32
      %dma_start3A_251 = arith.constant 384 : i32
      %dma_start3A_252 = arith.constant 0 : i32
      %dma_start3A_253 = tpu.memref_slice %arg8[%dma_start3A_250, %dma_start3A_251, %dma_start3A_252] : memref<2x640x16xf32, #tpu.memory_space<vmem>> -> memref<1x128x16xf32, #tpu.memory_space<vmem>>
      %dma_start3A_254 = tpu.memref_squeeze %dma_start3A_253 : memref<1x128x16xf32, #tpu.memory_space<vmem>> -> memref<128x16xf32, #tpu.memory_space<vmem>>
      %dma_start3A_255 = arith.constant 0 : i32
      %dma_start3A_256 = tpu.memref_slice %arg6[%dma_start3A_248, %dma_start3A_249, %dma_start3A_255] : memref<2x10x128xi32, #tpu.memory_space<vmem>> -> memref<1x1x128xi32, #tpu.memory_space<vmem>>
      %dma_start3A_257 = tpu.memref_squeeze %dma_start3A_256 : memref<1x1x128xi32, #tpu.memory_space<vmem>> -> memref<128xi32, #tpu.memory_space<vmem>>
      %dma_start3A_258 = arith.constant 0 : i32
      %dma_start3A_259 = arith.constant 0 : i32
      %dma_start3A_260 = tpu.memref_slice %arg2[%dma_start3A_258, %dma_start3A_259] : memref<100000x16xf32, #tpu.memory_space<hbm>> -> memref<100000x16xf32, #tpu.memory_space<hbm>>
      tpu.enqueue_indirect_dma source(%dma_start3A_260 : memref<100000x16xf32, #tpu.memory_space<hbm>>) target(%dma_start3A_254 : memref<128x16xf32, #tpu.memory_space<vmem>>) offsets(%dma_start3A_257 : memref<128xi32, #tpu.memory_space<vmem>>) semaphore(%arg12 : memref<!tpu.dma_semaphore, #tpu.memory_space<semaphore_mem>>)
      %dma_start3A_261 = arith.constant 0 : i32
      %dma_start3A_262 = arith.constant 4 : i32
      %dma_start3A_263 = arith.constant 0 : i32
      %dma_start3A_264 = arith.constant 512 : i32
      %dma_start3A_265 = arith.constant 0 : i32
      %dma_start3A_266 = tpu.memref_slice %arg8[%dma_start3A_263, %dma_start3A_264, %dma_start3A_265] : memref<2x640x16xf32, #tpu.memory_space<vmem>> -> memref<1x128x16xf32, #tpu.memory_space<vmem>>
      %dma_start3A_267 = tpu.memref_squeeze %dma_start3A_266 : memref<1x128x16xf32, #tpu.memory_space<vmem>> -> memref<128x16xf32, #tpu.memory_space<vmem>>
      %dma_start3A_268 = arith.constant 0 : i32
      %dma_start3A_269 = tpu.memref_slice %arg6[%dma_start3A_261, %dma_start3A_262, %dma_start3A_268] : memref<2x10x128xi32, #tpu.memory_space<vmem>> -> memref<1x1x128xi32, #tpu.memory_space<vmem>>
      %dma_start3A_270 = tpu.memref_squeeze %dma_start3A_269 : memref<1x1x128xi32, #tpu.memory_space<vmem>> -> memref<128xi32, #tpu.memory_space<vmem>>
      %dma_start3A_271 = arith.constant 0 : i32
      %dma_start3A_272 = arith.constant 0 : i32
      %dma_start3A_273 = tpu.memref_slice %arg2[%dma_start3A_271, %dma_start3A_272] : memref<100000x16xf32, #tpu.memory_space<hbm>> -> memref<100000x16xf32, #tpu.memory_space<hbm>>
      tpu.enqueue_indirect_dma source(%dma_start3A_273 : memref<100000x16xf32, #tpu.memory_space<hbm>>) target(%dma_start3A_267 : memref<128x16xf32, #tpu.memory_space<vmem>>) offsets(%dma_start3A_270 : memref<128xi32, #tpu.memory_space<vmem>>) semaphore(%arg12 : memref<!tpu.dma_semaphore, #tpu.memory_space<semaphore_mem>>)
      %dma_wait3A_274 = arith.constant 0 : i32
      %dma_wait3A_275 = arith.constant 0 : i32
      %dma_wait3A_276 = arith.constant 0 : i32
      %dma_wait3A_277 = arith.constant 0 : i32
      %dma_wait3A_278 = arith.constant 0 : i32
      %dma_wait3A_279 = tpu.memref_slice %arg8[%dma_wait3A_276, %dma_wait3A_277, %dma_wait3A_278] : memref<2x640x16xf32, #tpu.memory_space<vmem>> -> memref<1x128x16xf32, #tpu.memory_space<vmem>>
      %dma_wait3A_280 = tpu.memref_squeeze %dma_wait3A_279 : memref<1x128x16xf32, #tpu.memory_space<vmem>> -> memref<128x16xf32, #tpu.memory_space<vmem>>
      %dma_wait3A_281 = arith.constant 0 : i32
      %dma_wait3A_282 = tpu.memref_slice %arg6[%dma_wait3A_274, %dma_wait3A_275, %dma_wait3A_281] : memref<2x10x128xi32, #tpu.memory_space<vmem>> -> memref<1x1x128xi32, #tpu.memory_space<vmem>>
      %dma_wait3A_283 = tpu.memref_squeeze %dma_wait3A_282 : memref<1x1x128xi32, #tpu.memory_space<vmem>> -> memref<128xi32, #tpu.memory_space<vmem>>
      %dma_wait3A_284 = arith.constant 0 : i32
      %dma_wait3A_285 = arith.constant 0 : i32
      %dma_wait3A_286 = tpu.memref_slice %arg2[%dma_wait3A_284, %dma_wait3A_285] : memref<100000x16xf32, #tpu.memory_space<hbm>> -> memref<100000x16xf32, #tpu.memory_space<hbm>>
      tpu.wait_indirect_dma semaphore(%arg12 : memref<!tpu.dma_semaphore, #tpu.memory_space<semaphore_mem>>) src(%dma_wait3A_286 : memref<100000x16xf32, #tpu.memory_space<hbm>>) dst(%dma_wait3A_280 : memref<128x16xf32, #tpu.memory_space<vmem>>)
      %dma_start3A_287 = arith.constant 0 : i32
      %dma_start3A_288 = arith.constant 0 : i32
      %dma_start3A_289 = arith.constant 0 : i32
      %dma_start3A_290 = arith.constant 0 : i32
      %dma_start3A_291 = arith.constant 0 : i32
      %dma_start3A_292 = tpu.memref_slice %arg8[%dma_start3A_287, %dma_start3A_290, %dma_start3A_291] : memref<2x640x16xf32, #tpu.memory_space<vmem>> -> memref<1x128x16xf32, #tpu.memory_space<vmem>>
      %dma_start3A_293 = tpu.memref_squeeze %dma_start3A_292 : memref<1x128x16xf32, #tpu.memory_space<vmem>> -> memref<128x16xf32, #tpu.memory_space<vmem>>
      %dma_start3A_294 = arith.constant 0 : i32
      %dma_start3A_295 = tpu.memref_slice %arg7[%dma_start3A_288, %dma_start3A_289, %dma_start3A_294] : memref<2x10x128xi32, #tpu.memory_space<vmem>> -> memref<1x1x128xi32, #tpu.memory_space<vmem>>
      %dma_start3A_296 = tpu.memref_squeeze %dma_start3A_295 : memref<1x1x128xi32, #tpu.memory_space<vmem>> -> memref<128xi32, #tpu.memory_space<vmem>>
      %dma_start3A_297 = arith.constant 0 : i32
      %dma_start3A_298 = arith.constant 0 : i32
      %dma_start3A_299 = tpu.memref_slice %arg11[%dma_start3A_297, %dma_start3A_298] : memref<100016x16xf32, #tpu.memory_space<vmem_shared>> -> memref<100016x16xf32, #tpu.memory_space<vmem_shared>>
      tpu.enqueue_indirect_dma source(%dma_start3A_293 : memref<128x16xf32, #tpu.memory_space<vmem>>) target(%dma_start3A_299 : memref<100016x16xf32, #tpu.memory_space<vmem_shared>>) offsets(%dma_start3A_296 : memref<128xi32, #tpu.memory_space<vmem>>) semaphore(%arg14 : memref<!tpu.dma_semaphore, #tpu.memory_space<semaphore_mem>>) {add = true}
      %dma_wait3A_300 = arith.constant 0 : i32
      %dma_wait3A_301 = arith.constant 1 : i32
      %dma_wait3A_302 = arith.constant 0 : i32
      %dma_wait3A_303 = arith.constant 128 : i32
      %dma_wait3A_304 = arith.constant 0 : i32
      %dma_wait3A_305 = tpu.memref_slice %arg8[%dma_wait3A_302, %dma_wait3A_303, %dma_wait3A_304] : memref<2x640x16xf32, #tpu.memory_space<vmem>> -> memref<1x128x16xf32, #tpu.memory_space<vmem>>
      %dma_wait3A_306 = tpu.memref_squeeze %dma_wait3A_305 : memref<1x128x16xf32, #tpu.memory_space<vmem>> -> memref<128x16xf32, #tpu.memory_space<vmem>>
      %dma_wait3A_307 = arith.constant 0 : i32
      %dma_wait3A_308 = tpu.memref_slice %arg6[%dma_wait3A_300, %dma_wait3A_301, %dma_wait3A_307] : memref<2x10x128xi32, #tpu.memory_space<vmem>> -> memref<1x1x128xi32, #tpu.memory_space<vmem>>
      %dma_wait3A_309 = tpu.memref_squeeze %dma_wait3A_308 : memref<1x1x128xi32, #tpu.memory_space<vmem>> -> memref<128xi32, #tpu.memory_space<vmem>>
      %dma_wait3A_310 = arith.constant 0 : i32
      %dma_wait3A_311 = arith.constant 0 : i32
      %dma_wait3A_312 = tpu.memref_slice %arg2[%dma_wait3A_310, %dma_wait3A_311] : memref<100000x16xf32, #tpu.memory_space<hbm>> -> memref<100000x16xf32, #tpu.memory_space<hbm>>
      tpu.wait_indirect_dma semaphore(%arg12 : memref<!tpu.dma_semaphore, #tpu.memory_space<semaphore_mem>>) src(%dma_wait3A_312 : memref<100000x16xf32, #tpu.memory_space<hbm>>) dst(%dma_wait3A_306 : memref<128x16xf32, #tpu.memory_space<vmem>>)
      %dma_start3A_313 = arith.constant 0 : i32
      %dma_start3A_314 = arith.constant 0 : i32
      %dma_start3A_315 = arith.constant 1 : i32
      %dma_start3A_316 = arith.constant 128 : i32
      %dma_start3A_317 = arith.constant 0 : i32
      %dma_start3A_318 = tpu.memref_slice %arg8[%dma_start3A_313, %dma_start3A_316, %dma_start3A_317] : memref<2x640x16xf32, #tpu.memory_space<vmem>> -> memref<1x128x16xf32, #tpu.memory_space<vmem>>
      %dma_start3A_319 = tpu.memref_squeeze %dma_start3A_318 : memref<1x128x16xf32, #tpu.memory_space<vmem>> -> memref<128x16xf32, #tpu.memory_space<vmem>>
      %dma_start3A_320 = arith.constant 0 : i32
      %dma_start3A_321 = tpu.memref_slice %arg7[%dma_start3A_314, %dma_start3A_315, %dma_start3A_320] : memref<2x10x128xi32, #tpu.memory_space<vmem>> -> memref<1x1x128xi32, #tpu.memory_space<vmem>>
      %dma_start3A_322 = tpu.memref_squeeze %dma_start3A_321 : memref<1x1x128xi32, #tpu.memory_space<vmem>> -> memref<128xi32, #tpu.memory_space<vmem>>
      %dma_start3A_323 = arith.constant 0 : i32
      %dma_start3A_324 = arith.constant 0 : i32
      %dma_start3A_325 = tpu.memref_slice %arg11[%dma_start3A_323, %dma_start3A_324] : memref<100016x16xf32, #tpu.memory_space<vmem_shared>> -> memref<100016x16xf32, #tpu.memory_space<vmem_shared>>
      tpu.enqueue_indirect_dma source(%dma_start3A_319 : memref<128x16xf32, #tpu.memory_space<vmem>>) target(%dma_start3A_325 : memref<100016x16xf32, #tpu.memory_space<vmem_shared>>) offsets(%dma_start3A_322 : memref<128xi32, #tpu.memory_space<vmem>>) semaphore(%arg14 : memref<!tpu.dma_semaphore, #tpu.memory_space<semaphore_mem>>) {add = true}
      %dma_wait3A_326 = arith.constant 0 : i32
      %dma_wait3A_327 = arith.constant 2 : i32
      %dma_wait3A_328 = arith.constant 0 : i32
      %dma_wait3A_329 = arith.constant 256 : i32
      %dma_wait3A_330 = arith.constant 0 : i32
      %dma_wait3A_331 = tpu.memref_slice %arg8[%dma_wait3A_328, %dma_wait3A_329, %dma_wait3A_330] : memref<2x640x16xf32, #tpu.memory_space<vmem>> -> memref<1x128x16xf32, #tpu.memory_space<vmem>>
      %dma_wait3A_332 = tpu.memref_squeeze %dma_wait3A_331 : memref<1x128x16xf32, #tpu.memory_space<vmem>> -> memref<128x16xf32, #tpu.memory_space<vmem>>
      %dma_wait3A_333 = arith.constant 0 : i32
      %dma_wait3A_334 = tpu.memref_slice %arg6[%dma_wait3A_326, %dma_wait3A_327, %dma_wait3A_333] : memref<2x10x128xi32, #tpu.memory_space<vmem>> -> memref<1x1x128xi32, #tpu.memory_space<vmem>>
      %dma_wait3A_335 = tpu.memref_squeeze %dma_wait3A_334 : memref<1x1x128xi32, #tpu.memory_space<vmem>> -> memref<128xi32, #tpu.memory_space<vmem>>
      %dma_wait3A_336 = arith.constant 0 : i32
      %dma_wait3A_337 = arith.constant 0 : i32
      %dma_wait3A_338 = tpu.memref_slice %arg2[%dma_wait3A_336, %dma_wait3A_337] : memref<100000x16xf32, #tpu.memory_space<hbm>> -> memref<100000x16xf32, #tpu.memory_space<hbm>>
      tpu.wait_indirect_dma semaphore(%arg12 : memref<!tpu.dma_semaphore, #tpu.memory_space<semaphore_mem>>) src(%dma_wait3A_338 : memref<100000x16xf32, #tpu.memory_space<hbm>>) dst(%dma_wait3A_332 : memref<128x16xf32, #tpu.memory_space<vmem>>)
      %dma_start3A_339 = arith.constant 0 : i32
      %dma_start3A_340 = arith.constant 0 : i32
      %dma_start3A_341 = arith.constant 2 : i32
      %dma_start3A_342 = arith.constant 256 : i32
      %dma_start3A_343 = arith.constant 0 : i32
      %dma_start3A_344 = tpu.memref_slice %arg8[%dma_start3A_339, %dma_start3A_342, %dma_start3A_343] : memref<2x640x16xf32, #tpu.memory_space<vmem>> -> memref<1x128x16xf32, #tpu.memory_space<vmem>>
      %dma_start3A_345 = tpu.memref_squeeze %dma_start3A_344 : memref<1x128x16xf32, #tpu.memory_space<vmem>> -> memref<128x16xf32, #tpu.memory_space<vmem>>
      %dma_start3A_346 = arith.constant 0 : i32
      %dma_start3A_347 = tpu.memref_slice %arg7[%dma_start3A_340, %dma_start3A_341, %dma_start3A_346] : memref<2x10x128xi32, #tpu.memory_space<vmem>> -> memref<1x1x128xi32, #tpu.memory_space<vmem>>
      %dma_start3A_348 = tpu.memref_squeeze %dma_start3A_347 : memref<1x1x128xi32, #tpu.memory_space<vmem>> -> memref<128xi32, #tpu.memory_space<vmem>>
      %dma_start3A_349 = arith.constant 0 : i32
      %dma_start3A_350 = arith.constant 0 : i32
      %dma_start3A_351 = tpu.memref_slice %arg11[%dma_start3A_349, %dma_start3A_350] : memref<100016x16xf32, #tpu.memory_space<vmem_shared>> -> memref<100016x16xf32, #tpu.memory_space<vmem_shared>>
      tpu.enqueue_indirect_dma source(%dma_start3A_345 : memref<128x16xf32, #tpu.memory_space<vmem>>) target(%dma_start3A_351 : memref<100016x16xf32, #tpu.memory_space<vmem_shared>>) offsets(%dma_start3A_348 : memref<128xi32, #tpu.memory_space<vmem>>) semaphore(%arg14 : memref<!tpu.dma_semaphore, #tpu.memory_space<semaphore_mem>>) {add = true}
      %dma_wait3A_352 = arith.constant 0 : i32
      %dma_wait3A_353 = arith.constant 3 : i32
      %dma_wait3A_354 = arith.constant 0 : i32
      %dma_wait3A_355 = arith.constant 384 : i32
      %dma_wait3A_356 = arith.constant 0 : i32
      %dma_wait3A_357 = tpu.memref_slice %arg8[%dma_wait3A_354, %dma_wait3A_355, %dma_wait3A_356] : memref<2x640x16xf32, #tpu.memory_space<vmem>> -> memref<1x128x16xf32, #tpu.memory_space<vmem>>
      %dma_wait3A_358 = tpu.memref_squeeze %dma_wait3A_357 : memref<1x128x16xf32, #tpu.memory_space<vmem>> -> memref<128x16xf32, #tpu.memory_space<vmem>>
      %dma_wait3A_359 = arith.constant 0 : i32
      %dma_wait3A_360 = tpu.memref_slice %arg6[%dma_wait3A_352, %dma_wait3A_353, %dma_wait3A_359] : memref<2x10x128xi32, #tpu.memory_space<vmem>> -> memref<1x1x128xi32, #tpu.memory_space<vmem>>
      %dma_wait3A_361 = tpu.memref_squeeze %dma_wait3A_360 : memref<1x1x128xi32, #tpu.memory_space<vmem>> -> memref<128xi32, #tpu.memory_space<vmem>>
      %dma_wait3A_362 = arith.constant 0 : i32
      %dma_wait3A_363 = arith.constant 0 : i32
      %dma_wait3A_364 = tpu.memref_slice %arg2[%dma_wait3A_362, %dma_wait3A_363] : memref<100000x16xf32, #tpu.memory_space<hbm>> -> memref<100000x16xf32, #tpu.memory_space<hbm>>
      tpu.wait_indirect_dma semaphore(%arg12 : memref<!tpu.dma_semaphore, #tpu.memory_space<semaphore_mem>>) src(%dma_wait3A_364 : memref<100000x16xf32, #tpu.memory_space<hbm>>) dst(%dma_wait3A_358 : memref<128x16xf32, #tpu.memory_space<vmem>>)
      %dma_start3A_365 = arith.constant 0 : i32
      %dma_start3A_366 = arith.constant 0 : i32
      %dma_start3A_367 = arith.constant 3 : i32
      %dma_start3A_368 = arith.constant 384 : i32
      %dma_start3A_369 = arith.constant 0 : i32
      %dma_start3A_370 = tpu.memref_slice %arg8[%dma_start3A_365, %dma_start3A_368, %dma_start3A_369] : memref<2x640x16xf32, #tpu.memory_space<vmem>> -> memref<1x128x16xf32, #tpu.memory_space<vmem>>
      %dma_start3A_371 = tpu.memref_squeeze %dma_start3A_370 : memref<1x128x16xf32, #tpu.memory_space<vmem>> -> memref<128x16xf32, #tpu.memory_space<vmem>>
      %dma_start3A_372 = arith.constant 0 : i32
      %dma_start3A_373 = tpu.memref_slice %arg7[%dma_start3A_366, %dma_start3A_367, %dma_start3A_372] : memref<2x10x128xi32, #tpu.memory_space<vmem>> -> memref<1x1x128xi32, #tpu.memory_space<vmem>>
      %dma_start3A_374 = tpu.memref_squeeze %dma_start3A_373 : memref<1x1x128xi32, #tpu.memory_space<vmem>> -> memref<128xi32, #tpu.memory_space<vmem>>
      %dma_start3A_375 = arith.constant 0 : i32
      %dma_start3A_376 = arith.constant 0 : i32
      %dma_start3A_377 = tpu.memref_slice %arg11[%dma_start3A_375, %dma_start3A_376] : memref<100016x16xf32, #tpu.memory_space<vmem_shared>> -> memref<100016x16xf32, #tpu.memory_space<vmem_shared>>
      tpu.enqueue_indirect_dma source(%dma_start3A_371 : memref<128x16xf32, #tpu.memory_space<vmem>>) target(%dma_start3A_377 : memref<100016x16xf32, #tpu.memory_space<vmem_shared>>) offsets(%dma_start3A_374 : memref<128xi32, #tpu.memory_space<vmem>>) semaphore(%arg14 : memref<!tpu.dma_semaphore, #tpu.memory_space<semaphore_mem>>) {add = true}
      %dma_wait3A_378 = arith.constant 0 : i32
      %dma_wait3A_379 = arith.constant 4 : i32
      %dma_wait3A_380 = arith.constant 0 : i32
      %dma_wait3A_381 = arith.constant 512 : i32
      %dma_wait3A_382 = arith.constant 0 : i32
      %dma_wait3A_383 = tpu.memref_slice %arg8[%dma_wait3A_380, %dma_wait3A_381, %dma_wait3A_382] : memref<2x640x16xf32, #tpu.memory_space<vmem>> -> memref<1x128x16xf32, #tpu.memory_space<vmem>>
      %dma_wait3A_384 = tpu.memref_squeeze %dma_wait3A_383 : memref<1x128x16xf32, #tpu.memory_space<vmem>> -> memref<128x16xf32, #tpu.memory_space<vmem>>
      %dma_wait3A_385 = arith.constant 0 : i32
      %dma_wait3A_386 = tpu.memref_slice %arg6[%dma_wait3A_378, %dma_wait3A_379, %dma_wait3A_385] : memref<2x10x128xi32, #tpu.memory_space<vmem>> -> memref<1x1x128xi32, #tpu.memory_space<vmem>>
      %dma_wait3A_387 = tpu.memref_squeeze %dma_wait3A_386 : memref<1x1x128xi32, #tpu.memory_space<vmem>> -> memref<128xi32, #tpu.memory_space<vmem>>
      %dma_wait3A_388 = arith.constant 0 : i32
      %dma_wait3A_389 = arith.constant 0 : i32
      %dma_wait3A_390 = tpu.memref_slice %arg2[%dma_wait3A_388, %dma_wait3A_389] : memref<100000x16xf32, #tpu.memory_space<hbm>> -> memref<100000x16xf32, #tpu.memory_space<hbm>>
      tpu.wait_indirect_dma semaphore(%arg12 : memref<!tpu.dma_semaphore, #tpu.memory_space<semaphore_mem>>) src(%dma_wait3A_390 : memref<100000x16xf32, #tpu.memory_space<hbm>>) dst(%dma_wait3A_384 : memref<128x16xf32, #tpu.memory_space<vmem>>)
      %dma_start3A_391 = arith.constant 0 : i32
      %dma_start3A_392 = arith.constant 0 : i32
      %dma_start3A_393 = arith.constant 4 : i32
      %dma_start3A_394 = arith.constant 512 : i32
      %dma_start3A_395 = arith.constant 0 : i32
      %dma_start3A_396 = tpu.memref_slice %arg8[%dma_start3A_391, %dma_start3A_394, %dma_start3A_395] : memref<2x640x16xf32, #tpu.memory_space<vmem>> -> memref<1x128x16xf32, #tpu.memory_space<vmem>>
      %dma_start3A_397 = tpu.memref_squeeze %dma_start3A_396 : memref<1x128x16xf32, #tpu.memory_space<vmem>> -> memref<128x16xf32, #tpu.memory_space<vmem>>
      %dma_start3A_398 = arith.constant 0 : i32
      %dma_start3A_399 = tpu.memref_slice %arg7[%dma_start3A_392, %dma_start3A_393, %dma_start3A_398] : memref<2x10x128xi32, #tpu.memory_space<vmem>> -> memref<1x1x128xi32, #tpu.memory_space<vmem>>
      %dma_start3A_400 = tpu.memref_squeeze %dma_start3A_399 : memref<1x1x128xi32, #tpu.memory_space<vmem>> -> memref<128xi32, #tpu.memory_space<vmem>>
      %dma_start3A_401 = arith.constant 0 : i32
      %dma_start3A_402 = arith.constant 0 : i32
      %dma_start3A_403 = tpu.memref_slice %arg11[%dma_start3A_401, %dma_start3A_402] : memref<100016x16xf32, #tpu.memory_space<vmem_shared>> -> memref<100016x16xf32, #tpu.memory_space<vmem_shared>>
      tpu.enqueue_indirect_dma source(%dma_start3A_397 : memref<128x16xf32, #tpu.memory_space<vmem>>) target(%dma_start3A_403 : memref<100016x16xf32, #tpu.memory_space<vmem_shared>>) offsets(%dma_start3A_400 : memref<128xi32, #tpu.memory_space<vmem>>) semaphore(%arg14 : memref<!tpu.dma_semaphore, #tpu.memory_space<semaphore_mem>>) {add = true}
      %dma_wait3A_404 = arith.constant 1 : i32
      %dma_wait3A_405 = arith.constant 0 : i32
      %dma_wait3A_406 = arith.constant 0 : i32
      %dma_wait3A_407 = tpu.memref_slice %arg8[%dma_wait3A_404, %dma_wait3A_405, %dma_wait3A_406] : memref<2x640x16xf32, #tpu.memory_space<vmem>> -> memref<1x640x16xf32, #tpu.memory_space<vmem>>
      %dma_wait3A_408 = tpu.memref_squeeze %dma_wait3A_407 : memref<1x640x16xf32, #tpu.memory_space<vmem>> -> memref<640x16xf32, #tpu.memory_space<vmem>>
      %dma_wait3A_409 = arith.constant 0 : i32
      %dma_wait3A_410 = arith.constant 0 : i32
      %dma_wait3A_411 = tpu.memref_slice %arg2[%dma_wait3A_409, %dma_wait3A_410] : memref<100000x16xf32, #tpu.memory_space<hbm>> -> memref<640x16xf32, #tpu.memory_space<hbm>>
      %dma_wait3A_412 = arith.constant 0 : i32
      %dma_wait3A_413 = arith.constant 0 : i32
      %dma_wait3A_414 = tpu.memref_slice %arg8[%dma_wait3A_404, %dma_wait3A_412, %dma_wait3A_413] : memref<2x640x16xf32, #tpu.memory_space<vmem>> -> memref<1x640x16xf32, #tpu.memory_space<vmem>>
      %dma_wait3A_415 = tpu.memref_squeeze %dma_wait3A_414 : memref<1x640x16xf32, #tpu.memory_space<vmem>> -> memref<640x16xf32, #tpu.memory_space<vmem>>
      %dma_wait3A_416 = arith.constant 0 : i32
      %dma_wait3A_417 = arith.constant 0 : i32
      %dma_wait3A_418 = tpu.memref_slice %arg2[%dma_wait3A_416, %dma_wait3A_417] : memref<100000x16xf32, #tpu.memory_space<hbm>> -> memref<640x16xf32, #tpu.memory_space<hbm>>
      tpu.wait_dma2 semaphore(%arg15 : memref<!tpu.dma_semaphore, #tpu.memory_space<semaphore_mem>>) src(%dma_wait3A_418 : memref<640x16xf32, #tpu.memory_space<hbm>>) dst(%dma_wait3A_415 : memref<640x16xf32, #tpu.memory_space<vmem>>)
      %dma_start3A_419 = arith.constant 0 : i32
      %dma_start3A_420 = arith.constant 5 : i32
      %dma_start3A_421 = arith.constant 1 : i32
      %dma_start3A_422 = arith.constant 0 : i32
      %dma_start3A_423 = arith.constant 0 : i32
      %dma_start3A_424 = tpu.memref_slice %arg8[%dma_start3A_421, %dma_start3A_422, %dma_start3A_423] : memref<2x640x16xf32, #tpu.memory_space<vmem>> -> memref<1x128x16xf32, #tpu.memory_space<vmem>>
      %dma_start3A_425 = tpu.memref_squeeze %dma_start3A_424 : memref<1x128x16xf32, #tpu.memory_space<vmem>> -> memref<128x16xf32, #tpu.memory_space<vmem>>
      %dma_start3A_426 = arith.constant 0 : i32
      %dma_start3A_427 = tpu.memref_slice %arg6[%dma_start3A_419, %dma_start3A_420, %dma_start3A_426] : memref<2x10x128xi32, #tpu.memory_space<vmem>> -> memref<1x1x128xi32, #tpu.memory_space<vmem>>
      %dma_start3A_428 = tpu.memref_squeeze %dma_start3A_427 : memref<1x1x128xi32, #tpu.memory_space<vmem>> -> memref<128xi32, #tpu.memory_space<vmem>>
      %dma_start3A_429 = arith.constant 0 : i32
      %dma_start3A_430 = arith.constant 0 : i32
      %dma_start3A_431 = tpu.memref_slice %arg2[%dma_start3A_429, %dma_start3A_430] : memref<100000x16xf32, #tpu.memory_space<hbm>> -> memref<100000x16xf32, #tpu.memory_space<hbm>>
      tpu.enqueue_indirect_dma source(%dma_start3A_431 : memref<100000x16xf32, #tpu.memory_space<hbm>>) target(%dma_start3A_425 : memref<128x16xf32, #tpu.memory_space<vmem>>) offsets(%dma_start3A_428 : memref<128xi32, #tpu.memory_space<vmem>>) semaphore(%arg13 : memref<!tpu.dma_semaphore, #tpu.memory_space<semaphore_mem>>)
      %dma_start3A_432 = arith.constant 0 : i32
      %dma_start3A_433 = arith.constant 6 : i32
      %dma_start3A_434 = arith.constant 1 : i32
      %dma_start3A_435 = arith.constant 128 : i32
      %dma_start3A_436 = arith.constant 0 : i32
      %dma_start3A_437 = tpu.memref_slice %arg8[%dma_start3A_434, %dma_start3A_435, %dma_start3A_436] : memref<2x640x16xf32, #tpu.memory_space<vmem>> -> memref<1x128x16xf32, #tpu.memory_space<vmem>>
      %dma_start3A_438 = tpu.memref_squeeze %dma_start3A_437 : memref<1x128x16xf32, #tpu.memory_space<vmem>> -> memref<128x16xf32, #tpu.memory_space<vmem>>
      %dma_start3A_439 = arith.constant 0 : i32
      %dma_start3A_440 = tpu.memref_slice %arg6[%dma_start3A_432, %dma_start3A_433, %dma_start3A_439] : memref<2x10x128xi32, #tpu.memory_space<vmem>> -> memref<1x1x128xi32, #tpu.memory_space<vmem>>
      %dma_start3A_441 = tpu.memref_squeeze %dma_start3A_440 : memref<1x1x128xi32, #tpu.memory_space<vmem>> -> memref<128xi32, #tpu.memory_space<vmem>>
      %dma_start3A_442 = arith.constant 0 : i32
      %dma_start3A_443 = arith.constant 0 : i32
      %dma_start3A_444 = tpu.memref_slice %arg2[%dma_start3A_442, %dma_start3A_443] : memref<100000x16xf32, #tpu.memory_space<hbm>> -> memref<100000x16xf32, #tpu.memory_space<hbm>>
      tpu.enqueue_indirect_dma source(%dma_start3A_444 : memref<100000x16xf32, #tpu.memory_space<hbm>>) target(%dma_start3A_438 : memref<128x16xf32, #tpu.memory_space<vmem>>) offsets(%dma_start3A_441 : memref<128xi32, #tpu.memory_space<vmem>>) semaphore(%arg13 : memref<!tpu.dma_semaphore, #tpu.memory_space<semaphore_mem>>)
      %dma_start3A_445 = arith.constant 0 : i32
      %dma_start3A_446 = arith.constant 7 : i32
      %dma_start3A_447 = arith.constant 1 : i32
      %dma_start3A_448 = arith.constant 256 : i32
      %dma_start3A_449 = arith.constant 0 : i32
      %dma_start3A_450 = tpu.memref_slice %arg8[%dma_start3A_447, %dma_start3A_448, %dma_start3A_449] : memref<2x640x16xf32, #tpu.memory_space<vmem>> -> memref<1x128x16xf32, #tpu.memory_space<vmem>>
      %dma_start3A_451 = tpu.memref_squeeze %dma_start3A_450 : memref<1x128x16xf32, #tpu.memory_space<vmem>> -> memref<128x16xf32, #tpu.memory_space<vmem>>
      %dma_start3A_452 = arith.constant 0 : i32
      %dma_start3A_453 = tpu.memref_slice %arg6[%dma_start3A_445, %dma_start3A_446, %dma_start3A_452] : memref<2x10x128xi32, #tpu.memory_space<vmem>> -> memref<1x1x128xi32, #tpu.memory_space<vmem>>
      %dma_start3A_454 = tpu.memref_squeeze %dma_start3A_453 : memref<1x1x128xi32, #tpu.memory_space<vmem>> -> memref<128xi32, #tpu.memory_space<vmem>>
      %dma_start3A_455 = arith.constant 0 : i32
      %dma_start3A_456 = arith.constant 0 : i32
      %dma_start3A_457 = tpu.memref_slice %arg2[%dma_start3A_455, %dma_start3A_456] : memref<100000x16xf32, #tpu.memory_space<hbm>> -> memref<100000x16xf32, #tpu.memory_space<hbm>>
      tpu.enqueue_indirect_dma source(%dma_start3A_457 : memref<100000x16xf32, #tpu.memory_space<hbm>>) target(%dma_start3A_451 : memref<128x16xf32, #tpu.memory_space<vmem>>) offsets(%dma_start3A_454 : memref<128xi32, #tpu.memory_space<vmem>>) semaphore(%arg13 : memref<!tpu.dma_semaphore, #tpu.memory_space<semaphore_mem>>)
      %dma_start3A_458 = arith.constant 0 : i32
      %dma_start3A_459 = arith.constant 8 : i32
      %dma_start3A_460 = arith.constant 1 : i32
      %dma_start3A_461 = arith.constant 384 : i32
      %dma_start3A_462 = arith.constant 0 : i32
      %dma_start3A_463 = tpu.memref_slice %arg8[%dma_start3A_460, %dma_start3A_461, %dma_start3A_462] : memref<2x640x16xf32, #tpu.memory_space<vmem>> -> memref<1x128x16xf32, #tpu.memory_space<vmem>>
      %dma_start3A_464 = tpu.memref_squeeze %dma_start3A_463 : memref<1x128x16xf32, #tpu.memory_space<vmem>> -> memref<128x16xf32, #tpu.memory_space<vmem>>
      %dma_start3A_465 = arith.constant 0 : i32
      %dma_start3A_466 = tpu.memref_slice %arg6[%dma_start3A_458, %dma_start3A_459, %dma_start3A_465] : memref<2x10x128xi32, #tpu.memory_space<vmem>> -> memref<1x1x128xi32, #tpu.memory_space<vmem>>
      %dma_start3A_467 = tpu.memref_squeeze %dma_start3A_466 : memref<1x1x128xi32, #tpu.memory_space<vmem>> -> memref<128xi32, #tpu.memory_space<vmem>>
      %dma_start3A_468 = arith.constant 0 : i32
      %dma_start3A_469 = arith.constant 0 : i32
      %dma_start3A_470 = tpu.memref_slice %arg2[%dma_start3A_468, %dma_start3A_469] : memref<100000x16xf32, #tpu.memory_space<hbm>> -> memref<100000x16xf32, #tpu.memory_space<hbm>>
      tpu.enqueue_indirect_dma source(%dma_start3A_470 : memref<100000x16xf32, #tpu.memory_space<hbm>>) target(%dma_start3A_464 : memref<128x16xf32, #tpu.memory_space<vmem>>) offsets(%dma_start3A_467 : memref<128xi32, #tpu.memory_space<vmem>>) semaphore(%arg13 : memref<!tpu.dma_semaphore, #tpu.memory_space<semaphore_mem>>)
      %dma_start3A_471 = arith.constant 0 : i32
      %dma_start3A_472 = arith.constant 9 : i32
      %dma_start3A_473 = arith.constant 1 : i32
      %dma_start3A_474 = arith.constant 512 : i32
      %dma_start3A_475 = arith.constant 0 : i32
      %dma_start3A_476 = tpu.memref_slice %arg8[%dma_start3A_473, %dma_start3A_474, %dma_start3A_475] : memref<2x640x16xf32, #tpu.memory_space<vmem>> -> memref<1x128x16xf32, #tpu.memory_space<vmem>>
      %dma_start3A_477 = tpu.memref_squeeze %dma_start3A_476 : memref<1x128x16xf32, #tpu.memory_space<vmem>> -> memref<128x16xf32, #tpu.memory_space<vmem>>
      %dma_start3A_478 = arith.constant 0 : i32
      %dma_start3A_479 = tpu.memref_slice %arg6[%dma_start3A_471, %dma_start3A_472, %dma_start3A_478] : memref<2x10x128xi32, #tpu.memory_space<vmem>> -> memref<1x1x128xi32, #tpu.memory_space<vmem>>
      %dma_start3A_480 = tpu.memref_squeeze %dma_start3A_479 : memref<1x1x128xi32, #tpu.memory_space<vmem>> -> memref<128xi32, #tpu.memory_space<vmem>>
      %dma_start3A_481 = arith.constant 0 : i32
      %dma_start3A_482 = arith.constant 0 : i32
      %dma_start3A_483 = tpu.memref_slice %arg2[%dma_start3A_481, %dma_start3A_482] : memref<100000x16xf32, #tpu.memory_space<hbm>> -> memref<100000x16xf32, #tpu.memory_space<hbm>>
      tpu.enqueue_indirect_dma source(%dma_start3A_483 : memref<100000x16xf32, #tpu.memory_space<hbm>>) target(%dma_start3A_477 : memref<128x16xf32, #tpu.memory_space<vmem>>) offsets(%dma_start3A_480 : memref<128xi32, #tpu.memory_space<vmem>>) semaphore(%arg13 : memref<!tpu.dma_semaphore, #tpu.memory_space<semaphore_mem>>)
      %dma_wait3A_484 = arith.constant 0 : i32
      %dma_wait3A_485 = arith.constant 5 : i32
      %dma_wait3A_486 = arith.constant 1 : i32
      %dma_wait3A_487 = arith.constant 0 : i32
      %dma_wait3A_488 = arith.constant 0 : i32
      %dma_wait3A_489 = tpu.memref_slice %arg8[%dma_wait3A_486, %dma_wait3A_487, %dma_wait3A_488] : memref<2x640x16xf32, #tpu.memory_space<vmem>> -> memref<1x128x16xf32, #tpu.memory_space<vmem>>
      %dma_wait3A_490 = tpu.memref_squeeze %dma_wait3A_489 : memref<1x128x16xf32, #tpu.memory_space<vmem>> -> memref<128x16xf32, #tpu.memory_space<vmem>>
      %dma_wait3A_491 = arith.constant 0 : i32
      %dma_wait3A_492 = tpu.memref_slice %arg6[%dma_wait3A_484, %dma_wait3A_485, %dma_wait3A_491] : memref<2x10x128xi32, #tpu.memory_space<vmem>> -> memref<1x1x128xi32, #tpu.memory_space<vmem>>
      %dma_wait3A_493 = tpu.memref_squeeze %dma_wait3A_492 : memref<1x1x128xi32, #tpu.memory_space<vmem>> -> memref<128xi32, #tpu.memory_space<vmem>>
      %dma_wait3A_494 = arith.constant 0 : i32
      %dma_wait3A_495 = arith.constant 0 : i32
      %dma_wait3A_496 = tpu.memref_slice %arg2[%dma_wait3A_494, %dma_wait3A_495] : memref<100000x16xf32, #tpu.memory_space<hbm>> -> memref<100000x16xf32, #tpu.memory_space<hbm>>
      tpu.wait_indirect_dma semaphore(%arg13 : memref<!tpu.dma_semaphore, #tpu.memory_space<semaphore_mem>>) src(%dma_wait3A_496 : memref<100000x16xf32, #tpu.memory_space<hbm>>) dst(%dma_wait3A_490 : memref<128x16xf32, #tpu.memory_space<vmem>>)
      %dma_start3A_497 = arith.constant 1 : i32
      %dma_start3A_498 = arith.constant 0 : i32
      %dma_start3A_499 = arith.constant 5 : i32
      %dma_start3A_500 = arith.constant 0 : i32
      %dma_start3A_501 = arith.constant 0 : i32
      %dma_start3A_502 = tpu.memref_slice %arg8[%dma_start3A_497, %dma_start3A_500, %dma_start3A_501] : memref<2x640x16xf32, #tpu.memory_space<vmem>> -> memref<1x128x16xf32, #tpu.memory_space<vmem>>
      %dma_start3A_503 = tpu.memref_squeeze %dma_start3A_502 : memref<1x128x16xf32, #tpu.memory_space<vmem>> -> memref<128x16xf32, #tpu.memory_space<vmem>>
      %dma_start3A_504 = arith.constant 0 : i32
      %dma_start3A_505 = tpu.memref_slice %arg7[%dma_start3A_498, %dma_start3A_499, %dma_start3A_504] : memref<2x10x128xi32, #tpu.memory_space<vmem>> -> memref<1x1x128xi32, #tpu.memory_space<vmem>>
      %dma_start3A_506 = tpu.memref_squeeze %dma_start3A_505 : memref<1x1x128xi32, #tpu.memory_space<vmem>> -> memref<128xi32, #tpu.memory_space<vmem>>
      %dma_start3A_507 = arith.constant 0 : i32
      %dma_start3A_508 = arith.constant 0 : i32
      %dma_start3A_509 = tpu.memref_slice %arg11[%dma_start3A_507, %dma_start3A_508] : memref<100016x16xf32, #tpu.memory_space<vmem_shared>> -> memref<100016x16xf32, #tpu.memory_space<vmem_shared>>
      tpu.enqueue_indirect_dma source(%dma_start3A_503 : memref<128x16xf32, #tpu.memory_space<vmem>>) target(%dma_start3A_509 : memref<100016x16xf32, #tpu.memory_space<vmem_shared>>) offsets(%dma_start3A_506 : memref<128xi32, #tpu.memory_space<vmem>>) semaphore(%arg15 : memref<!tpu.dma_semaphore, #tpu.memory_space<semaphore_mem>>) {add = true}
      %dma_wait3A_510 = arith.constant 0 : i32
      %dma_wait3A_511 = arith.constant 6 : i32
      %dma_wait3A_512 = arith.constant 1 : i32
      %dma_wait3A_513 = arith.constant 128 : i32
      %dma_wait3A_514 = arith.constant 0 : i32
      %dma_wait3A_515 = tpu.memref_slice %arg8[%dma_wait3A_512, %dma_wait3A_513, %dma_wait3A_514] : memref<2x640x16xf32, #tpu.memory_space<vmem>> -> memref<1x128x16xf32, #tpu.memory_space<vmem>>
      %dma_wait3A_516 = tpu.memref_squeeze %dma_wait3A_515 : memref<1x128x16xf32, #tpu.memory_space<vmem>> -> memref<128x16xf32, #tpu.memory_space<vmem>>
      %dma_wait3A_517 = arith.constant 0 : i32
      %dma_wait3A_518 = tpu.memref_slice %arg6[%dma_wait3A_510, %dma_wait3A_511, %dma_wait3A_517] : memref<2x10x128xi32, #tpu.memory_space<vmem>> -> memref<1x1x128xi32, #tpu.memory_space<vmem>>
      %dma_wait3A_519 = tpu.memref_squeeze %dma_wait3A_518 : memref<1x1x128xi32, #tpu.memory_space<vmem>> -> memref<128xi32, #tpu.memory_space<vmem>>
      %dma_wait3A_520 = arith.constant 0 : i32
      %dma_wait3A_521 = arith.constant 0 : i32
      %dma_wait3A_522 = tpu.memref_slice %arg2[%dma_wait3A_520, %dma_wait3A_521] : memref<100000x16xf32, #tpu.memory_space<hbm>> -> memref<100000x16xf32, #tpu.memory_space<hbm>>
      tpu.wait_indirect_dma semaphore(%arg13 : memref<!tpu.dma_semaphore, #tpu.memory_space<semaphore_mem>>) src(%dma_wait3A_522 : memref<100000x16xf32, #tpu.memory_space<hbm>>) dst(%dma_wait3A_516 : memref<128x16xf32, #tpu.memory_space<vmem>>)
      %dma_start3A_523 = arith.constant 1 : i32
      %dma_start3A_524 = arith.constant 0 : i32
      %dma_start3A_525 = arith.constant 6 : i32
      %dma_start3A_526 = arith.constant 128 : i32
      %dma_start3A_527 = arith.constant 0 : i32
      %dma_start3A_528 = tpu.memref_slice %arg8[%dma_start3A_523, %dma_start3A_526, %dma_start3A_527] : memref<2x640x16xf32, #tpu.memory_space<vmem>> -> memref<1x128x16xf32, #tpu.memory_space<vmem>>
      %dma_start3A_529 = tpu.memref_squeeze %dma_start3A_528 : memref<1x128x16xf32, #tpu.memory_space<vmem>> -> memref<128x16xf32, #tpu.memory_space<vmem>>
      %dma_start3A_530 = arith.constant 0 : i32
      %dma_start3A_531 = tpu.memref_slice %arg7[%dma_start3A_524, %dma_start3A_525, %dma_start3A_530] : memref<2x10x128xi32, #tpu.memory_space<vmem>> -> memref<1x1x128xi32, #tpu.memory_space<vmem>>
      %dma_start3A_532 = tpu.memref_squeeze %dma_start3A_531 : memref<1x1x128xi32, #tpu.memory_space<vmem>> -> memref<128xi32, #tpu.memory_space<vmem>>
      %dma_start3A_533 = arith.constant 0 : i32
      %dma_start3A_534 = arith.constant 0 : i32
      %dma_start3A_535 = tpu.memref_slice %arg11[%dma_start3A_533, %dma_start3A_534] : memref<100016x16xf32, #tpu.memory_space<vmem_shared>> -> memref<100016x16xf32, #tpu.memory_space<vmem_shared>>
      tpu.enqueue_indirect_dma source(%dma_start3A_529 : memref<128x16xf32, #tpu.memory_space<vmem>>) target(%dma_start3A_535 : memref<100016x16xf32, #tpu.memory_space<vmem_shared>>) offsets(%dma_start3A_532 : memref<128xi32, #tpu.memory_space<vmem>>) semaphore(%arg15 : memref<!tpu.dma_semaphore, #tpu.memory_space<semaphore_mem>>) {add = true}
      %dma_wait3A_536 = arith.constant 0 : i32
      %dma_wait3A_537 = arith.constant 7 : i32
      %dma_wait3A_538 = arith.constant 1 : i32
      %dma_wait3A_539 = arith.constant 256 : i32
      %dma_wait3A_540 = arith.constant 0 : i32
      %dma_wait3A_541 = tpu.memref_slice %arg8[%dma_wait3A_538, %dma_wait3A_539, %dma_wait3A_540] : memref<2x640x16xf32, #tpu.memory_space<vmem>> -> memref<1x128x16xf32, #tpu.memory_space<vmem>>
      %dma_wait3A_542 = tpu.memref_squeeze %dma_wait3A_541 : memref<1x128x16xf32, #tpu.memory_space<vmem>> -> memref<128x16xf32, #tpu.memory_space<vmem>>
      %dma_wait3A_543 = arith.constant 0 : i32
      %dma_wait3A_544 = tpu.memref_slice %arg6[%dma_wait3A_536, %dma_wait3A_537, %dma_wait3A_543] : memref<2x10x128xi32, #tpu.memory_space<vmem>> -> memref<1x1x128xi32, #tpu.memory_space<vmem>>
      %dma_wait3A_545 = tpu.memref_squeeze %dma_wait3A_544 : memref<1x1x128xi32, #tpu.memory_space<vmem>> -> memref<128xi32, #tpu.memory_space<vmem>>
      %dma_wait3A_546 = arith.constant 0 : i32
      %dma_wait3A_547 = arith.constant 0 : i32
      %dma_wait3A_548 = tpu.memref_slice %arg2[%dma_wait3A_546, %dma_wait3A_547] : memref<100000x16xf32, #tpu.memory_space<hbm>> -> memref<100000x16xf32, #tpu.memory_space<hbm>>
      tpu.wait_indirect_dma semaphore(%arg13 : memref<!tpu.dma_semaphore, #tpu.memory_space<semaphore_mem>>) src(%dma_wait3A_548 : memref<100000x16xf32, #tpu.memory_space<hbm>>) dst(%dma_wait3A_542 : memref<128x16xf32, #tpu.memory_space<vmem>>)
      %dma_start3A_549 = arith.constant 1 : i32
      %dma_start3A_550 = arith.constant 0 : i32
      %dma_start3A_551 = arith.constant 7 : i32
      %dma_start3A_552 = arith.constant 256 : i32
      %dma_start3A_553 = arith.constant 0 : i32
      %dma_start3A_554 = tpu.memref_slice %arg8[%dma_start3A_549, %dma_start3A_552, %dma_start3A_553] : memref<2x640x16xf32, #tpu.memory_space<vmem>> -> memref<1x128x16xf32, #tpu.memory_space<vmem>>
      %dma_start3A_555 = tpu.memref_squeeze %dma_start3A_554 : memref<1x128x16xf32, #tpu.memory_space<vmem>> -> memref<128x16xf32, #tpu.memory_space<vmem>>
      %dma_start3A_556 = arith.constant 0 : i32
      %dma_start3A_557 = tpu.memref_slice %arg7[%dma_start3A_550, %dma_start3A_551, %dma_start3A_556] : memref<2x10x128xi32, #tpu.memory_space<vmem>> -> memref<1x1x128xi32, #tpu.memory_space<vmem>>
      %dma_start3A_558 = tpu.memref_squeeze %dma_start3A_557 : memref<1x1x128xi32, #tpu.memory_space<vmem>> -> memref<128xi32, #tpu.memory_space<vmem>>
      %dma_start3A_559 = arith.constant 0 : i32
      %dma_start3A_560 = arith.constant 0 : i32
      %dma_start3A_561 = tpu.memref_slice %arg11[%dma_start3A_559, %dma_start3A_560] : memref<100016x16xf32, #tpu.memory_space<vmem_shared>> -> memref<100016x16xf32, #tpu.memory_space<vmem_shared>>
      tpu.enqueue_indirect_dma source(%dma_start3A_555 : memref<128x16xf32, #tpu.memory_space<vmem>>) target(%dma_start3A_561 : memref<100016x16xf32, #tpu.memory_space<vmem_shared>>) offsets(%dma_start3A_558 : memref<128xi32, #tpu.memory_space<vmem>>) semaphore(%arg15 : memref<!tpu.dma_semaphore, #tpu.memory_space<semaphore_mem>>) {add = true}
      %dma_wait3A_562 = arith.constant 0 : i32
      %dma_wait3A_563 = arith.constant 8 : i32
      %dma_wait3A_564 = arith.constant 1 : i32
      %dma_wait3A_565 = arith.constant 384 : i32
      %dma_wait3A_566 = arith.constant 0 : i32
      %dma_wait3A_567 = tpu.memref_slice %arg8[%dma_wait3A_564, %dma_wait3A_565, %dma_wait3A_566] : memref<2x640x16xf32, #tpu.memory_space<vmem>> -> memref<1x128x16xf32, #tpu.memory_space<vmem>>
      %dma_wait3A_568 = tpu.memref_squeeze %dma_wait3A_567 : memref<1x128x16xf32, #tpu.memory_space<vmem>> -> memref<128x16xf32, #tpu.memory_space<vmem>>
      %dma_wait3A_569 = arith.constant 0 : i32
      %dma_wait3A_570 = tpu.memref_slice %arg6[%dma_wait3A_562, %dma_wait3A_563, %dma_wait3A_569] : memref<2x10x128xi32, #tpu.memory_space<vmem>> -> memref<1x1x128xi32, #tpu.memory_space<vmem>>
      %dma_wait3A_571 = tpu.memref_squeeze %dma_wait3A_570 : memref<1x1x128xi32, #tpu.memory_space<vmem>> -> memref<128xi32, #tpu.memory_space<vmem>>
      %dma_wait3A_572 = arith.constant 0 : i32
      %dma_wait3A_573 = arith.constant 0 : i32
      %dma_wait3A_574 = tpu.memref_slice %arg2[%dma_wait3A_572, %dma_wait3A_573] : memref<100000x16xf32, #tpu.memory_space<hbm>> -> memref<100000x16xf32, #tpu.memory_space<hbm>>
      tpu.wait_indirect_dma semaphore(%arg13 : memref<!tpu.dma_semaphore, #tpu.memory_space<semaphore_mem>>) src(%dma_wait3A_574 : memref<100000x16xf32, #tpu.memory_space<hbm>>) dst(%dma_wait3A_568 : memref<128x16xf32, #tpu.memory_space<vmem>>)
      %dma_start3A_575 = arith.constant 1 : i32
      %dma_start3A_576 = arith.constant 0 : i32
      %dma_start3A_577 = arith.constant 8 : i32
      %dma_start3A_578 = arith.constant 384 : i32
      %dma_start3A_579 = arith.constant 0 : i32
      %dma_start3A_580 = tpu.memref_slice %arg8[%dma_start3A_575, %dma_start3A_578, %dma_start3A_579] : memref<2x640x16xf32, #tpu.memory_space<vmem>> -> memref<1x128x16xf32, #tpu.memory_space<vmem>>
      %dma_start3A_581 = tpu.memref_squeeze %dma_start3A_580 : memref<1x128x16xf32, #tpu.memory_space<vmem>> -> memref<128x16xf32, #tpu.memory_space<vmem>>
      %dma_start3A_582 = arith.constant 0 : i32
      %dma_start3A_583 = tpu.memref_slice %arg7[%dma_start3A_576, %dma_start3A_577, %dma_start3A_582] : memref<2x10x128xi32, #tpu.memory_space<vmem>> -> memref<1x1x128xi32, #tpu.memory_space<vmem>>
      %dma_start3A_584 = tpu.memref_squeeze %dma_start3A_583 : memref<1x1x128xi32, #tpu.memory_space<vmem>> -> memref<128xi32, #tpu.memory_space<vmem>>
      %dma_start3A_585 = arith.constant 0 : i32
      %dma_start3A_586 = arith.constant 0 : i32
      %dma_start3A_587 = tpu.memref_slice %arg11[%dma_start3A_585, %dma_start3A_586] : memref<100016x16xf32, #tpu.memory_space<vmem_shared>> -> memref<100016x16xf32, #tpu.memory_space<vmem_shared>>
      tpu.enqueue_indirect_dma source(%dma_start3A_581 : memref<128x16xf32, #tpu.memory_space<vmem>>) target(%dma_start3A_587 : memref<100016x16xf32, #tpu.memory_space<vmem_shared>>) offsets(%dma_start3A_584 : memref<128xi32, #tpu.memory_space<vmem>>) semaphore(%arg15 : memref<!tpu.dma_semaphore, #tpu.memory_space<semaphore_mem>>) {add = true}
      %dma_wait3A_588 = arith.constant 0 : i32
      %dma_wait3A_589 = arith.constant 9 : i32
      %dma_wait3A_590 = arith.constant 1 : i32
      %dma_wait3A_591 = arith.constant 512 : i32
      %dma_wait3A_592 = arith.constant 0 : i32
      %dma_wait3A_593 = tpu.memref_slice %arg8[%dma_wait3A_590, %dma_wait3A_591, %dma_wait3A_592] : memref<2x640x16xf32, #tpu.memory_space<vmem>> -> memref<1x128x16xf32, #tpu.memory_space<vmem>>
      %dma_wait3A_594 = tpu.memref_squeeze %dma_wait3A_593 : memref<1x128x16xf32, #tpu.memory_space<vmem>> -> memref<128x16xf32, #tpu.memory_space<vmem>>
      %dma_wait3A_595 = arith.constant 0 : i32
      %dma_wait3A_596 = tpu.memref_slice %arg6[%dma_wait3A_588, %dma_wait3A_589, %dma_wait3A_595] : memref<2x10x128xi32, #tpu.memory_space<vmem>> -> memref<1x1x128xi32, #tpu.memory_space<vmem>>
      %dma_wait3A_597 = tpu.memref_squeeze %dma_wait3A_596 : memref<1x1x128xi32, #tpu.memory_space<vmem>> -> memref<128xi32, #tpu.memory_space<vmem>>
      %dma_wait3A_598 = arith.constant 0 : i32
      %dma_wait3A_599 = arith.constant 0 : i32
      %dma_wait3A_600 = tpu.memref_slice %arg2[%dma_wait3A_598, %dma_wait3A_599] : memref<100000x16xf32, #tpu.memory_space<hbm>> -> memref<100000x16xf32, #tpu.memory_space<hbm>>
      tpu.wait_indirect_dma semaphore(%arg13 : memref<!tpu.dma_semaphore, #tpu.memory_space<semaphore_mem>>) src(%dma_wait3A_600 : memref<100000x16xf32, #tpu.memory_space<hbm>>) dst(%dma_wait3A_594 : memref<128x16xf32, #tpu.memory_space<vmem>>)
      %dma_start3A_601 = arith.constant 1 : i32
      %dma_start3A_602 = arith.constant 0 : i32
      %dma_start3A_603 = arith.constant 9 : i32
      %dma_start3A_604 = arith.constant 512 : i32
      %dma_start3A_605 = arith.constant 0 : i32
      %dma_start3A_606 = tpu.memref_slice %arg8[%dma_start3A_601, %dma_start3A_604, %dma_start3A_605] : memref<2x640x16xf32, #tpu.memory_space<vmem>> -> memref<1x128x16xf32, #tpu.memory_space<vmem>>
      %dma_start3A_607 = tpu.memref_squeeze %dma_start3A_606 : memref<1x128x16xf32, #tpu.memory_space<vmem>> -> memref<128x16xf32, #tpu.memory_space<vmem>>
      %dma_start3A_608 = arith.constant 0 : i32
      %dma_start3A_609 = tpu.memref_slice %arg7[%dma_start3A_602, %dma_start3A_603, %dma_start3A_608] : memref<2x10x128xi32, #tpu.memory_space<vmem>> -> memref<1x1x128xi32, #tpu.memory_space<vmem>>
      %dma_start3A_610 = tpu.memref_squeeze %dma_start3A_609 : memref<1x1x128xi32, #tpu.memory_space<vmem>> -> memref<128xi32, #tpu.memory_space<vmem>>
      %dma_start3A_611 = arith.constant 0 : i32
      %dma_start3A_612 = arith.constant 0 : i32
      %dma_start3A_613 = tpu.memref_slice %arg11[%dma_start3A_611, %dma_start3A_612] : memref<100016x16xf32, #tpu.memory_space<vmem_shared>> -> memref<100016x16xf32, #tpu.memory_space<vmem_shared>>
      tpu.enqueue_indirect_dma source(%dma_start3A_607 : memref<128x16xf32, #tpu.memory_space<vmem>>) target(%dma_start3A_613 : memref<100016x16xf32, #tpu.memory_space<vmem_shared>>) offsets(%dma_start3A_610 : memref<128xi32, #tpu.memory_space<vmem>>) semaphore(%arg15 : memref<!tpu.dma_semaphore, #tpu.memory_space<semaphore_mem>>) {add = true}
      %mul3A_614 = arith.constant 2 : i32
      %mul3A_615 = arith.muli %mul3A_614, %scan3A_154 : i32
      %add3A_616 = arith.constant 1 : i32
      %add3A_617 = arith.addi %mul3A_615, %add3A_616 : i32
      %add3A_618 = arith.constant 1 : i32
      %add3A_619 = arith.addi %add3A_617, %add3A_618 : i32
      %lt3A_620 = arith.constant 78 : i32
      %lt3A_621 = arith.cmpi slt, %add3A_619, %lt3A_620 : i32
      %convert_element_type3A_622 = arith.extui %lt3A_621 : i1 to i32
      %cond3A_623 = arith.constant 0 : i32
      %cond3A_624 = arith.cmpi ne, %convert_element_type3A_622, %cond3A_623 : i32
      scf.if %cond3A_624 {
        %add3A_1076 = arith.constant 1 : i32
        %add3A_1077 = arith.addi %add3A_617, %add3A_1076 : i32
        %mul3A_1078 = arith.constant 10 : i32
        %mul3A_1079 = arith.muli %add3A_1077, %mul3A_1078 : i32
        %add3A_1080 = arith.addi %mul3A_75, %mul3A_1079 : i32
        %dma_start3A_1081 = arith.constant 0 : i32
        %dma_start3A_1082 = arith.constant 0 : i32
        %dma_start3A_1083 = arith.constant 0 : i32
        %dma_start3A_1084 = tpu.memref_slice %arg6[%dma_start3A_1081, %dma_start3A_1082, %dma_start3A_1083] : memref<2x10x128xi32, #tpu.memory_space<vmem>> -> memref<1x10x128xi32, #tpu.memory_space<vmem>>
        %dma_start3A_1085 = tpu.memref_squeeze %dma_start3A_1084 : memref<1x10x128xi32, #tpu.memory_space<vmem>> -> memref<10x128xi32, #tpu.memory_space<vmem>>
        %dma_start3A_1086 = arith.constant 0 : i32
        %dma_start3A_1087 = tpu.memref_slice %arg3[%add3A_1080, %dma_start3A_1086] : memref<25024x128xi32, #tpu.memory_space<hbm>> -> memref<10x128xi32, #tpu.memory_space<hbm>>
        %dma_start3A_1088 = arith.constant 0 : i32
        %dma_start3A_1089 = arith.constant 0 : i32
        %dma_start3A_1090 = tpu.memref_slice %arg6[%dma_start3A_1081, %dma_start3A_1088, %dma_start3A_1089] : memref<2x10x128xi32, #tpu.memory_space<vmem>> -> memref<1x10x128xi32, #tpu.memory_space<vmem>>
        %dma_start3A_1091 = tpu.memref_squeeze %dma_start3A_1090 : memref<1x10x128xi32, #tpu.memory_space<vmem>> -> memref<10x128xi32, #tpu.memory_space<vmem>>
        %dma_start3A_1092 = arith.constant 0 : i32
        %dma_start3A_1093 = tpu.memref_slice %arg3[%add3A_1080, %dma_start3A_1092] : memref<25024x128xi32, #tpu.memory_space<hbm>> -> memref<10x128xi32, #tpu.memory_space<hbm>>
        tpu.enqueue_dma source(%dma_start3A_1093 : memref<10x128xi32, #tpu.memory_space<hbm>>) target(%dma_start3A_1091 : memref<10x128xi32, #tpu.memory_space<vmem>>) target_semaphore(%arg16 : memref<!tpu.dma_semaphore, #tpu.memory_space<semaphore_mem>>)
        %dma_start3A_1094 = arith.constant 0 : i32
        %dma_start3A_1095 = arith.constant 0 : i32
        %dma_start3A_1096 = arith.constant 0 : i32
        %dma_start3A_1097 = tpu.memref_slice %arg7[%dma_start3A_1094, %dma_start3A_1095, %dma_start3A_1096] : memref<2x10x128xi32, #tpu.memory_space<vmem>> -> memref<1x10x128xi32, #tpu.memory_space<vmem>>
        %dma_start3A_1098 = tpu.memref_squeeze %dma_start3A_1097 : memref<1x10x128xi32, #tpu.memory_space<vmem>> -> memref<10x128xi32, #tpu.memory_space<vmem>>
        %dma_start3A_1099 = arith.constant 0 : i32
        %dma_start3A_1100 = tpu.memref_slice %arg4[%add3A_1080, %dma_start3A_1099] : memref<25024x128xi32, #tpu.memory_space<hbm>> -> memref<10x128xi32, #tpu.memory_space<hbm>>
        %dma_start3A_1101 = arith.constant 0 : i32
        %dma_start3A_1102 = arith.constant 0 : i32
        %dma_start3A_1103 = tpu.memref_slice %arg7[%dma_start3A_1094, %dma_start3A_1101, %dma_start3A_1102] : memref<2x10x128xi32, #tpu.memory_space<vmem>> -> memref<1x10x128xi32, #tpu.memory_space<vmem>>
        %dma_start3A_1104 = tpu.memref_squeeze %dma_start3A_1103 : memref<1x10x128xi32, #tpu.memory_space<vmem>> -> memref<10x128xi32, #tpu.memory_space<vmem>>
        %dma_start3A_1105 = arith.constant 0 : i32
        %dma_start3A_1106 = tpu.memref_slice %arg4[%add3A_1080, %dma_start3A_1105] : memref<25024x128xi32, #tpu.memory_space<hbm>> -> memref<10x128xi32, #tpu.memory_space<hbm>>
        tpu.enqueue_dma source(%dma_start3A_1106 : memref<10x128xi32, #tpu.memory_space<hbm>>) target(%dma_start3A_1104 : memref<10x128xi32, #tpu.memory_space<vmem>>) target_semaphore(%arg16 : memref<!tpu.dma_semaphore, #tpu.memory_space<semaphore_mem>>)
      } else {
      }
      %dma_wait3A_625 = arith.constant 1 : i32
      %dma_wait3A_626 = arith.constant 0 : i32
      %dma_wait3A_627 = arith.constant 0 : i32
      %dma_wait3A_628 = tpu.memref_slice %arg6[%dma_wait3A_625, %dma_wait3A_626, %dma_wait3A_627] : memref<2x10x128xi32, #tpu.memory_space<vmem>> -> memref<1x10x128xi32, #tpu.memory_space<vmem>>
      %dma_wait3A_629 = tpu.memref_squeeze %dma_wait3A_628 : memref<1x10x128xi32, #tpu.memory_space<vmem>> -> memref<10x128xi32, #tpu.memory_space<vmem>>
      %dma_wait3A_630 = arith.constant 0 : i32
      %dma_wait3A_631 = arith.constant 0 : i32
      %dma_wait3A_632 = tpu.memref_slice %arg3[%dma_wait3A_630, %dma_wait3A_631] : memref<25024x128xi32, #tpu.memory_space<hbm>> -> memref<10x128xi32, #tpu.memory_space<hbm>>
      %dma_wait3A_633 = arith.constant 0 : i32
      %dma_wait3A_634 = arith.constant 0 : i32
      %dma_wait3A_635 = tpu.memref_slice %arg6[%dma_wait3A_625, %dma_wait3A_633, %dma_wait3A_634] : memref<2x10x128xi32, #tpu.memory_space<vmem>> -> memref<1x10x128xi32, #tpu.memory_space<vmem>>
      %dma_wait3A_636 = tpu.memref_squeeze %dma_wait3A_635 : memref<1x10x128xi32, #tpu.memory_space<vmem>> -> memref<10x128xi32, #tpu.memory_space<vmem>>
      %dma_wait3A_637 = arith.constant 0 : i32
      %dma_wait3A_638 = arith.constant 0 : i32
      %dma_wait3A_639 = tpu.memref_slice %arg3[%dma_wait3A_637, %dma_wait3A_638] : memref<25024x128xi32, #tpu.memory_space<hbm>> -> memref<10x128xi32, #tpu.memory_space<hbm>>
      tpu.wait_dma2 semaphore(%arg17 : memref<!tpu.dma_semaphore, #tpu.memory_space<semaphore_mem>>) src(%dma_wait3A_639 : memref<10x128xi32, #tpu.memory_space<hbm>>) dst(%dma_wait3A_636 : memref<10x128xi32, #tpu.memory_space<vmem>>)
      %dma_wait3A_640 = arith.constant 1 : i32
      %dma_wait3A_641 = arith.constant 0 : i32
      %dma_wait3A_642 = arith.constant 0 : i32
      %dma_wait3A_643 = tpu.memref_slice %arg7[%dma_wait3A_640, %dma_wait3A_641, %dma_wait3A_642] : memref<2x10x128xi32, #tpu.memory_space<vmem>> -> memref<1x10x128xi32, #tpu.memory_space<vmem>>
      %dma_wait3A_644 = tpu.memref_squeeze %dma_wait3A_643 : memref<1x10x128xi32, #tpu.memory_space<vmem>> -> memref<10x128xi32, #tpu.memory_space<vmem>>
      %dma_wait3A_645 = arith.constant 0 : i32
      %dma_wait3A_646 = arith.constant 0 : i32
      %dma_wait3A_647 = tpu.memref_slice %arg4[%dma_wait3A_645, %dma_wait3A_646] : memref<25024x128xi32, #tpu.memory_space<hbm>> -> memref<10x128xi32, #tpu.memory_space<hbm>>
      %dma_wait3A_648 = arith.constant 0 : i32
      %dma_wait3A_649 = arith.constant 0 : i32
      %dma_wait3A_650 = tpu.memref_slice %arg7[%dma_wait3A_640, %dma_wait3A_648, %dma_wait3A_649] : memref<2x10x128xi32, #tpu.memory_space<vmem>> -> memref<1x10x128xi32, #tpu.memory_space<vmem>>
      %dma_wait3A_651 = tpu.memref_squeeze %dma_wait3A_650 : memref<1x10x128xi32, #tpu.memory_space<vmem>> -> memref<10x128xi32, #tpu.memory_space<vmem>>
      %dma_wait3A_652 = arith.constant 0 : i32
      %dma_wait3A_653 = arith.constant 0 : i32
      %dma_wait3A_654 = tpu.memref_slice %arg4[%dma_wait3A_652, %dma_wait3A_653] : memref<25024x128xi32, #tpu.memory_space<hbm>> -> memref<10x128xi32, #tpu.memory_space<hbm>>
      tpu.wait_dma2 semaphore(%arg17 : memref<!tpu.dma_semaphore, #tpu.memory_space<semaphore_mem>>) src(%dma_wait3A_654 : memref<10x128xi32, #tpu.memory_space<hbm>>) dst(%dma_wait3A_651 : memref<10x128xi32, #tpu.memory_space<vmem>>)
      %dma_wait3A_655 = arith.constant 0 : i32
      %dma_wait3A_656 = arith.constant 0 : i32
      %dma_wait3A_657 = arith.constant 0 : i32
      %dma_wait3A_658 = tpu.memref_slice %arg8[%dma_wait3A_655, %dma_wait3A_656, %dma_wait3A_657] : memref<2x640x16xf32, #tpu.memory_space<vmem>> -> memref<1x640x16xf32, #tpu.memory_space<vmem>>
      %dma_wait3A_659 = tpu.memref_squeeze %dma_wait3A_658 : memref<1x640x16xf32, #tpu.memory_space<vmem>> -> memref<640x16xf32, #tpu.memory_space<vmem>>
      %dma_wait3A_660 = arith.constant 0 : i32
      %dma_wait3A_661 = arith.constant 0 : i32
      %dma_wait3A_662 = tpu.memref_slice %arg2[%dma_wait3A_660, %dma_wait3A_661] : memref<100000x16xf32, #tpu.memory_space<hbm>> -> memref<640x16xf32, #tpu.memory_space<hbm>>
      %dma_wait3A_663 = arith.constant 0 : i32
      %dma_wait3A_664 = arith.constant 0 : i32
      %dma_wait3A_665 = tpu.memref_slice %arg8[%dma_wait3A_655, %dma_wait3A_663, %dma_wait3A_664] : memref<2x640x16xf32, #tpu.memory_space<vmem>> -> memref<1x640x16xf32, #tpu.memory_space<vmem>>
      %dma_wait3A_666 = tpu.memref_squeeze %dma_wait3A_665 : memref<1x640x16xf32, #tpu.memory_space<vmem>> -> memref<640x16xf32, #tpu.memory_space<vmem>>
      %dma_wait3A_667 = arith.constant 0 : i32
      %dma_wait3A_668 = arith.constant 0 : i32
      %dma_wait3A_669 = tpu.memref_slice %arg2[%dma_wait3A_667, %dma_wait3A_668] : memref<100000x16xf32, #tpu.memory_space<hbm>> -> memref<640x16xf32, #tpu.memory_space<hbm>>
      tpu.wait_dma2 semaphore(%arg14 : memref<!tpu.dma_semaphore, #tpu.memory_space<semaphore_mem>>) src(%dma_wait3A_669 : memref<640x16xf32, #tpu.memory_space<hbm>>) dst(%dma_wait3A_666 : memref<640x16xf32, #tpu.memory_space<vmem>>)
      %dma_start3A_670 = arith.constant 1 : i32
      %dma_start3A_671 = arith.constant 0 : i32
      %dma_start3A_672 = arith.constant 0 : i32
      %dma_start3A_673 = arith.constant 0 : i32
      %dma_start3A_674 = arith.constant 0 : i32
      %dma_start3A_675 = tpu.memref_slice %arg8[%dma_start3A_672, %dma_start3A_673, %dma_start3A_674] : memref<2x640x16xf32, #tpu.memory_space<vmem>> -> memref<1x128x16xf32, #tpu.memory_space<vmem>>
      %dma_start3A_676 = tpu.memref_squeeze %dma_start3A_675 : memref<1x128x16xf32, #tpu.memory_space<vmem>> -> memref<128x16xf32, #tpu.memory_space<vmem>>
      %dma_start3A_677 = arith.constant 0 : i32
      %dma_start3A_678 = tpu.memref_slice %arg6[%dma_start3A_670, %dma_start3A_671, %dma_start3A_677] : memref<2x10x128xi32, #tpu.memory_space<vmem>> -> memref<1x1x128xi32, #tpu.memory_space<vmem>>
      %dma_start3A_679 = tpu.memref_squeeze %dma_start3A_678 : memref<1x1x128xi32, #tpu.memory_space<vmem>> -> memref<128xi32, #tpu.memory_space<vmem>>
      %dma_start3A_680 = arith.constant 0 : i32
      %dma_start3A_681 = arith.constant 0 : i32
      %dma_start3A_682 = tpu.memref_slice %arg2[%dma_start3A_680, %dma_start3A_681] : memref<100000x16xf32, #tpu.memory_space<hbm>> -> memref<100000x16xf32, #tpu.memory_space<hbm>>
      tpu.enqueue_indirect_dma source(%dma_start3A_682 : memref<100000x16xf32, #tpu.memory_space<hbm>>) target(%dma_start3A_676 : memref<128x16xf32, #tpu.memory_space<vmem>>) offsets(%dma_start3A_679 : memref<128xi32, #tpu.memory_space<vmem>>) semaphore(%arg12 : memref<!tpu.dma_semaphore, #tpu.memory_space<semaphore_mem>>)
      %dma_start3A_683 = arith.constant 1 : i32
      %dma_start3A_684 = arith.constant 1 : i32
      %dma_start3A_685 = arith.constant 0 : i32
      %dma_start3A_686 = arith.constant 128 : i32
      %dma_start3A_687 = arith.constant 0 : i32
      %dma_start3A_688 = tpu.memref_slice %arg8[%dma_start3A_685, %dma_start3A_686, %dma_start3A_687] : memref<2x640x16xf32, #tpu.memory_space<vmem>> -> memref<1x128x16xf32, #tpu.memory_space<vmem>>
      %dma_start3A_689 = tpu.memref_squeeze %dma_start3A_688 : memref<1x128x16xf32, #tpu.memory_space<vmem>> -> memref<128x16xf32, #tpu.memory_space<vmem>>
      %dma_start3A_690 = arith.constant 0 : i32
      %dma_start3A_691 = tpu.memref_slice %arg6[%dma_start3A_683, %dma_start3A_684, %dma_start3A_690] : memref<2x10x128xi32, #tpu.memory_space<vmem>> -> memref<1x1x128xi32, #tpu.memory_space<vmem>>
      %dma_start3A_692 = tpu.memref_squeeze %dma_start3A_691 : memref<1x1x128xi32, #tpu.memory_space<vmem>> -> memref<128xi32, #tpu.memory_space<vmem>>
      %dma_start3A_693 = arith.constant 0 : i32
      %dma_start3A_694 = arith.constant 0 : i32
      %dma_start3A_695 = tpu.memref_slice %arg2[%dma_start3A_693, %dma_start3A_694] : memref<100000x16xf32, #tpu.memory_space<hbm>> -> memref<100000x16xf32, #tpu.memory_space<hbm>>
      tpu.enqueue_indirect_dma source(%dma_start3A_695 : memref<100000x16xf32, #tpu.memory_space<hbm>>) target(%dma_start3A_689 : memref<128x16xf32, #tpu.memory_space<vmem>>) offsets(%dma_start3A_692 : memref<128xi32, #tpu.memory_space<vmem>>) semaphore(%arg12 : memref<!tpu.dma_semaphore, #tpu.memory_space<semaphore_mem>>)
      %dma_start3A_696 = arith.constant 1 : i32
      %dma_start3A_697 = arith.constant 2 : i32
      %dma_start3A_698 = arith.constant 0 : i32
      %dma_start3A_699 = arith.constant 256 : i32
      %dma_start3A_700 = arith.constant 0 : i32
      %dma_start3A_701 = tpu.memref_slice %arg8[%dma_start3A_698, %dma_start3A_699, %dma_start3A_700] : memref<2x640x16xf32, #tpu.memory_space<vmem>> -> memref<1x128x16xf32, #tpu.memory_space<vmem>>
      %dma_start3A_702 = tpu.memref_squeeze %dma_start3A_701 : memref<1x128x16xf32, #tpu.memory_space<vmem>> -> memref<128x16xf32, #tpu.memory_space<vmem>>
      %dma_start3A_703 = arith.constant 0 : i32
      %dma_start3A_704 = tpu.memref_slice %arg6[%dma_start3A_696, %dma_start3A_697, %dma_start3A_703] : memref<2x10x128xi32, #tpu.memory_space<vmem>> -> memref<1x1x128xi32, #tpu.memory_space<vmem>>
      %dma_start3A_705 = tpu.memref_squeeze %dma_start3A_704 : memref<1x1x128xi32, #tpu.memory_space<vmem>> -> memref<128xi32, #tpu.memory_space<vmem>>
      %dma_start3A_706 = arith.constant 0 : i32
      %dma_start3A_707 = arith.constant 0 : i32
      %dma_start3A_708 = tpu.memref_slice %arg2[%dma_start3A_706, %dma_start3A_707] : memref<100000x16xf32, #tpu.memory_space<hbm>> -> memref<100000x16xf32, #tpu.memory_space<hbm>>
      tpu.enqueue_indirect_dma source(%dma_start3A_708 : memref<100000x16xf32, #tpu.memory_space<hbm>>) target(%dma_start3A_702 : memref<128x16xf32, #tpu.memory_space<vmem>>) offsets(%dma_start3A_705 : memref<128xi32, #tpu.memory_space<vmem>>) semaphore(%arg12 : memref<!tpu.dma_semaphore, #tpu.memory_space<semaphore_mem>>)
      %dma_start3A_709 = arith.constant 1 : i32
      %dma_start3A_710 = arith.constant 3 : i32
      %dma_start3A_711 = arith.constant 0 : i32
      %dma_start3A_712 = arith.constant 384 : i32
      %dma_start3A_713 = arith.constant 0 : i32
      %dma_start3A_714 = tpu.memref_slice %arg8[%dma_start3A_711, %dma_start3A_712, %dma_start3A_713] : memref<2x640x16xf32, #tpu.memory_space<vmem>> -> memref<1x128x16xf32, #tpu.memory_space<vmem>>
      %dma_start3A_715 = tpu.memref_squeeze %dma_start3A_714 : memref<1x128x16xf32, #tpu.memory_space<vmem>> -> memref<128x16xf32, #tpu.memory_space<vmem>>
      %dma_start3A_716 = arith.constant 0 : i32
      %dma_start3A_717 = tpu.memref_slice %arg6[%dma_start3A_709, %dma_start3A_710, %dma_start3A_716] : memref<2x10x128xi32, #tpu.memory_space<vmem>> -> memref<1x1x128xi32, #tpu.memory_space<vmem>>
      %dma_start3A_718 = tpu.memref_squeeze %dma_start3A_717 : memref<1x1x128xi32, #tpu.memory_space<vmem>> -> memref<128xi32, #tpu.memory_space<vmem>>
      %dma_start3A_719 = arith.constant 0 : i32
      %dma_start3A_720 = arith.constant 0 : i32
      %dma_start3A_721 = tpu.memref_slice %arg2[%dma_start3A_719, %dma_start3A_720] : memref<100000x16xf32, #tpu.memory_space<hbm>> -> memref<100000x16xf32, #tpu.memory_space<hbm>>
      tpu.enqueue_indirect_dma source(%dma_start3A_721 : memref<100000x16xf32, #tpu.memory_space<hbm>>) target(%dma_start3A_715 : memref<128x16xf32, #tpu.memory_space<vmem>>) offsets(%dma_start3A_718 : memref<128xi32, #tpu.memory_space<vmem>>) semaphore(%arg12 : memref<!tpu.dma_semaphore, #tpu.memory_space<semaphore_mem>>)
      %dma_start3A_722 = arith.constant 1 : i32
      %dma_start3A_723 = arith.constant 4 : i32
      %dma_start3A_724 = arith.constant 0 : i32
      %dma_start3A_725 = arith.constant 512 : i32
      %dma_start3A_726 = arith.constant 0 : i32
      %dma_start3A_727 = tpu.memref_slice %arg8[%dma_start3A_724, %dma_start3A_725, %dma_start3A_726] : memref<2x640x16xf32, #tpu.memory_space<vmem>> -> memref<1x128x16xf32, #tpu.memory_space<vmem>>
      %dma_start3A_728 = tpu.memref_squeeze %dma_start3A_727 : memref<1x128x16xf32, #tpu.memory_space<vmem>> -> memref<128x16xf32, #tpu.memory_space<vmem>>
      %dma_start3A_729 = arith.constant 0 : i32
      %dma_start3A_730 = tpu.memref_slice %arg6[%dma_start3A_722, %dma_start3A_723, %dma_start3A_729] : memref<2x10x128xi32, #tpu.memory_space<vmem>> -> memref<1x1x128xi32, #tpu.memory_space<vmem>>
      %dma_start3A_731 = tpu.memref_squeeze %dma_start3A_730 : memref<1x1x128xi32, #tpu.memory_space<vmem>> -> memref<128xi32, #tpu.memory_space<vmem>>
      %dma_start3A_732 = arith.constant 0 : i32
      %dma_start3A_733 = arith.constant 0 : i32
      %dma_start3A_734 = tpu.memref_slice %arg2[%dma_start3A_732, %dma_start3A_733] : memref<100000x16xf32, #tpu.memory_space<hbm>> -> memref<100000x16xf32, #tpu.memory_space<hbm>>
      tpu.enqueue_indirect_dma source(%dma_start3A_734 : memref<100000x16xf32, #tpu.memory_space<hbm>>) target(%dma_start3A_728 : memref<128x16xf32, #tpu.memory_space<vmem>>) offsets(%dma_start3A_731 : memref<128xi32, #tpu.memory_space<vmem>>) semaphore(%arg12 : memref<!tpu.dma_semaphore, #tpu.memory_space<semaphore_mem>>)
      %dma_wait3A_735 = arith.constant 1 : i32
      %dma_wait3A_736 = arith.constant 0 : i32
      %dma_wait3A_737 = arith.constant 0 : i32
      %dma_wait3A_738 = arith.constant 0 : i32
      %dma_wait3A_739 = arith.constant 0 : i32
      %dma_wait3A_740 = tpu.memref_slice %arg8[%dma_wait3A_737, %dma_wait3A_738, %dma_wait3A_739] : memref<2x640x16xf32, #tpu.memory_space<vmem>> -> memref<1x128x16xf32, #tpu.memory_space<vmem>>
      %dma_wait3A_741 = tpu.memref_squeeze %dma_wait3A_740 : memref<1x128x16xf32, #tpu.memory_space<vmem>> -> memref<128x16xf32, #tpu.memory_space<vmem>>
      %dma_wait3A_742 = arith.constant 0 : i32
      %dma_wait3A_743 = tpu.memref_slice %arg6[%dma_wait3A_735, %dma_wait3A_736, %dma_wait3A_742] : memref<2x10x128xi32, #tpu.memory_space<vmem>> -> memref<1x1x128xi32, #tpu.memory_space<vmem>>
      %dma_wait3A_744 = tpu.memref_squeeze %dma_wait3A_743 : memref<1x1x128xi32, #tpu.memory_space<vmem>> -> memref<128xi32, #tpu.memory_space<vmem>>
      %dma_wait3A_745 = arith.constant 0 : i32
      %dma_wait3A_746 = arith.constant 0 : i32
      %dma_wait3A_747 = tpu.memref_slice %arg2[%dma_wait3A_745, %dma_wait3A_746] : memref<100000x16xf32, #tpu.memory_space<hbm>> -> memref<100000x16xf32, #tpu.memory_space<hbm>>
      tpu.wait_indirect_dma semaphore(%arg12 : memref<!tpu.dma_semaphore, #tpu.memory_space<semaphore_mem>>) src(%dma_wait3A_747 : memref<100000x16xf32, #tpu.memory_space<hbm>>) dst(%dma_wait3A_741 : memref<128x16xf32, #tpu.memory_space<vmem>>)
      %dma_start3A_748 = arith.constant 0 : i32
      %dma_start3A_749 = arith.constant 1 : i32
      %dma_start3A_750 = arith.constant 0 : i32
      %dma_start3A_751 = arith.constant 0 : i32
      %dma_start3A_752 = arith.constant 0 : i32
      %dma_start3A_753 = tpu.memref_slice %arg8[%dma_start3A_748, %dma_start3A_751, %dma_start3A_752] : memref<2x640x16xf32, #tpu.memory_space<vmem>> -> memref<1x128x16xf32, #tpu.memory_space<vmem>>
      %dma_start3A_754 = tpu.memref_squeeze %dma_start3A_753 : memref<1x128x16xf32, #tpu.memory_space<vmem>> -> memref<128x16xf32, #tpu.memory_space<vmem>>
      %dma_start3A_755 = arith.constant 0 : i32
      %dma_start3A_756 = tpu.memref_slice %arg7[%dma_start3A_749, %dma_start3A_750, %dma_start3A_755] : memref<2x10x128xi32, #tpu.memory_space<vmem>> -> memref<1x1x128xi32, #tpu.memory_space<vmem>>
      %dma_start3A_757 = tpu.memref_squeeze %dma_start3A_756 : memref<1x1x128xi32, #tpu.memory_space<vmem>> -> memref<128xi32, #tpu.memory_space<vmem>>
      %dma_start3A_758 = arith.constant 0 : i32
      %dma_start3A_759 = arith.constant 0 : i32
      %dma_start3A_760 = tpu.memref_slice %arg11[%dma_start3A_758, %dma_start3A_759] : memref<100016x16xf32, #tpu.memory_space<vmem_shared>> -> memref<100016x16xf32, #tpu.memory_space<vmem_shared>>
      tpu.enqueue_indirect_dma source(%dma_start3A_754 : memref<128x16xf32, #tpu.memory_space<vmem>>) target(%dma_start3A_760 : memref<100016x16xf32, #tpu.memory_space<vmem_shared>>) offsets(%dma_start3A_757 : memref<128xi32, #tpu.memory_space<vmem>>) semaphore(%arg14 : memref<!tpu.dma_semaphore, #tpu.memory_space<semaphore_mem>>) {add = true}
      %dma_wait3A_761 = arith.constant 1 : i32
      %dma_wait3A_762 = arith.constant 1 : i32
      %dma_wait3A_763 = arith.constant 0 : i32
      %dma_wait3A_764 = arith.constant 128 : i32
      %dma_wait3A_765 = arith.constant 0 : i32
      %dma_wait3A_766 = tpu.memref_slice %arg8[%dma_wait3A_763, %dma_wait3A_764, %dma_wait3A_765] : memref<2x640x16xf32, #tpu.memory_space<vmem>> -> memref<1x128x16xf32, #tpu.memory_space<vmem>>
      %dma_wait3A_767 = tpu.memref_squeeze %dma_wait3A_766 : memref<1x128x16xf32, #tpu.memory_space<vmem>> -> memref<128x16xf32, #tpu.memory_space<vmem>>
      %dma_wait3A_768 = arith.constant 0 : i32
      %dma_wait3A_769 = tpu.memref_slice %arg6[%dma_wait3A_761, %dma_wait3A_762, %dma_wait3A_768] : memref<2x10x128xi32, #tpu.memory_space<vmem>> -> memref<1x1x128xi32, #tpu.memory_space<vmem>>
      %dma_wait3A_770 = tpu.memref_squeeze %dma_wait3A_769 : memref<1x1x128xi32, #tpu.memory_space<vmem>> -> memref<128xi32, #tpu.memory_space<vmem>>
      %dma_wait3A_771 = arith.constant 0 : i32
      %dma_wait3A_772 = arith.constant 0 : i32
      %dma_wait3A_773 = tpu.memref_slice %arg2[%dma_wait3A_771, %dma_wait3A_772] : memref<100000x16xf32, #tpu.memory_space<hbm>> -> memref<100000x16xf32, #tpu.memory_space<hbm>>
      tpu.wait_indirect_dma semaphore(%arg12 : memref<!tpu.dma_semaphore, #tpu.memory_space<semaphore_mem>>) src(%dma_wait3A_773 : memref<100000x16xf32, #tpu.memory_space<hbm>>) dst(%dma_wait3A_767 : memref<128x16xf32, #tpu.memory_space<vmem>>)
      %dma_start3A_774 = arith.constant 0 : i32
      %dma_start3A_775 = arith.constant 1 : i32
      %dma_start3A_776 = arith.constant 1 : i32
      %dma_start3A_777 = arith.constant 128 : i32
      %dma_start3A_778 = arith.constant 0 : i32
      %dma_start3A_779 = tpu.memref_slice %arg8[%dma_start3A_774, %dma_start3A_777, %dma_start3A_778] : memref<2x640x16xf32, #tpu.memory_space<vmem>> -> memref<1x128x16xf32, #tpu.memory_space<vmem>>
      %dma_start3A_780 = tpu.memref_squeeze %dma_start3A_779 : memref<1x128x16xf32, #tpu.memory_space<vmem>> -> memref<128x16xf32, #tpu.memory_space<vmem>>
      %dma_start3A_781 = arith.constant 0 : i32
      %dma_start3A_782 = tpu.memref_slice %arg7[%dma_start3A_775, %dma_start3A_776, %dma_start3A_781] : memref<2x10x128xi32, #tpu.memory_space<vmem>> -> memref<1x1x128xi32, #tpu.memory_space<vmem>>
      %dma_start3A_783 = tpu.memref_squeeze %dma_start3A_782 : memref<1x1x128xi32, #tpu.memory_space<vmem>> -> memref<128xi32, #tpu.memory_space<vmem>>
      %dma_start3A_784 = arith.constant 0 : i32
      %dma_start3A_785 = arith.constant 0 : i32
      %dma_start3A_786 = tpu.memref_slice %arg11[%dma_start3A_784, %dma_start3A_785] : memref<100016x16xf32, #tpu.memory_space<vmem_shared>> -> memref<100016x16xf32, #tpu.memory_space<vmem_shared>>
      tpu.enqueue_indirect_dma source(%dma_start3A_780 : memref<128x16xf32, #tpu.memory_space<vmem>>) target(%dma_start3A_786 : memref<100016x16xf32, #tpu.memory_space<vmem_shared>>) offsets(%dma_start3A_783 : memref<128xi32, #tpu.memory_space<vmem>>) semaphore(%arg14 : memref<!tpu.dma_semaphore, #tpu.memory_space<semaphore_mem>>) {add = true}
      %dma_wait3A_787 = arith.constant 1 : i32
      %dma_wait3A_788 = arith.constant 2 : i32
      %dma_wait3A_789 = arith.constant 0 : i32
      %dma_wait3A_790 = arith.constant 256 : i32
      %dma_wait3A_791 = arith.constant 0 : i32
      %dma_wait3A_792 = tpu.memref_slice %arg8[%dma_wait3A_789, %dma_wait3A_790, %dma_wait3A_791] : memref<2x640x16xf32, #tpu.memory_space<vmem>> -> memref<1x128x16xf32, #tpu.memory_space<vmem>>
      %dma_wait3A_793 = tpu.memref_squeeze %dma_wait3A_792 : memref<1x128x16xf32, #tpu.memory_space<vmem>> -> memref<128x16xf32, #tpu.memory_space<vmem>>
      %dma_wait3A_794 = arith.constant 0 : i32
      %dma_wait3A_795 = tpu.memref_slice %arg6[%dma_wait3A_787, %dma_wait3A_788, %dma_wait3A_794] : memref<2x10x128xi32, #tpu.memory_space<vmem>> -> memref<1x1x128xi32, #tpu.memory_space<vmem>>
      %dma_wait3A_796 = tpu.memref_squeeze %dma_wait3A_795 : memref<1x1x128xi32, #tpu.memory_space<vmem>> -> memref<128xi32, #tpu.memory_space<vmem>>
      %dma_wait3A_797 = arith.constant 0 : i32
      %dma_wait3A_798 = arith.constant 0 : i32
      %dma_wait3A_799 = tpu.memref_slice %arg2[%dma_wait3A_797, %dma_wait3A_798] : memref<100000x16xf32, #tpu.memory_space<hbm>> -> memref<100000x16xf32, #tpu.memory_space<hbm>>
      tpu.wait_indirect_dma semaphore(%arg12 : memref<!tpu.dma_semaphore, #tpu.memory_space<semaphore_mem>>) src(%dma_wait3A_799 : memref<100000x16xf32, #tpu.memory_space<hbm>>) dst(%dma_wait3A_793 : memref<128x16xf32, #tpu.memory_space<vmem>>)
      %dma_start3A_800 = arith.constant 0 : i32
      %dma_start3A_801 = arith.constant 1 : i32
      %dma_start3A_802 = arith.constant 2 : i32
      %dma_start3A_803 = arith.constant 256 : i32
      %dma_start3A_804 = arith.constant 0 : i32
      %dma_start3A_805 = tpu.memref_slice %arg8[%dma_start3A_800, %dma_start3A_803, %dma_start3A_804] : memref<2x640x16xf32, #tpu.memory_space<vmem>> -> memref<1x128x16xf32, #tpu.memory_space<vmem>>
      %dma_start3A_806 = tpu.memref_squeeze %dma_start3A_805 : memref<1x128x16xf32, #tpu.memory_space<vmem>> -> memref<128x16xf32, #tpu.memory_space<vmem>>
      %dma_start3A_807 = arith.constant 0 : i32
      %dma_start3A_808 = tpu.memref_slice %arg7[%dma_start3A_801, %dma_start3A_802, %dma_start3A_807] : memref<2x10x128xi32, #tpu.memory_space<vmem>> -> memref<1x1x128xi32, #tpu.memory_space<vmem>>
      %dma_start3A_809 = tpu.memref_squeeze %dma_start3A_808 : memref<1x1x128xi32, #tpu.memory_space<vmem>> -> memref<128xi32, #tpu.memory_space<vmem>>
      %dma_start3A_810 = arith.constant 0 : i32
      %dma_start3A_811 = arith.constant 0 : i32
      %dma_start3A_812 = tpu.memref_slice %arg11[%dma_start3A_810, %dma_start3A_811] : memref<100016x16xf32, #tpu.memory_space<vmem_shared>> -> memref<100016x16xf32, #tpu.memory_space<vmem_shared>>
      tpu.enqueue_indirect_dma source(%dma_start3A_806 : memref<128x16xf32, #tpu.memory_space<vmem>>) target(%dma_start3A_812 : memref<100016x16xf32, #tpu.memory_space<vmem_shared>>) offsets(%dma_start3A_809 : memref<128xi32, #tpu.memory_space<vmem>>) semaphore(%arg14 : memref<!tpu.dma_semaphore, #tpu.memory_space<semaphore_mem>>) {add = true}
      %dma_wait3A_813 = arith.constant 1 : i32
      %dma_wait3A_814 = arith.constant 3 : i32
      %dma_wait3A_815 = arith.constant 0 : i32
      %dma_wait3A_816 = arith.constant 384 : i32
      %dma_wait3A_817 = arith.constant 0 : i32
      %dma_wait3A_818 = tpu.memref_slice %arg8[%dma_wait3A_815, %dma_wait3A_816, %dma_wait3A_817] : memref<2x640x16xf32, #tpu.memory_space<vmem>> -> memref<1x128x16xf32, #tpu.memory_space<vmem>>
      %dma_wait3A_819 = tpu.memref_squeeze %dma_wait3A_818 : memref<1x128x16xf32, #tpu.memory_space<vmem>> -> memref<128x16xf32, #tpu.memory_space<vmem>>
      %dma_wait3A_820 = arith.constant 0 : i32
      %dma_wait3A_821 = tpu.memref_slice %arg6[%dma_wait3A_813, %dma_wait3A_814, %dma_wait3A_820] : memref<2x10x128xi32, #tpu.memory_space<vmem>> -> memref<1x1x128xi32, #tpu.memory_space<vmem>>
      %dma_wait3A_822 = tpu.memref_squeeze %dma_wait3A_821 : memref<1x1x128xi32, #tpu.memory_space<vmem>> -> memref<128xi32, #tpu.memory_space<vmem>>
      %dma_wait3A_823 = arith.constant 0 : i32
      %dma_wait3A_824 = arith.constant 0 : i32
      %dma_wait3A_825 = tpu.memref_slice %arg2[%dma_wait3A_823, %dma_wait3A_824] : memref<100000x16xf32, #tpu.memory_space<hbm>> -> memref<100000x16xf32, #tpu.memory_space<hbm>>
      tpu.wait_indirect_dma semaphore(%arg12 : memref<!tpu.dma_semaphore, #tpu.memory_space<semaphore_mem>>) src(%dma_wait3A_825 : memref<100000x16xf32, #tpu.memory_space<hbm>>) dst(%dma_wait3A_819 : memref<128x16xf32, #tpu.memory_space<vmem>>)
      %dma_start3A_826 = arith.constant 0 : i32
      %dma_start3A_827 = arith.constant 1 : i32
      %dma_start3A_828 = arith.constant 3 : i32
      %dma_start3A_829 = arith.constant 384 : i32
      %dma_start3A_830 = arith.constant 0 : i32
      %dma_start3A_831 = tpu.memref_slice %arg8[%dma_start3A_826, %dma_start3A_829, %dma_start3A_830] : memref<2x640x16xf32, #tpu.memory_space<vmem>> -> memref<1x128x16xf32, #tpu.memory_space<vmem>>
      %dma_start3A_832 = tpu.memref_squeeze %dma_start3A_831 : memref<1x128x16xf32, #tpu.memory_space<vmem>> -> memref<128x16xf32, #tpu.memory_space<vmem>>
      %dma_start3A_833 = arith.constant 0 : i32
      %dma_start3A_834 = tpu.memref_slice %arg7[%dma_start3A_827, %dma_start3A_828, %dma_start3A_833] : memref<2x10x128xi32, #tpu.memory_space<vmem>> -> memref<1x1x128xi32, #tpu.memory_space<vmem>>
      %dma_start3A_835 = tpu.memref_squeeze %dma_start3A_834 : memref<1x1x128xi32, #tpu.memory_space<vmem>> -> memref<128xi32, #tpu.memory_space<vmem>>
      %dma_start3A_836 = arith.constant 0 : i32
      %dma_start3A_837 = arith.constant 0 : i32
      %dma_start3A_838 = tpu.memref_slice %arg11[%dma_start3A_836, %dma_start3A_837] : memref<100016x16xf32, #tpu.memory_space<vmem_shared>> -> memref<100016x16xf32, #tpu.memory_space<vmem_shared>>
      tpu.enqueue_indirect_dma source(%dma_start3A_832 : memref<128x16xf32, #tpu.memory_space<vmem>>) target(%dma_start3A_838 : memref<100016x16xf32, #tpu.memory_space<vmem_shared>>) offsets(%dma_start3A_835 : memref<128xi32, #tpu.memory_space<vmem>>) semaphore(%arg14 : memref<!tpu.dma_semaphore, #tpu.memory_space<semaphore_mem>>) {add = true}
      %dma_wait3A_839 = arith.constant 1 : i32
      %dma_wait3A_840 = arith.constant 4 : i32
      %dma_wait3A_841 = arith.constant 0 : i32
      %dma_wait3A_842 = arith.constant 512 : i32
      %dma_wait3A_843 = arith.constant 0 : i32
      %dma_wait3A_844 = tpu.memref_slice %arg8[%dma_wait3A_841, %dma_wait3A_842, %dma_wait3A_843] : memref<2x640x16xf32, #tpu.memory_space<vmem>> -> memref<1x128x16xf32, #tpu.memory_space<vmem>>
      %dma_wait3A_845 = tpu.memref_squeeze %dma_wait3A_844 : memref<1x128x16xf32, #tpu.memory_space<vmem>> -> memref<128x16xf32, #tpu.memory_space<vmem>>
      %dma_wait3A_846 = arith.constant 0 : i32
      %dma_wait3A_847 = tpu.memref_slice %arg6[%dma_wait3A_839, %dma_wait3A_840, %dma_wait3A_846] : memref<2x10x128xi32, #tpu.memory_space<vmem>> -> memref<1x1x128xi32, #tpu.memory_space<vmem>>
      %dma_wait3A_848 = tpu.memref_squeeze %dma_wait3A_847 : memref<1x1x128xi32, #tpu.memory_space<vmem>> -> memref<128xi32, #tpu.memory_space<vmem>>
      %dma_wait3A_849 = arith.constant 0 : i32
      %dma_wait3A_850 = arith.constant 0 : i32
      %dma_wait3A_851 = tpu.memref_slice %arg2[%dma_wait3A_849, %dma_wait3A_850] : memref<100000x16xf32, #tpu.memory_space<hbm>> -> memref<100000x16xf32, #tpu.memory_space<hbm>>
      tpu.wait_indirect_dma semaphore(%arg12 : memref<!tpu.dma_semaphore, #tpu.memory_space<semaphore_mem>>) src(%dma_wait3A_851 : memref<100000x16xf32, #tpu.memory_space<hbm>>) dst(%dma_wait3A_845 : memref<128x16xf32, #tpu.memory_space<vmem>>)
      %dma_start3A_852 = arith.constant 0 : i32
      %dma_start3A_853 = arith.constant 1 : i32
      %dma_start3A_854 = arith.constant 4 : i32
      %dma_start3A_855 = arith.constant 512 : i32
      %dma_start3A_856 = arith.constant 0 : i32
      %dma_start3A_857 = tpu.memref_slice %arg8[%dma_start3A_852, %dma_start3A_855, %dma_start3A_856] : memref<2x640x16xf32, #tpu.memory_space<vmem>> -> memref<1x128x16xf32, #tpu.memory_space<vmem>>
      %dma_start3A_858 = tpu.memref_squeeze %dma_start3A_857 : memref<1x128x16xf32, #tpu.memory_space<vmem>> -> memref<128x16xf32, #tpu.memory_space<vmem>>
      %dma_start3A_859 = arith.constant 0 : i32
      %dma_start3A_860 = tpu.memref_slice %arg7[%dma_start3A_853, %dma_start3A_854, %dma_start3A_859] : memref<2x10x128xi32, #tpu.memory_space<vmem>> -> memref<1x1x128xi32, #tpu.memory_space<vmem>>
      %dma_start3A_861 = tpu.memref_squeeze %dma_start3A_860 : memref<1x1x128xi32, #tpu.memory_space<vmem>> -> memref<128xi32, #tpu.memory_space<vmem>>
      %dma_start3A_862 = arith.constant 0 : i32
      %dma_start3A_863 = arith.constant 0 : i32
      %dma_start3A_864 = tpu.memref_slice %arg11[%dma_start3A_862, %dma_start3A_863] : memref<100016x16xf32, #tpu.memory_space<vmem_shared>> -> memref<100016x16xf32, #tpu.memory_space<vmem_shared>>
      tpu.enqueue_indirect_dma source(%dma_start3A_858 : memref<128x16xf32, #tpu.memory_space<vmem>>) target(%dma_start3A_864 : memref<100016x16xf32, #tpu.memory_space<vmem_shared>>) offsets(%dma_start3A_861 : memref<128xi32, #tpu.memory_space<vmem>>) semaphore(%arg14 : memref<!tpu.dma_semaphore, #tpu.memory_space<semaphore_mem>>) {add = true}
      %dma_wait3A_865 = arith.constant 1 : i32
      %dma_wait3A_866 = arith.constant 0 : i32
      %dma_wait3A_867 = arith.constant 0 : i32
      %dma_wait3A_868 = tpu.memref_slice %arg8[%dma_wait3A_865, %dma_wait3A_866, %dma_wait3A_867] : memref<2x640x16xf32, #tpu.memory_space<vmem>> -> memref<1x640x16xf32, #tpu.memory_space<vmem>>
      %dma_wait3A_869 = tpu.memref_squeeze %dma_wait3A_868 : memref<1x640x16xf32, #tpu.memory_space<vmem>> -> memref<640x16xf32, #tpu.memory_space<vmem>>
      %dma_wait3A_870 = arith.constant 0 : i32
      %dma_wait3A_871 = arith.constant 0 : i32
      %dma_wait3A_872 = tpu.memref_slice %arg2[%dma_wait3A_870, %dma_wait3A_871] : memref<100000x16xf32, #tpu.memory_space<hbm>> -> memref<640x16xf32, #tpu.memory_space<hbm>>
      %dma_wait3A_873 = arith.constant 0 : i32
      %dma_wait3A_874 = arith.constant 0 : i32
      %dma_wait3A_875 = tpu.memref_slice %arg8[%dma_wait3A_865, %dma_wait3A_873, %dma_wait3A_874] : memref<2x640x16xf32, #tpu.memory_space<vmem>> -> memref<1x640x16xf32, #tpu.memory_space<vmem>>
      %dma_wait3A_876 = tpu.memref_squeeze %dma_wait3A_875 : memref<1x640x16xf32, #tpu.memory_space<vmem>> -> memref<640x16xf32, #tpu.memory_space<vmem>>
      %dma_wait3A_877 = arith.constant 0 : i32
      %dma_wait3A_878 = arith.constant 0 : i32
      %dma_wait3A_879 = tpu.memref_slice %arg2[%dma_wait3A_877, %dma_wait3A_878] : memref<100000x16xf32, #tpu.memory_space<hbm>> -> memref<640x16xf32, #tpu.memory_space<hbm>>
      tpu.wait_dma2 semaphore(%arg15 : memref<!tpu.dma_semaphore, #tpu.memory_space<semaphore_mem>>) src(%dma_wait3A_879 : memref<640x16xf32, #tpu.memory_space<hbm>>) dst(%dma_wait3A_876 : memref<640x16xf32, #tpu.memory_space<vmem>>)
      %dma_start3A_880 = arith.constant 1 : i32
      %dma_start3A_881 = arith.constant 5 : i32
      %dma_start3A_882 = arith.constant 1 : i32
      %dma_start3A_883 = arith.constant 0 : i32
      %dma_start3A_884 = arith.constant 0 : i32
      %dma_start3A_885 = tpu.memref_slice %arg8[%dma_start3A_882, %dma_start3A_883, %dma_start3A_884] : memref<2x640x16xf32, #tpu.memory_space<vmem>> -> memref<1x128x16xf32, #tpu.memory_space<vmem>>
      %dma_start3A_886 = tpu.memref_squeeze %dma_start3A_885 : memref<1x128x16xf32, #tpu.memory_space<vmem>> -> memref<128x16xf32, #tpu.memory_space<vmem>>
      %dma_start3A_887 = arith.constant 0 : i32
      %dma_start3A_888 = tpu.memref_slice %arg6[%dma_start3A_880, %dma_start3A_881, %dma_start3A_887] : memref<2x10x128xi32, #tpu.memory_space<vmem>> -> memref<1x1x128xi32, #tpu.memory_space<vmem>>
      %dma_start3A_889 = tpu.memref_squeeze %dma_start3A_888 : memref<1x1x128xi32, #tpu.memory_space<vmem>> -> memref<128xi32, #tpu.memory_space<vmem>>
      %dma_start3A_890 = arith.constant 0 : i32
      %dma_start3A_891 = arith.constant 0 : i32
      %dma_start3A_892 = tpu.memref_slice %arg2[%dma_start3A_890, %dma_start3A_891] : memref<100000x16xf32, #tpu.memory_space<hbm>> -> memref<100000x16xf32, #tpu.memory_space<hbm>>
      tpu.enqueue_indirect_dma source(%dma_start3A_892 : memref<100000x16xf32, #tpu.memory_space<hbm>>) target(%dma_start3A_886 : memref<128x16xf32, #tpu.memory_space<vmem>>) offsets(%dma_start3A_889 : memref<128xi32, #tpu.memory_space<vmem>>) semaphore(%arg13 : memref<!tpu.dma_semaphore, #tpu.memory_space<semaphore_mem>>)
      %dma_start3A_893 = arith.constant 1 : i32
      %dma_start3A_894 = arith.constant 6 : i32
      %dma_start3A_895 = arith.constant 1 : i32
      %dma_start3A_896 = arith.constant 128 : i32
      %dma_start3A_897 = arith.constant 0 : i32
      %dma_start3A_898 = tpu.memref_slice %arg8[%dma_start3A_895, %dma_start3A_896, %dma_start3A_897] : memref<2x640x16xf32, #tpu.memory_space<vmem>> -> memref<1x128x16xf32, #tpu.memory_space<vmem>>
      %dma_start3A_899 = tpu.memref_squeeze %dma_start3A_898 : memref<1x128x16xf32, #tpu.memory_space<vmem>> -> memref<128x16xf32, #tpu.memory_space<vmem>>
      %dma_start3A_900 = arith.constant 0 : i32
      %dma_start3A_901 = tpu.memref_slice %arg6[%dma_start3A_893, %dma_start3A_894, %dma_start3A_900] : memref<2x10x128xi32, #tpu.memory_space<vmem>> -> memref<1x1x128xi32, #tpu.memory_space<vmem>>
      %dma_start3A_902 = tpu.memref_squeeze %dma_start3A_901 : memref<1x1x128xi32, #tpu.memory_space<vmem>> -> memref<128xi32, #tpu.memory_space<vmem>>
      %dma_start3A_903 = arith.constant 0 : i32
      %dma_start3A_904 = arith.constant 0 : i32
      %dma_start3A_905 = tpu.memref_slice %arg2[%dma_start3A_903, %dma_start3A_904] : memref<100000x16xf32, #tpu.memory_space<hbm>> -> memref<100000x16xf32, #tpu.memory_space<hbm>>
      tpu.enqueue_indirect_dma source(%dma_start3A_905 : memref<100000x16xf32, #tpu.memory_space<hbm>>) target(%dma_start3A_899 : memref<128x16xf32, #tpu.memory_space<vmem>>) offsets(%dma_start3A_902 : memref<128xi32, #tpu.memory_space<vmem>>) semaphore(%arg13 : memref<!tpu.dma_semaphore, #tpu.memory_space<semaphore_mem>>)
      %dma_start3A_906 = arith.constant 1 : i32
      %dma_start3A_907 = arith.constant 7 : i32
      %dma_start3A_908 = arith.constant 1 : i32
      %dma_start3A_909 = arith.constant 256 : i32
      %dma_start3A_910 = arith.constant 0 : i32
      %dma_start3A_911 = tpu.memref_slice %arg8[%dma_start3A_908, %dma_start3A_909, %dma_start3A_910] : memref<2x640x16xf32, #tpu.memory_space<vmem>> -> memref<1x128x16xf32, #tpu.memory_space<vmem>>
      %dma_start3A_912 = tpu.memref_squeeze %dma_start3A_911 : memref<1x128x16xf32, #tpu.memory_space<vmem>> -> memref<128x16xf32, #tpu.memory_space<vmem>>
      %dma_start3A_913 = arith.constant 0 : i32
      %dma_start3A_914 = tpu.memref_slice %arg6[%dma_start3A_906, %dma_start3A_907, %dma_start3A_913] : memref<2x10x128xi32, #tpu.memory_space<vmem>> -> memref<1x1x128xi32, #tpu.memory_space<vmem>>
      %dma_start3A_915 = tpu.memref_squeeze %dma_start3A_914 : memref<1x1x128xi32, #tpu.memory_space<vmem>> -> memref<128xi32, #tpu.memory_space<vmem>>
      %dma_start3A_916 = arith.constant 0 : i32
      %dma_start3A_917 = arith.constant 0 : i32
      %dma_start3A_918 = tpu.memref_slice %arg2[%dma_start3A_916, %dma_start3A_917] : memref<100000x16xf32, #tpu.memory_space<hbm>> -> memref<100000x16xf32, #tpu.memory_space<hbm>>
      tpu.enqueue_indirect_dma source(%dma_start3A_918 : memref<100000x16xf32, #tpu.memory_space<hbm>>) target(%dma_start3A_912 : memref<128x16xf32, #tpu.memory_space<vmem>>) offsets(%dma_start3A_915 : memref<128xi32, #tpu.memory_space<vmem>>) semaphore(%arg13 : memref<!tpu.dma_semaphore, #tpu.memory_space<semaphore_mem>>)
      %dma_start3A_919 = arith.constant 1 : i32
      %dma_start3A_920 = arith.constant 8 : i32
      %dma_start3A_921 = arith.constant 1 : i32
      %dma_start3A_922 = arith.constant 384 : i32
      %dma_start3A_923 = arith.constant 0 : i32
      %dma_start3A_924 = tpu.memref_slice %arg8[%dma_start3A_921, %dma_start3A_922, %dma_start3A_923] : memref<2x640x16xf32, #tpu.memory_space<vmem>> -> memref<1x128x16xf32, #tpu.memory_space<vmem>>
      %dma_start3A_925 = tpu.memref_squeeze %dma_start3A_924 : memref<1x128x16xf32, #tpu.memory_space<vmem>> -> memref<128x16xf32, #tpu.memory_space<vmem>>
      %dma_start3A_926 = arith.constant 0 : i32
      %dma_start3A_927 = tpu.memref_slice %arg6[%dma_start3A_919, %dma_start3A_920, %dma_start3A_926] : memref<2x10x128xi32, #tpu.memory_space<vmem>> -> memref<1x1x128xi32, #tpu.memory_space<vmem>>
      %dma_start3A_928 = tpu.memref_squeeze %dma_start3A_927 : memref<1x1x128xi32, #tpu.memory_space<vmem>> -> memref<128xi32, #tpu.memory_space<vmem>>
      %dma_start3A_929 = arith.constant 0 : i32
      %dma_start3A_930 = arith.constant 0 : i32
      %dma_start3A_931 = tpu.memref_slice %arg2[%dma_start3A_929, %dma_start3A_930] : memref<100000x16xf32, #tpu.memory_space<hbm>> -> memref<100000x16xf32, #tpu.memory_space<hbm>>
      tpu.enqueue_indirect_dma source(%dma_start3A_931 : memref<100000x16xf32, #tpu.memory_space<hbm>>) target(%dma_start3A_925 : memref<128x16xf32, #tpu.memory_space<vmem>>) offsets(%dma_start3A_928 : memref<128xi32, #tpu.memory_space<vmem>>) semaphore(%arg13 : memref<!tpu.dma_semaphore, #tpu.memory_space<semaphore_mem>>)
      %dma_start3A_932 = arith.constant 1 : i32
      %dma_start3A_933 = arith.constant 9 : i32
      %dma_start3A_934 = arith.constant 1 : i32
      %dma_start3A_935 = arith.constant 512 : i32
      %dma_start3A_936 = arith.constant 0 : i32
      %dma_start3A_937 = tpu.memref_slice %arg8[%dma_start3A_934, %dma_start3A_935, %dma_start3A_936] : memref<2x640x16xf32, #tpu.memory_space<vmem>> -> memref<1x128x16xf32, #tpu.memory_space<vmem>>
      %dma_start3A_938 = tpu.memref_squeeze %dma_start3A_937 : memref<1x128x16xf32, #tpu.memory_space<vmem>> -> memref<128x16xf32, #tpu.memory_space<vmem>>
      %dma_start3A_939 = arith.constant 0 : i32
      %dma_start3A_940 = tpu.memref_slice %arg6[%dma_start3A_932, %dma_start3A_933, %dma_start3A_939] : memref<2x10x128xi32, #tpu.memory_space<vmem>> -> memref<1x1x128xi32, #tpu.memory_space<vmem>>
      %dma_start3A_941 = tpu.memref_squeeze %dma_start3A_940 : memref<1x1x128xi32, #tpu.memory_space<vmem>> -> memref<128xi32, #tpu.memory_space<vmem>>
      %dma_start3A_942 = arith.constant 0 : i32
      %dma_start3A_943 = arith.constant 0 : i32
      %dma_start3A_944 = tpu.memref_slice %arg2[%dma_start3A_942, %dma_start3A_943] : memref<100000x16xf32, #tpu.memory_space<hbm>> -> memref<100000x16xf32, #tpu.memory_space<hbm>>
      tpu.enqueue_indirect_dma source(%dma_start3A_944 : memref<100000x16xf32, #tpu.memory_space<hbm>>) target(%dma_start3A_938 : memref<128x16xf32, #tpu.memory_space<vmem>>) offsets(%dma_start3A_941 : memref<128xi32, #tpu.memory_space<vmem>>) semaphore(%arg13 : memref<!tpu.dma_semaphore, #tpu.memory_space<semaphore_mem>>)
      %dma_wait3A_945 = arith.constant 1 : i32
      %dma_wait3A_946 = arith.constant 5 : i32
      %dma_wait3A_947 = arith.constant 1 : i32
      %dma_wait3A_948 = arith.constant 0 : i32
      %dma_wait3A_949 = arith.constant 0 : i32
      %dma_wait3A_950 = tpu.memref_slice %arg8[%dma_wait3A_947, %dma_wait3A_948, %dma_wait3A_949] : memref<2x640x16xf32, #tpu.memory_space<vmem>> -> memref<1x128x16xf32, #tpu.memory_space<vmem>>
      %dma_wait3A_951 = tpu.memref_squeeze %dma_wait3A_950 : memref<1x128x16xf32, #tpu.memory_space<vmem>> -> memref<128x16xf32, #tpu.memory_space<vmem>>
      %dma_wait3A_952 = arith.constant 0 : i32
      %dma_wait3A_953 = tpu.memref_slice %arg6[%dma_wait3A_945, %dma_wait3A_946, %dma_wait3A_952] : memref<2x10x128xi32, #tpu.memory_space<vmem>> -> memref<1x1x128xi32, #tpu.memory_space<vmem>>
      %dma_wait3A_954 = tpu.memref_squeeze %dma_wait3A_953 : memref<1x1x128xi32, #tpu.memory_space<vmem>> -> memref<128xi32, #tpu.memory_space<vmem>>
      %dma_wait3A_955 = arith.constant 0 : i32
      %dma_wait3A_956 = arith.constant 0 : i32
      %dma_wait3A_957 = tpu.memref_slice %arg2[%dma_wait3A_955, %dma_wait3A_956] : memref<100000x16xf32, #tpu.memory_space<hbm>> -> memref<100000x16xf32, #tpu.memory_space<hbm>>
      tpu.wait_indirect_dma semaphore(%arg13 : memref<!tpu.dma_semaphore, #tpu.memory_space<semaphore_mem>>) src(%dma_wait3A_957 : memref<100000x16xf32, #tpu.memory_space<hbm>>) dst(%dma_wait3A_951 : memref<128x16xf32, #tpu.memory_space<vmem>>)
      %dma_start3A_958 = arith.constant 1 : i32
      %dma_start3A_959 = arith.constant 1 : i32
      %dma_start3A_960 = arith.constant 5 : i32
      %dma_start3A_961 = arith.constant 0 : i32
      %dma_start3A_962 = arith.constant 0 : i32
      %dma_start3A_963 = tpu.memref_slice %arg8[%dma_start3A_958, %dma_start3A_961, %dma_start3A_962] : memref<2x640x16xf32, #tpu.memory_space<vmem>> -> memref<1x128x16xf32, #tpu.memory_space<vmem>>
      %dma_start3A_964 = tpu.memref_squeeze %dma_start3A_963 : memref<1x128x16xf32, #tpu.memory_space<vmem>> -> memref<128x16xf32, #tpu.memory_space<vmem>>
      %dma_start3A_965 = arith.constant 0 : i32
      %dma_start3A_966 = tpu.memref_slice %arg7[%dma_start3A_959, %dma_start3A_960, %dma_start3A_965] : memref<2x10x128xi32, #tpu.memory_space<vmem>> -> memref<1x1x128xi32, #tpu.memory_space<vmem>>
      %dma_start3A_967 = tpu.memref_squeeze %dma_start3A_966 : memref<1x1x128xi32, #tpu.memory_space<vmem>> -> memref<128xi32, #tpu.memory_space<vmem>>
      %dma_start3A_968 = arith.constant 0 : i32
      %dma_start3A_969 = arith.constant 0 : i32
      %dma_start3A_970 = tpu.memref_slice %arg11[%dma_start3A_968, %dma_start3A_969] : memref<100016x16xf32, #tpu.memory_space<vmem_shared>> -> memref<100016x16xf32, #tpu.memory_space<vmem_shared>>
      tpu.enqueue_indirect_dma source(%dma_start3A_964 : memref<128x16xf32, #tpu.memory_space<vmem>>) target(%dma_start3A_970 : memref<100016x16xf32, #tpu.memory_space<vmem_shared>>) offsets(%dma_start3A_967 : memref<128xi32, #tpu.memory_space<vmem>>) semaphore(%arg15 : memref<!tpu.dma_semaphore, #tpu.memory_space<semaphore_mem>>) {add = true}
      %dma_wait3A_971 = arith.constant 1 : i32
      %dma_wait3A_972 = arith.constant 6 : i32
      %dma_wait3A_973 = arith.constant 1 : i32
      %dma_wait3A_974 = arith.constant 128 : i32
      %dma_wait3A_975 = arith.constant 0 : i32
      %dma_wait3A_976 = tpu.memref_slice %arg8[%dma_wait3A_973, %dma_wait3A_974, %dma_wait3A_975] : memref<2x640x16xf32, #tpu.memory_space<vmem>> -> memref<1x128x16xf32, #tpu.memory_space<vmem>>
      %dma_wait3A_977 = tpu.memref_squeeze %dma_wait3A_976 : memref<1x128x16xf32, #tpu.memory_space<vmem>> -> memref<128x16xf32, #tpu.memory_space<vmem>>
      %dma_wait3A_978 = arith.constant 0 : i32
      %dma_wait3A_979 = tpu.memref_slice %arg6[%dma_wait3A_971, %dma_wait3A_972, %dma_wait3A_978] : memref<2x10x128xi32, #tpu.memory_space<vmem>> -> memref<1x1x128xi32, #tpu.memory_space<vmem>>
      %dma_wait3A_980 = tpu.memref_squeeze %dma_wait3A_979 : memref<1x1x128xi32, #tpu.memory_space<vmem>> -> memref<128xi32, #tpu.memory_space<vmem>>
      %dma_wait3A_981 = arith.constant 0 : i32
      %dma_wait3A_982 = arith.constant 0 : i32
      %dma_wait3A_983 = tpu.memref_slice %arg2[%dma_wait3A_981, %dma_wait3A_982] : memref<100000x16xf32, #tpu.memory_space<hbm>> -> memref<100000x16xf32, #tpu.memory_space<hbm>>
      tpu.wait_indirect_dma semaphore(%arg13 : memref<!tpu.dma_semaphore, #tpu.memory_space<semaphore_mem>>) src(%dma_wait3A_983 : memref<100000x16xf32, #tpu.memory_space<hbm>>) dst(%dma_wait3A_977 : memref<128x16xf32, #tpu.memory_space<vmem>>)
      %dma_start3A_984 = arith.constant 1 : i32
      %dma_start3A_985 = arith.constant 1 : i32
      %dma_start3A_986 = arith.constant 6 : i32
      %dma_start3A_987 = arith.constant 128 : i32
      %dma_start3A_988 = arith.constant 0 : i32
      %dma_start3A_989 = tpu.memref_slice %arg8[%dma_start3A_984, %dma_start3A_987, %dma_start3A_988] : memref<2x640x16xf32, #tpu.memory_space<vmem>> -> memref<1x128x16xf32, #tpu.memory_space<vmem>>
      %dma_start3A_990 = tpu.memref_squeeze %dma_start3A_989 : memref<1x128x16xf32, #tpu.memory_space<vmem>> -> memref<128x16xf32, #tpu.memory_space<vmem>>
      %dma_start3A_991 = arith.constant 0 : i32
      %dma_start3A_992 = tpu.memref_slice %arg7[%dma_start3A_985, %dma_start3A_986, %dma_start3A_991] : memref<2x10x128xi32, #tpu.memory_space<vmem>> -> memref<1x1x128xi32, #tpu.memory_space<vmem>>
      %dma_start3A_993 = tpu.memref_squeeze %dma_start3A_992 : memref<1x1x128xi32, #tpu.memory_space<vmem>> -> memref<128xi32, #tpu.memory_space<vmem>>
      %dma_start3A_994 = arith.constant 0 : i32
      %dma_start3A_995 = arith.constant 0 : i32
      %dma_start3A_996 = tpu.memref_slice %arg11[%dma_start3A_994, %dma_start3A_995] : memref<100016x16xf32, #tpu.memory_space<vmem_shared>> -> memref<100016x16xf32, #tpu.memory_space<vmem_shared>>
      tpu.enqueue_indirect_dma source(%dma_start3A_990 : memref<128x16xf32, #tpu.memory_space<vmem>>) target(%dma_start3A_996 : memref<100016x16xf32, #tpu.memory_space<vmem_shared>>) offsets(%dma_start3A_993 : memref<128xi32, #tpu.memory_space<vmem>>) semaphore(%arg15 : memref<!tpu.dma_semaphore, #tpu.memory_space<semaphore_mem>>) {add = true}
      %dma_wait3A_997 = arith.constant 1 : i32
      %dma_wait3A_998 = arith.constant 7 : i32
      %dma_wait3A_999 = arith.constant 1 : i32
      %dma_wait3A_1000 = arith.constant 256 : i32
      %dma_wait3A_1001 = arith.constant 0 : i32
      %dma_wait3A_1002 = tpu.memref_slice %arg8[%dma_wait3A_999, %dma_wait3A_1000, %dma_wait3A_1001] : memref<2x640x16xf32, #tpu.memory_space<vmem>> -> memref<1x128x16xf32, #tpu.memory_space<vmem>>
      %dma_wait3A_1003 = tpu.memref_squeeze %dma_wait3A_1002 : memref<1x128x16xf32, #tpu.memory_space<vmem>> -> memref<128x16xf32, #tpu.memory_space<vmem>>
      %dma_wait3A_1004 = arith.constant 0 : i32
      %dma_wait3A_1005 = tpu.memref_slice %arg6[%dma_wait3A_997, %dma_wait3A_998, %dma_wait3A_1004] : memref<2x10x128xi32, #tpu.memory_space<vmem>> -> memref<1x1x128xi32, #tpu.memory_space<vmem>>
      %dma_wait3A_1006 = tpu.memref_squeeze %dma_wait3A_1005 : memref<1x1x128xi32, #tpu.memory_space<vmem>> -> memref<128xi32, #tpu.memory_space<vmem>>
      %dma_wait3A_1007 = arith.constant 0 : i32
      %dma_wait3A_1008 = arith.constant 0 : i32
      %dma_wait3A_1009 = tpu.memref_slice %arg2[%dma_wait3A_1007, %dma_wait3A_1008] : memref<100000x16xf32, #tpu.memory_space<hbm>> -> memref<100000x16xf32, #tpu.memory_space<hbm>>
      tpu.wait_indirect_dma semaphore(%arg13 : memref<!tpu.dma_semaphore, #tpu.memory_space<semaphore_mem>>) src(%dma_wait3A_1009 : memref<100000x16xf32, #tpu.memory_space<hbm>>) dst(%dma_wait3A_1003 : memref<128x16xf32, #tpu.memory_space<vmem>>)
      %dma_start3A_1010 = arith.constant 1 : i32
      %dma_start3A_1011 = arith.constant 1 : i32
      %dma_start3A_1012 = arith.constant 7 : i32
      %dma_start3A_1013 = arith.constant 256 : i32
      %dma_start3A_1014 = arith.constant 0 : i32
      %dma_start3A_1015 = tpu.memref_slice %arg8[%dma_start3A_1010, %dma_start3A_1013, %dma_start3A_1014] : memref<2x640x16xf32, #tpu.memory_space<vmem>> -> memref<1x128x16xf32, #tpu.memory_space<vmem>>
      %dma_start3A_1016 = tpu.memref_squeeze %dma_start3A_1015 : memref<1x128x16xf32, #tpu.memory_space<vmem>> -> memref<128x16xf32, #tpu.memory_space<vmem>>
      %dma_start3A_1017 = arith.constant 0 : i32
      %dma_start3A_1018 = tpu.memref_slice %arg7[%dma_start3A_1011, %dma_start3A_1012, %dma_start3A_1017] : memref<2x10x128xi32, #tpu.memory_space<vmem>> -> memref<1x1x128xi32, #tpu.memory_space<vmem>>
      %dma_start3A_1019 = tpu.memref_squeeze %dma_start3A_1018 : memref<1x1x128xi32, #tpu.memory_space<vmem>> -> memref<128xi32, #tpu.memory_space<vmem>>
      %dma_start3A_1020 = arith.constant 0 : i32
      %dma_start3A_1021 = arith.constant 0 : i32
      %dma_start3A_1022 = tpu.memref_slice %arg11[%dma_start3A_1020, %dma_start3A_1021] : memref<100016x16xf32, #tpu.memory_space<vmem_shared>> -> memref<100016x16xf32, #tpu.memory_space<vmem_shared>>
      tpu.enqueue_indirect_dma source(%dma_start3A_1016 : memref<128x16xf32, #tpu.memory_space<vmem>>) target(%dma_start3A_1022 : memref<100016x16xf32, #tpu.memory_space<vmem_shared>>) offsets(%dma_start3A_1019 : memref<128xi32, #tpu.memory_space<vmem>>) semaphore(%arg15 : memref<!tpu.dma_semaphore, #tpu.memory_space<semaphore_mem>>) {add = true}
      %dma_wait3A_1023 = arith.constant 1 : i32
      %dma_wait3A_1024 = arith.constant 8 : i32
      %dma_wait3A_1025 = arith.constant 1 : i32
      %dma_wait3A_1026 = arith.constant 384 : i32
      %dma_wait3A_1027 = arith.constant 0 : i32
      %dma_wait3A_1028 = tpu.memref_slice %arg8[%dma_wait3A_1025, %dma_wait3A_1026, %dma_wait3A_1027] : memref<2x640x16xf32, #tpu.memory_space<vmem>> -> memref<1x128x16xf32, #tpu.memory_space<vmem>>
      %dma_wait3A_1029 = tpu.memref_squeeze %dma_wait3A_1028 : memref<1x128x16xf32, #tpu.memory_space<vmem>> -> memref<128x16xf32, #tpu.memory_space<vmem>>
      %dma_wait3A_1030 = arith.constant 0 : i32
      %dma_wait3A_1031 = tpu.memref_slice %arg6[%dma_wait3A_1023, %dma_wait3A_1024, %dma_wait3A_1030] : memref<2x10x128xi32, #tpu.memory_space<vmem>> -> memref<1x1x128xi32, #tpu.memory_space<vmem>>
      %dma_wait3A_1032 = tpu.memref_squeeze %dma_wait3A_1031 : memref<1x1x128xi32, #tpu.memory_space<vmem>> -> memref<128xi32, #tpu.memory_space<vmem>>
      %dma_wait3A_1033 = arith.constant 0 : i32
      %dma_wait3A_1034 = arith.constant 0 : i32
      %dma_wait3A_1035 = tpu.memref_slice %arg2[%dma_wait3A_1033, %dma_wait3A_1034] : memref<100000x16xf32, #tpu.memory_space<hbm>> -> memref<100000x16xf32, #tpu.memory_space<hbm>>
      tpu.wait_indirect_dma semaphore(%arg13 : memref<!tpu.dma_semaphore, #tpu.memory_space<semaphore_mem>>) src(%dma_wait3A_1035 : memref<100000x16xf32, #tpu.memory_space<hbm>>) dst(%dma_wait3A_1029 : memref<128x16xf32, #tpu.memory_space<vmem>>)
      %dma_start3A_1036 = arith.constant 1 : i32
      %dma_start3A_1037 = arith.constant 1 : i32
      %dma_start3A_1038 = arith.constant 8 : i32
      %dma_start3A_1039 = arith.constant 384 : i32
      %dma_start3A_1040 = arith.constant 0 : i32
      %dma_start3A_1041 = tpu.memref_slice %arg8[%dma_start3A_1036, %dma_start3A_1039, %dma_start3A_1040] : memref<2x640x16xf32, #tpu.memory_space<vmem>> -> memref<1x128x16xf32, #tpu.memory_space<vmem>>
      %dma_start3A_1042 = tpu.memref_squeeze %dma_start3A_1041 : memref<1x128x16xf32, #tpu.memory_space<vmem>> -> memref<128x16xf32, #tpu.memory_space<vmem>>
      %dma_start3A_1043 = arith.constant 0 : i32
      %dma_start3A_1044 = tpu.memref_slice %arg7[%dma_start3A_1037, %dma_start3A_1038, %dma_start3A_1043] : memref<2x10x128xi32, #tpu.memory_space<vmem>> -> memref<1x1x128xi32, #tpu.memory_space<vmem>>
      %dma_start3A_1045 = tpu.memref_squeeze %dma_start3A_1044 : memref<1x1x128xi32, #tpu.memory_space<vmem>> -> memref<128xi32, #tpu.memory_space<vmem>>
      %dma_start3A_1046 = arith.constant 0 : i32
      %dma_start3A_1047 = arith.constant 0 : i32
      %dma_start3A_1048 = tpu.memref_slice %arg11[%dma_start3A_1046, %dma_start3A_1047] : memref<100016x16xf32, #tpu.memory_space<vmem_shared>> -> memref<100016x16xf32, #tpu.memory_space<vmem_shared>>
      tpu.enqueue_indirect_dma source(%dma_start3A_1042 : memref<128x16xf32, #tpu.memory_space<vmem>>) target(%dma_start3A_1048 : memref<100016x16xf32, #tpu.memory_space<vmem_shared>>) offsets(%dma_start3A_1045 : memref<128xi32, #tpu.memory_space<vmem>>) semaphore(%arg15 : memref<!tpu.dma_semaphore, #tpu.memory_space<semaphore_mem>>) {add = true}
      %dma_wait3A_1049 = arith.constant 1 : i32
      %dma_wait3A_1050 = arith.constant 9 : i32
      %dma_wait3A_1051 = arith.constant 1 : i32
      %dma_wait3A_1052 = arith.constant 512 : i32
      %dma_wait3A_1053 = arith.constant 0 : i32
      %dma_wait3A_1054 = tpu.memref_slice %arg8[%dma_wait3A_1051, %dma_wait3A_1052, %dma_wait3A_1053] : memref<2x640x16xf32, #tpu.memory_space<vmem>> -> memref<1x128x16xf32, #tpu.memory_space<vmem>>
      %dma_wait3A_1055 = tpu.memref_squeeze %dma_wait3A_1054 : memref<1x128x16xf32, #tpu.memory_space<vmem>> -> memref<128x16xf32, #tpu.memory_space<vmem>>
      %dma_wait3A_1056 = arith.constant 0 : i32
      %dma_wait3A_1057 = tpu.memref_slice %arg6[%dma_wait3A_1049, %dma_wait3A_1050, %dma_wait3A_1056] : memref<2x10x128xi32, #tpu.memory_space<vmem>> -> memref<1x1x128xi32, #tpu.memory_space<vmem>>
      %dma_wait3A_1058 = tpu.memref_squeeze %dma_wait3A_1057 : memref<1x1x128xi32, #tpu.memory_space<vmem>> -> memref<128xi32, #tpu.memory_space<vmem>>
      %dma_wait3A_1059 = arith.constant 0 : i32
      %dma_wait3A_1060 = arith.constant 0 : i32
      %dma_wait3A_1061 = tpu.memref_slice %arg2[%dma_wait3A_1059, %dma_wait3A_1060] : memref<100000x16xf32, #tpu.memory_space<hbm>> -> memref<100000x16xf32, #tpu.memory_space<hbm>>
      tpu.wait_indirect_dma semaphore(%arg13 : memref<!tpu.dma_semaphore, #tpu.memory_space<semaphore_mem>>) src(%dma_wait3A_1061 : memref<100000x16xf32, #tpu.memory_space<hbm>>) dst(%dma_wait3A_1055 : memref<128x16xf32, #tpu.memory_space<vmem>>)
      %dma_start3A_1062 = arith.constant 1 : i32
      %dma_start3A_1063 = arith.constant 1 : i32
      %dma_start3A_1064 = arith.constant 9 : i32
      %dma_start3A_1065 = arith.constant 512 : i32
      %dma_start3A_1066 = arith.constant 0 : i32
      %dma_start3A_1067 = tpu.memref_slice %arg8[%dma_start3A_1062, %dma_start3A_1065, %dma_start3A_1066] : memref<2x640x16xf32, #tpu.memory_space<vmem>> -> memref<1x128x16xf32, #tpu.memory_space<vmem>>
      %dma_start3A_1068 = tpu.memref_squeeze %dma_start3A_1067 : memref<1x128x16xf32, #tpu.memory_space<vmem>> -> memref<128x16xf32, #tpu.memory_space<vmem>>
      %dma_start3A_1069 = arith.constant 0 : i32
      %dma_start3A_1070 = tpu.memref_slice %arg7[%dma_start3A_1063, %dma_start3A_1064, %dma_start3A_1069] : memref<2x10x128xi32, #tpu.memory_space<vmem>> -> memref<1x1x128xi32, #tpu.memory_space<vmem>>
      %dma_start3A_1071 = tpu.memref_squeeze %dma_start3A_1070 : memref<1x1x128xi32, #tpu.memory_space<vmem>> -> memref<128xi32, #tpu.memory_space<vmem>>
      %dma_start3A_1072 = arith.constant 0 : i32
      %dma_start3A_1073 = arith.constant 0 : i32
      %dma_start3A_1074 = tpu.memref_slice %arg11[%dma_start3A_1072, %dma_start3A_1073] : memref<100016x16xf32, #tpu.memory_space<vmem_shared>> -> memref<100016x16xf32, #tpu.memory_space<vmem_shared>>
      tpu.enqueue_indirect_dma source(%dma_start3A_1068 : memref<128x16xf32, #tpu.memory_space<vmem>>) target(%dma_start3A_1074 : memref<100016x16xf32, #tpu.memory_space<vmem_shared>>) offsets(%dma_start3A_1071 : memref<128xi32, #tpu.memory_space<vmem>>) semaphore(%arg15 : memref<!tpu.dma_semaphore, #tpu.memory_space<semaphore_mem>>) {add = true}
      %scan3A_1075 = arith.constant 0 : i32
      scf.yield %scan3A_1075 : i32
    }
    %scan3A_109 = arith.constant 39 : i32
    %dma_wait3A = arith.constant 0 : i32
    %dma_wait3A_110 = arith.constant 0 : i32
    %dma_wait3A_111 = arith.constant 0 : i32
    %dma_wait3A_112 = tpu.memref_slice %arg8[%dma_wait3A, %dma_wait3A_110, %dma_wait3A_111] : memref<2x640x16xf32, #tpu.memory_space<vmem>> -> memref<1x640x16xf32, #tpu.memory_space<vmem>>
    %dma_wait3A_113 = tpu.memref_squeeze %dma_wait3A_112 : memref<1x640x16xf32, #tpu.memory_space<vmem>> -> memref<640x16xf32, #tpu.memory_space<vmem>>
    %dma_wait3A_114 = arith.constant 0 : i32
    %dma_wait3A_115 = arith.constant 0 : i32
    %dma_wait3A_116 = tpu.memref_slice %arg2[%dma_wait3A_114, %dma_wait3A_115] : memref<100000x16xf32, #tpu.memory_space<hbm>> -> memref<640x16xf32, #tpu.memory_space<hbm>>
    %dma_wait3A_117 = arith.constant 0 : i32
    %dma_wait3A_118 = arith.constant 0 : i32
    %dma_wait3A_119 = tpu.memref_slice %arg8[%dma_wait3A, %dma_wait3A_117, %dma_wait3A_118] : memref<2x640x16xf32, #tpu.memory_space<vmem>> -> memref<1x640x16xf32, #tpu.memory_space<vmem>>
    %dma_wait3A_120 = tpu.memref_squeeze %dma_wait3A_119 : memref<1x640x16xf32, #tpu.memory_space<vmem>> -> memref<640x16xf32, #tpu.memory_space<vmem>>
    %dma_wait3A_121 = arith.constant 0 : i32
    %dma_wait3A_122 = arith.constant 0 : i32
    %dma_wait3A_123 = tpu.memref_slice %arg2[%dma_wait3A_121, %dma_wait3A_122] : memref<100000x16xf32, #tpu.memory_space<hbm>> -> memref<640x16xf32, #tpu.memory_space<hbm>>
    tpu.wait_dma2 semaphore(%arg14 : memref<!tpu.dma_semaphore, #tpu.memory_space<semaphore_mem>>) src(%dma_wait3A_123 : memref<640x16xf32, #tpu.memory_space<hbm>>) dst(%dma_wait3A_120 : memref<640x16xf32, #tpu.memory_space<vmem>>)
    %dma_wait3A_124 = arith.constant 1 : i32
    %dma_wait3A_125 = arith.constant 0 : i32
    %dma_wait3A_126 = arith.constant 0 : i32
    %dma_wait3A_127 = tpu.memref_slice %arg8[%dma_wait3A_124, %dma_wait3A_125, %dma_wait3A_126] : memref<2x640x16xf32, #tpu.memory_space<vmem>> -> memref<1x640x16xf32, #tpu.memory_space<vmem>>
    %dma_wait3A_128 = tpu.memref_squeeze %dma_wait3A_127 : memref<1x640x16xf32, #tpu.memory_space<vmem>> -> memref<640x16xf32, #tpu.memory_space<vmem>>
    %dma_wait3A_129 = arith.constant 0 : i32
    %dma_wait3A_130 = arith.constant 0 : i32
    %dma_wait3A_131 = tpu.memref_slice %arg2[%dma_wait3A_129, %dma_wait3A_130] : memref<100000x16xf32, #tpu.memory_space<hbm>> -> memref<640x16xf32, #tpu.memory_space<hbm>>
    %dma_wait3A_132 = arith.constant 0 : i32
    %dma_wait3A_133 = arith.constant 0 : i32
    %dma_wait3A_134 = tpu.memref_slice %arg8[%dma_wait3A_124, %dma_wait3A_132, %dma_wait3A_133] : memref<2x640x16xf32, #tpu.memory_space<vmem>> -> memref<1x640x16xf32, #tpu.memory_space<vmem>>
    %dma_wait3A_135 = tpu.memref_squeeze %dma_wait3A_134 : memref<1x640x16xf32, #tpu.memory_space<vmem>> -> memref<640x16xf32, #tpu.memory_space<vmem>>
    %dma_wait3A_136 = arith.constant 0 : i32
    %dma_wait3A_137 = arith.constant 0 : i32
    %dma_wait3A_138 = tpu.memref_slice %arg2[%dma_wait3A_136, %dma_wait3A_137] : memref<100000x16xf32, #tpu.memory_space<hbm>> -> memref<640x16xf32, #tpu.memory_space<hbm>>
    tpu.wait_dma2 semaphore(%arg15 : memref<!tpu.dma_semaphore, #tpu.memory_space<semaphore_mem>>) src(%dma_wait3A_138 : memref<640x16xf32, #tpu.memory_space<hbm>>) dst(%dma_wait3A_135 : memref<640x16xf32, #tpu.memory_space<vmem>>)
    %add3A_139 = arith.constant 780 : i32
    %add3A_140 = arith.addi %mul3A_75, %add3A_139 : i32
    %run_scoped3A = arith.constant 0 : i32
    "tpu.region"() ({
      %run_scoped3A_154 = tpu.sem_alloc : memref<!tpu.dma_semaphore, #tpu.memory_space<semaphore_mem>>
      %dma_start3A_155 = arith.constant 0 : i32
      %dma_start3A_156 = arith.constant 0 : i32
      %dma_start3A_157 = tpu.memref_slice %arg6[%run_scoped3A, %dma_start3A_155, %dma_start3A_156] : memref<2x10x128xi32, #tpu.memory_space<vmem>> -> memref<1x2x128xi32, #tpu.memory_space<vmem>>
      %dma_start3A_158 = tpu.memref_squeeze %dma_start3A_157 : memref<1x2x128xi32, #tpu.memory_space<vmem>> -> memref<2x128xi32, #tpu.memory_space<vmem>>
      %dma_start3A_159 = arith.constant 0 : i32
      %dma_start3A_160 = tpu.memref_slice %arg3[%add3A_140, %dma_start3A_159] : memref<25024x128xi32, #tpu.memory_space<hbm>> -> memref<2x128xi32, #tpu.memory_space<hbm>>
      %dma_start3A_161 = arith.constant 0 : i32
      %dma_start3A_162 = arith.constant 0 : i32
      %dma_start3A_163 = tpu.memref_slice %arg6[%run_scoped3A, %dma_start3A_161, %dma_start3A_162] : memref<2x10x128xi32, #tpu.memory_space<vmem>> -> memref<1x2x128xi32, #tpu.memory_space<vmem>>
      %dma_start3A_164 = tpu.memref_squeeze %dma_start3A_163 : memref<1x2x128xi32, #tpu.memory_space<vmem>> -> memref<2x128xi32, #tpu.memory_space<vmem>>
      %dma_start3A_165 = arith.constant 0 : i32
      %dma_start3A_166 = tpu.memref_slice %arg3[%add3A_140, %dma_start3A_165] : memref<25024x128xi32, #tpu.memory_space<hbm>> -> memref<2x128xi32, #tpu.memory_space<hbm>>
      tpu.enqueue_dma source(%dma_start3A_166 : memref<2x128xi32, #tpu.memory_space<hbm>>) target(%dma_start3A_164 : memref<2x128xi32, #tpu.memory_space<vmem>>) target_semaphore(%run_scoped3A_154 : memref<!tpu.dma_semaphore, #tpu.memory_space<semaphore_mem>>)
      %dma_wait3A_167 = arith.constant 0 : i32
      %dma_wait3A_168 = arith.constant 0 : i32
      %dma_wait3A_169 = tpu.memref_slice %arg6[%run_scoped3A, %dma_wait3A_167, %dma_wait3A_168] : memref<2x10x128xi32, #tpu.memory_space<vmem>> -> memref<1x2x128xi32, #tpu.memory_space<vmem>>
      %dma_wait3A_170 = tpu.memref_squeeze %dma_wait3A_169 : memref<1x2x128xi32, #tpu.memory_space<vmem>> -> memref<2x128xi32, #tpu.memory_space<vmem>>
      %dma_wait3A_171 = arith.constant 0 : i32
      %dma_wait3A_172 = tpu.memref_slice %arg3[%add3A_140, %dma_wait3A_171] : memref<25024x128xi32, #tpu.memory_space<hbm>> -> memref<2x128xi32, #tpu.memory_space<hbm>>
      %dma_wait3A_173 = arith.constant 0 : i32
      %dma_wait3A_174 = arith.constant 0 : i32
      %dma_wait3A_175 = tpu.memref_slice %arg6[%run_scoped3A, %dma_wait3A_173, %dma_wait3A_174] : memref<2x10x128xi32, #tpu.memory_space<vmem>> -> memref<1x2x128xi32, #tpu.memory_space<vmem>>
      %dma_wait3A_176 = tpu.memref_squeeze %dma_wait3A_175 : memref<1x2x128xi32, #tpu.memory_space<vmem>> -> memref<2x128xi32, #tpu.memory_space<vmem>>
      %dma_wait3A_177 = arith.constant 0 : i32
      %dma_wait3A_178 = tpu.memref_slice %arg3[%add3A_140, %dma_wait3A_177] : memref<25024x128xi32, #tpu.memory_space<hbm>> -> memref<2x128xi32, #tpu.memory_space<hbm>>
      tpu.wait_dma2 semaphore(%run_scoped3A_154 : memref<!tpu.dma_semaphore, #tpu.memory_space<semaphore_mem>>) src(%dma_wait3A_178 : memref<2x128xi32, #tpu.memory_space<hbm>>) dst(%dma_wait3A_176 : memref<2x128xi32, #tpu.memory_space<vmem>>)
      tpu.yield
    }) : () -> ()
    %run_scoped3A_141 = arith.constant 0 : i32
    "tpu.region"() ({
      %run_scoped3A_154 = tpu.sem_alloc : memref<!tpu.dma_semaphore, #tpu.memory_space<semaphore_mem>>
      %dma_start3A_155 = arith.constant 0 : i32
      %dma_start3A_156 = arith.constant 0 : i32
      %dma_start3A_157 = tpu.memref_slice %arg7[%run_scoped3A_141, %dma_start3A_155, %dma_start3A_156] : memref<2x10x128xi32, #tpu.memory_space<vmem>> -> memref<1x2x128xi32, #tpu.memory_space<vmem>>
      %dma_start3A_158 = tpu.memref_squeeze %dma_start3A_157 : memref<1x2x128xi32, #tpu.memory_space<vmem>> -> memref<2x128xi32, #tpu.memory_space<vmem>>
      %dma_start3A_159 = arith.constant 0 : i32
      %dma_start3A_160 = tpu.memref_slice %arg4[%add3A_140, %dma_start3A_159] : memref<25024x128xi32, #tpu.memory_space<hbm>> -> memref<2x128xi32, #tpu.memory_space<hbm>>
      %dma_start3A_161 = arith.constant 0 : i32
      %dma_start3A_162 = arith.constant 0 : i32
      %dma_start3A_163 = tpu.memref_slice %arg7[%run_scoped3A_141, %dma_start3A_161, %dma_start3A_162] : memref<2x10x128xi32, #tpu.memory_space<vmem>> -> memref<1x2x128xi32, #tpu.memory_space<vmem>>
      %dma_start3A_164 = tpu.memref_squeeze %dma_start3A_163 : memref<1x2x128xi32, #tpu.memory_space<vmem>> -> memref<2x128xi32, #tpu.memory_space<vmem>>
      %dma_start3A_165 = arith.constant 0 : i32
      %dma_start3A_166 = tpu.memref_slice %arg4[%add3A_140, %dma_start3A_165] : memref<25024x128xi32, #tpu.memory_space<hbm>> -> memref<2x128xi32, #tpu.memory_space<hbm>>
      tpu.enqueue_dma source(%dma_start3A_166 : memref<2x128xi32, #tpu.memory_space<hbm>>) target(%dma_start3A_164 : memref<2x128xi32, #tpu.memory_space<vmem>>) target_semaphore(%run_scoped3A_154 : memref<!tpu.dma_semaphore, #tpu.memory_space<semaphore_mem>>)
      %dma_wait3A_167 = arith.constant 0 : i32
      %dma_wait3A_168 = arith.constant 0 : i32
      %dma_wait3A_169 = tpu.memref_slice %arg7[%run_scoped3A_141, %dma_wait3A_167, %dma_wait3A_168] : memref<2x10x128xi32, #tpu.memory_space<vmem>> -> memref<1x2x128xi32, #tpu.memory_space<vmem>>
      %dma_wait3A_170 = tpu.memref_squeeze %dma_wait3A_169 : memref<1x2x128xi32, #tpu.memory_space<vmem>> -> memref<2x128xi32, #tpu.memory_space<vmem>>
      %dma_wait3A_171 = arith.constant 0 : i32
      %dma_wait3A_172 = tpu.memref_slice %arg4[%add3A_140, %dma_wait3A_171] : memref<25024x128xi32, #tpu.memory_space<hbm>> -> memref<2x128xi32, #tpu.memory_space<hbm>>
      %dma_wait3A_173 = arith.constant 0 : i32
      %dma_wait3A_174 = arith.constant 0 : i32
      %dma_wait3A_175 = tpu.memref_slice %arg7[%run_scoped3A_141, %dma_wait3A_173, %dma_wait3A_174] : memref<2x10x128xi32, #tpu.memory_space<vmem>> -> memref<1x2x128xi32, #tpu.memory_space<vmem>>
      %dma_wait3A_176 = tpu.memref_squeeze %dma_wait3A_175 : memref<1x2x128xi32, #tpu.memory_space<vmem>> -> memref<2x128xi32, #tpu.memory_space<vmem>>
      %dma_wait3A_177 = arith.constant 0 : i32
      %dma_wait3A_178 = tpu.memref_slice %arg4[%add3A_140, %dma_wait3A_177] : memref<25024x128xi32, #tpu.memory_space<hbm>> -> memref<2x128xi32, #tpu.memory_space<hbm>>
      tpu.wait_dma2 semaphore(%run_scoped3A_154 : memref<!tpu.dma_semaphore, #tpu.memory_space<semaphore_mem>>) src(%dma_wait3A_178 : memref<2x128xi32, #tpu.memory_space<hbm>>) dst(%dma_wait3A_176 : memref<2x128xi32, #tpu.memory_space<vmem>>)
      tpu.yield
    }) : () -> ()
    %scan3A_142 = arith.constant 0 : i32
    %scan3A_143 = arith.constant 0 : i32
    %scan3A_144 = arith.constant 2 : i32
    %scan3A_145 = arith.addi %scan3A_143, %scan3A_144 : i32
    %scan3A_146 = arith.constant 1 : i32
    %scan3A_147 = scf.for %scan3A_154 = %scan3A_143 to %scan3A_145 step %scan3A_146 iter_args(%scan3A_155 = %scan3A_142) -> (i32)  : i32 {
      %dma_start3A_156 = arith.constant 0 : i32
      %dma_start3A_157 = arith.constant 0 : i32
      %dma_start3A_158 = arith.constant 0 : i32
      %dma_start3A_159 = arith.constant 0 : i32
      %dma_start3A_160 = tpu.memref_slice %arg8[%dma_start3A_157, %dma_start3A_158, %dma_start3A_159] : memref<2x640x16xf32, #tpu.memory_space<vmem>> -> memref<1x128x16xf32, #tpu.memory_space<vmem>>
      %dma_start3A_161 = tpu.memref_squeeze %dma_start3A_160 : memref<1x128x16xf32, #tpu.memory_space<vmem>> -> memref<128x16xf32, #tpu.memory_space<vmem>>
      %dma_start3A_162 = arith.constant 0 : i32
      %dma_start3A_163 = tpu.memref_slice %arg6[%dma_start3A_156, %scan3A_154, %dma_start3A_162] : memref<2x10x128xi32, #tpu.memory_space<vmem>> -> memref<1x1x128xi32, #tpu.memory_space<vmem>>
      %dma_start3A_164 = tpu.memref_squeeze %dma_start3A_163 : memref<1x1x128xi32, #tpu.memory_space<vmem>> -> memref<128xi32, #tpu.memory_space<vmem>>
      %dma_start3A_165 = arith.constant 0 : i32
      %dma_start3A_166 = arith.constant 0 : i32
      %dma_start3A_167 = tpu.memref_slice %arg2[%dma_start3A_165, %dma_start3A_166] : memref<100000x16xf32, #tpu.memory_space<hbm>> -> memref<100000x16xf32, #tpu.memory_space<hbm>>
      tpu.enqueue_indirect_dma source(%dma_start3A_167 : memref<100000x16xf32, #tpu.memory_space<hbm>>) target(%dma_start3A_161 : memref<128x16xf32, #tpu.memory_space<vmem>>) offsets(%dma_start3A_164 : memref<128xi32, #tpu.memory_space<vmem>>) semaphore(%arg12 : memref<!tpu.dma_semaphore, #tpu.memory_space<semaphore_mem>>)
      %dma_wait3A_168 = arith.constant 0 : i32
      %dma_wait3A_169 = arith.constant 0 : i32
      %dma_wait3A_170 = arith.constant 0 : i32
      %dma_wait3A_171 = arith.constant 0 : i32
      %dma_wait3A_172 = tpu.memref_slice %arg8[%dma_wait3A_169, %dma_wait3A_170, %dma_wait3A_171] : memref<2x640x16xf32, #tpu.memory_space<vmem>> -> memref<1x128x16xf32, #tpu.memory_space<vmem>>
      %dma_wait3A_173 = tpu.memref_squeeze %dma_wait3A_172 : memref<1x128x16xf32, #tpu.memory_space<vmem>> -> memref<128x16xf32, #tpu.memory_space<vmem>>
      %dma_wait3A_174 = arith.constant 0 : i32
      %dma_wait3A_175 = tpu.memref_slice %arg6[%dma_wait3A_168, %scan3A_154, %dma_wait3A_174] : memref<2x10x128xi32, #tpu.memory_space<vmem>> -> memref<1x1x128xi32, #tpu.memory_space<vmem>>
      %dma_wait3A_176 = tpu.memref_squeeze %dma_wait3A_175 : memref<1x1x128xi32, #tpu.memory_space<vmem>> -> memref<128xi32, #tpu.memory_space<vmem>>
      %dma_wait3A_177 = arith.constant 0 : i32
      %dma_wait3A_178 = arith.constant 0 : i32
      %dma_wait3A_179 = tpu.memref_slice %arg2[%dma_wait3A_177, %dma_wait3A_178] : memref<100000x16xf32, #tpu.memory_space<hbm>> -> memref<100000x16xf32, #tpu.memory_space<hbm>>
      tpu.wait_indirect_dma semaphore(%arg12 : memref<!tpu.dma_semaphore, #tpu.memory_space<semaphore_mem>>) src(%dma_wait3A_179 : memref<100000x16xf32, #tpu.memory_space<hbm>>) dst(%dma_wait3A_173 : memref<128x16xf32, #tpu.memory_space<vmem>>)
      %dma_start3A_180 = arith.constant 0 : i32
      %dma_start3A_181 = arith.constant 0 : i32
      %dma_start3A_182 = arith.constant 0 : i32
      %dma_start3A_183 = arith.constant 0 : i32
      %dma_start3A_184 = tpu.memref_slice %arg8[%dma_start3A_180, %dma_start3A_182, %dma_start3A_183] : memref<2x640x16xf32, #tpu.memory_space<vmem>> -> memref<1x128x16xf32, #tpu.memory_space<vmem>>
      %dma_start3A_185 = tpu.memref_squeeze %dma_start3A_184 : memref<1x128x16xf32, #tpu.memory_space<vmem>> -> memref<128x16xf32, #tpu.memory_space<vmem>>
      %dma_start3A_186 = arith.constant 0 : i32
      %dma_start3A_187 = tpu.memref_slice %arg7[%dma_start3A_181, %scan3A_154, %dma_start3A_186] : memref<2x10x128xi32, #tpu.memory_space<vmem>> -> memref<1x1x128xi32, #tpu.memory_space<vmem>>
      %dma_start3A_188 = tpu.memref_squeeze %dma_start3A_187 : memref<1x1x128xi32, #tpu.memory_space<vmem>> -> memref<128xi32, #tpu.memory_space<vmem>>
      %dma_start3A_189 = arith.constant 0 : i32
      %dma_start3A_190 = arith.constant 0 : i32
      %dma_start3A_191 = tpu.memref_slice %arg11[%dma_start3A_189, %dma_start3A_190] : memref<100016x16xf32, #tpu.memory_space<vmem_shared>> -> memref<100016x16xf32, #tpu.memory_space<vmem_shared>>
      tpu.enqueue_indirect_dma source(%dma_start3A_185 : memref<128x16xf32, #tpu.memory_space<vmem>>) target(%dma_start3A_191 : memref<100016x16xf32, #tpu.memory_space<vmem_shared>>) offsets(%dma_start3A_188 : memref<128xi32, #tpu.memory_space<vmem>>) semaphore(%arg14 : memref<!tpu.dma_semaphore, #tpu.memory_space<semaphore_mem>>) {add = true}
      %dma_wait3A_192 = arith.constant 0 : i32
      %dma_wait3A_193 = arith.constant 0 : i32
      %dma_wait3A_194 = arith.constant 0 : i32
      %dma_wait3A_195 = arith.constant 0 : i32
      %dma_wait3A_196 = tpu.memref_slice %arg8[%dma_wait3A_192, %dma_wait3A_194, %dma_wait3A_195] : memref<2x640x16xf32, #tpu.memory_space<vmem>> -> memref<1x128x16xf32, #tpu.memory_space<vmem>>
      %dma_wait3A_197 = tpu.memref_squeeze %dma_wait3A_196 : memref<1x128x16xf32, #tpu.memory_space<vmem>> -> memref<128x16xf32, #tpu.memory_space<vmem>>
      %dma_wait3A_198 = arith.constant 0 : i32
      %dma_wait3A_199 = tpu.memref_slice %arg7[%dma_wait3A_193, %scan3A_154, %dma_wait3A_198] : memref<2x10x128xi32, #tpu.memory_space<vmem>> -> memref<1x1x128xi32, #tpu.memory_space<vmem>>
      %dma_wait3A_200 = tpu.memref_squeeze %dma_wait3A_199 : memref<1x1x128xi32, #tpu.memory_space<vmem>> -> memref<128xi32, #tpu.memory_space<vmem>>
      %dma_wait3A_201 = arith.constant 0 : i32
      %dma_wait3A_202 = arith.constant 0 : i32
      %dma_wait3A_203 = tpu.memref_slice %arg11[%dma_wait3A_201, %dma_wait3A_202] : memref<100016x16xf32, #tpu.memory_space<vmem_shared>> -> memref<100016x16xf32, #tpu.memory_space<vmem_shared>>
      tpu.wait_indirect_dma semaphore(%arg14 : memref<!tpu.dma_semaphore, #tpu.memory_space<semaphore_mem>>) src(%dma_wait3A_197 : memref<128x16xf32, #tpu.memory_space<vmem>>) dst(%dma_wait3A_203 : memref<100016x16xf32, #tpu.memory_space<vmem_shared>>)
      %scan3A_204 = arith.constant 0 : i32
      scf.yield %scan3A_204 : i32
    }
    %scan3A_148 = arith.constant 2 : i32
    %barrier3A_149 = arith.constant 0 : index
    tpu.barrier barrier_id(%barrier3A_149)
    %mul3A_150 = arith.constant 6250 : i32
    %mul3A_151 = arith.muli %arg1, %mul3A_150 : i32
    %mul3A_152 = arith.constant 6250 : i32
    %mul3A_153 = arith.muli %arg1, %mul3A_152 : i32
    "tpu.region"() ({
      %run_scoped3A_154 = tpu.sem_alloc : memref<!tpu.dma_semaphore, #tpu.memory_space<semaphore_mem>>
      %dma_start3A_155 = arith.constant 0 : i32
      %dma_start3A_156 = tpu.memref_slice %arg5[%arg0, %mul3A_153, %dma_start3A_155] : memref<2x100000x16xf32, #tpu.memory_space<hbm>> -> memref<1x6250x16xf32, #tpu.memory_space<hbm>>
      %dma_start3A_157 = tpu.memref_squeeze %dma_start3A_156 : memref<1x6250x16xf32, #tpu.memory_space<hbm>> -> memref<6250x16xf32, #tpu.memory_space<hbm>>
      %dma_start3A_158 = arith.constant 0 : i32
      %dma_start3A_159 = tpu.memref_slice %arg11[%mul3A_151, %dma_start3A_158] : memref<100016x16xf32, #tpu.memory_space<vmem_shared>> -> memref<6250x16xf32, #tpu.memory_space<vmem_shared>>
      tpu.enqueue_dma source(%dma_start3A_159 : memref<6250x16xf32, #tpu.memory_space<vmem_shared>>) target(%dma_start3A_157 : memref<6250x16xf32, #tpu.memory_space<hbm>>) target_semaphore(%run_scoped3A_154 : memref<!tpu.dma_semaphore, #tpu.memory_space<semaphore_mem>>)
      %dma_wait3A_160 = arith.constant 0 : i32
      %dma_wait3A_161 = tpu.memref_slice %arg5[%arg0, %mul3A_153, %dma_wait3A_160] : memref<2x100000x16xf32, #tpu.memory_space<hbm>> -> memref<1x6250x16xf32, #tpu.memory_space<hbm>>
      %dma_wait3A_162 = tpu.memref_squeeze %dma_wait3A_161 : memref<1x6250x16xf32, #tpu.memory_space<hbm>> -> memref<6250x16xf32, #tpu.memory_space<hbm>>
      %dma_wait3A_163 = arith.constant 0 : i32
      %dma_wait3A_164 = tpu.memref_slice %arg11[%mul3A_151, %dma_wait3A_163] : memref<100016x16xf32, #tpu.memory_space<vmem_shared>> -> memref<6250x16xf32, #tpu.memory_space<vmem_shared>>
      tpu.wait_dma2 semaphore(%run_scoped3A_154 : memref<!tpu.dma_semaphore, #tpu.memory_space<semaphore_mem>>) src(%dma_wait3A_164 : memref<6250x16xf32, #tpu.memory_space<vmem_shared>>) dst(%dma_wait3A_162 : memref<6250x16xf32, #tpu.memory_space<hbm>>)
      tpu.yield
    }) : () -> ()
    return
  }
}

#map = affine_map<(d0, d1) -> (0, 0)>
#map1 = affine_map<(d0, d1) -> (0, 0, 0)>
module attributes {stable_mosaic.version = 14 : i64} {
  func.func @k(%arg0: i32, %arg1: i32, %arg2: memref<100000x16xf32, #tpu.memory_space<hbm>>, %arg3: memref<25024x128xi32, #tpu.memory_space<hbm>>, %arg4: memref<25024x128xi32, #tpu.memory_space<hbm>>, %arg5: memref<2x100000x16xf32, #tpu.memory_space<hbm>>, %arg6: memref<2x10x128xi32, #tpu.memory_space<vmem>>, %arg7: memref<2x10x128xi32, #tpu.memory_space<vmem>>, %arg8: memref<2x640x16xf32, #tpu.memory_space<vmem>>, %arg9: memref<1x128xi32, #tpu.memory_space<vmem>>, %arg10: memref<133x16xf32, #tpu.memory_space<vmem>>, %arg11: memref<100016x16xf32, #tpu.memory_space<vmem_shared>>, %arg12: memref<!tpu.dma_semaphore, #tpu.memory_space<semaphore_mem>>, %arg13: memref<!tpu.dma_semaphore, #tpu.memory_space<semaphore_mem>>, %arg14: memref<!tpu.dma_semaphore, #tpu.memory_space<semaphore_mem>>, %arg15: memref<!tpu.dma_semaphore, #tpu.memory_space<semaphore_mem>>, %arg16: memref<!tpu.dma_semaphore, #tpu.memory_space<semaphore_mem>>, %arg17: memref<!tpu.dma_semaphore, #tpu.memory_space<semaphore_mem>>) attributes {dimension_semantics = [#tpu.dimension_semantics<core_parallel>, #tpu.dimension_semantics<subcore_parallel>], iteration_bounds = array<i64: 2, 16>, scalar_prefetch = 0 : i64, scratch_operands = 12 : i64, tpu.core_type = #tpu.core_type<sc_vector_subcore>, window_params = [{transform_indices = #map}, {transform_indices = #map}, {transform_indices = #map}, {transform_indices = #map1}]} {
    %mul3A = arith.constant 2 : i32
    %mul3A_0 = arith.muli %arg1, %mul3A : i32
    %add3A = arith.addi %mul3A_0, %arg0 : i32
    %scan3A = arith.constant 0 : i32
    %scan3A_1 = arith.constant 0 : i32
    %scan3A_2 = arith.constant 133 : i32
    %scan3A_3 = arith.addi %scan3A_1, %scan3A_2 : i32
    %scan3A_4 = arith.constant 1 : i32
    %scan3A_5 = scf.for %scan3A_154 = %scan3A_1 to %scan3A_3 step %scan3A_4 iter_args(%scan3A_155 = %scan3A) -> (i32)  : i32 {
      %broadcast_in_dim3A_156 = arith.constant 0.000000e+00 : f32
      %broadcast_in_dim3A_157 = vector.broadcast %broadcast_in_dim3A_156 : f32 to vector<16xf32>
      %swap3A_158 = arith.index_cast %scan3A_154 : i32 to index
      %swap3A_159 = arith.constant 0 : index
      %swap3A_160 = tpu.vector_load %arg10[%swap3A_158, %swap3A_159] {strides = array<i32>} : memref<133x16xf32, #tpu.memory_space<vmem>>, vector<16xf32>,
      tpu.vector_store %arg10[%swap3A_158, %swap3A_159], %broadcast_in_dim3A_157 {strides = array<i32>} : memref<133x16xf32, #tpu.memory_space<vmem>>, vector<16xf32>,
      %scan3A_161 = arith.constant 0 : i32
      scf.yield %scan3A_161 : i32
    }
    %scan3A_6 = arith.constant 133 : i32
    %scan3A_7 = arith.constant 0 : i32
    %scan3A_8 = arith.constant 0 : i32
    %scan3A_9 = arith.constant 47 : i32
    %scan3A_10 = arith.addi %scan3A_8, %scan3A_9 : i32
    %scan3A_11 = arith.constant 1 : i32
    %scan3A_12 = scf.for %scan3A_154 = %scan3A_8 to %scan3A_10 step %scan3A_11 iter_args(%scan3A_155 = %scan3A_7) -> (i32)  : i32 {
      %mul3A_156 = arith.constant 6251 : i32
      %mul3A_157 = arith.muli %arg1, %mul3A_156 : i32
      %mul3A_158 = arith.constant 133 : i32
      %mul3A_159 = arith.muli %scan3A_154, %mul3A_158 : i32
      %add3A_160 = arith.addi %mul3A_157, %mul3A_159 : i32
      "tpu.region"() ({
        %run_scoped3A_162 = tpu.sem_alloc : memref<!tpu.dma_semaphore, #tpu.memory_space<semaphore_mem>>
        %dma_start3A_163 = arith.constant 0 : i32
        %dma_start3A_164 = tpu.memref_slice %arg11[%add3A_160, %dma_start3A_163] : memref<100016x16xf32, #tpu.memory_space<vmem_shared>> -> memref<133x16xf32, #tpu.memory_space<vmem_shared>>
        %dma_start3A_165 = arith.constant 0 : i32
        %dma_start3A_166 = tpu.memref_slice %arg11[%add3A_160, %dma_start3A_165] : memref<100016x16xf32, #tpu.memory_space<vmem_shared>> -> memref<133x16xf32, #tpu.memory_space<vmem_shared>>
        tpu.enqueue_dma source(%arg10 : memref<133x16xf32, #tpu.memory_space<vmem>>) target(%dma_start3A_166 : memref<133x16xf32, #tpu.memory_space<vmem_shared>>) target_semaphore(%run_scoped3A_162 : memref<!tpu.dma_semaphore, #tpu.memory_space<semaphore_mem>>)
        %dma_wait3A_167 = arith.constant 0 : i32
        %dma_wait3A_168 = tpu.memref_slice %arg11[%add3A_160, %dma_wait3A_167] : memref<100016x16xf32, #tpu.memory_space<vmem_shared>> -> memref<133x16xf32, #tpu.memory_space<vmem_shared>>
        %dma_wait3A_169 = arith.constant 0 : i32
        %dma_wait3A_170 = tpu.memref_slice %arg11[%add3A_160, %dma_wait3A_169] : memref<100016x16xf32, #tpu.memory_space<vmem_shared>> -> memref<133x16xf32, #tpu.memory_space<vmem_shared>>
        tpu.wait_dma2 semaphore(%run_scoped3A_162 : memref<!tpu.dma_semaphore, #tpu.memory_space<semaphore_mem>>) src(%arg10 : memref<133x16xf32, #tpu.memory_space<vmem>>) dst(%dma_wait3A_170 : memref<133x16xf32, #tpu.memory_space<vmem_shared>>)
        tpu.yield
      }) : () -> ()
      %scan3A_161 = arith.constant 0 : i32
      scf.yield %scan3A_161 : i32
    }
    %scan3A_13 = arith.constant 47 : i32
    %broadcast_in_dim3A = arith.constant 100000 : i32
    %broadcast_in_dim3A_14 = vector.broadcast %broadcast_in_dim3A : i32 to vector<16xi32>
    %swap3A = arith.constant 0 : i32
    %swap3A_15 = arith.index_cast %swap3A : i32 to index
    %swap3A_16 = arith.constant 0 : index
    %swap3A_17 = tpu.vector_load %arg9[%swap3A_15, %swap3A_16] {strides = array<i32>} : memref<1x128xi32, #tpu.memory_space<vmem>>, vector<16xi32>,
    tpu.vector_store %arg9[%swap3A_15, %swap3A_16], %broadcast_in_dim3A_14 {strides = array<i32>} : memref<1x128xi32, #tpu.memory_space<vmem>>, vector<16xi32>,
    %broadcast_in_dim3A_18 = arith.constant 100000 : i32
    %broadcast_in_dim3A_19 = vector.broadcast %broadcast_in_dim3A_18 : i32 to vector<16xi32>
    %swap3A_20 = arith.constant 0 : i32
    %swap3A_21 = arith.index_cast %swap3A_20 : i32 to index
    %swap3A_22 = arith.constant 16 : index
    %swap3A_23 = tpu.vector_load %arg9[%swap3A_21, %swap3A_22] {strides = array<i32>} : memref<1x128xi32, #tpu.memory_space<vmem>>, vector<16xi32>,
    tpu.vector_store %arg9[%swap3A_21, %swap3A_22], %broadcast_in_dim3A_19 {strides = array<i32>} : memref<1x128xi32, #tpu.memory_space<vmem>>, vector<16xi32>,
    %broadcast_in_dim3A_24 = arith.constant 100000 : i32
    %broadcast_in_dim3A_25 = vector.broadcast %broadcast_in_dim3A_24 : i32 to vector<16xi32>
    %swap3A_26 = arith.constant 0 : i32
    %swap3A_27 = arith.index_cast %swap3A_26 : i32 to index
    %swap3A_28 = arith.constant 32 : index
    %swap3A_29 = tpu.vector_load %arg9[%swap3A_27, %swap3A_28] {strides = array<i32>} : memref<1x128xi32, #tpu.memory_space<vmem>>, vector<16xi32>,
    tpu.vector_store %arg9[%swap3A_27, %swap3A_28], %broadcast_in_dim3A_25 {strides = array<i32>} : memref<1x128xi32, #tpu.memory_space<vmem>>, vector<16xi32>,
    %broadcast_in_dim3A_30 = arith.constant 100000 : i32
    %broadcast_in_dim3A_31 = vector.broadcast %broadcast_in_dim3A_30 : i32 to vector<16xi32>
    %swap3A_32 = arith.constant 0 : i32
    %swap3A_33 = arith.index_cast %swap3A_32 : i32 to index
    %swap3A_34 = arith.constant 48 : index
    %swap3A_35 = tpu.vector_load %arg9[%swap3A_33, %swap3A_34] {strides = array<i32>} : memref<1x128xi32, #tpu.memory_space<vmem>>, vector<16xi32>,
    tpu.vector_store %arg9[%swap3A_33, %swap3A_34], %broadcast_in_dim3A_31 {strides = array<i32>} : memref<1x128xi32, #tpu.memory_space<vmem>>, vector<16xi32>,
    %broadcast_in_dim3A_36 = arith.constant 100000 : i32
    %broadcast_in_dim3A_37 = vector.broadcast %broadcast_in_dim3A_36 : i32 to vector<16xi32>
    %swap3A_38 = arith.constant 0 : i32
    %swap3A_39 = arith.index_cast %swap3A_38 : i32 to index
    %swap3A_40 = arith.constant 64 : index
    %swap3A_41 = tpu.vector_load %arg9[%swap3A_39, %swap3A_40] {strides = array<i32>} : memref<1x128xi32, #tpu.memory_space<vmem>>, vector<16xi32>,
    tpu.vector_store %arg9[%swap3A_39, %swap3A_40], %broadcast_in_dim3A_37 {strides = array<i32>} : memref<1x128xi32, #tpu.memory_space<vmem>>, vector<16xi32>,
    %broadcast_in_dim3A_42 = arith.constant 100000 : i32
    %broadcast_in_dim3A_43 = vector.broadcast %broadcast_in_dim3A_42 : i32 to vector<16xi32>
    %swap3A_44 = arith.constant 0 : i32
    %swap3A_45 = arith.index_cast %swap3A_44 : i32 to index
    %swap3A_46 = arith.constant 80 : index
    %swap3A_47 = tpu.vector_load %arg9[%swap3A_45, %swap3A_46] {strides = array<i32>} : memref<1x128xi32, #tpu.memory_space<vmem>>, vector<16xi32>,
    tpu.vector_store %arg9[%swap3A_45, %swap3A_46], %broadcast_in_dim3A_43 {strides = array<i32>} : memref<1x128xi32, #tpu.memory_space<vmem>>, vector<16xi32>,
    %broadcast_in_dim3A_48 = arith.constant 100000 : i32
    %broadcast_in_dim3A_49 = vector.broadcast %broadcast_in_dim3A_48 : i32 to vector<16xi32>
    %swap3A_50 = arith.constant 0 : i32
    %swap3A_51 = arith.index_cast %swap3A_50 : i32 to index
    %swap3A_52 = arith.constant 96 : index
    %swap3A_53 = tpu.vector_load %arg9[%swap3A_51, %swap3A_52] {strides = array<i32>} : memref<1x128xi32, #tpu.memory_space<vmem>>, vector<16xi32>,
    tpu.vector_store %arg9[%swap3A_51, %swap3A_52], %broadcast_in_dim3A_49 {strides = array<i32>} : memref<1x128xi32, #tpu.memory_space<vmem>>, vector<16xi32>,
    %broadcast_in_dim3A_54 = arith.constant 100000 : i32
    %broadcast_in_dim3A_55 = vector.broadcast %broadcast_in_dim3A_54 : i32 to vector<16xi32>
    %swap3A_56 = arith.constant 0 : i32
    %swap3A_57 = arith.index_cast %swap3A_56 : i32 to index
    %swap3A_58 = arith.constant 112 : index
    %swap3A_59 = tpu.vector_load %arg9[%swap3A_57, %swap3A_58] {strides = array<i32>} : memref<1x128xi32, #tpu.memory_space<vmem>>, vector<16xi32>,
    tpu.vector_store %arg9[%swap3A_57, %swap3A_58], %broadcast_in_dim3A_55 {strides = array<i32>} : memref<1x128xi32, #tpu.memory_space<vmem>>, vector<16xi32>,
    %scan3A_60 = arith.constant 0 : i32
    %scan3A_61 = arith.constant 0 : i32
    %scan3A_62 = arith.constant 1280 : i32
    %scan3A_63 = arith.addi %scan3A_61, %scan3A_62 : i32
    %scan3A_64 = arith.constant 1 : i32
    %scan3A_65 = scf.for %scan3A_154 = %scan3A_61 to %scan3A_63 step %scan3A_64 iter_args(%scan3A_155 = %scan3A_60) -> (i32)  : i32 {
      %jit3A = arith.constant 640 : i32
      %div3A = arith.divsi %scan3A_154, %jit3A : i32
      %sign3A = arith.constant 0 : i32
      %sign3A_156 = arith.cmpi sgt, %scan3A_154, %sign3A : i32
      %sign3A_157 = arith.extui %sign3A_156 : i1 to i32
      %sign3A_158 = arith.constant 0 : i32
      %sign3A_159 = arith.cmpi slt, %scan3A_154, %sign3A_158 : i32
      %sign3A_160 = arith.extui %sign3A_159 : i1 to i32
      %sign3A_161 = arith.subi %sign3A_157, %sign3A_160 : i32
      %sign3A_162 = arith.constant 0 : i32
      %sign3A_163 = arith.cmpi sgt, %jit3A, %sign3A_162 : i32
      %sign3A_164 = arith.extui %sign3A_163 : i1 to i32
      %sign3A_165 = arith.constant 0 : i32
      %sign3A_166 = arith.cmpi slt, %jit3A, %sign3A_165 : i32
      %sign3A_167 = arith.extui %sign3A_166 : i1 to i32
      %sign3A_168 = arith.subi %sign3A_164, %sign3A_167 : i32
      %ne3A = arith.cmpi ne, %sign3A_161, %sign3A_168 : i32
      %rem3A = arith.remsi %scan3A_154, %jit3A : i32
      %ne3A_169 = arith.constant 0 : i32
      %ne3A_170 = arith.cmpi ne, %rem3A, %ne3A_169 : i32
      %and3A = arith.andi %ne3A, %ne3A_170 : i1
      %sub3A = arith.constant 1 : i32
      %sub3A_171 = arith.subi %div3A, %sub3A : i32
      %select_n3A = arith.select %and3A, %sub3A_171, %div3A : i32
      %jit3A_172 = arith.constant 640 : i32
      %eq3A = arith.constant 0 : i32
      %eq3A_173 = arith.cmpi eq, %jit3A_172, %eq3A : i32
      %jit3A_174 = arith.constant 1 : i32
      %select_n3A_175 = arith.select %eq3A_173, %jit3A_174, %jit3A_172 : i32
      %rem3A_176 = arith.remsi %scan3A_154, %select_n3A_175 : i32
      %ne3A_177 = arith.constant 0 : i32
      %ne3A_178 = arith.cmpi ne, %rem3A_176, %ne3A_177 : i32
      %lt3A = arith.constant 0 : i32
      %lt3A_179 = arith.cmpi slt, %rem3A_176, %lt3A : i32
      %lt3A_180 = arith.constant 0 : i32
      %lt3A_181 = arith.cmpi slt, %select_n3A_175, %lt3A_180 : i32
      %ne3A_182 = arith.xori %lt3A_179, %lt3A_181 : i1
      %and3A_183 = arith.andi %ne3A_182, %ne3A_178 : i1
      %add3A_184 = arith.addi %rem3A_176, %select_n3A_175 : i32
      %select_n3A_185 = arith.select %and3A_183, %add3A_184, %rem3A_176 : i32
      %broadcast_in_dim3A_186 = arith.constant 0.000000e+00 : f32
      %broadcast_in_dim3A_187 = vector.broadcast %broadcast_in_dim3A_186 : f32 to vector<16xf32>
      %swap3A_188 = arith.index_cast %select_n3A : i32 to index
      %swap3A_189 = arith.index_cast %select_n3A_185 : i32 to index
      %swap3A_190 = arith.constant 0 : index
      %swap3A_191 = tpu.vector_load %arg8[%swap3A_188, %swap3A_189, %swap3A_190] {strides = array<i32>} : memref<2x640x16xf32, #tpu.memory_space<vmem>>, vector<16xf32>,
      tpu.vector_store %arg8[%swap3A_188, %swap3A_189, %swap3A_190], %broadcast_in_dim3A_187 {strides = array<i32>} : memref<2x640x16xf32, #tpu.memory_space<vmem>>, vector<16xf32>,
      %scan3A_192 = arith.constant 0 : i32
      scf.yield %scan3A_192 : i32
    }
    %scan3A_66 = arith.constant 1280 : i32
    %barrier3A = arith.constant 0 : index
    tpu.barrier barrier_id(%barrier3A)
    %scan3A_67 = arith.constant 0 : i32
    %scan3A_68 = arith.constant 0 : i32
    %scan3A_69 = arith.constant 5 : i32
    %scan3A_70 = arith.addi %scan3A_68, %scan3A_69 : i32
    %scan3A_71 = arith.constant 1 : i32
    %scan3A_72 = scf.for %scan3A_154 = %scan3A_68 to %scan3A_70 step %scan3A_71 iter_args(%scan3A_155 = %scan3A_67) -> (i32)  : i32 {
      %dma_start3A_156 = arith.constant 0 : i32
      %dma_start3A_157 = arith.constant 0 : i32
      %dma_start3A_158 = arith.constant 0 : i32
      %dma_start3A_159 = arith.constant 0 : i32
      %dma_start3A_160 = tpu.memref_slice %arg8[%dma_start3A_156, %dma_start3A_158, %dma_start3A_159] : memref<2x640x16xf32, #tpu.memory_space<vmem>> -> memref<1x128x16xf32, #tpu.memory_space<vmem>>
      %dma_start3A_161 = tpu.memref_squeeze %dma_start3A_160 : memref<1x128x16xf32, #tpu.memory_space<vmem>> -> memref<128x16xf32, #tpu.memory_space<vmem>>
      %dma_start3A_162 = arith.constant 0 : i32
      %dma_start3A_163 = tpu.memref_slice %arg9[%dma_start3A_157, %dma_start3A_162] : memref<1x128xi32, #tpu.memory_space<vmem>> -> memref<1x128xi32, #tpu.memory_space<vmem>>
      %dma_start3A_164 = tpu.memref_squeeze %dma_start3A_163 : memref<1x128xi32, #tpu.memory_space<vmem>> -> memref<128xi32, #tpu.memory_space<vmem>>
      %dma_start3A_165 = arith.constant 0 : i32
      %dma_start3A_166 = arith.constant 0 : i32
      %dma_start3A_167 = tpu.memref_slice %arg11[%dma_start3A_165, %dma_start3A_166] : memref<100016x16xf32, #tpu.memory_space<vmem_shared>> -> memref<100016x16xf32, #tpu.memory_space<vmem_shared>>
      tpu.enqueue_indirect_dma source(%dma_start3A_161 : memref<128x16xf32, #tpu.memory_space<vmem>>) target(%dma_start3A_167 : memref<100016x16xf32, #tpu.memory_space<vmem_shared>>) offsets(%dma_start3A_164 : memref<128xi32, #tpu.memory_space<vmem>>) semaphore(%arg14 : memref<!tpu.dma_semaphore, #tpu.memory_space<semaphore_mem>>) {add = true}
      %dma_start3A_168 = arith.constant 1 : i32
      %dma_start3A_169 = arith.constant 0 : i32
      %dma_start3A_170 = arith.constant 0 : i32
      %dma_start3A_171 = arith.constant 0 : i32
      %dma_start3A_172 = tpu.memref_slice %arg8[%dma_start3A_168, %dma_start3A_170, %dma_start3A_171] : memref<2x640x16xf32, #tpu.memory_space<vmem>> -> memref<1x128x16xf32, #tpu.memory_space<vmem>>
      %dma_start3A_173 = tpu.memref_squeeze %dma_start3A_172 : memref<1x128x16xf32, #tpu.memory_space<vmem>> -> memref<128x16xf32, #tpu.memory_space<vmem>>
      %dma_start3A_174 = arith.constant 0 : i32
      %dma_start3A_175 = tpu.memref_slice %arg9[%dma_start3A_169, %dma_start3A_174] : memref<1x128xi32, #tpu.memory_space<vmem>> -> memref<1x128xi32, #tpu.memory_space<vmem>>
      %dma_start3A_176 = tpu.memref_squeeze %dma_start3A_175 : memref<1x128xi32, #tpu.memory_space<vmem>> -> memref<128xi32, #tpu.memory_space<vmem>>
      %dma_start3A_177 = arith.constant 0 : i32
      %dma_start3A_178 = arith.constant 0 : i32
      %dma_start3A_179 = tpu.memref_slice %arg11[%dma_start3A_177, %dma_start3A_178] : memref<100016x16xf32, #tpu.memory_space<vmem_shared>> -> memref<100016x16xf32, #tpu.memory_space<vmem_shared>>
      tpu.enqueue_indirect_dma source(%dma_start3A_173 : memref<128x16xf32, #tpu.memory_space<vmem>>) target(%dma_start3A_179 : memref<100016x16xf32, #tpu.memory_space<vmem_shared>>) offsets(%dma_start3A_176 : memref<128xi32, #tpu.memory_space<vmem>>) semaphore(%arg15 : memref<!tpu.dma_semaphore, #tpu.memory_space<semaphore_mem>>) {add = true}
      %scan3A_180 = arith.constant 0 : i32
      scf.yield %scan3A_180 : i32
    }
    %scan3A_73 = arith.constant 5 : i32
    %mul3A_74 = arith.constant 782 : i32
    %mul3A_75 = arith.muli %add3A, %mul3A_74 : i32
    %add3A_76 = arith.constant 0 : i32
    %add3A_77 = arith.addi %mul3A_75, %add3A_76 : i32
    %dma_start3A = arith.constant 0 : i32
    %dma_start3A_78 = arith.constant 0 : i32
    %dma_start3A_79 = arith.constant 0 : i32
    %dma_start3A_80 = tpu.memref_slice %arg6[%dma_start3A, %dma_start3A_78, %dma_start3A_79] : memref<2x10x128xi32, #tpu.memory_space<vmem>> -> memref<1x10x128xi32, #tpu.memory_space<vmem>>
    %dma_start3A_81 = tpu.memref_squeeze %dma_start3A_80 : memref<1x10x128xi32, #tpu.memory_space<vmem>> -> memref<10x128xi32, #tpu.memory_space<vmem>>
    %dma_start3A_82 = arith.constant 0 : i32
    %dma_start3A_83 = tpu.memref_slice %arg3[%add3A_77, %dma_start3A_82] : memref<25024x128xi32, #tpu.memory_space<hbm>> -> memref<10x128xi32, #tpu.memory_space<hbm>>
    %dma_start3A_84 = arith.constant 0 : i32
    %dma_start3A_85 = arith.constant 0 : i32
    %dma_start3A_86 = tpu.memref_slice %arg6[%dma_start3A, %dma_start3A_84, %dma_start3A_85] : memref<2x10x128xi32, #tpu.memory_space<vmem>> -> memref<1x10x128xi32, #tpu.memory_space<vmem>>
    %dma_start3A_87 = tpu.memref_squeeze %dma_start3A_86 : memref<1x10x128xi32, #tpu.memory_space<vmem>> -> memref<10x128xi32, #tpu.memory_space<vmem>>
    %dma_start3A_88 = arith.constant 0 : i32
    %dma_start3A_89 = tpu.memref_slice %arg3[%add3A_77, %dma_start3A_88] : memref<25024x128xi32, #tpu.memory_space<hbm>> -> memref<10x128xi32, #tpu.memory_space<hbm>>
    tpu.enqueue_dma source(%dma_start3A_89 : memref<10x128xi32, #tpu.memory_space<hbm>>) target(%dma_start3A_87 : memref<10x128xi32, #tpu.memory_space<vmem>>) target_semaphore(%arg16 : memref<!tpu.dma_semaphore, #tpu.memory_space<semaphore_mem>>)
    %dma_start3A_90 = arith.constant 0 : i32
    %dma_start3A_91 = arith.constant 0 : i32
    %dma_start3A_92 = arith.constant 0 : i32
    %dma_start3A_93 = tpu.memref_slice %arg7[%dma_start3A_90, %dma_start3A_91, %dma_start3A_92] : memref<2x10x128xi32, #tpu.memory_space<vmem>> -> memref<1x10x128xi32, #tpu.memory_space<vmem>>
    %dma_start3A_94 = tpu.memref_squeeze %dma_start3A_93 : memref<1x10x128xi32, #tpu.memory_space<vmem>> -> memref<10x128xi32, #tpu.memory_space<vmem>>
    %dma_start3A_95 = arith.constant 0 : i32
    %dma_start3A_96 = tpu.memref_slice %arg4[%add3A_77, %dma_start3A_95] : memref<25024x128xi32, #tpu.memory_space<hbm>> -> memref<10x128xi32, #tpu.memory_space<hbm>>
    %dma_start3A_97 = arith.constant 0 : i32
    %dma_start3A_98 = arith.constant 0 : i32
    %dma_start3A_99 = tpu.memref_slice %arg7[%dma_start3A_90, %dma_start3A_97, %dma_start3A_98] : memref<2x10x128xi32, #tpu.memory_space<vmem>> -> memref<1x10x128xi32, #tpu.memory_space<vmem>>
    %dma_start3A_100 = tpu.memref_squeeze %dma_start3A_99 : memref<1x10x128xi32, #tpu.memory_space<vmem>> -> memref<10x128xi32, #tpu.memory_space<vmem>>
    %dma_start3A_101 = arith.constant 0 : i32
    %dma_start3A_102 = tpu.memref_slice %arg4[%add3A_77, %dma_start3A_101] : memref<25024x128xi32, #tpu.memory_space<hbm>> -> memref<10x128xi32, #tpu.memory_space<hbm>>
    tpu.enqueue_dma source(%dma_start3A_102 : memref<10x128xi32, #tpu.memory_space<hbm>>) target(%dma_start3A_100 : memref<10x128xi32, #tpu.memory_space<vmem>>) target_semaphore(%arg16 : memref<!tpu.dma_semaphore, #tpu.memory_space<semaphore_mem>>)
    %scan3A_103 = arith.constant 0 : i32
    %scan3A_104 = arith.constant 0 : i32
    %scan3A_105 = arith.constant 39 : i32
    %scan3A_106 = arith.addi %scan3A_104, %scan3A_105 : i32
    %scan3A_107 = arith.constant 1 : i32
    %scan3A_108 = scf.for %scan3A_154 = %scan3A_104 to %scan3A_106 step %scan3A_107 iter_args(%scan3A_155 = %scan3A_103) -> (i32)  : i32 {
      %mul3A_156 = arith.constant 2 : i32
      %mul3A_157 = arith.muli %mul3A_156, %scan3A_154 : i32
      %add3A_158 = arith.constant 0 : i32
      %add3A_159 = arith.addi %mul3A_157, %add3A_158 : i32
      %add3A_160 = arith.constant 1 : i32
      %add3A_161 = arith.addi %add3A_159, %add3A_160 : i32
      %lt3A = arith.constant 78 : i32
      %lt3A_162 = arith.cmpi slt, %add3A_161, %lt3A : i32
      %convert_element_type3A = arith.extui %lt3A_162 : i1 to i32
      %cond3A = arith.constant 0 : i32
      %cond3A_163 = arith.cmpi ne, %convert_element_type3A, %cond3A : i32
      scf.if %cond3A_163 {
        %add3A_1076 = arith.constant 1 : i32
        %add3A_1077 = arith.addi %add3A_159, %add3A_1076 : i32
        %mul3A_1078 = arith.constant 10 : i32
        %mul3A_1079 = arith.muli %add3A_1077, %mul3A_1078 : i32
        %add3A_1080 = arith.addi %mul3A_75, %mul3A_1079 : i32
        %dma_start3A_1081 = arith.constant 1 : i32
        %dma_start3A_1082 = arith.constant 0 : i32
        %dma_start3A_1083 = arith.constant 0 : i32
        %dma_start3A_1084 = tpu.memref_slice %arg6[%dma_start3A_1081, %dma_start3A_1082, %dma_start3A_1083] : memref<2x10x128xi32, #tpu.memory_space<vmem>> -> memref<1x10x128xi32, #tpu.memory_space<vmem>>
        %dma_start3A_1085 = tpu.memref_squeeze %dma_start3A_1084 : memref<1x10x128xi32, #tpu.memory_space<vmem>> -> memref<10x128xi32, #tpu.memory_space<vmem>>
        %dma_start3A_1086 = arith.constant 0 : i32
        %dma_start3A_1087 = tpu.memref_slice %arg3[%add3A_1080, %dma_start3A_1086] : memref<25024x128xi32, #tpu.memory_space<hbm>> -> memref<10x128xi32, #tpu.memory_space<hbm>>
        %dma_start3A_1088 = arith.constant 0 : i32
        %dma_start3A_1089 = arith.constant 0 : i32
        %dma_start3A_1090 = tpu.memref_slice %arg6[%dma_start3A_1081, %dma_start3A_1088, %dma_start3A_1089] : memref<2x10x128xi32, #tpu.memory_space<vmem>> -> memref<1x10x128xi32, #tpu.memory_space<vmem>>
        %dma_start3A_1091 = tpu.memref_squeeze %dma_start3A_1090 : memref<1x10x128xi32, #tpu.memory_space<vmem>> -> memref<10x128xi32, #tpu.memory_space<vmem>>
        %dma_start3A_1092 = arith.constant 0 : i32
        %dma_start3A_1093 = tpu.memref_slice %arg3[%add3A_1080, %dma_start3A_1092] : memref<25024x128xi32, #tpu.memory_space<hbm>> -> memref<10x128xi32, #tpu.memory_space<hbm>>
        tpu.enqueue_dma source(%dma_start3A_1093 : memref<10x128xi32, #tpu.memory_space<hbm>>) target(%dma_start3A_1091 : memref<10x128xi32, #tpu.memory_space<vmem>>) target_semaphore(%arg17 : memref<!tpu.dma_semaphore, #tpu.memory_space<semaphore_mem>>)
        %dma_start3A_1094 = arith.constant 1 : i32
        %dma_start3A_1095 = arith.constant 0 : i32
        %dma_start3A_1096 = arith.constant 0 : i32
        %dma_start3A_1097 = tpu.memref_slice %arg7[%dma_start3A_1094, %dma_start3A_1095, %dma_start3A_1096] : memref<2x10x128xi32, #tpu.memory_space<vmem>> -> memref<1x10x128xi32, #tpu.memory_space<vmem>>
        %dma_start3A_1098 = tpu.memref_squeeze %dma_start3A_1097 : memref<1x10x128xi32, #tpu.memory_space<vmem>> -> memref<10x128xi32, #tpu.memory_space<vmem>>
        %dma_start3A_1099 = arith.constant 0 : i32
        %dma_start3A_1100 = tpu.memref_slice %arg4[%add3A_1080, %dma_start3A_1099] : memref<25024x128xi32, #tpu.memory_space<hbm>> -> memref<10x128xi32, #tpu.memory_space<hbm>>
        %dma_start3A_1101 = arith.constant 0 : i32
        %dma_start3A_1102 = arith.constant 0 : i32
        %dma_start3A_1103 = tpu.memref_slice %arg7[%dma_start3A_1094, %dma_start3A_1101, %dma_start3A_1102] : memref<2x10x128xi32, #tpu.memory_space<vmem>> -> memref<1x10x128xi32, #tpu.memory_space<vmem>>
        %dma_start3A_1104 = tpu.memref_squeeze %dma_start3A_1103 : memref<1x10x128xi32, #tpu.memory_space<vmem>> -> memref<10x128xi32, #tpu.memory_space<vmem>>
        %dma_start3A_1105 = arith.constant 0 : i32
        %dma_start3A_1106 = tpu.memref_slice %arg4[%add3A_1080, %dma_start3A_1105] : memref<25024x128xi32, #tpu.memory_space<hbm>> -> memref<10x128xi32, #tpu.memory_space<hbm>>
        tpu.enqueue_dma source(%dma_start3A_1106 : memref<10x128xi32, #tpu.memory_space<hbm>>) target(%dma_start3A_1104 : memref<10x128xi32, #tpu.memory_space<vmem>>) target_semaphore(%arg17 : memref<!tpu.dma_semaphore, #tpu.memory_space<semaphore_mem>>)
      } else {
      }
      %dma_wait3A_164 = arith.constant 0 : i32
      %dma_wait3A_165 = arith.constant 0 : i32
      %dma_wait3A_166 = arith.constant 0 : i32
      %dma_wait3A_167 = tpu.memref_slice %arg6[%dma_wait3A_164, %dma_wait3A_165, %dma_wait3A_166] : memref<2x10x128xi32, #tpu.memory_space<vmem>> -> memref<1x10x128xi32, #tpu.memory_space<vmem>>
      %dma_wait3A_168 = tpu.memref_squeeze %dma_wait3A_167 : memref<1x10x128xi32, #tpu.memory_space<vmem>> -> memref<10x128xi32, #tpu.memory_space<vmem>>
      %dma_wait3A_169 = arith.constant 0 : i32
      %dma_wait3A_170 = arith.constant 0 : i32
      %dma_wait3A_171 = tpu.memref_slice %arg3[%dma_wait3A_169, %dma_wait3A_170] : memref<25024x128xi32, #tpu.memory_space<hbm>> -> memref<10x128xi32, #tpu.memory_space<hbm>>
      %dma_wait3A_172 = arith.constant 0 : i32
      %dma_wait3A_173 = arith.constant 0 : i32
      %dma_wait3A_174 = tpu.memref_slice %arg6[%dma_wait3A_164, %dma_wait3A_172, %dma_wait3A_173] : memref<2x10x128xi32, #tpu.memory_space<vmem>> -> memref<1x10x128xi32, #tpu.memory_space<vmem>>
      %dma_wait3A_175 = tpu.memref_squeeze %dma_wait3A_174 : memref<1x10x128xi32, #tpu.memory_space<vmem>> -> memref<10x128xi32, #tpu.memory_space<vmem>>
      %dma_wait3A_176 = arith.constant 0 : i32
      %dma_wait3A_177 = arith.constant 0 : i32
      %dma_wait3A_178 = tpu.memref_slice %arg3[%dma_wait3A_176, %dma_wait3A_177] : memref<25024x128xi32, #tpu.memory_space<hbm>> -> memref<10x128xi32, #tpu.memory_space<hbm>>
      tpu.wait_dma2 semaphore(%arg16 : memref<!tpu.dma_semaphore, #tpu.memory_space<semaphore_mem>>) src(%dma_wait3A_178 : memref<10x128xi32, #tpu.memory_space<hbm>>) dst(%dma_wait3A_175 : memref<10x128xi32, #tpu.memory_space<vmem>>)
      %dma_wait3A_179 = arith.constant 0 : i32
      %dma_wait3A_180 = arith.constant 0 : i32
      %dma_wait3A_181 = arith.constant 0 : i32
      %dma_wait3A_182 = tpu.memref_slice %arg7[%dma_wait3A_179, %dma_wait3A_180, %dma_wait3A_181] : memref<2x10x128xi32, #tpu.memory_space<vmem>> -> memref<1x10x128xi32, #tpu.memory_space<vmem>>
      %dma_wait3A_183 = tpu.memref_squeeze %dma_wait3A_182 : memref<1x10x128xi32, #tpu.memory_space<vmem>> -> memref<10x128xi32, #tpu.memory_space<vmem>>
      %dma_wait3A_184 = arith.constant 0 : i32
      %dma_wait3A_185 = arith.constant 0 : i32
      %dma_wait3A_186 = tpu.memref_slice %arg4[%dma_wait3A_184, %dma_wait3A_185] : memref<25024x128xi32, #tpu.memory_space<hbm>> -> memref<10x128xi32, #tpu.memory_space<hbm>>
      %dma_wait3A_187 = arith.constant 0 : i32
      %dma_wait3A_188 = arith.constant 0 : i32
      %dma_wait3A_189 = tpu.memref_slice %arg7[%dma_wait3A_179, %dma_wait3A_187, %dma_wait3A_188] : memref<2x10x128xi32, #tpu.memory_space<vmem>> -> memref<1x10x128xi32, #tpu.memory_space<vmem>>
      %dma_wait3A_190 = tpu.memref_squeeze %dma_wait3A_189 : memref<1x10x128xi32, #tpu.memory_space<vmem>> -> memref<10x128xi32, #tpu.memory_space<vmem>>
      %dma_wait3A_191 = arith.constant 0 : i32
      %dma_wait3A_192 = arith.constant 0 : i32
      %dma_wait3A_193 = tpu.memref_slice %arg4[%dma_wait3A_191, %dma_wait3A_192] : memref<25024x128xi32, #tpu.memory_space<hbm>> -> memref<10x128xi32, #tpu.memory_space<hbm>>
      tpu.wait_dma2 semaphore(%arg16 : memref<!tpu.dma_semaphore, #tpu.memory_space<semaphore_mem>>) src(%dma_wait3A_193 : memref<10x128xi32, #tpu.memory_space<hbm>>) dst(%dma_wait3A_190 : memref<10x128xi32, #tpu.memory_space<vmem>>)
      %dma_wait3A_194 = arith.constant 0 : i32
      %dma_wait3A_195 = arith.constant 0 : i32
      %dma_wait3A_196 = arith.constant 0 : i32
      %dma_wait3A_197 = tpu.memref_slice %arg8[%dma_wait3A_194, %dma_wait3A_195, %dma_wait3A_196] : memref<2x640x16xf32, #tpu.memory_space<vmem>> -> memref<1x640x16xf32, #tpu.memory_space<vmem>>
      %dma_wait3A_198 = tpu.memref_squeeze %dma_wait3A_197 : memref<1x640x16xf32, #tpu.memory_space<vmem>> -> memref<640x16xf32, #tpu.memory_space<vmem>>
      %dma_wait3A_199 = arith.constant 0 : i32
      %dma_wait3A_200 = arith.constant 0 : i32
      %dma_wait3A_201 = tpu.memref_slice %arg2[%dma_wait3A_199, %dma_wait3A_200] : memref<100000x16xf32, #tpu.memory_space<hbm>> -> memref<640x16xf32, #tpu.memory_space<hbm>>
      %dma_wait3A_202 = arith.constant 0 : i32
      %dma_wait3A_203 = arith.constant 0 : i32
      %dma_wait3A_204 = tpu.memref_slice %arg8[%dma_wait3A_194, %dma_wait3A_202, %dma_wait3A_203] : memref<2x640x16xf32, #tpu.memory_space<vmem>> -> memref<1x640x16xf32, #tpu.memory_space<vmem>>
      %dma_wait3A_205 = tpu.memref_squeeze %dma_wait3A_204 : memref<1x640x16xf32, #tpu.memory_space<vmem>> -> memref<640x16xf32, #tpu.memory_space<vmem>>
      %dma_wait3A_206 = arith.constant 0 : i32
      %dma_wait3A_207 = arith.constant 0 : i32
      %dma_wait3A_208 = tpu.memref_slice %arg2[%dma_wait3A_206, %dma_wait3A_207] : memref<100000x16xf32, #tpu.memory_space<hbm>> -> memref<640x16xf32, #tpu.memory_space<hbm>>
      tpu.wait_dma2 semaphore(%arg14 : memref<!tpu.dma_semaphore, #tpu.memory_space<semaphore_mem>>) src(%dma_wait3A_208 : memref<640x16xf32, #tpu.memory_space<hbm>>) dst(%dma_wait3A_205 : memref<640x16xf32, #tpu.memory_space<vmem>>)
      %dma_start3A_209 = arith.constant 0 : i32
      %dma_start3A_210 = arith.constant 0 : i32
      %dma_start3A_211 = arith.constant 0 : i32
      %dma_start3A_212 = arith.constant 0 : i32
      %dma_start3A_213 = arith.constant 0 : i32
      %dma_start3A_214 = tpu.memref_slice %arg8[%dma_start3A_211, %dma_start3A_212, %dma_start3A_213] : memref<2x640x16xf32, #tpu.memory_space<vmem>> -> memref<1x128x16xf32, #tpu.memory_space<vmem>>
      %dma_start3A_215 = tpu.memref_squeeze %dma_start3A_214 : memref<1x128x16xf32, #tpu.memory_space<vmem>> -> memref<128x16xf32, #tpu.memory_space<vmem>>
      %dma_start3A_216 = arith.constant 0 : i32
      %dma_start3A_217 = tpu.memref_slice %arg6[%dma_start3A_209, %dma_start3A_210, %dma_start3A_216] : memref<2x10x128xi32, #tpu.memory_space<vmem>> -> memref<1x1x128xi32, #tpu.memory_space<vmem>>
      %dma_start3A_218 = tpu.memref_squeeze %dma_start3A_217 : memref<1x1x128xi32, #tpu.memory_space<vmem>> -> memref<128xi32, #tpu.memory_space<vmem>>
      %dma_start3A_219 = arith.constant 0 : i32
      %dma_start3A_220 = arith.constant 0 : i32
      %dma_start3A_221 = tpu.memref_slice %arg2[%dma_start3A_219, %dma_start3A_220] : memref<100000x16xf32, #tpu.memory_space<hbm>> -> memref<100000x16xf32, #tpu.memory_space<hbm>>
      tpu.enqueue_indirect_dma source(%dma_start3A_221 : memref<100000x16xf32, #tpu.memory_space<hbm>>) target(%dma_start3A_215 : memref<128x16xf32, #tpu.memory_space<vmem>>) offsets(%dma_start3A_218 : memref<128xi32, #tpu.memory_space<vmem>>) semaphore(%arg12 : memref<!tpu.dma_semaphore, #tpu.memory_space<semaphore_mem>>)
      %dma_start3A_222 = arith.constant 0 : i32
      %dma_start3A_223 = arith.constant 1 : i32
      %dma_start3A_224 = arith.constant 0 : i32
      %dma_start3A_225 = arith.constant 128 : i32
      %dma_start3A_226 = arith.constant 0 : i32
      %dma_start3A_227 = tpu.memref_slice %arg8[%dma_start3A_224, %dma_start3A_225, %dma_start3A_226] : memref<2x640x16xf32, #tpu.memory_space<vmem>> -> memref<1x128x16xf32, #tpu.memory_space<vmem>>
      %dma_start3A_228 = tpu.memref_squeeze %dma_start3A_227 : memref<1x128x16xf32, #tpu.memory_space<vmem>> -> memref<128x16xf32, #tpu.memory_space<vmem>>
      %dma_start3A_229 = arith.constant 0 : i32
      %dma_start3A_230 = tpu.memref_slice %arg6[%dma_start3A_222, %dma_start3A_223, %dma_start3A_229] : memref<2x10x128xi32, #tpu.memory_space<vmem>> -> memref<1x1x128xi32, #tpu.memory_space<vmem>>
      %dma_start3A_231 = tpu.memref_squeeze %dma_start3A_230 : memref<1x1x128xi32, #tpu.memory_space<vmem>> -> memref<128xi32, #tpu.memory_space<vmem>>
      %dma_start3A_232 = arith.constant 0 : i32
      %dma_start3A_233 = arith.constant 0 : i32
      %dma_start3A_234 = tpu.memref_slice %arg2[%dma_start3A_232, %dma_start3A_233] : memref<100000x16xf32, #tpu.memory_space<hbm>> -> memref<100000x16xf32, #tpu.memory_space<hbm>>
      tpu.enqueue_indirect_dma source(%dma_start3A_234 : memref<100000x16xf32, #tpu.memory_space<hbm>>) target(%dma_start3A_228 : memref<128x16xf32, #tpu.memory_space<vmem>>) offsets(%dma_start3A_231 : memref<128xi32, #tpu.memory_space<vmem>>) semaphore(%arg12 : memref<!tpu.dma_semaphore, #tpu.memory_space<semaphore_mem>>)
      %dma_start3A_235 = arith.constant 0 : i32
      %dma_start3A_236 = arith.constant 2 : i32
      %dma_start3A_237 = arith.constant 0 : i32
      %dma_start3A_238 = arith.constant 256 : i32
      %dma_start3A_239 = arith.constant 0 : i32
      %dma_start3A_240 = tpu.memref_slice %arg8[%dma_start3A_237, %dma_start3A_238, %dma_start3A_239] : memref<2x640x16xf32, #tpu.memory_space<vmem>> -> memref<1x128x16xf32, #tpu.memory_space<vmem>>
      %dma_start3A_241 = tpu.memref_squeeze %dma_start3A_240 : memref<1x128x16xf32, #tpu.memory_space<vmem>> -> memref<128x16xf32, #tpu.memory_space<vmem>>
      %dma_start3A_242 = arith.constant 0 : i32
      %dma_start3A_243 = tpu.memref_slice %arg6[%dma_start3A_235, %dma_start3A_236, %dma_start3A_242] : memref<2x10x128xi32, #tpu.memory_space<vmem>> -> memref<1x1x128xi32, #tpu.memory_space<vmem>>
      %dma_start3A_244 = tpu.memref_squeeze %dma_start3A_243 : memref<1x1x128xi32, #tpu.memory_space<vmem>> -> memref<128xi32, #tpu.memory_space<vmem>>
      %dma_start3A_245 = arith.constant 0 : i32
      %dma_start3A_246 = arith.constant 0 : i32
      %dma_start3A_247 = tpu.memref_slice %arg2[%dma_start3A_245, %dma_start3A_246] : memref<100000x16xf32, #tpu.memory_space<hbm>> -> memref<100000x16xf32, #tpu.memory_space<hbm>>
      tpu.enqueue_indirect_dma source(%dma_start3A_247 : memref<100000x16xf32, #tpu.memory_space<hbm>>) target(%dma_start3A_241 : memref<128x16xf32, #tpu.memory_space<vmem>>) offsets(%dma_start3A_244 : memref<128xi32, #tpu.memory_space<vmem>>) semaphore(%arg12 : memref<!tpu.dma_semaphore, #tpu.memory_space<semaphore_mem>>)
      %dma_start3A_248 = arith.constant 0 : i32
      %dma_start3A_249 = arith.constant 3 : i32
      %dma_start3A_250 = arith.constant 0 : i32
      %dma_start3A_251 = arith.constant 384 : i32
      %dma_start3A_252 = arith.constant 0 : i32
      %dma_start3A_253 = tpu.memref_slice %arg8[%dma_start3A_250, %dma_start3A_251, %dma_start3A_252] : memref<2x640x16xf32, #tpu.memory_space<vmem>> -> memref<1x128x16xf32, #tpu.memory_space<vmem>>
      %dma_start3A_254 = tpu.memref_squeeze %dma_start3A_253 : memref<1x128x16xf32, #tpu.memory_space<vmem>> -> memref<128x16xf32, #tpu.memory_space<vmem>>
      %dma_start3A_255 = arith.constant 0 : i32
      %dma_start3A_256 = tpu.memref_slice %arg6[%dma_start3A_248, %dma_start3A_249, %dma_start3A_255] : memref<2x10x128xi32, #tpu.memory_space<vmem>> -> memref<1x1x128xi32, #tpu.memory_space<vmem>>
      %dma_start3A_257 = tpu.memref_squeeze %dma_start3A_256 : memref<1x1x128xi32, #tpu.memory_space<vmem>> -> memref<128xi32, #tpu.memory_space<vmem>>
      %dma_start3A_258 = arith.constant 0 : i32
      %dma_start3A_259 = arith.constant 0 : i32
      %dma_start3A_260 = tpu.memref_slice %arg2[%dma_start3A_258, %dma_start3A_259] : memref<100000x16xf32, #tpu.memory_space<hbm>> -> memref<100000x16xf32, #tpu.memory_space<hbm>>
      tpu.enqueue_indirect_dma source(%dma_start3A_260 : memref<100000x16xf32, #tpu.memory_space<hbm>>) target(%dma_start3A_254 : memref<128x16xf32, #tpu.memory_space<vmem>>) offsets(%dma_start3A_257 : memref<128xi32, #tpu.memory_space<vmem>>) semaphore(%arg12 : memref<!tpu.dma_semaphore, #tpu.memory_space<semaphore_mem>>)
      %dma_start3A_261 = arith.constant 0 : i32
      %dma_start3A_262 = arith.constant 4 : i32
      %dma_start3A_263 = arith.constant 0 : i32
      %dma_start3A_264 = arith.constant 512 : i32
      %dma_start3A_265 = arith.constant 0 : i32
      %dma_start3A_266 = tpu.memref_slice %arg8[%dma_start3A_263, %dma_start3A_264, %dma_start3A_265] : memref<2x640x16xf32, #tpu.memory_space<vmem>> -> memref<1x128x16xf32, #tpu.memory_space<vmem>>
      %dma_start3A_267 = tpu.memref_squeeze %dma_start3A_266 : memref<1x128x16xf32, #tpu.memory_space<vmem>> -> memref<128x16xf32, #tpu.memory_space<vmem>>
      %dma_start3A_268 = arith.constant 0 : i32
      %dma_start3A_269 = tpu.memref_slice %arg6[%dma_start3A_261, %dma_start3A_262, %dma_start3A_268] : memref<2x10x128xi32, #tpu.memory_space<vmem>> -> memref<1x1x128xi32, #tpu.memory_space<vmem>>
      %dma_start3A_270 = tpu.memref_squeeze %dma_start3A_269 : memref<1x1x128xi32, #tpu.memory_space<vmem>> -> memref<128xi32, #tpu.memory_space<vmem>>
      %dma_start3A_271 = arith.constant 0 : i32
      %dma_start3A_272 = arith.constant 0 : i32
      %dma_start3A_273 = tpu.memref_slice %arg2[%dma_start3A_271, %dma_start3A_272] : memref<100000x16xf32, #tpu.memory_space<hbm>> -> memref<100000x16xf32, #tpu.memory_space<hbm>>
      tpu.enqueue_indirect_dma source(%dma_start3A_273 : memref<100000x16xf32, #tpu.memory_space<hbm>>) target(%dma_start3A_267 : memref<128x16xf32, #tpu.memory_space<vmem>>) offsets(%dma_start3A_270 : memref<128xi32, #tpu.memory_space<vmem>>) semaphore(%arg12 : memref<!tpu.dma_semaphore, #tpu.memory_space<semaphore_mem>>)
      %dma_wait3A_274 = arith.constant 0 : i32
      %dma_wait3A_275 = arith.constant 0 : i32
      %dma_wait3A_276 = arith.constant 0 : i32
      %dma_wait3A_277 = arith.constant 0 : i32
      %dma_wait3A_278 = arith.constant 0 : i32
      %dma_wait3A_279 = tpu.memref_slice %arg8[%dma_wait3A_276, %dma_wait3A_277, %dma_wait3A_278] : memref<2x640x16xf32, #tpu.memory_space<vmem>> -> memref<1x128x16xf32, #tpu.memory_space<vmem>>
      %dma_wait3A_280 = tpu.memref_squeeze %dma_wait3A_279 : memref<1x128x16xf32, #tpu.memory_space<vmem>> -> memref<128x16xf32, #tpu.memory_space<vmem>>
      %dma_wait3A_281 = arith.constant 0 : i32
      %dma_wait3A_282 = tpu.memref_slice %arg6[%dma_wait3A_274, %dma_wait3A_275, %dma_wait3A_281] : memref<2x10x128xi32, #tpu.memory_space<vmem>> -> memref<1x1x128xi32, #tpu.memory_space<vmem>>
      %dma_wait3A_283 = tpu.memref_squeeze %dma_wait3A_282 : memref<1x1x128xi32, #tpu.memory_space<vmem>> -> memref<128xi32, #tpu.memory_space<vmem>>
      %dma_wait3A_284 = arith.constant 0 : i32
      %dma_wait3A_285 = arith.constant 0 : i32
      %dma_wait3A_286 = tpu.memref_slice %arg2[%dma_wait3A_284, %dma_wait3A_285] : memref<100000x16xf32, #tpu.memory_space<hbm>> -> memref<100000x16xf32, #tpu.memory_space<hbm>>
      tpu.wait_indirect_dma semaphore(%arg12 : memref<!tpu.dma_semaphore, #tpu.memory_space<semaphore_mem>>) src(%dma_wait3A_286 : memref<100000x16xf32, #tpu.memory_space<hbm>>) dst(%dma_wait3A_280 : memref<128x16xf32, #tpu.memory_space<vmem>>)
      %dma_start3A_287 = arith.constant 0 : i32
      %dma_start3A_288 = arith.constant 0 : i32
      %dma_start3A_289 = arith.constant 0 : i32
      %dma_start3A_290 = arith.constant 0 : i32
      %dma_start3A_291 = arith.constant 0 : i32
      %dma_start3A_292 = tpu.memref_slice %arg8[%dma_start3A_287, %dma_start3A_290, %dma_start3A_291] : memref<2x640x16xf32, #tpu.memory_space<vmem>> -> memref<1x128x16xf32, #tpu.memory_space<vmem>>
      %dma_start3A_293 = tpu.memref_squeeze %dma_start3A_292 : memref<1x128x16xf32, #tpu.memory_space<vmem>> -> memref<128x16xf32, #tpu.memory_space<vmem>>
      %dma_start3A_294 = arith.constant 0 : i32
      %dma_start3A_295 = tpu.memref_slice %arg7[%dma_start3A_288, %dma_start3A_289, %dma_start3A_294] : memref<2x10x128xi32, #tpu.memory_space<vmem>> -> memref<1x1x128xi32, #tpu.memory_space<vmem>>
      %dma_start3A_296 = tpu.memref_squeeze %dma_start3A_295 : memref<1x1x128xi32, #tpu.memory_space<vmem>> -> memref<128xi32, #tpu.memory_space<vmem>>
      %dma_start3A_297 = arith.constant 0 : i32
      %dma_start3A_298 = arith.constant 0 : i32
      %dma_start3A_299 = tpu.memref_slice %arg11[%dma_start3A_297, %dma_start3A_298] : memref<100016x16xf32, #tpu.memory_space<vmem_shared>> -> memref<100016x16xf32, #tpu.memory_space<vmem_shared>>
      tpu.enqueue_indirect_dma source(%dma_start3A_293 : memref<128x16xf32, #tpu.memory_space<vmem>>) target(%dma_start3A_299 : memref<100016x16xf32, #tpu.memory_space<vmem_shared>>) offsets(%dma_start3A_296 : memref<128xi32, #tpu.memory_space<vmem>>) semaphore(%arg14 : memref<!tpu.dma_semaphore, #tpu.memory_space<semaphore_mem>>) {add = true}
      %dma_wait3A_300 = arith.constant 0 : i32
      %dma_wait3A_301 = arith.constant 1 : i32
      %dma_wait3A_302 = arith.constant 0 : i32
      %dma_wait3A_303 = arith.constant 128 : i32
      %dma_wait3A_304 = arith.constant 0 : i32
      %dma_wait3A_305 = tpu.memref_slice %arg8[%dma_wait3A_302, %dma_wait3A_303, %dma_wait3A_304] : memref<2x640x16xf32, #tpu.memory_space<vmem>> -> memref<1x128x16xf32, #tpu.memory_space<vmem>>
      %dma_wait3A_306 = tpu.memref_squeeze %dma_wait3A_305 : memref<1x128x16xf32, #tpu.memory_space<vmem>> -> memref<128x16xf32, #tpu.memory_space<vmem>>
      %dma_wait3A_307 = arith.constant 0 : i32
      %dma_wait3A_308 = tpu.memref_slice %arg6[%dma_wait3A_300, %dma_wait3A_301, %dma_wait3A_307] : memref<2x10x128xi32, #tpu.memory_space<vmem>> -> memref<1x1x128xi32, #tpu.memory_space<vmem>>
      %dma_wait3A_309 = tpu.memref_squeeze %dma_wait3A_308 : memref<1x1x128xi32, #tpu.memory_space<vmem>> -> memref<128xi32, #tpu.memory_space<vmem>>
      %dma_wait3A_310 = arith.constant 0 : i32
      %dma_wait3A_311 = arith.constant 0 : i32
      %dma_wait3A_312 = tpu.memref_slice %arg2[%dma_wait3A_310, %dma_wait3A_311] : memref<100000x16xf32, #tpu.memory_space<hbm>> -> memref<100000x16xf32, #tpu.memory_space<hbm>>
      tpu.wait_indirect_dma semaphore(%arg12 : memref<!tpu.dma_semaphore, #tpu.memory_space<semaphore_mem>>) src(%dma_wait3A_312 : memref<100000x16xf32, #tpu.memory_space<hbm>>) dst(%dma_wait3A_306 : memref<128x16xf32, #tpu.memory_space<vmem>>)
      %dma_start3A_313 = arith.constant 0 : i32
      %dma_start3A_314 = arith.constant 0 : i32
      %dma_start3A_315 = arith.constant 1 : i32
      %dma_start3A_316 = arith.constant 128 : i32
      %dma_start3A_317 = arith.constant 0 : i32
      %dma_start3A_318 = tpu.memref_slice %arg8[%dma_start3A_313, %dma_start3A_316, %dma_start3A_317] : memref<2x640x16xf32, #tpu.memory_space<vmem>> -> memref<1x128x16xf32, #tpu.memory_space<vmem>>
      %dma_start3A_319 = tpu.memref_squeeze %dma_start3A_318 : memref<1x128x16xf32, #tpu.memory_space<vmem>> -> memref<128x16xf32, #tpu.memory_space<vmem>>
      %dma_start3A_320 = arith.constant 0 : i32
      %dma_start3A_321 = tpu.memref_slice %arg7[%dma_start3A_314, %dma_start3A_315, %dma_start3A_320] : memref<2x10x128xi32, #tpu.memory_space<vmem>> -> memref<1x1x128xi32, #tpu.memory_space<vmem>>
      %dma_start3A_322 = tpu.memref_squeeze %dma_start3A_321 : memref<1x1x128xi32, #tpu.memory_space<vmem>> -> memref<128xi32, #tpu.memory_space<vmem>>
      %dma_start3A_323 = arith.constant 0 : i32
      %dma_start3A_324 = arith.constant 0 : i32
      %dma_start3A_325 = tpu.memref_slice %arg11[%dma_start3A_323, %dma_start3A_324] : memref<100016x16xf32, #tpu.memory_space<vmem_shared>> -> memref<100016x16xf32, #tpu.memory_space<vmem_shared>>
      tpu.enqueue_indirect_dma source(%dma_start3A_319 : memref<128x16xf32, #tpu.memory_space<vmem>>) target(%dma_start3A_325 : memref<100016x16xf32, #tpu.memory_space<vmem_shared>>) offsets(%dma_start3A_322 : memref<128xi32, #tpu.memory_space<vmem>>) semaphore(%arg14 : memref<!tpu.dma_semaphore, #tpu.memory_space<semaphore_mem>>) {add = true}
      %dma_wait3A_326 = arith.constant 0 : i32
      %dma_wait3A_327 = arith.constant 2 : i32
      %dma_wait3A_328 = arith.constant 0 : i32
      %dma_wait3A_329 = arith.constant 256 : i32
      %dma_wait3A_330 = arith.constant 0 : i32
      %dma_wait3A_331 = tpu.memref_slice %arg8[%dma_wait3A_328, %dma_wait3A_329, %dma_wait3A_330] : memref<2x640x16xf32, #tpu.memory_space<vmem>> -> memref<1x128x16xf32, #tpu.memory_space<vmem>>
      %dma_wait3A_332 = tpu.memref_squeeze %dma_wait3A_331 : memref<1x128x16xf32, #tpu.memory_space<vmem>> -> memref<128x16xf32, #tpu.memory_space<vmem>>
      %dma_wait3A_333 = arith.constant 0 : i32
      %dma_wait3A_334 = tpu.memref_slice %arg6[%dma_wait3A_326, %dma_wait3A_327, %dma_wait3A_333] : memref<2x10x128xi32, #tpu.memory_space<vmem>> -> memref<1x1x128xi32, #tpu.memory_space<vmem>>
      %dma_wait3A_335 = tpu.memref_squeeze %dma_wait3A_334 : memref<1x1x128xi32, #tpu.memory_space<vmem>> -> memref<128xi32, #tpu.memory_space<vmem>>
      %dma_wait3A_336 = arith.constant 0 : i32
      %dma_wait3A_337 = arith.constant 0 : i32
      %dma_wait3A_338 = tpu.memref_slice %arg2[%dma_wait3A_336, %dma_wait3A_337] : memref<100000x16xf32, #tpu.memory_space<hbm>> -> memref<100000x16xf32, #tpu.memory_space<hbm>>
      tpu.wait_indirect_dma semaphore(%arg12 : memref<!tpu.dma_semaphore, #tpu.memory_space<semaphore_mem>>) src(%dma_wait3A_338 : memref<100000x16xf32, #tpu.memory_space<hbm>>) dst(%dma_wait3A_332 : memref<128x16xf32, #tpu.memory_space<vmem>>)
      %dma_start3A_339 = arith.constant 0 : i32
      %dma_start3A_340 = arith.constant 0 : i32
      %dma_start3A_341 = arith.constant 2 : i32
      %dma_start3A_342 = arith.constant 256 : i32
      %dma_start3A_343 = arith.constant 0 : i32
      %dma_start3A_344 = tpu.memref_slice %arg8[%dma_start3A_339, %dma_start3A_342, %dma_start3A_343] : memref<2x640x16xf32, #tpu.memory_space<vmem>> -> memref<1x128x16xf32, #tpu.memory_space<vmem>>
      %dma_start3A_345 = tpu.memref_squeeze %dma_start3A_344 : memref<1x128x16xf32, #tpu.memory_space<vmem>> -> memref<128x16xf32, #tpu.memory_space<vmem>>
      %dma_start3A_346 = arith.constant 0 : i32
      %dma_start3A_347 = tpu.memref_slice %arg7[%dma_start3A_340, %dma_start3A_341, %dma_start3A_346] : memref<2x10x128xi32, #tpu.memory_space<vmem>> -> memref<1x1x128xi32, #tpu.memory_space<vmem>>
      %dma_start3A_348 = tpu.memref_squeeze %dma_start3A_347 : memref<1x1x128xi32, #tpu.memory_space<vmem>> -> memref<128xi32, #tpu.memory_space<vmem>>
      %dma_start3A_349 = arith.constant 0 : i32
      %dma_start3A_350 = arith.constant 0 : i32
      %dma_start3A_351 = tpu.memref_slice %arg11[%dma_start3A_349, %dma_start3A_350] : memref<100016x16xf32, #tpu.memory_space<vmem_shared>> -> memref<100016x16xf32, #tpu.memory_space<vmem_shared>>
      tpu.enqueue_indirect_dma source(%dma_start3A_345 : memref<128x16xf32, #tpu.memory_space<vmem>>) target(%dma_start3A_351 : memref<100016x16xf32, #tpu.memory_space<vmem_shared>>) offsets(%dma_start3A_348 : memref<128xi32, #tpu.memory_space<vmem>>) semaphore(%arg14 : memref<!tpu.dma_semaphore, #tpu.memory_space<semaphore_mem>>) {add = true}
      %dma_wait3A_352 = arith.constant 0 : i32
      %dma_wait3A_353 = arith.constant 3 : i32
      %dma_wait3A_354 = arith.constant 0 : i32
      %dma_wait3A_355 = arith.constant 384 : i32
      %dma_wait3A_356 = arith.constant 0 : i32
      %dma_wait3A_357 = tpu.memref_slice %arg8[%dma_wait3A_354, %dma_wait3A_355, %dma_wait3A_356] : memref<2x640x16xf32, #tpu.memory_space<vmem>> -> memref<1x128x16xf32, #tpu.memory_space<vmem>>
      %dma_wait3A_358 = tpu.memref_squeeze %dma_wait3A_357 : memref<1x128x16xf32, #tpu.memory_space<vmem>> -> memref<128x16xf32, #tpu.memory_space<vmem>>
      %dma_wait3A_359 = arith.constant 0 : i32
      %dma_wait3A_360 = tpu.memref_slice %arg6[%dma_wait3A_352, %dma_wait3A_353, %dma_wait3A_359] : memref<2x10x128xi32, #tpu.memory_space<vmem>> -> memref<1x1x128xi32, #tpu.memory_space<vmem>>
      %dma_wait3A_361 = tpu.memref_squeeze %dma_wait3A_360 : memref<1x1x128xi32, #tpu.memory_space<vmem>> -> memref<128xi32, #tpu.memory_space<vmem>>
      %dma_wait3A_362 = arith.constant 0 : i32
      %dma_wait3A_363 = arith.constant 0 : i32
      %dma_wait3A_364 = tpu.memref_slice %arg2[%dma_wait3A_362, %dma_wait3A_363] : memref<100000x16xf32, #tpu.memory_space<hbm>> -> memref<100000x16xf32, #tpu.memory_space<hbm>>
      tpu.wait_indirect_dma semaphore(%arg12 : memref<!tpu.dma_semaphore, #tpu.memory_space<semaphore_mem>>) src(%dma_wait3A_364 : memref<100000x16xf32, #tpu.memory_space<hbm>>) dst(%dma_wait3A_358 : memref<128x16xf32, #tpu.memory_space<vmem>>)
      %dma_start3A_365 = arith.constant 0 : i32
      %dma_start3A_366 = arith.constant 0 : i32
      %dma_start3A_367 = arith.constant 3 : i32
      %dma_start3A_368 = arith.constant 384 : i32
      %dma_start3A_369 = arith.constant 0 : i32
      %dma_start3A_370 = tpu.memref_slice %arg8[%dma_start3A_365, %dma_start3A_368, %dma_start3A_369] : memref<2x640x16xf32, #tpu.memory_space<vmem>> -> memref<1x128x16xf32, #tpu.memory_space<vmem>>
      %dma_start3A_371 = tpu.memref_squeeze %dma_start3A_370 : memref<1x128x16xf32, #tpu.memory_space<vmem>> -> memref<128x16xf32, #tpu.memory_space<vmem>>
      %dma_start3A_372 = arith.constant 0 : i32
      %dma_start3A_373 = tpu.memref_slice %arg7[%dma_start3A_366, %dma_start3A_367, %dma_start3A_372] : memref<2x10x128xi32, #tpu.memory_space<vmem>> -> memref<1x1x128xi32, #tpu.memory_space<vmem>>
      %dma_start3A_374 = tpu.memref_squeeze %dma_start3A_373 : memref<1x1x128xi32, #tpu.memory_space<vmem>> -> memref<128xi32, #tpu.memory_space<vmem>>
      %dma_start3A_375 = arith.constant 0 : i32
      %dma_start3A_376 = arith.constant 0 : i32
      %dma_start3A_377 = tpu.memref_slice %arg11[%dma_start3A_375, %dma_start3A_376] : memref<100016x16xf32, #tpu.memory_space<vmem_shared>> -> memref<100016x16xf32, #tpu.memory_space<vmem_shared>>
      tpu.enqueue_indirect_dma source(%dma_start3A_371 : memref<128x16xf32, #tpu.memory_space<vmem>>) target(%dma_start3A_377 : memref<100016x16xf32, #tpu.memory_space<vmem_shared>>) offsets(%dma_start3A_374 : memref<128xi32, #tpu.memory_space<vmem>>) semaphore(%arg14 : memref<!tpu.dma_semaphore, #tpu.memory_space<semaphore_mem>>) {add = true}
      %dma_wait3A_378 = arith.constant 0 : i32
      %dma_wait3A_379 = arith.constant 4 : i32
      %dma_wait3A_380 = arith.constant 0 : i32
      %dma_wait3A_381 = arith.constant 512 : i32
      %dma_wait3A_382 = arith.constant 0 : i32
      %dma_wait3A_383 = tpu.memref_slice %arg8[%dma_wait3A_380, %dma_wait3A_381, %dma_wait3A_382] : memref<2x640x16xf32, #tpu.memory_space<vmem>> -> memref<1x128x16xf32, #tpu.memory_space<vmem>>
      %dma_wait3A_384 = tpu.memref_squeeze %dma_wait3A_383 : memref<1x128x16xf32, #tpu.memory_space<vmem>> -> memref<128x16xf32, #tpu.memory_space<vmem>>
      %dma_wait3A_385 = arith.constant 0 : i32
      %dma_wait3A_386 = tpu.memref_slice %arg6[%dma_wait3A_378, %dma_wait3A_379, %dma_wait3A_385] : memref<2x10x128xi32, #tpu.memory_space<vmem>> -> memref<1x1x128xi32, #tpu.memory_space<vmem>>
      %dma_wait3A_387 = tpu.memref_squeeze %dma_wait3A_386 : memref<1x1x128xi32, #tpu.memory_space<vmem>> -> memref<128xi32, #tpu.memory_space<vmem>>
      %dma_wait3A_388 = arith.constant 0 : i32
      %dma_wait3A_389 = arith.constant 0 : i32
      %dma_wait3A_390 = tpu.memref_slice %arg2[%dma_wait3A_388, %dma_wait3A_389] : memref<100000x16xf32, #tpu.memory_space<hbm>> -> memref<100000x16xf32, #tpu.memory_space<hbm>>
      tpu.wait_indirect_dma semaphore(%arg12 : memref<!tpu.dma_semaphore, #tpu.memory_space<semaphore_mem>>) src(%dma_wait3A_390 : memref<100000x16xf32, #tpu.memory_space<hbm>>) dst(%dma_wait3A_384 : memref<128x16xf32, #tpu.memory_space<vmem>>)
      %dma_start3A_391 = arith.constant 0 : i32
      %dma_start3A_392 = arith.constant 0 : i32
      %dma_start3A_393 = arith.constant 4 : i32
      %dma_start3A_394 = arith.constant 512 : i32
      %dma_start3A_395 = arith.constant 0 : i32
      %dma_start3A_396 = tpu.memref_slice %arg8[%dma_start3A_391, %dma_start3A_394, %dma_start3A_395] : memref<2x640x16xf32, #tpu.memory_space<vmem>> -> memref<1x128x16xf32, #tpu.memory_space<vmem>>
      %dma_start3A_397 = tpu.memref_squeeze %dma_start3A_396 : memref<1x128x16xf32, #tpu.memory_space<vmem>> -> memref<128x16xf32, #tpu.memory_space<vmem>>
      %dma_start3A_398 = arith.constant 0 : i32
      %dma_start3A_399 = tpu.memref_slice %arg7[%dma_start3A_392, %dma_start3A_393, %dma_start3A_398] : memref<2x10x128xi32, #tpu.memory_space<vmem>> -> memref<1x1x128xi32, #tpu.memory_space<vmem>>
      %dma_start3A_400 = tpu.memref_squeeze %dma_start3A_399 : memref<1x1x128xi32, #tpu.memory_space<vmem>> -> memref<128xi32, #tpu.memory_space<vmem>>
      %dma_start3A_401 = arith.constant 0 : i32
      %dma_start3A_402 = arith.constant 0 : i32
      %dma_start3A_403 = tpu.memref_slice %arg11[%dma_start3A_401, %dma_start3A_402] : memref<100016x16xf32, #tpu.memory_space<vmem_shared>> -> memref<100016x16xf32, #tpu.memory_space<vmem_shared>>
      tpu.enqueue_indirect_dma source(%dma_start3A_397 : memref<128x16xf32, #tpu.memory_space<vmem>>) target(%dma_start3A_403 : memref<100016x16xf32, #tpu.memory_space<vmem_shared>>) offsets(%dma_start3A_400 : memref<128xi32, #tpu.memory_space<vmem>>) semaphore(%arg14 : memref<!tpu.dma_semaphore, #tpu.memory_space<semaphore_mem>>) {add = true}
      %dma_wait3A_404 = arith.constant 1 : i32
      %dma_wait3A_405 = arith.constant 0 : i32
      %dma_wait3A_406 = arith.constant 0 : i32
      %dma_wait3A_407 = tpu.memref_slice %arg8[%dma_wait3A_404, %dma_wait3A_405, %dma_wait3A_406] : memref<2x640x16xf32, #tpu.memory_space<vmem>> -> memref<1x640x16xf32, #tpu.memory_space<vmem>>
      %dma_wait3A_408 = tpu.memref_squeeze %dma_wait3A_407 : memref<1x640x16xf32, #tpu.memory_space<vmem>> -> memref<640x16xf32, #tpu.memory_space<vmem>>
      %dma_wait3A_409 = arith.constant 0 : i32
      %dma_wait3A_410 = arith.constant 0 : i32
      %dma_wait3A_411 = tpu.memref_slice %arg2[%dma_wait3A_409, %dma_wait3A_410] : memref<100000x16xf32, #tpu.memory_space<hbm>> -> memref<640x16xf32, #tpu.memory_space<hbm>>
      %dma_wait3A_412 = arith.constant 0 : i32
      %dma_wait3A_413 = arith.constant 0 : i32
      %dma_wait3A_414 = tpu.memref_slice %arg8[%dma_wait3A_404, %dma_wait3A_412, %dma_wait3A_413] : memref<2x640x16xf32, #tpu.memory_space<vmem>> -> memref<1x640x16xf32, #tpu.memory_space<vmem>>
      %dma_wait3A_415 = tpu.memref_squeeze %dma_wait3A_414 : memref<1x640x16xf32, #tpu.memory_space<vmem>> -> memref<640x16xf32, #tpu.memory_space<vmem>>
      %dma_wait3A_416 = arith.constant 0 : i32
      %dma_wait3A_417 = arith.constant 0 : i32
      %dma_wait3A_418 = tpu.memref_slice %arg2[%dma_wait3A_416, %dma_wait3A_417] : memref<100000x16xf32, #tpu.memory_space<hbm>> -> memref<640x16xf32, #tpu.memory_space<hbm>>
      tpu.wait_dma2 semaphore(%arg15 : memref<!tpu.dma_semaphore, #tpu.memory_space<semaphore_mem>>) src(%dma_wait3A_418 : memref<640x16xf32, #tpu.memory_space<hbm>>) dst(%dma_wait3A_415 : memref<640x16xf32, #tpu.memory_space<vmem>>)
      %dma_start3A_419 = arith.constant 0 : i32
      %dma_start3A_420 = arith.constant 5 : i32
      %dma_start3A_421 = arith.constant 1 : i32
      %dma_start3A_422 = arith.constant 0 : i32
      %dma_start3A_423 = arith.constant 0 : i32
      %dma_start3A_424 = tpu.memref_slice %arg8[%dma_start3A_421, %dma_start3A_422, %dma_start3A_423] : memref<2x640x16xf32, #tpu.memory_space<vmem>> -> memref<1x128x16xf32, #tpu.memory_space<vmem>>
      %dma_start3A_425 = tpu.memref_squeeze %dma_start3A_424 : memref<1x128x16xf32, #tpu.memory_space<vmem>> -> memref<128x16xf32, #tpu.memory_space<vmem>>
      %dma_start3A_426 = arith.constant 0 : i32
      %dma_start3A_427 = tpu.memref_slice %arg6[%dma_start3A_419, %dma_start3A_420, %dma_start3A_426] : memref<2x10x128xi32, #tpu.memory_space<vmem>> -> memref<1x1x128xi32, #tpu.memory_space<vmem>>
      %dma_start3A_428 = tpu.memref_squeeze %dma_start3A_427 : memref<1x1x128xi32, #tpu.memory_space<vmem>> -> memref<128xi32, #tpu.memory_space<vmem>>
      %dma_start3A_429 = arith.constant 0 : i32
      %dma_start3A_430 = arith.constant 0 : i32
      %dma_start3A_431 = tpu.memref_slice %arg2[%dma_start3A_429, %dma_start3A_430] : memref<100000x16xf32, #tpu.memory_space<hbm>> -> memref<100000x16xf32, #tpu.memory_space<hbm>>
      tpu.enqueue_indirect_dma source(%dma_start3A_431 : memref<100000x16xf32, #tpu.memory_space<hbm>>) target(%dma_start3A_425 : memref<128x16xf32, #tpu.memory_space<vmem>>) offsets(%dma_start3A_428 : memref<128xi32, #tpu.memory_space<vmem>>) semaphore(%arg13 : memref<!tpu.dma_semaphore, #tpu.memory_space<semaphore_mem>>)
      %dma_start3A_432 = arith.constant 0 : i32
      %dma_start3A_433 = arith.constant 6 : i32
      %dma_start3A_434 = arith.constant 1 : i32
      %dma_start3A_435 = arith.constant 128 : i32
      %dma_start3A_436 = arith.constant 0 : i32
      %dma_start3A_437 = tpu.memref_slice %arg8[%dma_start3A_434, %dma_start3A_435, %dma_start3A_436] : memref<2x640x16xf32, #tpu.memory_space<vmem>> -> memref<1x128x16xf32, #tpu.memory_space<vmem>>
      %dma_start3A_438 = tpu.memref_squeeze %dma_start3A_437 : memref<1x128x16xf32, #tpu.memory_space<vmem>> -> memref<128x16xf32, #tpu.memory_space<vmem>>
      %dma_start3A_439 = arith.constant 0 : i32
      %dma_start3A_440 = tpu.memref_slice %arg6[%dma_start3A_432, %dma_start3A_433, %dma_start3A_439] : memref<2x10x128xi32, #tpu.memory_space<vmem>> -> memref<1x1x128xi32, #tpu.memory_space<vmem>>
      %dma_start3A_441 = tpu.memref_squeeze %dma_start3A_440 : memref<1x1x128xi32, #tpu.memory_space<vmem>> -> memref<128xi32, #tpu.memory_space<vmem>>
      %dma_start3A_442 = arith.constant 0 : i32
      %dma_start3A_443 = arith.constant 0 : i32
      %dma_start3A_444 = tpu.memref_slice %arg2[%dma_start3A_442, %dma_start3A_443] : memref<100000x16xf32, #tpu.memory_space<hbm>> -> memref<100000x16xf32, #tpu.memory_space<hbm>>
      tpu.enqueue_indirect_dma source(%dma_start3A_444 : memref<100000x16xf32, #tpu.memory_space<hbm>>) target(%dma_start3A_438 : memref<128x16xf32, #tpu.memory_space<vmem>>) offsets(%dma_start3A_441 : memref<128xi32, #tpu.memory_space<vmem>>) semaphore(%arg13 : memref<!tpu.dma_semaphore, #tpu.memory_space<semaphore_mem>>)
      %dma_start3A_445 = arith.constant 0 : i32
      %dma_start3A_446 = arith.constant 7 : i32
      %dma_start3A_447 = arith.constant 1 : i32
      %dma_start3A_448 = arith.constant 256 : i32
      %dma_start3A_449 = arith.constant 0 : i32
      %dma_start3A_450 = tpu.memref_slice %arg8[%dma_start3A_447, %dma_start3A_448, %dma_start3A_449] : memref<2x640x16xf32, #tpu.memory_space<vmem>> -> memref<1x128x16xf32, #tpu.memory_space<vmem>>
      %dma_start3A_451 = tpu.memref_squeeze %dma_start3A_450 : memref<1x128x16xf32, #tpu.memory_space<vmem>> -> memref<128x16xf32, #tpu.memory_space<vmem>>
      %dma_start3A_452 = arith.constant 0 : i32
      %dma_start3A_453 = tpu.memref_slice %arg6[%dma_start3A_445, %dma_start3A_446, %dma_start3A_452] : memref<2x10x128xi32, #tpu.memory_space<vmem>> -> memref<1x1x128xi32, #tpu.memory_space<vmem>>
      %dma_start3A_454 = tpu.memref_squeeze %dma_start3A_453 : memref<1x1x128xi32, #tpu.memory_space<vmem>> -> memref<128xi32, #tpu.memory_space<vmem>>
      %dma_start3A_455 = arith.constant 0 : i32
      %dma_start3A_456 = arith.constant 0 : i32
      %dma_start3A_457 = tpu.memref_slice %arg2[%dma_start3A_455, %dma_start3A_456] : memref<100000x16xf32, #tpu.memory_space<hbm>> -> memref<100000x16xf32, #tpu.memory_space<hbm>>
      tpu.enqueue_indirect_dma source(%dma_start3A_457 : memref<100000x16xf32, #tpu.memory_space<hbm>>) target(%dma_start3A_451 : memref<128x16xf32, #tpu.memory_space<vmem>>) offsets(%dma_start3A_454 : memref<128xi32, #tpu.memory_space<vmem>>) semaphore(%arg13 : memref<!tpu.dma_semaphore, #tpu.memory_space<semaphore_mem>>)
      %dma_start3A_458 = arith.constant 0 : i32
      %dma_start3A_459 = arith.constant 8 : i32
      %dma_start3A_460 = arith.constant 1 : i32
      %dma_start3A_461 = arith.constant 384 : i32
      %dma_start3A_462 = arith.constant 0 : i32
      %dma_start3A_463 = tpu.memref_slice %arg8[%dma_start3A_460, %dma_start3A_461, %dma_start3A_462] : memref<2x640x16xf32, #tpu.memory_space<vmem>> -> memref<1x128x16xf32, #tpu.memory_space<vmem>>
      %dma_start3A_464 = tpu.memref_squeeze %dma_start3A_463 : memref<1x128x16xf32, #tpu.memory_space<vmem>> -> memref<128x16xf32, #tpu.memory_space<vmem>>
      %dma_start3A_465 = arith.constant 0 : i32
      %dma_start3A_466 = tpu.memref_slice %arg6[%dma_start3A_458, %dma_start3A_459, %dma_start3A_465] : memref<2x10x128xi32, #tpu.memory_space<vmem>> -> memref<1x1x128xi32, #tpu.memory_space<vmem>>
      %dma_start3A_467 = tpu.memref_squeeze %dma_start3A_466 : memref<1x1x128xi32, #tpu.memory_space<vmem>> -> memref<128xi32, #tpu.memory_space<vmem>>
      %dma_start3A_468 = arith.constant 0 : i32
      %dma_start3A_469 = arith.constant 0 : i32
      %dma_start3A_470 = tpu.memref_slice %arg2[%dma_start3A_468, %dma_start3A_469] : memref<100000x16xf32, #tpu.memory_space<hbm>> -> memref<100000x16xf32, #tpu.memory_space<hbm>>
      tpu.enqueue_indirect_dma source(%dma_start3A_470 : memref<100000x16xf32, #tpu.memory_space<hbm>>) target(%dma_start3A_464 : memref<128x16xf32, #tpu.memory_space<vmem>>) offsets(%dma_start3A_467 : memref<128xi32, #tpu.memory_space<vmem>>) semaphore(%arg13 : memref<!tpu.dma_semaphore, #tpu.memory_space<semaphore_mem>>)
      %dma_start3A_471 = arith.constant 0 : i32
      %dma_start3A_472 = arith.constant 9 : i32
      %dma_start3A_473 = arith.constant 1 : i32
      %dma_start3A_474 = arith.constant 512 : i32
      %dma_start3A_475 = arith.constant 0 : i32
      %dma_start3A_476 = tpu.memref_slice %arg8[%dma_start3A_473, %dma_start3A_474, %dma_start3A_475] : memref<2x640x16xf32, #tpu.memory_space<vmem>> -> memref<1x128x16xf32, #tpu.memory_space<vmem>>
      %dma_start3A_477 = tpu.memref_squeeze %dma_start3A_476 : memref<1x128x16xf32, #tpu.memory_space<vmem>> -> memref<128x16xf32, #tpu.memory_space<vmem>>
      %dma_start3A_478 = arith.constant 0 : i32
      %dma_start3A_479 = tpu.memref_slice %arg6[%dma_start3A_471, %dma_start3A_472, %dma_start3A_478] : memref<2x10x128xi32, #tpu.memory_space<vmem>> -> memref<1x1x128xi32, #tpu.memory_space<vmem>>
      %dma_start3A_480 = tpu.memref_squeeze %dma_start3A_479 : memref<1x1x128xi32, #tpu.memory_space<vmem>> -> memref<128xi32, #tpu.memory_space<vmem>>
      %dma_start3A_481 = arith.constant 0 : i32
      %dma_start3A_482 = arith.constant 0 : i32
      %dma_start3A_483 = tpu.memref_slice %arg2[%dma_start3A_481, %dma_start3A_482] : memref<100000x16xf32, #tpu.memory_space<hbm>> -> memref<100000x16xf32, #tpu.memory_space<hbm>>
      tpu.enqueue_indirect_dma source(%dma_start3A_483 : memref<100000x16xf32, #tpu.memory_space<hbm>>) target(%dma_start3A_477 : memref<128x16xf32, #tpu.memory_space<vmem>>) offsets(%dma_start3A_480 : memref<128xi32, #tpu.memory_space<vmem>>) semaphore(%arg13 : memref<!tpu.dma_semaphore, #tpu.memory_space<semaphore_mem>>)
      %dma_wait3A_484 = arith.constant 0 : i32
      %dma_wait3A_485 = arith.constant 5 : i32
      %dma_wait3A_486 = arith.constant 1 : i32
      %dma_wait3A_487 = arith.constant 0 : i32
      %dma_wait3A_488 = arith.constant 0 : i32
      %dma_wait3A_489 = tpu.memref_slice %arg8[%dma_wait3A_486, %dma_wait3A_487, %dma_wait3A_488] : memref<2x640x16xf32, #tpu.memory_space<vmem>> -> memref<1x128x16xf32, #tpu.memory_space<vmem>>
      %dma_wait3A_490 = tpu.memref_squeeze %dma_wait3A_489 : memref<1x128x16xf32, #tpu.memory_space<vmem>> -> memref<128x16xf32, #tpu.memory_space<vmem>>
      %dma_wait3A_491 = arith.constant 0 : i32
      %dma_wait3A_492 = tpu.memref_slice %arg6[%dma_wait3A_484, %dma_wait3A_485, %dma_wait3A_491] : memref<2x10x128xi32, #tpu.memory_space<vmem>> -> memref<1x1x128xi32, #tpu.memory_space<vmem>>
      %dma_wait3A_493 = tpu.memref_squeeze %dma_wait3A_492 : memref<1x1x128xi32, #tpu.memory_space<vmem>> -> memref<128xi32, #tpu.memory_space<vmem>>
      %dma_wait3A_494 = arith.constant 0 : i32
      %dma_wait3A_495 = arith.constant 0 : i32
      %dma_wait3A_496 = tpu.memref_slice %arg2[%dma_wait3A_494, %dma_wait3A_495] : memref<100000x16xf32, #tpu.memory_space<hbm>> -> memref<100000x16xf32, #tpu.memory_space<hbm>>
      tpu.wait_indirect_dma semaphore(%arg13 : memref<!tpu.dma_semaphore, #tpu.memory_space<semaphore_mem>>) src(%dma_wait3A_496 : memref<100000x16xf32, #tpu.memory_space<hbm>>) dst(%dma_wait3A_490 : memref<128x16xf32, #tpu.memory_space<vmem>>)
      %dma_start3A_497 = arith.constant 1 : i32
      %dma_start3A_498 = arith.constant 0 : i32
      %dma_start3A_499 = arith.constant 5 : i32
      %dma_start3A_500 = arith.constant 0 : i32
      %dma_start3A_501 = arith.constant 0 : i32
      %dma_start3A_502 = tpu.memref_slice %arg8[%dma_start3A_497, %dma_start3A_500, %dma_start3A_501] : memref<2x640x16xf32, #tpu.memory_space<vmem>> -> memref<1x128x16xf32, #tpu.memory_space<vmem>>
      %dma_start3A_503 = tpu.memref_squeeze %dma_start3A_502 : memref<1x128x16xf32, #tpu.memory_space<vmem>> -> memref<128x16xf32, #tpu.memory_space<vmem>>
      %dma_start3A_504 = arith.constant 0 : i32
      %dma_start3A_505 = tpu.memref_slice %arg7[%dma_start3A_498, %dma_start3A_499, %dma_start3A_504] : memref<2x10x128xi32, #tpu.memory_space<vmem>> -> memref<1x1x128xi32, #tpu.memory_space<vmem>>
      %dma_start3A_506 = tpu.memref_squeeze %dma_start3A_505 : memref<1x1x128xi32, #tpu.memory_space<vmem>> -> memref<128xi32, #tpu.memory_space<vmem>>
      %dma_start3A_507 = arith.constant 0 : i32
      %dma_start3A_508 = arith.constant 0 : i32
      %dma_start3A_509 = tpu.memref_slice %arg11[%dma_start3A_507, %dma_start3A_508] : memref<100016x16xf32, #tpu.memory_space<vmem_shared>> -> memref<100016x16xf32, #tpu.memory_space<vmem_shared>>
      tpu.enqueue_indirect_dma source(%dma_start3A_503 : memref<128x16xf32, #tpu.memory_space<vmem>>) target(%dma_start3A_509 : memref<100016x16xf32, #tpu.memory_space<vmem_shared>>) offsets(%dma_start3A_506 : memref<128xi32, #tpu.memory_space<vmem>>) semaphore(%arg15 : memref<!tpu.dma_semaphore, #tpu.memory_space<semaphore_mem>>) {add = true}
      %dma_wait3A_510 = arith.constant 0 : i32
      %dma_wait3A_511 = arith.constant 6 : i32
      %dma_wait3A_512 = arith.constant 1 : i32
      %dma_wait3A_513 = arith.constant 128 : i32
      %dma_wait3A_514 = arith.constant 0 : i32
      %dma_wait3A_515 = tpu.memref_slice %arg8[%dma_wait3A_512, %dma_wait3A_513, %dma_wait3A_514] : memref<2x640x16xf32, #tpu.memory_space<vmem>> -> memref<1x128x16xf32, #tpu.memory_space<vmem>>
      %dma_wait3A_516 = tpu.memref_squeeze %dma_wait3A_515 : memref<1x128x16xf32, #tpu.memory_space<vmem>> -> memref<128x16xf32, #tpu.memory_space<vmem>>
      %dma_wait3A_517 = arith.constant 0 : i32
      %dma_wait3A_518 = tpu.memref_slice %arg6[%dma_wait3A_510, %dma_wait3A_511, %dma_wait3A_517] : memref<2x10x128xi32, #tpu.memory_space<vmem>> -> memref<1x1x128xi32, #tpu.memory_space<vmem>>
      %dma_wait3A_519 = tpu.memref_squeeze %dma_wait3A_518 : memref<1x1x128xi32, #tpu.memory_space<vmem>> -> memref<128xi32, #tpu.memory_space<vmem>>
      %dma_wait3A_520 = arith.constant 0 : i32
      %dma_wait3A_521 = arith.constant 0 : i32
      %dma_wait3A_522 = tpu.memref_slice %arg2[%dma_wait3A_520, %dma_wait3A_521] : memref<100000x16xf32, #tpu.memory_space<hbm>> -> memref<100000x16xf32, #tpu.memory_space<hbm>>
      tpu.wait_indirect_dma semaphore(%arg13 : memref<!tpu.dma_semaphore, #tpu.memory_space<semaphore_mem>>) src(%dma_wait3A_522 : memref<100000x16xf32, #tpu.memory_space<hbm>>) dst(%dma_wait3A_516 : memref<128x16xf32, #tpu.memory_space<vmem>>)
      %dma_start3A_523 = arith.constant 1 : i32
      %dma_start3A_524 = arith.constant 0 : i32
      %dma_start3A_525 = arith.constant 6 : i32
      %dma_start3A_526 = arith.constant 128 : i32
      %dma_start3A_527 = arith.constant 0 : i32
      %dma_start3A_528 = tpu.memref_slice %arg8[%dma_start3A_523, %dma_start3A_526, %dma_start3A_527] : memref<2x640x16xf32, #tpu.memory_space<vmem>> -> memref<1x128x16xf32, #tpu.memory_space<vmem>>
      %dma_start3A_529 = tpu.memref_squeeze %dma_start3A_528 : memref<1x128x16xf32, #tpu.memory_space<vmem>> -> memref<128x16xf32, #tpu.memory_space<vmem>>
      %dma_start3A_530 = arith.constant 0 : i32
      %dma_start3A_531 = tpu.memref_slice %arg7[%dma_start3A_524, %dma_start3A_525, %dma_start3A_530] : memref<2x10x128xi32, #tpu.memory_space<vmem>> -> memref<1x1x128xi32, #tpu.memory_space<vmem>>
      %dma_start3A_532 = tpu.memref_squeeze %dma_start3A_531 : memref<1x1x128xi32, #tpu.memory_space<vmem>> -> memref<128xi32, #tpu.memory_space<vmem>>
      %dma_start3A_533 = arith.constant 0 : i32
      %dma_start3A_534 = arith.constant 0 : i32
      %dma_start3A_535 = tpu.memref_slice %arg11[%dma_start3A_533, %dma_start3A_534] : memref<100016x16xf32, #tpu.memory_space<vmem_shared>> -> memref<100016x16xf32, #tpu.memory_space<vmem_shared>>
      tpu.enqueue_indirect_dma source(%dma_start3A_529 : memref<128x16xf32, #tpu.memory_space<vmem>>) target(%dma_start3A_535 : memref<100016x16xf32, #tpu.memory_space<vmem_shared>>) offsets(%dma_start3A_532 : memref<128xi32, #tpu.memory_space<vmem>>) semaphore(%arg15 : memref<!tpu.dma_semaphore, #tpu.memory_space<semaphore_mem>>) {add = true}
      %dma_wait3A_536 = arith.constant 0 : i32
      %dma_wait3A_537 = arith.constant 7 : i32
      %dma_wait3A_538 = arith.constant 1 : i32
      %dma_wait3A_539 = arith.constant 256 : i32
      %dma_wait3A_540 = arith.constant 0 : i32
      %dma_wait3A_541 = tpu.memref_slice %arg8[%dma_wait3A_538, %dma_wait3A_539, %dma_wait3A_540] : memref<2x640x16xf32, #tpu.memory_space<vmem>> -> memref<1x128x16xf32, #tpu.memory_space<vmem>>
      %dma_wait3A_542 = tpu.memref_squeeze %dma_wait3A_541 : memref<1x128x16xf32, #tpu.memory_space<vmem>> -> memref<128x16xf32, #tpu.memory_space<vmem>>
      %dma_wait3A_543 = arith.constant 0 : i32
      %dma_wait3A_544 = tpu.memref_slice %arg6[%dma_wait3A_536, %dma_wait3A_537, %dma_wait3A_543] : memref<2x10x128xi32, #tpu.memory_space<vmem>> -> memref<1x1x128xi32, #tpu.memory_space<vmem>>
      %dma_wait3A_545 = tpu.memref_squeeze %dma_wait3A_544 : memref<1x1x128xi32, #tpu.memory_space<vmem>> -> memref<128xi32, #tpu.memory_space<vmem>>
      %dma_wait3A_546 = arith.constant 0 : i32
      %dma_wait3A_547 = arith.constant 0 : i32
      %dma_wait3A_548 = tpu.memref_slice %arg2[%dma_wait3A_546, %dma_wait3A_547] : memref<100000x16xf32, #tpu.memory_space<hbm>> -> memref<100000x16xf32, #tpu.memory_space<hbm>>
      tpu.wait_indirect_dma semaphore(%arg13 : memref<!tpu.dma_semaphore, #tpu.memory_space<semaphore_mem>>) src(%dma_wait3A_548 : memref<100000x16xf32, #tpu.memory_space<hbm>>) dst(%dma_wait3A_542 : memref<128x16xf32, #tpu.memory_space<vmem>>)
      %dma_start3A_549 = arith.constant 1 : i32
      %dma_start3A_550 = arith.constant 0 : i32
      %dma_start3A_551 = arith.constant 7 : i32
      %dma_start3A_552 = arith.constant 256 : i32
      %dma_start3A_553 = arith.constant 0 : i32
      %dma_start3A_554 = tpu.memref_slice %arg8[%dma_start3A_549, %dma_start3A_552, %dma_start3A_553] : memref<2x640x16xf32, #tpu.memory_space<vmem>> -> memref<1x128x16xf32, #tpu.memory_space<vmem>>
      %dma_start3A_555 = tpu.memref_squeeze %dma_start3A_554 : memref<1x128x16xf32, #tpu.memory_space<vmem>> -> memref<128x16xf32, #tpu.memory_space<vmem>>
      %dma_start3A_556 = arith.constant 0 : i32
      %dma_start3A_557 = tpu.memref_slice %arg7[%dma_start3A_550, %dma_start3A_551, %dma_start3A_556] : memref<2x10x128xi32, #tpu.memory_space<vmem>> -> memref<1x1x128xi32, #tpu.memory_space<vmem>>
      %dma_start3A_558 = tpu.memref_squeeze %dma_start3A_557 : memref<1x1x128xi32, #tpu.memory_space<vmem>> -> memref<128xi32, #tpu.memory_space<vmem>>
      %dma_start3A_559 = arith.constant 0 : i32
      %dma_start3A_560 = arith.constant 0 : i32
      %dma_start3A_561 = tpu.memref_slice %arg11[%dma_start3A_559, %dma_start3A_560] : memref<100016x16xf32, #tpu.memory_space<vmem_shared>> -> memref<100016x16xf32, #tpu.memory_space<vmem_shared>>
      tpu.enqueue_indirect_dma source(%dma_start3A_555 : memref<128x16xf32, #tpu.memory_space<vmem>>) target(%dma_start3A_561 : memref<100016x16xf32, #tpu.memory_space<vmem_shared>>) offsets(%dma_start3A_558 : memref<128xi32, #tpu.memory_space<vmem>>) semaphore(%arg15 : memref<!tpu.dma_semaphore, #tpu.memory_space<semaphore_mem>>) {add = true}
      %dma_wait3A_562 = arith.constant 0 : i32
      %dma_wait3A_563 = arith.constant 8 : i32
      %dma_wait3A_564 = arith.constant 1 : i32
      %dma_wait3A_565 = arith.constant 384 : i32
      %dma_wait3A_566 = arith.constant 0 : i32
      %dma_wait3A_567 = tpu.memref_slice %arg8[%dma_wait3A_564, %dma_wait3A_565, %dma_wait3A_566] : memref<2x640x16xf32, #tpu.memory_space<vmem>> -> memref<1x128x16xf32, #tpu.memory_space<vmem>>
      %dma_wait3A_568 = tpu.memref_squeeze %dma_wait3A_567 : memref<1x128x16xf32, #tpu.memory_space<vmem>> -> memref<128x16xf32, #tpu.memory_space<vmem>>
      %dma_wait3A_569 = arith.constant 0 : i32
      %dma_wait3A_570 = tpu.memref_slice %arg6[%dma_wait3A_562, %dma_wait3A_563, %dma_wait3A_569] : memref<2x10x128xi32, #tpu.memory_space<vmem>> -> memref<1x1x128xi32, #tpu.memory_space<vmem>>
      %dma_wait3A_571 = tpu.memref_squeeze %dma_wait3A_570 : memref<1x1x128xi32, #tpu.memory_space<vmem>> -> memref<128xi32, #tpu.memory_space<vmem>>
      %dma_wait3A_572 = arith.constant 0 : i32
      %dma_wait3A_573 = arith.constant 0 : i32
      %dma_wait3A_574 = tpu.memref_slice %arg2[%dma_wait3A_572, %dma_wait3A_573] : memref<100000x16xf32, #tpu.memory_space<hbm>> -> memref<100000x16xf32, #tpu.memory_space<hbm>>
      tpu.wait_indirect_dma semaphore(%arg13 : memref<!tpu.dma_semaphore, #tpu.memory_space<semaphore_mem>>) src(%dma_wait3A_574 : memref<100000x16xf32, #tpu.memory_space<hbm>>) dst(%dma_wait3A_568 : memref<128x16xf32, #tpu.memory_space<vmem>>)
      %dma_start3A_575 = arith.constant 1 : i32
      %dma_start3A_576 = arith.constant 0 : i32
      %dma_start3A_577 = arith.constant 8 : i32
      %dma_start3A_578 = arith.constant 384 : i32
      %dma_start3A_579 = arith.constant 0 : i32
      %dma_start3A_580 = tpu.memref_slice %arg8[%dma_start3A_575, %dma_start3A_578, %dma_start3A_579] : memref<2x640x16xf32, #tpu.memory_space<vmem>> -> memref<1x128x16xf32, #tpu.memory_space<vmem>>
      %dma_start3A_581 = tpu.memref_squeeze %dma_start3A_580 : memref<1x128x16xf32, #tpu.memory_space<vmem>> -> memref<128x16xf32, #tpu.memory_space<vmem>>
      %dma_start3A_582 = arith.constant 0 : i32
      %dma_start3A_583 = tpu.memref_slice %arg7[%dma_start3A_576, %dma_start3A_577, %dma_start3A_582] : memref<2x10x128xi32, #tpu.memory_space<vmem>> -> memref<1x1x128xi32, #tpu.memory_space<vmem>>
      %dma_start3A_584 = tpu.memref_squeeze %dma_start3A_583 : memref<1x1x128xi32, #tpu.memory_space<vmem>> -> memref<128xi32, #tpu.memory_space<vmem>>
      %dma_start3A_585 = arith.constant 0 : i32
      %dma_start3A_586 = arith.constant 0 : i32
      %dma_start3A_587 = tpu.memref_slice %arg11[%dma_start3A_585, %dma_start3A_586] : memref<100016x16xf32, #tpu.memory_space<vmem_shared>> -> memref<100016x16xf32, #tpu.memory_space<vmem_shared>>
      tpu.enqueue_indirect_dma source(%dma_start3A_581 : memref<128x16xf32, #tpu.memory_space<vmem>>) target(%dma_start3A_587 : memref<100016x16xf32, #tpu.memory_space<vmem_shared>>) offsets(%dma_start3A_584 : memref<128xi32, #tpu.memory_space<vmem>>) semaphore(%arg15 : memref<!tpu.dma_semaphore, #tpu.memory_space<semaphore_mem>>) {add = true}
      %dma_wait3A_588 = arith.constant 0 : i32
      %dma_wait3A_589 = arith.constant 9 : i32
      %dma_wait3A_590 = arith.constant 1 : i32
      %dma_wait3A_591 = arith.constant 512 : i32
      %dma_wait3A_592 = arith.constant 0 : i32
      %dma_wait3A_593 = tpu.memref_slice %arg8[%dma_wait3A_590, %dma_wait3A_591, %dma_wait3A_592] : memref<2x640x16xf32, #tpu.memory_space<vmem>> -> memref<1x128x16xf32, #tpu.memory_space<vmem>>
      %dma_wait3A_594 = tpu.memref_squeeze %dma_wait3A_593 : memref<1x128x16xf32, #tpu.memory_space<vmem>> -> memref<128x16xf32, #tpu.memory_space<vmem>>
      %dma_wait3A_595 = arith.constant 0 : i32
      %dma_wait3A_596 = tpu.memref_slice %arg6[%dma_wait3A_588, %dma_wait3A_589, %dma_wait3A_595] : memref<2x10x128xi32, #tpu.memory_space<vmem>> -> memref<1x1x128xi32, #tpu.memory_space<vmem>>
      %dma_wait3A_597 = tpu.memref_squeeze %dma_wait3A_596 : memref<1x1x128xi32, #tpu.memory_space<vmem>> -> memref<128xi32, #tpu.memory_space<vmem>>
      %dma_wait3A_598 = arith.constant 0 : i32
      %dma_wait3A_599 = arith.constant 0 : i32
      %dma_wait3A_600 = tpu.memref_slice %arg2[%dma_wait3A_598, %dma_wait3A_599] : memref<100000x16xf32, #tpu.memory_space<hbm>> -> memref<100000x16xf32, #tpu.memory_space<hbm>>
      tpu.wait_indirect_dma semaphore(%arg13 : memref<!tpu.dma_semaphore, #tpu.memory_space<semaphore_mem>>) src(%dma_wait3A_600 : memref<100000x16xf32, #tpu.memory_space<hbm>>) dst(%dma_wait3A_594 : memref<128x16xf32, #tpu.memory_space<vmem>>)
      %dma_start3A_601 = arith.constant 1 : i32
      %dma_start3A_602 = arith.constant 0 : i32
      %dma_start3A_603 = arith.constant 9 : i32
      %dma_start3A_604 = arith.constant 512 : i32
      %dma_start3A_605 = arith.constant 0 : i32
      %dma_start3A_606 = tpu.memref_slice %arg8[%dma_start3A_601, %dma_start3A_604, %dma_start3A_605] : memref<2x640x16xf32, #tpu.memory_space<vmem>> -> memref<1x128x16xf32, #tpu.memory_space<vmem>>
      %dma_start3A_607 = tpu.memref_squeeze %dma_start3A_606 : memref<1x128x16xf32, #tpu.memory_space<vmem>> -> memref<128x16xf32, #tpu.memory_space<vmem>>
      %dma_start3A_608 = arith.constant 0 : i32
      %dma_start3A_609 = tpu.memref_slice %arg7[%dma_start3A_602, %dma_start3A_603, %dma_start3A_608] : memref<2x10x128xi32, #tpu.memory_space<vmem>> -> memref<1x1x128xi32, #tpu.memory_space<vmem>>
      %dma_start3A_610 = tpu.memref_squeeze %dma_start3A_609 : memref<1x1x128xi32, #tpu.memory_space<vmem>> -> memref<128xi32, #tpu.memory_space<vmem>>
      %dma_start3A_611 = arith.constant 0 : i32
      %dma_start3A_612 = arith.constant 0 : i32
      %dma_start3A_613 = tpu.memref_slice %arg11[%dma_start3A_611, %dma_start3A_612] : memref<100016x16xf32, #tpu.memory_space<vmem_shared>> -> memref<100016x16xf32, #tpu.memory_space<vmem_shared>>
      tpu.enqueue_indirect_dma source(%dma_start3A_607 : memref<128x16xf32, #tpu.memory_space<vmem>>) target(%dma_start3A_613 : memref<100016x16xf32, #tpu.memory_space<vmem_shared>>) offsets(%dma_start3A_610 : memref<128xi32, #tpu.memory_space<vmem>>) semaphore(%arg15 : memref<!tpu.dma_semaphore, #tpu.memory_space<semaphore_mem>>) {add = true}
      %mul3A_614 = arith.constant 2 : i32
      %mul3A_615 = arith.muli %mul3A_614, %scan3A_154 : i32
      %add3A_616 = arith.constant 1 : i32
      %add3A_617 = arith.addi %mul3A_615, %add3A_616 : i32
      %add3A_618 = arith.constant 1 : i32
      %add3A_619 = arith.addi %add3A_617, %add3A_618 : i32
      %lt3A_620 = arith.constant 78 : i32
      %lt3A_621 = arith.cmpi slt, %add3A_619, %lt3A_620 : i32
      %convert_element_type3A_622 = arith.extui %lt3A_621 : i1 to i32
      %cond3A_623 = arith.constant 0 : i32
      %cond3A_624 = arith.cmpi ne, %convert_element_type3A_622, %cond3A_623 : i32
      scf.if %cond3A_624 {
        %add3A_1076 = arith.constant 1 : i32
        %add3A_1077 = arith.addi %add3A_617, %add3A_1076 : i32
        %mul3A_1078 = arith.constant 10 : i32
        %mul3A_1079 = arith.muli %add3A_1077, %mul3A_1078 : i32
        %add3A_1080 = arith.addi %mul3A_75, %mul3A_1079 : i32
        %dma_start3A_1081 = arith.constant 0 : i32
        %dma_start3A_1082 = arith.constant 0 : i32
        %dma_start3A_1083 = arith.constant 0 : i32
        %dma_start3A_1084 = tpu.memref_slice %arg6[%dma_start3A_1081, %dma_start3A_1082, %dma_start3A_1083] : memref<2x10x128xi32, #tpu.memory_space<vmem>> -> memref<1x10x128xi32, #tpu.memory_space<vmem>>
        %dma_start3A_1085 = tpu.memref_squeeze %dma_start3A_1084 : memref<1x10x128xi32, #tpu.memory_space<vmem>> -> memref<10x128xi32, #tpu.memory_space<vmem>>
        %dma_start3A_1086 = arith.constant 0 : i32
        %dma_start3A_1087 = tpu.memref_slice %arg3[%add3A_1080, %dma_start3A_1086] : memref<25024x128xi32, #tpu.memory_space<hbm>> -> memref<10x128xi32, #tpu.memory_space<hbm>>
        %dma_start3A_1088 = arith.constant 0 : i32
        %dma_start3A_1089 = arith.constant 0 : i32
        %dma_start3A_1090 = tpu.memref_slice %arg6[%dma_start3A_1081, %dma_start3A_1088, %dma_start3A_1089] : memref<2x10x128xi32, #tpu.memory_space<vmem>> -> memref<1x10x128xi32, #tpu.memory_space<vmem>>
        %dma_start3A_1091 = tpu.memref_squeeze %dma_start3A_1090 : memref<1x10x128xi32, #tpu.memory_space<vmem>> -> memref<10x128xi32, #tpu.memory_space<vmem>>
        %dma_start3A_1092 = arith.constant 0 : i32
        %dma_start3A_1093 = tpu.memref_slice %arg3[%add3A_1080, %dma_start3A_1092] : memref<25024x128xi32, #tpu.memory_space<hbm>> -> memref<10x128xi32, #tpu.memory_space<hbm>>
        tpu.enqueue_dma source(%dma_start3A_1093 : memref<10x128xi32, #tpu.memory_space<hbm>>) target(%dma_start3A_1091 : memref<10x128xi32, #tpu.memory_space<vmem>>) target_semaphore(%arg16 : memref<!tpu.dma_semaphore, #tpu.memory_space<semaphore_mem>>)
        %dma_start3A_1094 = arith.constant 0 : i32
        %dma_start3A_1095 = arith.constant 0 : i32
        %dma_start3A_1096 = arith.constant 0 : i32
        %dma_start3A_1097 = tpu.memref_slice %arg7[%dma_start3A_1094, %dma_start3A_1095, %dma_start3A_1096] : memref<2x10x128xi32, #tpu.memory_space<vmem>> -> memref<1x10x128xi32, #tpu.memory_space<vmem>>
        %dma_start3A_1098 = tpu.memref_squeeze %dma_start3A_1097 : memref<1x10x128xi32, #tpu.memory_space<vmem>> -> memref<10x128xi32, #tpu.memory_space<vmem>>
        %dma_start3A_1099 = arith.constant 0 : i32
        %dma_start3A_1100 = tpu.memref_slice %arg4[%add3A_1080, %dma_start3A_1099] : memref<25024x128xi32, #tpu.memory_space<hbm>> -> memref<10x128xi32, #tpu.memory_space<hbm>>
        %dma_start3A_1101 = arith.constant 0 : i32
        %dma_start3A_1102 = arith.constant 0 : i32
        %dma_start3A_1103 = tpu.memref_slice %arg7[%dma_start3A_1094, %dma_start3A_1101, %dma_start3A_1102] : memref<2x10x128xi32, #tpu.memory_space<vmem>> -> memref<1x10x128xi32, #tpu.memory_space<vmem>>
        %dma_start3A_1104 = tpu.memref_squeeze %dma_start3A_1103 : memref<1x10x128xi32, #tpu.memory_space<vmem>> -> memref<10x128xi32, #tpu.memory_space<vmem>>
        %dma_start3A_1105 = arith.constant 0 : i32
        %dma_start3A_1106 = tpu.memref_slice %arg4[%add3A_1080, %dma_start3A_1105] : memref<25024x128xi32, #tpu.memory_space<hbm>> -> memref<10x128xi32, #tpu.memory_space<hbm>>
        tpu.enqueue_dma source(%dma_start3A_1106 : memref<10x128xi32, #tpu.memory_space<hbm>>) target(%dma_start3A_1104 : memref<10x128xi32, #tpu.memory_space<vmem>>) target_semaphore(%arg16 : memref<!tpu.dma_semaphore, #tpu.memory_space<semaphore_mem>>)
      } else {
      }
      %dma_wait3A_625 = arith.constant 1 : i32
      %dma_wait3A_626 = arith.constant 0 : i32
      %dma_wait3A_627 = arith.constant 0 : i32
      %dma_wait3A_628 = tpu.memref_slice %arg6[%dma_wait3A_625, %dma_wait3A_626, %dma_wait3A_627] : memref<2x10x128xi32, #tpu.memory_space<vmem>> -> memref<1x10x128xi32, #tpu.memory_space<vmem>>
      %dma_wait3A_629 = tpu.memref_squeeze %dma_wait3A_628 : memref<1x10x128xi32, #tpu.memory_space<vmem>> -> memref<10x128xi32, #tpu.memory_space<vmem>>
      %dma_wait3A_630 = arith.constant 0 : i32
      %dma_wait3A_631 = arith.constant 0 : i32
      %dma_wait3A_632 = tpu.memref_slice %arg3[%dma_wait3A_630, %dma_wait3A_631] : memref<25024x128xi32, #tpu.memory_space<hbm>> -> memref<10x128xi32, #tpu.memory_space<hbm>>
      %dma_wait3A_633 = arith.constant 0 : i32
      %dma_wait3A_634 = arith.constant 0 : i32
      %dma_wait3A_635 = tpu.memref_slice %arg6[%dma_wait3A_625, %dma_wait3A_633, %dma_wait3A_634] : memref<2x10x128xi32, #tpu.memory_space<vmem>> -> memref<1x10x128xi32, #tpu.memory_space<vmem>>
      %dma_wait3A_636 = tpu.memref_squeeze %dma_wait3A_635 : memref<1x10x128xi32, #tpu.memory_space<vmem>> -> memref<10x128xi32, #tpu.memory_space<vmem>>
      %dma_wait3A_637 = arith.constant 0 : i32
      %dma_wait3A_638 = arith.constant 0 : i32
      %dma_wait3A_639 = tpu.memref_slice %arg3[%dma_wait3A_637, %dma_wait3A_638] : memref<25024x128xi32, #tpu.memory_space<hbm>> -> memref<10x128xi32, #tpu.memory_space<hbm>>
      tpu.wait_dma2 semaphore(%arg17 : memref<!tpu.dma_semaphore, #tpu.memory_space<semaphore_mem>>) src(%dma_wait3A_639 : memref<10x128xi32, #tpu.memory_space<hbm>>) dst(%dma_wait3A_636 : memref<10x128xi32, #tpu.memory_space<vmem>>)
      %dma_wait3A_640 = arith.constant 1 : i32
      %dma_wait3A_641 = arith.constant 0 : i32
      %dma_wait3A_642 = arith.constant 0 : i32
      %dma_wait3A_643 = tpu.memref_slice %arg7[%dma_wait3A_640, %dma_wait3A_641, %dma_wait3A_642] : memref<2x10x128xi32, #tpu.memory_space<vmem>> -> memref<1x10x128xi32, #tpu.memory_space<vmem>>
      %dma_wait3A_644 = tpu.memref_squeeze %dma_wait3A_643 : memref<1x10x128xi32, #tpu.memory_space<vmem>> -> memref<10x128xi32, #tpu.memory_space<vmem>>
      %dma_wait3A_645 = arith.constant 0 : i32
      %dma_wait3A_646 = arith.constant 0 : i32
      %dma_wait3A_647 = tpu.memref_slice %arg4[%dma_wait3A_645, %dma_wait3A_646] : memref<25024x128xi32, #tpu.memory_space<hbm>> -> memref<10x128xi32, #tpu.memory_space<hbm>>
      %dma_wait3A_648 = arith.constant 0 : i32
      %dma_wait3A_649 = arith.constant 0 : i32
      %dma_wait3A_650 = tpu.memref_slice %arg7[%dma_wait3A_640, %dma_wait3A_648, %dma_wait3A_649] : memref<2x10x128xi32, #tpu.memory_space<vmem>> -> memref<1x10x128xi32, #tpu.memory_space<vmem>>
      %dma_wait3A_651 = tpu.memref_squeeze %dma_wait3A_650 : memref<1x10x128xi32, #tpu.memory_space<vmem>> -> memref<10x128xi32, #tpu.memory_space<vmem>>
      %dma_wait3A_652 = arith.constant 0 : i32
      %dma_wait3A_653 = arith.constant 0 : i32
      %dma_wait3A_654 = tpu.memref_slice %arg4[%dma_wait3A_652, %dma_wait3A_653] : memref<25024x128xi32, #tpu.memory_space<hbm>> -> memref<10x128xi32, #tpu.memory_space<hbm>>
      tpu.wait_dma2 semaphore(%arg17 : memref<!tpu.dma_semaphore, #tpu.memory_space<semaphore_mem>>) src(%dma_wait3A_654 : memref<10x128xi32, #tpu.memory_space<hbm>>) dst(%dma_wait3A_651 : memref<10x128xi32, #tpu.memory_space<vmem>>)
      %dma_wait3A_655 = arith.constant 0 : i32
      %dma_wait3A_656 = arith.constant 0 : i32
      %dma_wait3A_657 = arith.constant 0 : i32
      %dma_wait3A_658 = tpu.memref_slice %arg8[%dma_wait3A_655, %dma_wait3A_656, %dma_wait3A_657] : memref<2x640x16xf32, #tpu.memory_space<vmem>> -> memref<1x640x16xf32, #tpu.memory_space<vmem>>
      %dma_wait3A_659 = tpu.memref_squeeze %dma_wait3A_658 : memref<1x640x16xf32, #tpu.memory_space<vmem>> -> memref<640x16xf32, #tpu.memory_space<vmem>>
      %dma_wait3A_660 = arith.constant 0 : i32
      %dma_wait3A_661 = arith.constant 0 : i32
      %dma_wait3A_662 = tpu.memref_slice %arg2[%dma_wait3A_660, %dma_wait3A_661] : memref<100000x16xf32, #tpu.memory_space<hbm>> -> memref<640x16xf32, #tpu.memory_space<hbm>>
      %dma_wait3A_663 = arith.constant 0 : i32
      %dma_wait3A_664 = arith.constant 0 : i32
      %dma_wait3A_665 = tpu.memref_slice %arg8[%dma_wait3A_655, %dma_wait3A_663, %dma_wait3A_664] : memref<2x640x16xf32, #tpu.memory_space<vmem>> -> memref<1x640x16xf32, #tpu.memory_space<vmem>>
      %dma_wait3A_666 = tpu.memref_squeeze %dma_wait3A_665 : memref<1x640x16xf32, #tpu.memory_space<vmem>> -> memref<640x16xf32, #tpu.memory_space<vmem>>
      %dma_wait3A_667 = arith.constant 0 : i32
      %dma_wait3A_668 = arith.constant 0 : i32
      %dma_wait3A_669 = tpu.memref_slice %arg2[%dma_wait3A_667, %dma_wait3A_668] : memref<100000x16xf32, #tpu.memory_space<hbm>> -> memref<640x16xf32, #tpu.memory_space<hbm>>
      tpu.wait_dma2 semaphore(%arg14 : memref<!tpu.dma_semaphore, #tpu.memory_space<semaphore_mem>>) src(%dma_wait3A_669 : memref<640x16xf32, #tpu.memory_space<hbm>>) dst(%dma_wait3A_666 : memref<640x16xf32, #tpu.memory_space<vmem>>)
      %dma_start3A_670 = arith.constant 1 : i32
      %dma_start3A_671 = arith.constant 0 : i32
      %dma_start3A_672 = arith.constant 0 : i32
      %dma_start3A_673 = arith.constant 0 : i32
      %dma_start3A_674 = arith.constant 0 : i32
      %dma_start3A_675 = tpu.memref_slice %arg8[%dma_start3A_672, %dma_start3A_673, %dma_start3A_674] : memref<2x640x16xf32, #tpu.memory_space<vmem>> -> memref<1x128x16xf32, #tpu.memory_space<vmem>>
      %dma_start3A_676 = tpu.memref_squeeze %dma_start3A_675 : memref<1x128x16xf32, #tpu.memory_space<vmem>> -> memref<128x16xf32, #tpu.memory_space<vmem>>
      %dma_start3A_677 = arith.constant 0 : i32
      %dma_start3A_678 = tpu.memref_slice %arg6[%dma_start3A_670, %dma_start3A_671, %dma_start3A_677] : memref<2x10x128xi32, #tpu.memory_space<vmem>> -> memref<1x1x128xi32, #tpu.memory_space<vmem>>
      %dma_start3A_679 = tpu.memref_squeeze %dma_start3A_678 : memref<1x1x128xi32, #tpu.memory_space<vmem>> -> memref<128xi32, #tpu.memory_space<vmem>>
      %dma_start3A_680 = arith.constant 0 : i32
      %dma_start3A_681 = arith.constant 0 : i32
      %dma_start3A_682 = tpu.memref_slice %arg2[%dma_start3A_680, %dma_start3A_681] : memref<100000x16xf32, #tpu.memory_space<hbm>> -> memref<100000x16xf32, #tpu.memory_space<hbm>>
      tpu.enqueue_indirect_dma source(%dma_start3A_682 : memref<100000x16xf32, #tpu.memory_space<hbm>>) target(%dma_start3A_676 : memref<128x16xf32, #tpu.memory_space<vmem>>) offsets(%dma_start3A_679 : memref<128xi32, #tpu.memory_space<vmem>>) semaphore(%arg12 : memref<!tpu.dma_semaphore, #tpu.memory_space<semaphore_mem>>)
      %dma_start3A_683 = arith.constant 1 : i32
      %dma_start3A_684 = arith.constant 1 : i32
      %dma_start3A_685 = arith.constant 0 : i32
      %dma_start3A_686 = arith.constant 128 : i32
      %dma_start3A_687 = arith.constant 0 : i32
      %dma_start3A_688 = tpu.memref_slice %arg8[%dma_start3A_685, %dma_start3A_686, %dma_start3A_687] : memref<2x640x16xf32, #tpu.memory_space<vmem>> -> memref<1x128x16xf32, #tpu.memory_space<vmem>>
      %dma_start3A_689 = tpu.memref_squeeze %dma_start3A_688 : memref<1x128x16xf32, #tpu.memory_space<vmem>> -> memref<128x16xf32, #tpu.memory_space<vmem>>
      %dma_start3A_690 = arith.constant 0 : i32
      %dma_start3A_691 = tpu.memref_slice %arg6[%dma_start3A_683, %dma_start3A_684, %dma_start3A_690] : memref<2x10x128xi32, #tpu.memory_space<vmem>> -> memref<1x1x128xi32, #tpu.memory_space<vmem>>
      %dma_start3A_692 = tpu.memref_squeeze %dma_start3A_691 : memref<1x1x128xi32, #tpu.memory_space<vmem>> -> memref<128xi32, #tpu.memory_space<vmem>>
      %dma_start3A_693 = arith.constant 0 : i32
      %dma_start3A_694 = arith.constant 0 : i32
      %dma_start3A_695 = tpu.memref_slice %arg2[%dma_start3A_693, %dma_start3A_694] : memref<100000x16xf32, #tpu.memory_space<hbm>> -> memref<100000x16xf32, #tpu.memory_space<hbm>>
      tpu.enqueue_indirect_dma source(%dma_start3A_695 : memref<100000x16xf32, #tpu.memory_space<hbm>>) target(%dma_start3A_689 : memref<128x16xf32, #tpu.memory_space<vmem>>) offsets(%dma_start3A_692 : memref<128xi32, #tpu.memory_space<vmem>>) semaphore(%arg12 : memref<!tpu.dma_semaphore, #tpu.memory_space<semaphore_mem>>)
      %dma_start3A_696 = arith.constant 1 : i32
      %dma_start3A_697 = arith.constant 2 : i32
      %dma_start3A_698 = arith.constant 0 : i32
      %dma_start3A_699 = arith.constant 256 : i32
      %dma_start3A_700 = arith.constant 0 : i32
      %dma_start3A_701 = tpu.memref_slice %arg8[%dma_start3A_698, %dma_start3A_699, %dma_start3A_700] : memref<2x640x16xf32, #tpu.memory_space<vmem>> -> memref<1x128x16xf32, #tpu.memory_space<vmem>>
      %dma_start3A_702 = tpu.memref_squeeze %dma_start3A_701 : memref<1x128x16xf32, #tpu.memory_space<vmem>> -> memref<128x16xf32, #tpu.memory_space<vmem>>
      %dma_start3A_703 = arith.constant 0 : i32
      %dma_start3A_704 = tpu.memref_slice %arg6[%dma_start3A_696, %dma_start3A_697, %dma_start3A_703] : memref<2x10x128xi32, #tpu.memory_space<vmem>> -> memref<1x1x128xi32, #tpu.memory_space<vmem>>
      %dma_start3A_705 = tpu.memref_squeeze %dma_start3A_704 : memref<1x1x128xi32, #tpu.memory_space<vmem>> -> memref<128xi32, #tpu.memory_space<vmem>>
      %dma_start3A_706 = arith.constant 0 : i32
      %dma_start3A_707 = arith.constant 0 : i32
      %dma_start3A_708 = tpu.memref_slice %arg2[%dma_start3A_706, %dma_start3A_707] : memref<100000x16xf32, #tpu.memory_space<hbm>> -> memref<100000x16xf32, #tpu.memory_space<hbm>>
      tpu.enqueue_indirect_dma source(%dma_start3A_708 : memref<100000x16xf32, #tpu.memory_space<hbm>>) target(%dma_start3A_702 : memref<128x16xf32, #tpu.memory_space<vmem>>) offsets(%dma_start3A_705 : memref<128xi32, #tpu.memory_space<vmem>>) semaphore(%arg12 : memref<!tpu.dma_semaphore, #tpu.memory_space<semaphore_mem>>)
      %dma_start3A_709 = arith.constant 1 : i32
      %dma_start3A_710 = arith.constant 3 : i32
      %dma_start3A_711 = arith.constant 0 : i32
      %dma_start3A_712 = arith.constant 384 : i32
      %dma_start3A_713 = arith.constant 0 : i32
      %dma_start3A_714 = tpu.memref_slice %arg8[%dma_start3A_711, %dma_start3A_712, %dma_start3A_713] : memref<2x640x16xf32, #tpu.memory_space<vmem>> -> memref<1x128x16xf32, #tpu.memory_space<vmem>>
      %dma_start3A_715 = tpu.memref_squeeze %dma_start3A_714 : memref<1x128x16xf32, #tpu.memory_space<vmem>> -> memref<128x16xf32, #tpu.memory_space<vmem>>
      %dma_start3A_716 = arith.constant 0 : i32
      %dma_start3A_717 = tpu.memref_slice %arg6[%dma_start3A_709, %dma_start3A_710, %dma_start3A_716] : memref<2x10x128xi32, #tpu.memory_space<vmem>> -> memref<1x1x128xi32, #tpu.memory_space<vmem>>
      %dma_start3A_718 = tpu.memref_squeeze %dma_start3A_717 : memref<1x1x128xi32, #tpu.memory_space<vmem>> -> memref<128xi32, #tpu.memory_space<vmem>>
      %dma_start3A_719 = arith.constant 0 : i32
      %dma_start3A_720 = arith.constant 0 : i32
      %dma_start3A_721 = tpu.memref_slice %arg2[%dma_start3A_719, %dma_start3A_720] : memref<100000x16xf32, #tpu.memory_space<hbm>> -> memref<100000x16xf32, #tpu.memory_space<hbm>>
      tpu.enqueue_indirect_dma source(%dma_start3A_721 : memref<100000x16xf32, #tpu.memory_space<hbm>>) target(%dma_start3A_715 : memref<128x16xf32, #tpu.memory_space<vmem>>) offsets(%dma_start3A_718 : memref<128xi32, #tpu.memory_space<vmem>>) semaphore(%arg12 : memref<!tpu.dma_semaphore, #tpu.memory_space<semaphore_mem>>)
      %dma_start3A_722 = arith.constant 1 : i32
      %dma_start3A_723 = arith.constant 4 : i32
      %dma_start3A_724 = arith.constant 0 : i32
      %dma_start3A_725 = arith.constant 512 : i32
      %dma_start3A_726 = arith.constant 0 : i32
      %dma_start3A_727 = tpu.memref_slice %arg8[%dma_start3A_724, %dma_start3A_725, %dma_start3A_726] : memref<2x640x16xf32, #tpu.memory_space<vmem>> -> memref<1x128x16xf32, #tpu.memory_space<vmem>>
      %dma_start3A_728 = tpu.memref_squeeze %dma_start3A_727 : memref<1x128x16xf32, #tpu.memory_space<vmem>> -> memref<128x16xf32, #tpu.memory_space<vmem>>
      %dma_start3A_729 = arith.constant 0 : i32
      %dma_start3A_730 = tpu.memref_slice %arg6[%dma_start3A_722, %dma_start3A_723, %dma_start3A_729] : memref<2x10x128xi32, #tpu.memory_space<vmem>> -> memref<1x1x128xi32, #tpu.memory_space<vmem>>
      %dma_start3A_731 = tpu.memref_squeeze %dma_start3A_730 : memref<1x1x128xi32, #tpu.memory_space<vmem>> -> memref<128xi32, #tpu.memory_space<vmem>>
      %dma_start3A_732 = arith.constant 0 : i32
      %dma_start3A_733 = arith.constant 0 : i32
      %dma_start3A_734 = tpu.memref_slice %arg2[%dma_start3A_732, %dma_start3A_733] : memref<100000x16xf32, #tpu.memory_space<hbm>> -> memref<100000x16xf32, #tpu.memory_space<hbm>>
      tpu.enqueue_indirect_dma source(%dma_start3A_734 : memref<100000x16xf32, #tpu.memory_space<hbm>>) target(%dma_start3A_728 : memref<128x16xf32, #tpu.memory_space<vmem>>) offsets(%dma_start3A_731 : memref<128xi32, #tpu.memory_space<vmem>>) semaphore(%arg12 : memref<!tpu.dma_semaphore, #tpu.memory_space<semaphore_mem>>)
      %dma_wait3A_735 = arith.constant 1 : i32
      %dma_wait3A_736 = arith.constant 0 : i32
      %dma_wait3A_737 = arith.constant 0 : i32
      %dma_wait3A_738 = arith.constant 0 : i32
      %dma_wait3A_739 = arith.constant 0 : i32
      %dma_wait3A_740 = tpu.memref_slice %arg8[%dma_wait3A_737, %dma_wait3A_738, %dma_wait3A_739] : memref<2x640x16xf32, #tpu.memory_space<vmem>> -> memref<1x128x16xf32, #tpu.memory_space<vmem>>
      %dma_wait3A_741 = tpu.memref_squeeze %dma_wait3A_740 : memref<1x128x16xf32, #tpu.memory_space<vmem>> -> memref<128x16xf32, #tpu.memory_space<vmem>>
      %dma_wait3A_742 = arith.constant 0 : i32
      %dma_wait3A_743 = tpu.memref_slice %arg6[%dma_wait3A_735, %dma_wait3A_736, %dma_wait3A_742] : memref<2x10x128xi32, #tpu.memory_space<vmem>> -> memref<1x1x128xi32, #tpu.memory_space<vmem>>
      %dma_wait3A_744 = tpu.memref_squeeze %dma_wait3A_743 : memref<1x1x128xi32, #tpu.memory_space<vmem>> -> memref<128xi32, #tpu.memory_space<vmem>>
      %dma_wait3A_745 = arith.constant 0 : i32
      %dma_wait3A_746 = arith.constant 0 : i32
      %dma_wait3A_747 = tpu.memref_slice %arg2[%dma_wait3A_745, %dma_wait3A_746] : memref<100000x16xf32, #tpu.memory_space<hbm>> -> memref<100000x16xf32, #tpu.memory_space<hbm>>
      tpu.wait_indirect_dma semaphore(%arg12 : memref<!tpu.dma_semaphore, #tpu.memory_space<semaphore_mem>>) src(%dma_wait3A_747 : memref<100000x16xf32, #tpu.memory_space<hbm>>) dst(%dma_wait3A_741 : memref<128x16xf32, #tpu.memory_space<vmem>>)
      %dma_start3A_748 = arith.constant 0 : i32
      %dma_start3A_749 = arith.constant 1 : i32
      %dma_start3A_750 = arith.constant 0 : i32
      %dma_start3A_751 = arith.constant 0 : i32
      %dma_start3A_752 = arith.constant 0 : i32
      %dma_start3A_753 = tpu.memref_slice %arg8[%dma_start3A_748, %dma_start3A_751, %dma_start3A_752] : memref<2x640x16xf32, #tpu.memory_space<vmem>> -> memref<1x128x16xf32, #tpu.memory_space<vmem>>
      %dma_start3A_754 = tpu.memref_squeeze %dma_start3A_753 : memref<1x128x16xf32, #tpu.memory_space<vmem>> -> memref<128x16xf32, #tpu.memory_space<vmem>>
      %dma_start3A_755 = arith.constant 0 : i32
      %dma_start3A_756 = tpu.memref_slice %arg7[%dma_start3A_749, %dma_start3A_750, %dma_start3A_755] : memref<2x10x128xi32, #tpu.memory_space<vmem>> -> memref<1x1x128xi32, #tpu.memory_space<vmem>>
      %dma_start3A_757 = tpu.memref_squeeze %dma_start3A_756 : memref<1x1x128xi32, #tpu.memory_space<vmem>> -> memref<128xi32, #tpu.memory_space<vmem>>
      %dma_start3A_758 = arith.constant 0 : i32
      %dma_start3A_759 = arith.constant 0 : i32
      %dma_start3A_760 = tpu.memref_slice %arg11[%dma_start3A_758, %dma_start3A_759] : memref<100016x16xf32, #tpu.memory_space<vmem_shared>> -> memref<100016x16xf32, #tpu.memory_space<vmem_shared>>
      tpu.enqueue_indirect_dma source(%dma_start3A_754 : memref<128x16xf32, #tpu.memory_space<vmem>>) target(%dma_start3A_760 : memref<100016x16xf32, #tpu.memory_space<vmem_shared>>) offsets(%dma_start3A_757 : memref<128xi32, #tpu.memory_space<vmem>>) semaphore(%arg14 : memref<!tpu.dma_semaphore, #tpu.memory_space<semaphore_mem>>) {add = true}
      %dma_wait3A_761 = arith.constant 1 : i32
      %dma_wait3A_762 = arith.constant 1 : i32
      %dma_wait3A_763 = arith.constant 0 : i32
      %dma_wait3A_764 = arith.constant 128 : i32
      %dma_wait3A_765 = arith.constant 0 : i32
      %dma_wait3A_766 = tpu.memref_slice %arg8[%dma_wait3A_763, %dma_wait3A_764, %dma_wait3A_765] : memref<2x640x16xf32, #tpu.memory_space<vmem>> -> memref<1x128x16xf32, #tpu.memory_space<vmem>>
      %dma_wait3A_767 = tpu.memref_squeeze %dma_wait3A_766 : memref<1x128x16xf32, #tpu.memory_space<vmem>> -> memref<128x16xf32, #tpu.memory_space<vmem>>
      %dma_wait3A_768 = arith.constant 0 : i32
      %dma_wait3A_769 = tpu.memref_slice %arg6[%dma_wait3A_761, %dma_wait3A_762, %dma_wait3A_768] : memref<2x10x128xi32, #tpu.memory_space<vmem>> -> memref<1x1x128xi32, #tpu.memory_space<vmem>>
      %dma_wait3A_770 = tpu.memref_squeeze %dma_wait3A_769 : memref<1x1x128xi32, #tpu.memory_space<vmem>> -> memref<128xi32, #tpu.memory_space<vmem>>
      %dma_wait3A_771 = arith.constant 0 : i32
      %dma_wait3A_772 = arith.constant 0 : i32
      %dma_wait3A_773 = tpu.memref_slice %arg2[%dma_wait3A_771, %dma_wait3A_772] : memref<100000x16xf32, #tpu.memory_space<hbm>> -> memref<100000x16xf32, #tpu.memory_space<hbm>>
      tpu.wait_indirect_dma semaphore(%arg12 : memref<!tpu.dma_semaphore, #tpu.memory_space<semaphore_mem>>) src(%dma_wait3A_773 : memref<100000x16xf32, #tpu.memory_space<hbm>>) dst(%dma_wait3A_767 : memref<128x16xf32, #tpu.memory_space<vmem>>)
      %dma_start3A_774 = arith.constant 0 : i32
      %dma_start3A_775 = arith.constant 1 : i32
      %dma_start3A_776 = arith.constant 1 : i32
      %dma_start3A_777 = arith.constant 128 : i32
      %dma_start3A_778 = arith.constant 0 : i32
      %dma_start3A_779 = tpu.memref_slice %arg8[%dma_start3A_774, %dma_start3A_777, %dma_start3A_778] : memref<2x640x16xf32, #tpu.memory_space<vmem>> -> memref<1x128x16xf32, #tpu.memory_space<vmem>>
      %dma_start3A_780 = tpu.memref_squeeze %dma_start3A_779 : memref<1x128x16xf32, #tpu.memory_space<vmem>> -> memref<128x16xf32, #tpu.memory_space<vmem>>
      %dma_start3A_781 = arith.constant 0 : i32
      %dma_start3A_782 = tpu.memref_slice %arg7[%dma_start3A_775, %dma_start3A_776, %dma_start3A_781] : memref<2x10x128xi32, #tpu.memory_space<vmem>> -> memref<1x1x128xi32, #tpu.memory_space<vmem>>
      %dma_start3A_783 = tpu.memref_squeeze %dma_start3A_782 : memref<1x1x128xi32, #tpu.memory_space<vmem>> -> memref<128xi32, #tpu.memory_space<vmem>>
      %dma_start3A_784 = arith.constant 0 : i32
      %dma_start3A_785 = arith.constant 0 : i32
      %dma_start3A_786 = tpu.memref_slice %arg11[%dma_start3A_784, %dma_start3A_785] : memref<100016x16xf32, #tpu.memory_space<vmem_shared>> -> memref<100016x16xf32, #tpu.memory_space<vmem_shared>>
      tpu.enqueue_indirect_dma source(%dma_start3A_780 : memref<128x16xf32, #tpu.memory_space<vmem>>) target(%dma_start3A_786 : memref<100016x16xf32, #tpu.memory_space<vmem_shared>>) offsets(%dma_start3A_783 : memref<128xi32, #tpu.memory_space<vmem>>) semaphore(%arg14 : memref<!tpu.dma_semaphore, #tpu.memory_space<semaphore_mem>>) {add = true}
      %dma_wait3A_787 = arith.constant 1 : i32
      %dma_wait3A_788 = arith.constant 2 : i32
      %dma_wait3A_789 = arith.constant 0 : i32
      %dma_wait3A_790 = arith.constant 256 : i32
      %dma_wait3A_791 = arith.constant 0 : i32
      %dma_wait3A_792 = tpu.memref_slice %arg8[%dma_wait3A_789, %dma_wait3A_790, %dma_wait3A_791] : memref<2x640x16xf32, #tpu.memory_space<vmem>> -> memref<1x128x16xf32, #tpu.memory_space<vmem>>
      %dma_wait3A_793 = tpu.memref_squeeze %dma_wait3A_792 : memref<1x128x16xf32, #tpu.memory_space<vmem>> -> memref<128x16xf32, #tpu.memory_space<vmem>>
      %dma_wait3A_794 = arith.constant 0 : i32
      %dma_wait3A_795 = tpu.memref_slice %arg6[%dma_wait3A_787, %dma_wait3A_788, %dma_wait3A_794] : memref<2x10x128xi32, #tpu.memory_space<vmem>> -> memref<1x1x128xi32, #tpu.memory_space<vmem>>
      %dma_wait3A_796 = tpu.memref_squeeze %dma_wait3A_795 : memref<1x1x128xi32, #tpu.memory_space<vmem>> -> memref<128xi32, #tpu.memory_space<vmem>>
      %dma_wait3A_797 = arith.constant 0 : i32
      %dma_wait3A_798 = arith.constant 0 : i32
      %dma_wait3A_799 = tpu.memref_slice %arg2[%dma_wait3A_797, %dma_wait3A_798] : memref<100000x16xf32, #tpu.memory_space<hbm>> -> memref<100000x16xf32, #tpu.memory_space<hbm>>
      tpu.wait_indirect_dma semaphore(%arg12 : memref<!tpu.dma_semaphore, #tpu.memory_space<semaphore_mem>>) src(%dma_wait3A_799 : memref<100000x16xf32, #tpu.memory_space<hbm>>) dst(%dma_wait3A_793 : memref<128x16xf32, #tpu.memory_space<vmem>>)
      %dma_start3A_800 = arith.constant 0 : i32
      %dma_start3A_801 = arith.constant 1 : i32
      %dma_start3A_802 = arith.constant 2 : i32
      %dma_start3A_803 = arith.constant 256 : i32
      %dma_start3A_804 = arith.constant 0 : i32
      %dma_start3A_805 = tpu.memref_slice %arg8[%dma_start3A_800, %dma_start3A_803, %dma_start3A_804] : memref<2x640x16xf32, #tpu.memory_space<vmem>> -> memref<1x128x16xf32, #tpu.memory_space<vmem>>
      %dma_start3A_806 = tpu.memref_squeeze %dma_start3A_805 : memref<1x128x16xf32, #tpu.memory_space<vmem>> -> memref<128x16xf32, #tpu.memory_space<vmem>>
      %dma_start3A_807 = arith.constant 0 : i32
      %dma_start3A_808 = tpu.memref_slice %arg7[%dma_start3A_801, %dma_start3A_802, %dma_start3A_807] : memref<2x10x128xi32, #tpu.memory_space<vmem>> -> memref<1x1x128xi32, #tpu.memory_space<vmem>>
      %dma_start3A_809 = tpu.memref_squeeze %dma_start3A_808 : memref<1x1x128xi32, #tpu.memory_space<vmem>> -> memref<128xi32, #tpu.memory_space<vmem>>
      %dma_start3A_810 = arith.constant 0 : i32
      %dma_start3A_811 = arith.constant 0 : i32
      %dma_start3A_812 = tpu.memref_slice %arg11[%dma_start3A_810, %dma_start3A_811] : memref<100016x16xf32, #tpu.memory_space<vmem_shared>> -> memref<100016x16xf32, #tpu.memory_space<vmem_shared>>
      tpu.enqueue_indirect_dma source(%dma_start3A_806 : memref<128x16xf32, #tpu.memory_space<vmem>>) target(%dma_start3A_812 : memref<100016x16xf32, #tpu.memory_space<vmem_shared>>) offsets(%dma_start3A_809 : memref<128xi32, #tpu.memory_space<vmem>>) semaphore(%arg14 : memref<!tpu.dma_semaphore, #tpu.memory_space<semaphore_mem>>) {add = true}
      %dma_wait3A_813 = arith.constant 1 : i32
      %dma_wait3A_814 = arith.constant 3 : i32
      %dma_wait3A_815 = arith.constant 0 : i32
      %dma_wait3A_816 = arith.constant 384 : i32
      %dma_wait3A_817 = arith.constant 0 : i32
      %dma_wait3A_818 = tpu.memref_slice %arg8[%dma_wait3A_815, %dma_wait3A_816, %dma_wait3A_817] : memref<2x640x16xf32, #tpu.memory_space<vmem>> -> memref<1x128x16xf32, #tpu.memory_space<vmem>>
      %dma_wait3A_819 = tpu.memref_squeeze %dma_wait3A_818 : memref<1x128x16xf32, #tpu.memory_space<vmem>> -> memref<128x16xf32, #tpu.memory_space<vmem>>
      %dma_wait3A_820 = arith.constant 0 : i32
      %dma_wait3A_821 = tpu.memref_slice %arg6[%dma_wait3A_813, %dma_wait3A_814, %dma_wait3A_820] : memref<2x10x128xi32, #tpu.memory_space<vmem>> -> memref<1x1x128xi32, #tpu.memory_space<vmem>>
      %dma_wait3A_822 = tpu.memref_squeeze %dma_wait3A_821 : memref<1x1x128xi32, #tpu.memory_space<vmem>> -> memref<128xi32, #tpu.memory_space<vmem>>
      %dma_wait3A_823 = arith.constant 0 : i32
      %dma_wait3A_824 = arith.constant 0 : i32
      %dma_wait3A_825 = tpu.memref_slice %arg2[%dma_wait3A_823, %dma_wait3A_824] : memref<100000x16xf32, #tpu.memory_space<hbm>> -> memref<100000x16xf32, #tpu.memory_space<hbm>>
      tpu.wait_indirect_dma semaphore(%arg12 : memref<!tpu.dma_semaphore, #tpu.memory_space<semaphore_mem>>) src(%dma_wait3A_825 : memref<100000x16xf32, #tpu.memory_space<hbm>>) dst(%dma_wait3A_819 : memref<128x16xf32, #tpu.memory_space<vmem>>)
      %dma_start3A_826 = arith.constant 0 : i32
      %dma_start3A_827 = arith.constant 1 : i32
      %dma_start3A_828 = arith.constant 3 : i32
      %dma_start3A_829 = arith.constant 384 : i32
      %dma_start3A_830 = arith.constant 0 : i32
      %dma_start3A_831 = tpu.memref_slice %arg8[%dma_start3A_826, %dma_start3A_829, %dma_start3A_830] : memref<2x640x16xf32, #tpu.memory_space<vmem>> -> memref<1x128x16xf32, #tpu.memory_space<vmem>>
      %dma_start3A_832 = tpu.memref_squeeze %dma_start3A_831 : memref<1x128x16xf32, #tpu.memory_space<vmem>> -> memref<128x16xf32, #tpu.memory_space<vmem>>
      %dma_start3A_833 = arith.constant 0 : i32
      %dma_start3A_834 = tpu.memref_slice %arg7[%dma_start3A_827, %dma_start3A_828, %dma_start3A_833] : memref<2x10x128xi32, #tpu.memory_space<vmem>> -> memref<1x1x128xi32, #tpu.memory_space<vmem>>
      %dma_start3A_835 = tpu.memref_squeeze %dma_start3A_834 : memref<1x1x128xi32, #tpu.memory_space<vmem>> -> memref<128xi32, #tpu.memory_space<vmem>>
      %dma_start3A_836 = arith.constant 0 : i32
      %dma_start3A_837 = arith.constant 0 : i32
      %dma_start3A_838 = tpu.memref_slice %arg11[%dma_start3A_836, %dma_start3A_837] : memref<100016x16xf32, #tpu.memory_space<vmem_shared>> -> memref<100016x16xf32, #tpu.memory_space<vmem_shared>>
      tpu.enqueue_indirect_dma source(%dma_start3A_832 : memref<128x16xf32, #tpu.memory_space<vmem>>) target(%dma_start3A_838 : memref<100016x16xf32, #tpu.memory_space<vmem_shared>>) offsets(%dma_start3A_835 : memref<128xi32, #tpu.memory_space<vmem>>) semaphore(%arg14 : memref<!tpu.dma_semaphore, #tpu.memory_space<semaphore_mem>>) {add = true}
      %dma_wait3A_839 = arith.constant 1 : i32
      %dma_wait3A_840 = arith.constant 4 : i32
      %dma_wait3A_841 = arith.constant 0 : i32
      %dma_wait3A_842 = arith.constant 512 : i32
      %dma_wait3A_843 = arith.constant 0 : i32
      %dma_wait3A_844 = tpu.memref_slice %arg8[%dma_wait3A_841, %dma_wait3A_842, %dma_wait3A_843] : memref<2x640x16xf32, #tpu.memory_space<vmem>> -> memref<1x128x16xf32, #tpu.memory_space<vmem>>
      %dma_wait3A_845 = tpu.memref_squeeze %dma_wait3A_844 : memref<1x128x16xf32, #tpu.memory_space<vmem>> -> memref<128x16xf32, #tpu.memory_space<vmem>>
      %dma_wait3A_846 = arith.constant 0 : i32
      %dma_wait3A_847 = tpu.memref_slice %arg6[%dma_wait3A_839, %dma_wait3A_840, %dma_wait3A_846] : memref<2x10x128xi32, #tpu.memory_space<vmem>> -> memref<1x1x128xi32, #tpu.memory_space<vmem>>
      %dma_wait3A_848 = tpu.memref_squeeze %dma_wait3A_847 : memref<1x1x128xi32, #tpu.memory_space<vmem>> -> memref<128xi32, #tpu.memory_space<vmem>>
      %dma_wait3A_849 = arith.constant 0 : i32
      %dma_wait3A_850 = arith.constant 0 : i32
      %dma_wait3A_851 = tpu.memref_slice %arg2[%dma_wait3A_849, %dma_wait3A_850] : memref<100000x16xf32, #tpu.memory_space<hbm>> -> memref<100000x16xf32, #tpu.memory_space<hbm>>
      tpu.wait_indirect_dma semaphore(%arg12 : memref<!tpu.dma_semaphore, #tpu.memory_space<semaphore_mem>>) src(%dma_wait3A_851 : memref<100000x16xf32, #tpu.memory_space<hbm>>) dst(%dma_wait3A_845 : memref<128x16xf32, #tpu.memory_space<vmem>>)
      %dma_start3A_852 = arith.constant 0 : i32
      %dma_start3A_853 = arith.constant 1 : i32
      %dma_start3A_854 = arith.constant 4 : i32
      %dma_start3A_855 = arith.constant 512 : i32
      %dma_start3A_856 = arith.constant 0 : i32
      %dma_start3A_857 = tpu.memref_slice %arg8[%dma_start3A_852, %dma_start3A_855, %dma_start3A_856] : memref<2x640x16xf32, #tpu.memory_space<vmem>> -> memref<1x128x16xf32, #tpu.memory_space<vmem>>
      %dma_start3A_858 = tpu.memref_squeeze %dma_start3A_857 : memref<1x128x16xf32, #tpu.memory_space<vmem>> -> memref<128x16xf32, #tpu.memory_space<vmem>>
      %dma_start3A_859 = arith.constant 0 : i32
      %dma_start3A_860 = tpu.memref_slice %arg7[%dma_start3A_853, %dma_start3A_854, %dma_start3A_859] : memref<2x10x128xi32, #tpu.memory_space<vmem>> -> memref<1x1x128xi32, #tpu.memory_space<vmem>>
      %dma_start3A_861 = tpu.memref_squeeze %dma_start3A_860 : memref<1x1x128xi32, #tpu.memory_space<vmem>> -> memref<128xi32, #tpu.memory_space<vmem>>
      %dma_start3A_862 = arith.constant 0 : i32
      %dma_start3A_863 = arith.constant 0 : i32
      %dma_start3A_864 = tpu.memref_slice %arg11[%dma_start3A_862, %dma_start3A_863] : memref<100016x16xf32, #tpu.memory_space<vmem_shared>> -> memref<100016x16xf32, #tpu.memory_space<vmem_shared>>
      tpu.enqueue_indirect_dma source(%dma_start3A_858 : memref<128x16xf32, #tpu.memory_space<vmem>>) target(%dma_start3A_864 : memref<100016x16xf32, #tpu.memory_space<vmem_shared>>) offsets(%dma_start3A_861 : memref<128xi32, #tpu.memory_space<vmem>>) semaphore(%arg14 : memref<!tpu.dma_semaphore, #tpu.memory_space<semaphore_mem>>) {add = true}
      %dma_wait3A_865 = arith.constant 1 : i32
      %dma_wait3A_866 = arith.constant 0 : i32
      %dma_wait3A_867 = arith.constant 0 : i32
      %dma_wait3A_868 = tpu.memref_slice %arg8[%dma_wait3A_865, %dma_wait3A_866, %dma_wait3A_867] : memref<2x640x16xf32, #tpu.memory_space<vmem>> -> memref<1x640x16xf32, #tpu.memory_space<vmem>>
      %dma_wait3A_869 = tpu.memref_squeeze %dma_wait3A_868 : memref<1x640x16xf32, #tpu.memory_space<vmem>> -> memref<640x16xf32, #tpu.memory_space<vmem>>
      %dma_wait3A_870 = arith.constant 0 : i32
      %dma_wait3A_871 = arith.constant 0 : i32
      %dma_wait3A_872 = tpu.memref_slice %arg2[%dma_wait3A_870, %dma_wait3A_871] : memref<100000x16xf32, #tpu.memory_space<hbm>> -> memref<640x16xf32, #tpu.memory_space<hbm>>
      %dma_wait3A_873 = arith.constant 0 : i32
      %dma_wait3A_874 = arith.constant 0 : i32
      %dma_wait3A_875 = tpu.memref_slice %arg8[%dma_wait3A_865, %dma_wait3A_873, %dma_wait3A_874] : memref<2x640x16xf32, #tpu.memory_space<vmem>> -> memref<1x640x16xf32, #tpu.memory_space<vmem>>
      %dma_wait3A_876 = tpu.memref_squeeze %dma_wait3A_875 : memref<1x640x16xf32, #tpu.memory_space<vmem>> -> memref<640x16xf32, #tpu.memory_space<vmem>>
      %dma_wait3A_877 = arith.constant 0 : i32
      %dma_wait3A_878 = arith.constant 0 : i32
      %dma_wait3A_879 = tpu.memref_slice %arg2[%dma_wait3A_877, %dma_wait3A_878] : memref<100000x16xf32, #tpu.memory_space<hbm>> -> memref<640x16xf32, #tpu.memory_space<hbm>>
      tpu.wait_dma2 semaphore(%arg15 : memref<!tpu.dma_semaphore, #tpu.memory_space<semaphore_mem>>) src(%dma_wait3A_879 : memref<640x16xf32, #tpu.memory_space<hbm>>) dst(%dma_wait3A_876 : memref<640x16xf32, #tpu.memory_space<vmem>>)
      %dma_start3A_880 = arith.constant 1 : i32
      %dma_start3A_881 = arith.constant 5 : i32
      %dma_start3A_882 = arith.constant 1 : i32
      %dma_start3A_883 = arith.constant 0 : i32
      %dma_start3A_884 = arith.constant 0 : i32
      %dma_start3A_885 = tpu.memref_slice %arg8[%dma_start3A_882, %dma_start3A_883, %dma_start3A_884] : memref<2x640x16xf32, #tpu.memory_space<vmem>> -> memref<1x128x16xf32, #tpu.memory_space<vmem>>
      %dma_start3A_886 = tpu.memref_squeeze %dma_start3A_885 : memref<1x128x16xf32, #tpu.memory_space<vmem>> -> memref<128x16xf32, #tpu.memory_space<vmem>>
      %dma_start3A_887 = arith.constant 0 : i32
      %dma_start3A_888 = tpu.memref_slice %arg6[%dma_start3A_880, %dma_start3A_881, %dma_start3A_887] : memref<2x10x128xi32, #tpu.memory_space<vmem>> -> memref<1x1x128xi32, #tpu.memory_space<vmem>>
      %dma_start3A_889 = tpu.memref_squeeze %dma_start3A_888 : memref<1x1x128xi32, #tpu.memory_space<vmem>> -> memref<128xi32, #tpu.memory_space<vmem>>
      %dma_start3A_890 = arith.constant 0 : i32
      %dma_start3A_891 = arith.constant 0 : i32
      %dma_start3A_892 = tpu.memref_slice %arg2[%dma_start3A_890, %dma_start3A_891] : memref<100000x16xf32, #tpu.memory_space<hbm>> -> memref<100000x16xf32, #tpu.memory_space<hbm>>
      tpu.enqueue_indirect_dma source(%dma_start3A_892 : memref<100000x16xf32, #tpu.memory_space<hbm>>) target(%dma_start3A_886 : memref<128x16xf32, #tpu.memory_space<vmem>>) offsets(%dma_start3A_889 : memref<128xi32, #tpu.memory_space<vmem>>) semaphore(%arg13 : memref<!tpu.dma_semaphore, #tpu.memory_space<semaphore_mem>>)
      %dma_start3A_893 = arith.constant 1 : i32
      %dma_start3A_894 = arith.constant 6 : i32
      %dma_start3A_895 = arith.constant 1 : i32
      %dma_start3A_896 = arith.constant 128 : i32
      %dma_start3A_897 = arith.constant 0 : i32
      %dma_start3A_898 = tpu.memref_slice %arg8[%dma_start3A_895, %dma_start3A_896, %dma_start3A_897] : memref<2x640x16xf32, #tpu.memory_space<vmem>> -> memref<1x128x16xf32, #tpu.memory_space<vmem>>
      %dma_start3A_899 = tpu.memref_squeeze %dma_start3A_898 : memref<1x128x16xf32, #tpu.memory_space<vmem>> -> memref<128x16xf32, #tpu.memory_space<vmem>>
      %dma_start3A_900 = arith.constant 0 : i32
      %dma_start3A_901 = tpu.memref_slice %arg6[%dma_start3A_893, %dma_start3A_894, %dma_start3A_900] : memref<2x10x128xi32, #tpu.memory_space<vmem>> -> memref<1x1x128xi32, #tpu.memory_space<vmem>>
      %dma_start3A_902 = tpu.memref_squeeze %dma_start3A_901 : memref<1x1x128xi32, #tpu.memory_space<vmem>> -> memref<128xi32, #tpu.memory_space<vmem>>
      %dma_start3A_903 = arith.constant 0 : i32
      %dma_start3A_904 = arith.constant 0 : i32
      %dma_start3A_905 = tpu.memref_slice %arg2[%dma_start3A_903, %dma_start3A_904] : memref<100000x16xf32, #tpu.memory_space<hbm>> -> memref<100000x16xf32, #tpu.memory_space<hbm>>
      tpu.enqueue_indirect_dma source(%dma_start3A_905 : memref<100000x16xf32, #tpu.memory_space<hbm>>) target(%dma_start3A_899 : memref<128x16xf32, #tpu.memory_space<vmem>>) offsets(%dma_start3A_902 : memref<128xi32, #tpu.memory_space<vmem>>) semaphore(%arg13 : memref<!tpu.dma_semaphore, #tpu.memory_space<semaphore_mem>>)
      %dma_start3A_906 = arith.constant 1 : i32
      %dma_start3A_907 = arith.constant 7 : i32
      %dma_start3A_908 = arith.constant 1 : i32
      %dma_start3A_909 = arith.constant 256 : i32
      %dma_start3A_910 = arith.constant 0 : i32
      %dma_start3A_911 = tpu.memref_slice %arg8[%dma_start3A_908, %dma_start3A_909, %dma_start3A_910] : memref<2x640x16xf32, #tpu.memory_space<vmem>> -> memref<1x128x16xf32, #tpu.memory_space<vmem>>
      %dma_start3A_912 = tpu.memref_squeeze %dma_start3A_911 : memref<1x128x16xf32, #tpu.memory_space<vmem>> -> memref<128x16xf32, #tpu.memory_space<vmem>>
      %dma_start3A_913 = arith.constant 0 : i32
      %dma_start3A_914 = tpu.memref_slice %arg6[%dma_start3A_906, %dma_start3A_907, %dma_start3A_913] : memref<2x10x128xi32, #tpu.memory_space<vmem>> -> memref<1x1x128xi32, #tpu.memory_space<vmem>>
      %dma_start3A_915 = tpu.memref_squeeze %dma_start3A_914 : memref<1x1x128xi32, #tpu.memory_space<vmem>> -> memref<128xi32, #tpu.memory_space<vmem>>
      %dma_start3A_916 = arith.constant 0 : i32
      %dma_start3A_917 = arith.constant 0 : i32
      %dma_start3A_918 = tpu.memref_slice %arg2[%dma_start3A_916, %dma_start3A_917] : memref<100000x16xf32, #tpu.memory_space<hbm>> -> memref<100000x16xf32, #tpu.memory_space<hbm>>
      tpu.enqueue_indirect_dma source(%dma_start3A_918 : memref<100000x16xf32, #tpu.memory_space<hbm>>) target(%dma_start3A_912 : memref<128x16xf32, #tpu.memory_space<vmem>>) offsets(%dma_start3A_915 : memref<128xi32, #tpu.memory_space<vmem>>) semaphore(%arg13 : memref<!tpu.dma_semaphore, #tpu.memory_space<semaphore_mem>>)
      %dma_start3A_919 = arith.constant 1 : i32
      %dma_start3A_920 = arith.constant 8 : i32
      %dma_start3A_921 = arith.constant 1 : i32
      %dma_start3A_922 = arith.constant 384 : i32
      %dma_start3A_923 = arith.constant 0 : i32
      %dma_start3A_924 = tpu.memref_slice %arg8[%dma_start3A_921, %dma_start3A_922, %dma_start3A_923] : memref<2x640x16xf32, #tpu.memory_space<vmem>> -> memref<1x128x16xf32, #tpu.memory_space<vmem>>
      %dma_start3A_925 = tpu.memref_squeeze %dma_start3A_924 : memref<1x128x16xf32, #tpu.memory_space<vmem>> -> memref<128x16xf32, #tpu.memory_space<vmem>>
      %dma_start3A_926 = arith.constant 0 : i32
      %dma_start3A_927 = tpu.memref_slice %arg6[%dma_start3A_919, %dma_start3A_920, %dma_start3A_926] : memref<2x10x128xi32, #tpu.memory_space<vmem>> -> memref<1x1x128xi32, #tpu.memory_space<vmem>>
      %dma_start3A_928 = tpu.memref_squeeze %dma_start3A_927 : memref<1x1x128xi32, #tpu.memory_space<vmem>> -> memref<128xi32, #tpu.memory_space<vmem>>
      %dma_start3A_929 = arith.constant 0 : i32
      %dma_start3A_930 = arith.constant 0 : i32
      %dma_start3A_931 = tpu.memref_slice %arg2[%dma_start3A_929, %dma_start3A_930] : memref<100000x16xf32, #tpu.memory_space<hbm>> -> memref<100000x16xf32, #tpu.memory_space<hbm>>
      tpu.enqueue_indirect_dma source(%dma_start3A_931 : memref<100000x16xf32, #tpu.memory_space<hbm>>) target(%dma_start3A_925 : memref<128x16xf32, #tpu.memory_space<vmem>>) offsets(%dma_start3A_928 : memref<128xi32, #tpu.memory_space<vmem>>) semaphore(%arg13 : memref<!tpu.dma_semaphore, #tpu.memory_space<semaphore_mem>>)
      %dma_start3A_932 = arith.constant 1 : i32
      %dma_start3A_933 = arith.constant 9 : i32
      %dma_start3A_934 = arith.constant 1 : i32
      %dma_start3A_935 = arith.constant 512 : i32
      %dma_start3A_936 = arith.constant 0 : i32
      %dma_start3A_937 = tpu.memref_slice %arg8[%dma_start3A_934, %dma_start3A_935, %dma_start3A_936] : memref<2x640x16xf32, #tpu.memory_space<vmem>> -> memref<1x128x16xf32, #tpu.memory_space<vmem>>
      %dma_start3A_938 = tpu.memref_squeeze %dma_start3A_937 : memref<1x128x16xf32, #tpu.memory_space<vmem>> -> memref<128x16xf32, #tpu.memory_space<vmem>>
      %dma_start3A_939 = arith.constant 0 : i32
      %dma_start3A_940 = tpu.memref_slice %arg6[%dma_start3A_932, %dma_start3A_933, %dma_start3A_939] : memref<2x10x128xi32, #tpu.memory_space<vmem>> -> memref<1x1x128xi32, #tpu.memory_space<vmem>>
      %dma_start3A_941 = tpu.memref_squeeze %dma_start3A_940 : memref<1x1x128xi32, #tpu.memory_space<vmem>> -> memref<128xi32, #tpu.memory_space<vmem>>
      %dma_start3A_942 = arith.constant 0 : i32
      %dma_start3A_943 = arith.constant 0 : i32
      %dma_start3A_944 = tpu.memref_slice %arg2[%dma_start3A_942, %dma_start3A_943] : memref<100000x16xf32, #tpu.memory_space<hbm>> -> memref<100000x16xf32, #tpu.memory_space<hbm>>
      tpu.enqueue_indirect_dma source(%dma_start3A_944 : memref<100000x16xf32, #tpu.memory_space<hbm>>) target(%dma_start3A_938 : memref<128x16xf32, #tpu.memory_space<vmem>>) offsets(%dma_start3A_941 : memref<128xi32, #tpu.memory_space<vmem>>) semaphore(%arg13 : memref<!tpu.dma_semaphore, #tpu.memory_space<semaphore_mem>>)
      %dma_wait3A_945 = arith.constant 1 : i32
      %dma_wait3A_946 = arith.constant 5 : i32
      %dma_wait3A_947 = arith.constant 1 : i32
      %dma_wait3A_948 = arith.constant 0 : i32
      %dma_wait3A_949 = arith.constant 0 : i32
      %dma_wait3A_950 = tpu.memref_slice %arg8[%dma_wait3A_947, %dma_wait3A_948, %dma_wait3A_949] : memref<2x640x16xf32, #tpu.memory_space<vmem>> -> memref<1x128x16xf32, #tpu.memory_space<vmem>>
      %dma_wait3A_951 = tpu.memref_squeeze %dma_wait3A_950 : memref<1x128x16xf32, #tpu.memory_space<vmem>> -> memref<128x16xf32, #tpu.memory_space<vmem>>
      %dma_wait3A_952 = arith.constant 0 : i32
      %dma_wait3A_953 = tpu.memref_slice %arg6[%dma_wait3A_945, %dma_wait3A_946, %dma_wait3A_952] : memref<2x10x128xi32, #tpu.memory_space<vmem>> -> memref<1x1x128xi32, #tpu.memory_space<vmem>>
      %dma_wait3A_954 = tpu.memref_squeeze %dma_wait3A_953 : memref<1x1x128xi32, #tpu.memory_space<vmem>> -> memref<128xi32, #tpu.memory_space<vmem>>
      %dma_wait3A_955 = arith.constant 0 : i32
      %dma_wait3A_956 = arith.constant 0 : i32
      %dma_wait3A_957 = tpu.memref_slice %arg2[%dma_wait3A_955, %dma_wait3A_956] : memref<100000x16xf32, #tpu.memory_space<hbm>> -> memref<100000x16xf32, #tpu.memory_space<hbm>>
      tpu.wait_indirect_dma semaphore(%arg13 : memref<!tpu.dma_semaphore, #tpu.memory_space<semaphore_mem>>) src(%dma_wait3A_957 : memref<100000x16xf32, #tpu.memory_space<hbm>>) dst(%dma_wait3A_951 : memref<128x16xf32, #tpu.memory_space<vmem>>)
      %dma_start3A_958 = arith.constant 1 : i32
      %dma_start3A_959 = arith.constant 1 : i32
      %dma_start3A_960 = arith.constant 5 : i32
      %dma_start3A_961 = arith.constant 0 : i32
      %dma_start3A_962 = arith.constant 0 : i32
      %dma_start3A_963 = tpu.memref_slice %arg8[%dma_start3A_958, %dma_start3A_961, %dma_start3A_962] : memref<2x640x16xf32, #tpu.memory_space<vmem>> -> memref<1x128x16xf32, #tpu.memory_space<vmem>>
      %dma_start3A_964 = tpu.memref_squeeze %dma_start3A_963 : memref<1x128x16xf32, #tpu.memory_space<vmem>> -> memref<128x16xf32, #tpu.memory_space<vmem>>
      %dma_start3A_965 = arith.constant 0 : i32
      %dma_start3A_966 = tpu.memref_slice %arg7[%dma_start3A_959, %dma_start3A_960, %dma_start3A_965] : memref<2x10x128xi32, #tpu.memory_space<vmem>> -> memref<1x1x128xi32, #tpu.memory_space<vmem>>
      %dma_start3A_967 = tpu.memref_squeeze %dma_start3A_966 : memref<1x1x128xi32, #tpu.memory_space<vmem>> -> memref<128xi32, #tpu.memory_space<vmem>>
      %dma_start3A_968 = arith.constant 0 : i32
      %dma_start3A_969 = arith.constant 0 : i32
      %dma_start3A_970 = tpu.memref_slice %arg11[%dma_start3A_968, %dma_start3A_969] : memref<100016x16xf32, #tpu.memory_space<vmem_shared>> -> memref<100016x16xf32, #tpu.memory_space<vmem_shared>>
      tpu.enqueue_indirect_dma source(%dma_start3A_964 : memref<128x16xf32, #tpu.memory_space<vmem>>) target(%dma_start3A_970 : memref<100016x16xf32, #tpu.memory_space<vmem_shared>>) offsets(%dma_start3A_967 : memref<128xi32, #tpu.memory_space<vmem>>) semaphore(%arg15 : memref<!tpu.dma_semaphore, #tpu.memory_space<semaphore_mem>>) {add = true}
      %dma_wait3A_971 = arith.constant 1 : i32
      %dma_wait3A_972 = arith.constant 6 : i32
      %dma_wait3A_973 = arith.constant 1 : i32
      %dma_wait3A_974 = arith.constant 128 : i32
      %dma_wait3A_975 = arith.constant 0 : i32
      %dma_wait3A_976 = tpu.memref_slice %arg8[%dma_wait3A_973, %dma_wait3A_974, %dma_wait3A_975] : memref<2x640x16xf32, #tpu.memory_space<vmem>> -> memref<1x128x16xf32, #tpu.memory_space<vmem>>
      %dma_wait3A_977 = tpu.memref_squeeze %dma_wait3A_976 : memref<1x128x16xf32, #tpu.memory_space<vmem>> -> memref<128x16xf32, #tpu.memory_space<vmem>>
      %dma_wait3A_978 = arith.constant 0 : i32
      %dma_wait3A_979 = tpu.memref_slice %arg6[%dma_wait3A_971, %dma_wait3A_972, %dma_wait3A_978] : memref<2x10x128xi32, #tpu.memory_space<vmem>> -> memref<1x1x128xi32, #tpu.memory_space<vmem>>
      %dma_wait3A_980 = tpu.memref_squeeze %dma_wait3A_979 : memref<1x1x128xi32, #tpu.memory_space<vmem>> -> memref<128xi32, #tpu.memory_space<vmem>>
      %dma_wait3A_981 = arith.constant 0 : i32
      %dma_wait3A_982 = arith.constant 0 : i32
      %dma_wait3A_983 = tpu.memref_slice %arg2[%dma_wait3A_981, %dma_wait3A_982] : memref<100000x16xf32, #tpu.memory_space<hbm>> -> memref<100000x16xf32, #tpu.memory_space<hbm>>
      tpu.wait_indirect_dma semaphore(%arg13 : memref<!tpu.dma_semaphore, #tpu.memory_space<semaphore_mem>>) src(%dma_wait3A_983 : memref<100000x16xf32, #tpu.memory_space<hbm>>) dst(%dma_wait3A_977 : memref<128x16xf32, #tpu.memory_space<vmem>>)
      %dma_start3A_984 = arith.constant 1 : i32
      %dma_start3A_985 = arith.constant 1 : i32
      %dma_start3A_986 = arith.constant 6 : i32
      %dma_start3A_987 = arith.constant 128 : i32
      %dma_start3A_988 = arith.constant 0 : i32
      %dma_start3A_989 = tpu.memref_slice %arg8[%dma_start3A_984, %dma_start3A_987, %dma_start3A_988] : memref<2x640x16xf32, #tpu.memory_space<vmem>> -> memref<1x128x16xf32, #tpu.memory_space<vmem>>
      %dma_start3A_990 = tpu.memref_squeeze %dma_start3A_989 : memref<1x128x16xf32, #tpu.memory_space<vmem>> -> memref<128x16xf32, #tpu.memory_space<vmem>>
      %dma_start3A_991 = arith.constant 0 : i32
      %dma_start3A_992 = tpu.memref_slice %arg7[%dma_start3A_985, %dma_start3A_986, %dma_start3A_991] : memref<2x10x128xi32, #tpu.memory_space<vmem>> -> memref<1x1x128xi32, #tpu.memory_space<vmem>>
      %dma_start3A_993 = tpu.memref_squeeze %dma_start3A_992 : memref<1x1x128xi32, #tpu.memory_space<vmem>> -> memref<128xi32, #tpu.memory_space<vmem>>
      %dma_start3A_994 = arith.constant 0 : i32
      %dma_start3A_995 = arith.constant 0 : i32
      %dma_start3A_996 = tpu.memref_slice %arg11[%dma_start3A_994, %dma_start3A_995] : memref<100016x16xf32, #tpu.memory_space<vmem_shared>> -> memref<100016x16xf32, #tpu.memory_space<vmem_shared>>
      tpu.enqueue_indirect_dma source(%dma_start3A_990 : memref<128x16xf32, #tpu.memory_space<vmem>>) target(%dma_start3A_996 : memref<100016x16xf32, #tpu.memory_space<vmem_shared>>) offsets(%dma_start3A_993 : memref<128xi32, #tpu.memory_space<vmem>>) semaphore(%arg15 : memref<!tpu.dma_semaphore, #tpu.memory_space<semaphore_mem>>) {add = true}
      %dma_wait3A_997 = arith.constant 1 : i32
      %dma_wait3A_998 = arith.constant 7 : i32
      %dma_wait3A_999 = arith.constant 1 : i32
      %dma_wait3A_1000 = arith.constant 256 : i32
      %dma_wait3A_1001 = arith.constant 0 : i32
      %dma_wait3A_1002 = tpu.memref_slice %arg8[%dma_wait3A_999, %dma_wait3A_1000, %dma_wait3A_1001] : memref<2x640x16xf32, #tpu.memory_space<vmem>> -> memref<1x128x16xf32, #tpu.memory_space<vmem>>
      %dma_wait3A_1003 = tpu.memref_squeeze %dma_wait3A_1002 : memref<1x128x16xf32, #tpu.memory_space<vmem>> -> memref<128x16xf32, #tpu.memory_space<vmem>>
      %dma_wait3A_1004 = arith.constant 0 : i32
      %dma_wait3A_1005 = tpu.memref_slice %arg6[%dma_wait3A_997, %dma_wait3A_998, %dma_wait3A_1004] : memref<2x10x128xi32, #tpu.memory_space<vmem>> -> memref<1x1x128xi32, #tpu.memory_space<vmem>>
      %dma_wait3A_1006 = tpu.memref_squeeze %dma_wait3A_1005 : memref<1x1x128xi32, #tpu.memory_space<vmem>> -> memref<128xi32, #tpu.memory_space<vmem>>
      %dma_wait3A_1007 = arith.constant 0 : i32
      %dma_wait3A_1008 = arith.constant 0 : i32
      %dma_wait3A_1009 = tpu.memref_slice %arg2[%dma_wait3A_1007, %dma_wait3A_1008] : memref<100000x16xf32, #tpu.memory_space<hbm>> -> memref<100000x16xf32, #tpu.memory_space<hbm>>
      tpu.wait_indirect_dma semaphore(%arg13 : memref<!tpu.dma_semaphore, #tpu.memory_space<semaphore_mem>>) src(%dma_wait3A_1009 : memref<100000x16xf32, #tpu.memory_space<hbm>>) dst(%dma_wait3A_1003 : memref<128x16xf32, #tpu.memory_space<vmem>>)
      %dma_start3A_1010 = arith.constant 1 : i32
      %dma_start3A_1011 = arith.constant 1 : i32
      %dma_start3A_1012 = arith.constant 7 : i32
      %dma_start3A_1013 = arith.constant 256 : i32
      %dma_start3A_1014 = arith.constant 0 : i32
      %dma_start3A_1015 = tpu.memref_slice %arg8[%dma_start3A_1010, %dma_start3A_1013, %dma_start3A_1014] : memref<2x640x16xf32, #tpu.memory_space<vmem>> -> memref<1x128x16xf32, #tpu.memory_space<vmem>>
      %dma_start3A_1016 = tpu.memref_squeeze %dma_start3A_1015 : memref<1x128x16xf32, #tpu.memory_space<vmem>> -> memref<128x16xf32, #tpu.memory_space<vmem>>
      %dma_start3A_1017 = arith.constant 0 : i32
      %dma_start3A_1018 = tpu.memref_slice %arg7[%dma_start3A_1011, %dma_start3A_1012, %dma_start3A_1017] : memref<2x10x128xi32, #tpu.memory_space<vmem>> -> memref<1x1x128xi32, #tpu.memory_space<vmem>>
      %dma_start3A_1019 = tpu.memref_squeeze %dma_start3A_1018 : memref<1x1x128xi32, #tpu.memory_space<vmem>> -> memref<128xi32, #tpu.memory_space<vmem>>
      %dma_start3A_1020 = arith.constant 0 : i32
      %dma_start3A_1021 = arith.constant 0 : i32
      %dma_start3A_1022 = tpu.memref_slice %arg11[%dma_start3A_1020, %dma_start3A_1021] : memref<100016x16xf32, #tpu.memory_space<vmem_shared>> -> memref<100016x16xf32, #tpu.memory_space<vmem_shared>>
      tpu.enqueue_indirect_dma source(%dma_start3A_1016 : memref<128x16xf32, #tpu.memory_space<vmem>>) target(%dma_start3A_1022 : memref<100016x16xf32, #tpu.memory_space<vmem_shared>>) offsets(%dma_start3A_1019 : memref<128xi32, #tpu.memory_space<vmem>>) semaphore(%arg15 : memref<!tpu.dma_semaphore, #tpu.memory_space<semaphore_mem>>) {add = true}
      %dma_wait3A_1023 = arith.constant 1 : i32
      %dma_wait3A_1024 = arith.constant 8 : i32
      %dma_wait3A_1025 = arith.constant 1 : i32
      %dma_wait3A_1026 = arith.constant 384 : i32
      %dma_wait3A_1027 = arith.constant 0 : i32
      %dma_wait3A_1028 = tpu.memref_slice %arg8[%dma_wait3A_1025, %dma_wait3A_1026, %dma_wait3A_1027] : memref<2x640x16xf32, #tpu.memory_space<vmem>> -> memref<1x128x16xf32, #tpu.memory_space<vmem>>
      %dma_wait3A_1029 = tpu.memref_squeeze %dma_wait3A_1028 : memref<1x128x16xf32, #tpu.memory_space<vmem>> -> memref<128x16xf32, #tpu.memory_space<vmem>>
      %dma_wait3A_1030 = arith.constant 0 : i32
      %dma_wait3A_1031 = tpu.memref_slice %arg6[%dma_wait3A_1023, %dma_wait3A_1024, %dma_wait3A_1030] : memref<2x10x128xi32, #tpu.memory_space<vmem>> -> memref<1x1x128xi32, #tpu.memory_space<vmem>>
      %dma_wait3A_1032 = tpu.memref_squeeze %dma_wait3A_1031 : memref<1x1x128xi32, #tpu.memory_space<vmem>> -> memref<128xi32, #tpu.memory_space<vmem>>
      %dma_wait3A_1033 = arith.constant 0 : i32
      %dma_wait3A_1034 = arith.constant 0 : i32
      %dma_wait3A_1035 = tpu.memref_slice %arg2[%dma_wait3A_1033, %dma_wait3A_1034] : memref<100000x16xf32, #tpu.memory_space<hbm>> -> memref<100000x16xf32, #tpu.memory_space<hbm>>
      tpu.wait_indirect_dma semaphore(%arg13 : memref<!tpu.dma_semaphore, #tpu.memory_space<semaphore_mem>>) src(%dma_wait3A_1035 : memref<100000x16xf32, #tpu.memory_space<hbm>>) dst(%dma_wait3A_1029 : memref<128x16xf32, #tpu.memory_space<vmem>>)
      %dma_start3A_1036 = arith.constant 1 : i32
      %dma_start3A_1037 = arith.constant 1 : i32
      %dma_start3A_1038 = arith.constant 8 : i32
      %dma_start3A_1039 = arith.constant 384 : i32
      %dma_start3A_1040 = arith.constant 0 : i32
      %dma_start3A_1041 = tpu.memref_slice %arg8[%dma_start3A_1036, %dma_start3A_1039, %dma_start3A_1040] : memref<2x640x16xf32, #tpu.memory_space<vmem>> -> memref<1x128x16xf32, #tpu.memory_space<vmem>>
      %dma_start3A_1042 = tpu.memref_squeeze %dma_start3A_1041 : memref<1x128x16xf32, #tpu.memory_space<vmem>> -> memref<128x16xf32, #tpu.memory_space<vmem>>
      %dma_start3A_1043 = arith.constant 0 : i32
      %dma_start3A_1044 = tpu.memref_slice %arg7[%dma_start3A_1037, %dma_start3A_1038, %dma_start3A_1043] : memref<2x10x128xi32, #tpu.memory_space<vmem>> -> memref<1x1x128xi32, #tpu.memory_space<vmem>>
      %dma_start3A_1045 = tpu.memref_squeeze %dma_start3A_1044 : memref<1x1x128xi32, #tpu.memory_space<vmem>> -> memref<128xi32, #tpu.memory_space<vmem>>
      %dma_start3A_1046 = arith.constant 0 : i32
      %dma_start3A_1047 = arith.constant 0 : i32
      %dma_start3A_1048 = tpu.memref_slice %arg11[%dma_start3A_1046, %dma_start3A_1047] : memref<100016x16xf32, #tpu.memory_space<vmem_shared>> -> memref<100016x16xf32, #tpu.memory_space<vmem_shared>>
      tpu.enqueue_indirect_dma source(%dma_start3A_1042 : memref<128x16xf32, #tpu.memory_space<vmem>>) target(%dma_start3A_1048 : memref<100016x16xf32, #tpu.memory_space<vmem_shared>>) offsets(%dma_start3A_1045 : memref<128xi32, #tpu.memory_space<vmem>>) semaphore(%arg15 : memref<!tpu.dma_semaphore, #tpu.memory_space<semaphore_mem>>) {add = true}
      %dma_wait3A_1049 = arith.constant 1 : i32
      %dma_wait3A_1050 = arith.constant 9 : i32
      %dma_wait3A_1051 = arith.constant 1 : i32
      %dma_wait3A_1052 = arith.constant 512 : i32
      %dma_wait3A_1053 = arith.constant 0 : i32
      %dma_wait3A_1054 = tpu.memref_slice %arg8[%dma_wait3A_1051, %dma_wait3A_1052, %dma_wait3A_1053] : memref<2x640x16xf32, #tpu.memory_space<vmem>> -> memref<1x128x16xf32, #tpu.memory_space<vmem>>
      %dma_wait3A_1055 = tpu.memref_squeeze %dma_wait3A_1054 : memref<1x128x16xf32, #tpu.memory_space<vmem>> -> memref<128x16xf32, #tpu.memory_space<vmem>>
      %dma_wait3A_1056 = arith.constant 0 : i32
      %dma_wait3A_1057 = tpu.memref_slice %arg6[%dma_wait3A_1049, %dma_wait3A_1050, %dma_wait3A_1056] : memref<2x10x128xi32, #tpu.memory_space<vmem>> -> memref<1x1x128xi32, #tpu.memory_space<vmem>>
      %dma_wait3A_1058 = tpu.memref_squeeze %dma_wait3A_1057 : memref<1x1x128xi32, #tpu.memory_space<vmem>> -> memref<128xi32, #tpu.memory_space<vmem>>
      %dma_wait3A_1059 = arith.constant 0 : i32
      %dma_wait3A_1060 = arith.constant 0 : i32
      %dma_wait3A_1061 = tpu.memref_slice %arg2[%dma_wait3A_1059, %dma_wait3A_1060] : memref<100000x16xf32, #tpu.memory_space<hbm>> -> memref<100000x16xf32, #tpu.memory_space<hbm>>
      tpu.wait_indirect_dma semaphore(%arg13 : memref<!tpu.dma_semaphore, #tpu.memory_space<semaphore_mem>>) src(%dma_wait3A_1061 : memref<100000x16xf32, #tpu.memory_space<hbm>>) dst(%dma_wait3A_1055 : memref<128x16xf32, #tpu.memory_space<vmem>>)
      %dma_start3A_1062 = arith.constant 1 : i32
      %dma_start3A_1063 = arith.constant 1 : i32
      %dma_start3A_1064 = arith.constant 9 : i32
      %dma_start3A_1065 = arith.constant 512 : i32
      %dma_start3A_1066 = arith.constant 0 : i32
      %dma_start3A_1067 = tpu.memref_slice %arg8[%dma_start3A_1062, %dma_start3A_1065, %dma_start3A_1066] : memref<2x640x16xf32, #tpu.memory_space<vmem>> -> memref<1x128x16xf32, #tpu.memory_space<vmem>>
      %dma_start3A_1068 = tpu.memref_squeeze %dma_start3A_1067 : memref<1x128x16xf32, #tpu.memory_space<vmem>> -> memref<128x16xf32, #tpu.memory_space<vmem>>
      %dma_start3A_1069 = arith.constant 0 : i32
      %dma_start3A_1070 = tpu.memref_slice %arg7[%dma_start3A_1063, %dma_start3A_1064, %dma_start3A_1069] : memref<2x10x128xi32, #tpu.memory_space<vmem>> -> memref<1x1x128xi32, #tpu.memory_space<vmem>>
      %dma_start3A_1071 = tpu.memref_squeeze %dma_start3A_1070 : memref<1x1x128xi32, #tpu.memory_space<vmem>> -> memref<128xi32, #tpu.memory_space<vmem>>
      %dma_start3A_1072 = arith.constant 0 : i32
      %dma_start3A_1073 = arith.constant 0 : i32
      %dma_start3A_1074 = tpu.memref_slice %arg11[%dma_start3A_1072, %dma_start3A_1073] : memref<100016x16xf32, #tpu.memory_space<vmem_shared>> -> memref<100016x16xf32, #tpu.memory_space<vmem_shared>>
      tpu.enqueue_indirect_dma source(%dma_start3A_1068 : memref<128x16xf32, #tpu.memory_space<vmem>>) target(%dma_start3A_1074 : memref<100016x16xf32, #tpu.memory_space<vmem_shared>>) offsets(%dma_start3A_1071 : memref<128xi32, #tpu.memory_space<vmem>>) semaphore(%arg15 : memref<!tpu.dma_semaphore, #tpu.memory_space<semaphore_mem>>) {add = true}
      %scan3A_1075 = arith.constant 0 : i32
      scf.yield %scan3A_1075 : i32
    }
    %scan3A_109 = arith.constant 39 : i32
    %dma_wait3A = arith.constant 0 : i32
    %dma_wait3A_110 = arith.constant 0 : i32
    %dma_wait3A_111 = arith.constant 0 : i32
    %dma_wait3A_112 = tpu.memref_slice %arg8[%dma_wait3A, %dma_wait3A_110, %dma_wait3A_111] : memref<2x640x16xf32, #tpu.memory_space<vmem>> -> memref<1x640x16xf32, #tpu.memory_space<vmem>>
    %dma_wait3A_113 = tpu.memref_squeeze %dma_wait3A_112 : memref<1x640x16xf32, #tpu.memory_space<vmem>> -> memref<640x16xf32, #tpu.memory_space<vmem>>
    %dma_wait3A_114 = arith.constant 0 : i32
    %dma_wait3A_115 = arith.constant 0 : i32
    %dma_wait3A_116 = tpu.memref_slice %arg2[%dma_wait3A_114, %dma_wait3A_115] : memref<100000x16xf32, #tpu.memory_space<hbm>> -> memref<640x16xf32, #tpu.memory_space<hbm>>
    %dma_wait3A_117 = arith.constant 0 : i32
    %dma_wait3A_118 = arith.constant 0 : i32
    %dma_wait3A_119 = tpu.memref_slice %arg8[%dma_wait3A, %dma_wait3A_117, %dma_wait3A_118] : memref<2x640x16xf32, #tpu.memory_space<vmem>> -> memref<1x640x16xf32, #tpu.memory_space<vmem>>
    %dma_wait3A_120 = tpu.memref_squeeze %dma_wait3A_119 : memref<1x640x16xf32, #tpu.memory_space<vmem>> -> memref<640x16xf32, #tpu.memory_space<vmem>>
    %dma_wait3A_121 = arith.constant 0 : i32
    %dma_wait3A_122 = arith.constant 0 : i32
    %dma_wait3A_123 = tpu.memref_slice %arg2[%dma_wait3A_121, %dma_wait3A_122] : memref<100000x16xf32, #tpu.memory_space<hbm>> -> memref<640x16xf32, #tpu.memory_space<hbm>>
    tpu.wait_dma2 semaphore(%arg14 : memref<!tpu.dma_semaphore, #tpu.memory_space<semaphore_mem>>) src(%dma_wait3A_123 : memref<640x16xf32, #tpu.memory_space<hbm>>) dst(%dma_wait3A_120 : memref<640x16xf32, #tpu.memory_space<vmem>>)
    %dma_wait3A_124 = arith.constant 1 : i32
    %dma_wait3A_125 = arith.constant 0 : i32
    %dma_wait3A_126 = arith.constant 0 : i32
    %dma_wait3A_127 = tpu.memref_slice %arg8[%dma_wait3A_124, %dma_wait3A_125, %dma_wait3A_126] : memref<2x640x16xf32, #tpu.memory_space<vmem>> -> memref<1x640x16xf32, #tpu.memory_space<vmem>>
    %dma_wait3A_128 = tpu.memref_squeeze %dma_wait3A_127 : memref<1x640x16xf32, #tpu.memory_space<vmem>> -> memref<640x16xf32, #tpu.memory_space<vmem>>
    %dma_wait3A_129 = arith.constant 0 : i32
    %dma_wait3A_130 = arith.constant 0 : i32
    %dma_wait3A_131 = tpu.memref_slice %arg2[%dma_wait3A_129, %dma_wait3A_130] : memref<100000x16xf32, #tpu.memory_space<hbm>> -> memref<640x16xf32, #tpu.memory_space<hbm>>
    %dma_wait3A_132 = arith.constant 0 : i32
    %dma_wait3A_133 = arith.constant 0 : i32
    %dma_wait3A_134 = tpu.memref_slice %arg8[%dma_wait3A_124, %dma_wait3A_132, %dma_wait3A_133] : memref<2x640x16xf32, #tpu.memory_space<vmem>> -> memref<1x640x16xf32, #tpu.memory_space<vmem>>
    %dma_wait3A_135 = tpu.memref_squeeze %dma_wait3A_134 : memref<1x640x16xf32, #tpu.memory_space<vmem>> -> memref<640x16xf32, #tpu.memory_space<vmem>>
    %dma_wait3A_136 = arith.constant 0 : i32
    %dma_wait3A_137 = arith.constant 0 : i32
    %dma_wait3A_138 = tpu.memref_slice %arg2[%dma_wait3A_136, %dma_wait3A_137] : memref<100000x16xf32, #tpu.memory_space<hbm>> -> memref<640x16xf32, #tpu.memory_space<hbm>>
    tpu.wait_dma2 semaphore(%arg15 : memref<!tpu.dma_semaphore, #tpu.memory_space<semaphore_mem>>) src(%dma_wait3A_138 : memref<640x16xf32, #tpu.memory_space<hbm>>) dst(%dma_wait3A_135 : memref<640x16xf32, #tpu.memory_space<vmem>>)
    %add3A_139 = arith.constant 780 : i32
    %add3A_140 = arith.addi %mul3A_75, %add3A_139 : i32
    %run_scoped3A = arith.constant 0 : i32
    "tpu.region"() ({
      %run_scoped3A_154 = tpu.sem_alloc : memref<!tpu.dma_semaphore, #tpu.memory_space<semaphore_mem>>
      %dma_start3A_155 = arith.constant 0 : i32
      %dma_start3A_156 = arith.constant 0 : i32
      %dma_start3A_157 = tpu.memref_slice %arg6[%run_scoped3A, %dma_start3A_155, %dma_start3A_156] : memref<2x10x128xi32, #tpu.memory_space<vmem>> -> memref<1x2x128xi32, #tpu.memory_space<vmem>>
      %dma_start3A_158 = tpu.memref_squeeze %dma_start3A_157 : memref<1x2x128xi32, #tpu.memory_space<vmem>> -> memref<2x128xi32, #tpu.memory_space<vmem>>
      %dma_start3A_159 = arith.constant 0 : i32
      %dma_start3A_160 = tpu.memref_slice %arg3[%add3A_140, %dma_start3A_159] : memref<25024x128xi32, #tpu.memory_space<hbm>> -> memref<2x128xi32, #tpu.memory_space<hbm>>
      %dma_start3A_161 = arith.constant 0 : i32
      %dma_start3A_162 = arith.constant 0 : i32
      %dma_start3A_163 = tpu.memref_slice %arg6[%run_scoped3A, %dma_start3A_161, %dma_start3A_162] : memref<2x10x128xi32, #tpu.memory_space<vmem>> -> memref<1x2x128xi32, #tpu.memory_space<vmem>>
      %dma_start3A_164 = tpu.memref_squeeze %dma_start3A_163 : memref<1x2x128xi32, #tpu.memory_space<vmem>> -> memref<2x128xi32, #tpu.memory_space<vmem>>
      %dma_start3A_165 = arith.constant 0 : i32
      %dma_start3A_166 = tpu.memref_slice %arg3[%add3A_140, %dma_start3A_165] : memref<25024x128xi32, #tpu.memory_space<hbm>> -> memref<2x128xi32, #tpu.memory_space<hbm>>
      tpu.enqueue_dma source(%dma_start3A_166 : memref<2x128xi32, #tpu.memory_space<hbm>>) target(%dma_start3A_164 : memref<2x128xi32, #tpu.memory_space<vmem>>) target_semaphore(%run_scoped3A_154 : memref<!tpu.dma_semaphore, #tpu.memory_space<semaphore_mem>>)
      %dma_wait3A_167 = arith.constant 0 : i32
      %dma_wait3A_168 = arith.constant 0 : i32
      %dma_wait3A_169 = tpu.memref_slice %arg6[%run_scoped3A, %dma_wait3A_167, %dma_wait3A_168] : memref<2x10x128xi32, #tpu.memory_space<vmem>> -> memref<1x2x128xi32, #tpu.memory_space<vmem>>
      %dma_wait3A_170 = tpu.memref_squeeze %dma_wait3A_169 : memref<1x2x128xi32, #tpu.memory_space<vmem>> -> memref<2x128xi32, #tpu.memory_space<vmem>>
      %dma_wait3A_171 = arith.constant 0 : i32
      %dma_wait3A_172 = tpu.memref_slice %arg3[%add3A_140, %dma_wait3A_171] : memref<25024x128xi32, #tpu.memory_space<hbm>> -> memref<2x128xi32, #tpu.memory_space<hbm>>
      %dma_wait3A_173 = arith.constant 0 : i32
      %dma_wait3A_174 = arith.constant 0 : i32
      %dma_wait3A_175 = tpu.memref_slice %arg6[%run_scoped3A, %dma_wait3A_173, %dma_wait3A_174] : memref<2x10x128xi32, #tpu.memory_space<vmem>> -> memref<1x2x128xi32, #tpu.memory_space<vmem>>
      %dma_wait3A_176 = tpu.memref_squeeze %dma_wait3A_175 : memref<1x2x128xi32, #tpu.memory_space<vmem>> -> memref<2x128xi32, #tpu.memory_space<vmem>>
      %dma_wait3A_177 = arith.constant 0 : i32
      %dma_wait3A_178 = tpu.memref_slice %arg3[%add3A_140, %dma_wait3A_177] : memref<25024x128xi32, #tpu.memory_space<hbm>> -> memref<2x128xi32, #tpu.memory_space<hbm>>
      tpu.wait_dma2 semaphore(%run_scoped3A_154 : memref<!tpu.dma_semaphore, #tpu.memory_space<semaphore_mem>>) src(%dma_wait3A_178 : memref<2x128xi32, #tpu.memory_space<hbm>>) dst(%dma_wait3A_176 : memref<2x128xi32, #tpu.memory_space<vmem>>)
      tpu.yield
    }) : () -> ()
    %run_scoped3A_141 = arith.constant 0 : i32
    "tpu.region"() ({
      %run_scoped3A_154 = tpu.sem_alloc : memref<!tpu.dma_semaphore, #tpu.memory_space<semaphore_mem>>
      %dma_start3A_155 = arith.constant 0 : i32
      %dma_start3A_156 = arith.constant 0 : i32
      %dma_start3A_157 = tpu.memref_slice %arg7[%run_scoped3A_141, %dma_start3A_155, %dma_start3A_156] : memref<2x10x128xi32, #tpu.memory_space<vmem>> -> memref<1x2x128xi32, #tpu.memory_space<vmem>>
      %dma_start3A_158 = tpu.memref_squeeze %dma_start3A_157 : memref<1x2x128xi32, #tpu.memory_space<vmem>> -> memref<2x128xi32, #tpu.memory_space<vmem>>
      %dma_start3A_159 = arith.constant 0 : i32
      %dma_start3A_160 = tpu.memref_slice %arg4[%add3A_140, %dma_start3A_159] : memref<25024x128xi32, #tpu.memory_space<hbm>> -> memref<2x128xi32, #tpu.memory_space<hbm>>
      %dma_start3A_161 = arith.constant 0 : i32
      %dma_start3A_162 = arith.constant 0 : i32
      %dma_start3A_163 = tpu.memref_slice %arg7[%run_scoped3A_141, %dma_start3A_161, %dma_start3A_162] : memref<2x10x128xi32, #tpu.memory_space<vmem>> -> memref<1x2x128xi32, #tpu.memory_space<vmem>>
      %dma_start3A_164 = tpu.memref_squeeze %dma_start3A_163 : memref<1x2x128xi32, #tpu.memory_space<vmem>> -> memref<2x128xi32, #tpu.memory_space<vmem>>
      %dma_start3A_165 = arith.constant 0 : i32
      %dma_start3A_166 = tpu.memref_slice %arg4[%add3A_140, %dma_start3A_165] : memref<25024x128xi32, #tpu.memory_space<hbm>> -> memref<2x128xi32, #tpu.memory_space<hbm>>
      tpu.enqueue_dma source(%dma_start3A_166 : memref<2x128xi32, #tpu.memory_space<hbm>>) target(%dma_start3A_164 : memref<2x128xi32, #tpu.memory_space<vmem>>) target_semaphore(%run_scoped3A_154 : memref<!tpu.dma_semaphore, #tpu.memory_space<semaphore_mem>>)
      %dma_wait3A_167 = arith.constant 0 : i32
      %dma_wait3A_168 = arith.constant 0 : i32
      %dma_wait3A_169 = tpu.memref_slice %arg7[%run_scoped3A_141, %dma_wait3A_167, %dma_wait3A_168] : memref<2x10x128xi32, #tpu.memory_space<vmem>> -> memref<1x2x128xi32, #tpu.memory_space<vmem>>
      %dma_wait3A_170 = tpu.memref_squeeze %dma_wait3A_169 : memref<1x2x128xi32, #tpu.memory_space<vmem>> -> memref<2x128xi32, #tpu.memory_space<vmem>>
      %dma_wait3A_171 = arith.constant 0 : i32
      %dma_wait3A_172 = tpu.memref_slice %arg4[%add3A_140, %dma_wait3A_171] : memref<25024x128xi32, #tpu.memory_space<hbm>> -> memref<2x128xi32, #tpu.memory_space<hbm>>
      %dma_wait3A_173 = arith.constant 0 : i32
      %dma_wait3A_174 = arith.constant 0 : i32
      %dma_wait3A_175 = tpu.memref_slice %arg7[%run_scoped3A_141, %dma_wait3A_173, %dma_wait3A_174] : memref<2x10x128xi32, #tpu.memory_space<vmem>> -> memref<1x2x128xi32, #tpu.memory_space<vmem>>
      %dma_wait3A_176 = tpu.memref_squeeze %dma_wait3A_175 : memref<1x2x128xi32, #tpu.memory_space<vmem>> -> memref<2x128xi32, #tpu.memory_space<vmem>>
      %dma_wait3A_177 = arith.constant 0 : i32
      %dma_wait3A_178 = tpu.memref_slice %arg4[%add3A_140, %dma_wait3A_177] : memref<25024x128xi32, #tpu.memory_space<hbm>> -> memref<2x128xi32, #tpu.memory_space<hbm>>
      tpu.wait_dma2 semaphore(%run_scoped3A_154 : memref<!tpu.dma_semaphore, #tpu.memory_space<semaphore_mem>>) src(%dma_wait3A_178 : memref<2x128xi32, #tpu.memory_space<hbm>>) dst(%dma_wait3A_176 : memref<2x128xi32, #tpu.memory_space<vmem>>)
      tpu.yield
    }) : () -> ()
    %scan3A_142 = arith.constant 0 : i32
    %scan3A_143 = arith.constant 0 : i32
    %scan3A_144 = arith.constant 2 : i32
    %scan3A_145 = arith.addi %scan3A_143, %scan3A_144 : i32
    %scan3A_146 = arith.constant 1 : i32
    %scan3A_147 = scf.for %scan3A_154 = %scan3A_143 to %scan3A_145 step %scan3A_146 iter_args(%scan3A_155 = %scan3A_142) -> (i32)  : i32 {
      %dma_start3A_156 = arith.constant 0 : i32
      %dma_start3A_157 = arith.constant 0 : i32
      %dma_start3A_158 = arith.constant 0 : i32
      %dma_start3A_159 = arith.constant 0 : i32
      %dma_start3A_160 = tpu.memref_slice %arg8[%dma_start3A_157, %dma_start3A_158, %dma_start3A_159] : memref<2x640x16xf32, #tpu.memory_space<vmem>> -> memref<1x128x16xf32, #tpu.memory_space<vmem>>
      %dma_start3A_161 = tpu.memref_squeeze %dma_start3A_160 : memref<1x128x16xf32, #tpu.memory_space<vmem>> -> memref<128x16xf32, #tpu.memory_space<vmem>>
      %dma_start3A_162 = arith.constant 0 : i32
      %dma_start3A_163 = tpu.memref_slice %arg6[%dma_start3A_156, %scan3A_154, %dma_start3A_162] : memref<2x10x128xi32, #tpu.memory_space<vmem>> -> memref<1x1x128xi32, #tpu.memory_space<vmem>>
      %dma_start3A_164 = tpu.memref_squeeze %dma_start3A_163 : memref<1x1x128xi32, #tpu.memory_space<vmem>> -> memref<128xi32, #tpu.memory_space<vmem>>
      %dma_start3A_165 = arith.constant 0 : i32
      %dma_start3A_166 = arith.constant 0 : i32
      %dma_start3A_167 = tpu.memref_slice %arg2[%dma_start3A_165, %dma_start3A_166] : memref<100000x16xf32, #tpu.memory_space<hbm>> -> memref<100000x16xf32, #tpu.memory_space<hbm>>
      tpu.enqueue_indirect_dma source(%dma_start3A_167 : memref<100000x16xf32, #tpu.memory_space<hbm>>) target(%dma_start3A_161 : memref<128x16xf32, #tpu.memory_space<vmem>>) offsets(%dma_start3A_164 : memref<128xi32, #tpu.memory_space<vmem>>) semaphore(%arg12 : memref<!tpu.dma_semaphore, #tpu.memory_space<semaphore_mem>>)
      %dma_wait3A_168 = arith.constant 0 : i32
      %dma_wait3A_169 = arith.constant 0 : i32
      %dma_wait3A_170 = arith.constant 0 : i32
      %dma_wait3A_171 = arith.constant 0 : i32
      %dma_wait3A_172 = tpu.memref_slice %arg8[%dma_wait3A_169, %dma_wait3A_170, %dma_wait3A_171] : memref<2x640x16xf32, #tpu.memory_space<vmem>> -> memref<1x128x16xf32, #tpu.memory_space<vmem>>
      %dma_wait3A_173 = tpu.memref_squeeze %dma_wait3A_172 : memref<1x128x16xf32, #tpu.memory_space<vmem>> -> memref<128x16xf32, #tpu.memory_space<vmem>>
      %dma_wait3A_174 = arith.constant 0 : i32
      %dma_wait3A_175 = tpu.memref_slice %arg6[%dma_wait3A_168, %scan3A_154, %dma_wait3A_174] : memref<2x10x128xi32, #tpu.memory_space<vmem>> -> memref<1x1x128xi32, #tpu.memory_space<vmem>>
      %dma_wait3A_176 = tpu.memref_squeeze %dma_wait3A_175 : memref<1x1x128xi32, #tpu.memory_space<vmem>> -> memref<128xi32, #tpu.memory_space<vmem>>
      %dma_wait3A_177 = arith.constant 0 : i32
      %dma_wait3A_178 = arith.constant 0 : i32
      %dma_wait3A_179 = tpu.memref_slice %arg2[%dma_wait3A_177, %dma_wait3A_178] : memref<100000x16xf32, #tpu.memory_space<hbm>> -> memref<100000x16xf32, #tpu.memory_space<hbm>>
      tpu.wait_indirect_dma semaphore(%arg12 : memref<!tpu.dma_semaphore, #tpu.memory_space<semaphore_mem>>) src(%dma_wait3A_179 : memref<100000x16xf32, #tpu.memory_space<hbm>>) dst(%dma_wait3A_173 : memref<128x16xf32, #tpu.memory_space<vmem>>)
      %dma_start3A_180 = arith.constant 0 : i32
      %dma_start3A_181 = arith.constant 0 : i32
      %dma_start3A_182 = arith.constant 0 : i32
      %dma_start3A_183 = arith.constant 0 : i32
      %dma_start3A_184 = tpu.memref_slice %arg8[%dma_start3A_180, %dma_start3A_182, %dma_start3A_183] : memref<2x640x16xf32, #tpu.memory_space<vmem>> -> memref<1x128x16xf32, #tpu.memory_space<vmem>>
      %dma_start3A_185 = tpu.memref_squeeze %dma_start3A_184 : memref<1x128x16xf32, #tpu.memory_space<vmem>> -> memref<128x16xf32, #tpu.memory_space<vmem>>
      %dma_start3A_186 = arith.constant 0 : i32
      %dma_start3A_187 = tpu.memref_slice %arg7[%dma_start3A_181, %scan3A_154, %dma_start3A_186] : memref<2x10x128xi32, #tpu.memory_space<vmem>> -> memref<1x1x128xi32, #tpu.memory_space<vmem>>
      %dma_start3A_188 = tpu.memref_squeeze %dma_start3A_187 : memref<1x1x128xi32, #tpu.memory_space<vmem>> -> memref<128xi32, #tpu.memory_space<vmem>>
      %dma_start3A_189 = arith.constant 0 : i32
      %dma_start3A_190 = arith.constant 0 : i32
      %dma_start3A_191 = tpu.memref_slice %arg11[%dma_start3A_189, %dma_start3A_190] : memref<100016x16xf32, #tpu.memory_space<vmem_shared>> -> memref<100016x16xf32, #tpu.memory_space<vmem_shared>>
      tpu.enqueue_indirect_dma source(%dma_start3A_185 : memref<128x16xf32, #tpu.memory_space<vmem>>) target(%dma_start3A_191 : memref<100016x16xf32, #tpu.memory_space<vmem_shared>>) offsets(%dma_start3A_188 : memref<128xi32, #tpu.memory_space<vmem>>) semaphore(%arg14 : memref<!tpu.dma_semaphore, #tpu.memory_space<semaphore_mem>>) {add = true}
      %dma_wait3A_192 = arith.constant 0 : i32
      %dma_wait3A_193 = arith.constant 0 : i32
      %dma_wait3A_194 = arith.constant 0 : i32
      %dma_wait3A_195 = arith.constant 0 : i32
      %dma_wait3A_196 = tpu.memref_slice %arg8[%dma_wait3A_192, %dma_wait3A_194, %dma_wait3A_195] : memref<2x640x16xf32, #tpu.memory_space<vmem>> -> memref<1x128x16xf32, #tpu.memory_space<vmem>>
      %dma_wait3A_197 = tpu.memref_squeeze %dma_wait3A_196 : memref<1x128x16xf32, #tpu.memory_space<vmem>> -> memref<128x16xf32, #tpu.memory_space<vmem>>
      %dma_wait3A_198 = arith.constant 0 : i32
      %dma_wait3A_199 = tpu.memref_slice %arg7[%dma_wait3A_193, %scan3A_154, %dma_wait3A_198] : memref<2x10x128xi32, #tpu.memory_space<vmem>> -> memref<1x1x128xi32, #tpu.memory_space<vmem>>
      %dma_wait3A_200 = tpu.memref_squeeze %dma_wait3A_199 : memref<1x1x128xi32, #tpu.memory_space<vmem>> -> memref<128xi32, #tpu.memory_space<vmem>>
      %dma_wait3A_201 = arith.constant 0 : i32
      %dma_wait3A_202 = arith.constant 0 : i32
      %dma_wait3A_203 = tpu.memref_slice %arg11[%dma_wait3A_201, %dma_wait3A_202] : memref<100016x16xf32, #tpu.memory_space<vmem_shared>> -> memref<100016x16xf32, #tpu.memory_space<vmem_shared>>
      tpu.wait_indirect_dma semaphore(%arg14 : memref<!tpu.dma_semaphore, #tpu.memory_space<semaphore_mem>>) src(%dma_wait3A_197 : memref<128x16xf32, #tpu.memory_space<vmem>>) dst(%dma_wait3A_203 : memref<100016x16xf32, #tpu.memory_space<vmem_shared>>)
      %scan3A_204 = arith.constant 0 : i32
      scf.yield %scan3A_204 : i32
    }
    %scan3A_148 = arith.constant 2 : i32
    %barrier3A_149 = arith.constant 0 : index
    tpu.barrier barrier_id(%barrier3A_149)
    %mul3A_150 = arith.constant 6250 : i32
    %mul3A_151 = arith.muli %arg1, %mul3A_150 : i32
    %mul3A_152 = arith.constant 6250 : i32
    %mul3A_153 = arith.muli %arg1, %mul3A_152 : i32
    "tpu.region"() ({
      %run_scoped3A_154 = tpu.sem_alloc : memref<!tpu.dma_semaphore, #tpu.memory_space<semaphore_mem>>
      %dma_start3A_155 = arith.constant 0 : i32
      %dma_start3A_156 = tpu.memref_slice %arg5[%arg0, %mul3A_153, %dma_start3A_155] : memref<2x100000x16xf32, #tpu.memory_space<hbm>> -> memref<1x6250x16xf32, #tpu.memory_space<hbm>>
      %dma_start3A_157 = tpu.memref_squeeze %dma_start3A_156 : memref<1x6250x16xf32, #tpu.memory_space<hbm>> -> memref<6250x16xf32, #tpu.memory_space<hbm>>
      %dma_start3A_158 = arith.constant 0 : i32
      %dma_start3A_159 = tpu.memref_slice %arg11[%mul3A_151, %dma_start3A_158] : memref<100016x16xf32, #tpu.memory_space<vmem_shared>> -> memref<6250x16xf32, #tpu.memory_space<vmem_shared>>
      tpu.enqueue_dma source(%dma_start3A_159 : memref<6250x16xf32, #tpu.memory_space<vmem_shared>>) target(%dma_start3A_157 : memref<6250x16xf32, #tpu.memory_space<hbm>>) target_semaphore(%run_scoped3A_154 : memref<!tpu.dma_semaphore, #tpu.memory_space<semaphore_mem>>)
      %dma_wait3A_160 = arith.constant 0 : i32
      %dma_wait3A_161 = tpu.memref_slice %arg5[%arg0, %mul3A_153, %dma_wait3A_160] : memref<2x100000x16xf32, #tpu.memory_space<hbm>> -> memref<1x6250x16xf32, #tpu.memory_space<hbm>>
      %dma_wait3A_162 = tpu.memref_squeeze %dma_wait3A_161 : memref<1x6250x16xf32, #tpu.memory_space<hbm>> -> memref<6250x16xf32, #tpu.memory_space<hbm>>
      %dma_wait3A_163 = arith.constant 0 : i32
      %dma_wait3A_164 = tpu.memref_slice %arg11[%mul3A_151, %dma_wait3A_163] : memref<100016x16xf32, #tpu.memory_space<vmem_shared>> -> memref<6250x16xf32, #tpu.memory_space<vmem_shared>>
      tpu.wait_dma2 semaphore(%run_scoped3A_154 : memref<!tpu.dma_semaphore, #tpu.memory_space<semaphore_mem>>) src(%dma_wait3A_164 : memref<6250x16xf32, #tpu.memory_space<vmem_shared>>) dst(%dma_wait3A_162 : memref<6250x16xf32, #tpu.memory_space<hbm>>)
      tpu.yield
    }) : () -> ()
    return
  }
}

module attributes {stable_mosaic.version = 14 : i64} {
  func.func @_k1a_body(%arg0: i32, %arg1: memref<12500x128xf32, #tpu.memory_space<vmem>>, %arg2: memref<128x128xf32, #tpu.memory_space<vmem>>, %arg3: memref<1x16xf32, #tpu.memory_space<vmem>>, %arg4: memref<1x16xf32, #tpu.memory_space<vmem>>, %arg5: memref<16x16xf32, #tpu.memory_space<vmem>>, %arg6: memref<1x16xf32, #tpu.memory_space<vmem>>, %arg7: memref<12500x128xf32, #tpu.memory_space<vmem>>) attributes {dimension_semantics = [#tpu.dimension_semantics<arbitrary>], iteration_bounds = array<i64: 8>, scalar_prefetch = 0 : i64, scratch_operands = 0 : i64, tpu.core_type = #tpu.core_type<tc>, window_params = [{transform_indices = @transform_0, window_bounds = array<i64: 12500, 128>}, {transform_indices = @transform_1, window_bounds = array<i64: 128, 128>}, {pipeline_mode = #tpu.pipeline_mode<synchronous>, transform_indices = @transform_2, window_bounds = array<i64: 1, 16>}, {pipeline_mode = #tpu.pipeline_mode<synchronous>, transform_indices = @transform_3, window_bounds = array<i64: 1, 16>}, {pipeline_mode = #tpu.pipeline_mode<synchronous>, transform_indices = @transform_4, window_bounds = array<i64: 16, 16>}, {pipeline_mode = #tpu.pipeline_mode<synchronous>, transform_indices = @transform_5, window_bounds = array<i64: 1, 16>}, {pipeline_mode = #tpu.pipeline_mode<synchronous>, transform_indices = @transform_6, window_bounds = array<i64: 12500, 128>}]} {
    %get3A = arith.constant 0 : index
    %get3A_0 = arith.constant 0 : index
    %get3A_1 = vector.load %arg1[%get3A, %get3A_0] : memref<12500x128xf32, #tpu.memory_space<vmem>>, vector<12500x128xf32>
    %get3A_2 = arith.constant 0 : index
    %get3A_3 = arith.constant 0 : index
    %get3A_4 = vector.load %arg2[%get3A_2, %get3A_3] : memref<128x128xf32, #tpu.memory_space<vmem>>, vector<128x128xf32>
    %dot_general3A = arith.constant dense<0.000000e+00> : vector<12500x128xf32>
    %dot_general3A_5 = tpu.matmul %get3A_1, %get3A_4, %dot_general3A {dimension_numbers = #tpu.dot_dimension_numbers<[1], [0], [0], [1], [0, 0, 1, 1], [], []>, transpose_lhs_hint = false} : vector<12500x128xf32>, vector<128x128xf32>, vector<12500x128xf32> -> vector<12500x128xf32>
    %eq3A = arith.constant 0 : i32
    %eq3A_6 = arith.cmpi eq, %arg0, %eq3A : i32
    %convert_element_type3A = arith.extui %eq3A_6 : i1 to i32
    %cond3A = arith.constant 0 : i32
    %cond3A_7 = arith.cmpi ne, %convert_element_type3A, %cond3A : i32
    scf.if %cond3A_7 {
      %get3A_12 = arith.constant 0 : index
      %get3A_13 = arith.constant 0 : index
      %get3A_14 = vector.load %arg4[%get3A_12, %get3A_13] : memref<1x16xf32, #tpu.memory_space<vmem>>, vector<1x16xf32>
      %get3A_15 = arith.constant 0 : index
      %get3A_16 = arith.constant 0 : index
      %get3A_17 = vector.load %arg5[%get3A_15, %get3A_16] : memref<16x16xf32, #tpu.memory_space<vmem>>, vector<16x16xf32>
      %dot_general3A_18 = arith.constant dense<0.000000e+00> : vector<1x16xf32>
      %dot_general3A_19 = tpu.matmul %get3A_14, %get3A_17, %dot_general3A_18 {dimension_numbers = #tpu.dot_dimension_numbers<[1], [0], [0], [1], [0, 0, 1, 1], [], []>, transpose_lhs_hint = false} : vector<1x16xf32>, vector<16x16xf32>, vector<1x16xf32> -> vector<1x16xf32>
      %get3A_20 = arith.constant 0 : index
      %get3A_21 = arith.constant 0 : index
      %get3A_22 = vector.load %arg6[%get3A_20, %get3A_21] : memref<1x16xf32, #tpu.memory_space<vmem>>, vector<1x16xf32>
      %add3A = arith.addf %dot_general3A_19, %get3A_22 : vector<1x16xf32>
      %get3A_23 = arith.constant 0 : index
      %get3A_24 = arith.constant 0 : index
      %get3A_25 = vector.load %arg3[%get3A_23, %get3A_24] : memref<1x16xf32, #tpu.memory_space<vmem>>, vector<1x16xf32>
      %add3A_26 = arith.addf %add3A, %get3A_25 : vector<1x16xf32>
      %concatenate3A = tpu.concatenate %add3A_26, %add3A_26, %add3A_26, %add3A_26, %add3A_26, %add3A_26, %add3A_26, %add3A_26 in 1 : vector<1x16xf32>, vector<1x16xf32>, vector<1x16xf32>, vector<1x16xf32>, vector<1x16xf32>, vector<1x16xf32>, vector<1x16xf32>, vector<1x16xf32> -> vector<1x128xf32>
      %add3A_27 = vector.broadcast %concatenate3A : vector<1x128xf32> to vector<12500x128xf32>
      %add3A_28 = arith.addf %dot_general3A_5, %add3A_27 : vector<12500x128xf32>
      %swap3A = arith.constant 0 : index
      %swap3A_29 = arith.constant 0 : index
      %swap3A_30 = vector.load %arg7[%swap3A, %swap3A_29] : memref<12500x128xf32, #tpu.memory_space<vmem>>, vector<12500x128xf32>
      tpu.vector_store %arg7[%swap3A, %swap3A_29], %add3A_28 {strides = array<i32>} : memref<12500x128xf32, #tpu.memory_space<vmem>>, vector<12500x128xf32>,
    } else {
    }
    %gt3A = arith.constant 0 : i32
    %gt3A_8 = arith.cmpi sgt, %arg0, %gt3A : i32
    %convert_element_type3A_9 = arith.extui %gt3A_8 : i1 to i32
    %cond3A_10 = arith.constant 0 : i32
    %cond3A_11 = arith.cmpi ne, %convert_element_type3A_9, %cond3A_10 : i32
    scf.if %cond3A_11 {
      %get3A_12 = arith.constant 0 : index
      %get3A_13 = arith.constant 0 : index
      %get3A_14 = vector.load %arg7[%get3A_12, %get3A_13] : memref<12500x128xf32, #tpu.memory_space<vmem>>, vector<12500x128xf32>
      %add3A = arith.addf %get3A_14, %dot_general3A_5 : vector<12500x128xf32>
      %swap3A = arith.constant 0 : index
      %swap3A_15 = arith.constant 0 : index
      %swap3A_16 = vector.load %arg7[%swap3A, %swap3A_15] : memref<12500x128xf32, #tpu.memory_space<vmem>>, vector<12500x128xf32>
      tpu.vector_store %arg7[%swap3A, %swap3A_15], %add3A {strides = array<i32>} : memref<12500x128xf32, #tpu.memory_space<vmem>>, vector<12500x128xf32>,
    } else {
    }
    return
  }
  func.func @transform_0(%arg0: i32) -> (i32, i32) {
    %c0_i32 = arith.constant 0 : i32
    %c0_i32_0 = arith.constant 0 : i32
    return %c0_i32, %arg0 : i32, i32
  }
  func.func @transform_1(%arg0: i32) -> (i32, i32) {
    %c0_i32 = arith.constant 0 : i32
    %c0_i32_0 = arith.constant 0 : i32
    return %arg0, %c0_i32 : i32, i32
  }
  func.func @transform_2(%arg0: i32) -> (i32, i32) {
    %c0_i32 = arith.constant 0 : i32
    %c0_i32_0 = arith.constant 0 : i32
    %c0_i32_1 = arith.constant 0 : i32
    return %c0_i32, %c0_i32_0 : i32, i32
  }
  func.func @transform_3(%arg0: i32) -> (i32, i32) {
    %c0_i32 = arith.constant 0 : i32
    %c0_i32_0 = arith.constant 0 : i32
    %c0_i32_1 = arith.constant 0 : i32
    return %c0_i32, %c0_i32_0 : i32, i32
  }
  func.func @transform_4(%arg0: i32) -> (i32, i32) {
    %c0_i32 = arith.constant 0 : i32
    %c0_i32_0 = arith.constant 0 : i32
    %c0_i32_1 = arith.constant 0 : i32
    return %c0_i32, %c0_i32_0 : i32, i32
  }
  func.func @transform_5(%arg0: i32) -> (i32, i32) {
    %c0_i32 = arith.constant 0 : i32
    %c0_i32_0 = arith.constant 0 : i32
    %c0_i32_1 = arith.constant 0 : i32
    return %c0_i32, %c0_i32_0 : i32, i32
  }
  func.func @transform_6(%arg0: i32) -> (i32, i32) {
    %c0_i32 = arith.constant 0 : i32
    %c0_i32_0 = arith.constant 0 : i32
    %c0_i32_1 = arith.constant 0 : i32
    return %c0_i32, %c0_i32_0 : i32, i32
  }
}

module attributes {stable_mosaic.version = 14 : i64} {
  func.func @_k1bx_body(%arg0: i32, %arg1: memref<1x32x2000xf32, #tpu.memory_space<vmem>>, %arg2: memref<1x1x2000xf32, #tpu.memory_space<vmem>>) attributes {dimension_semantics = [#tpu.dimension_semantics<arbitrary>], iteration_bounds = array<i64: 50>, scalar_prefetch = 0 : i64, scratch_operands = 0 : i64, tpu.core_type = #tpu.core_type<tc>, window_params = [{transform_indices = @transform_0, window_bounds = array<i64: 1, 32, 2000>}, {transform_indices = @transform_1, window_bounds = array<i64: 1, 1, 2000>}]} {
    %get3A = arith.constant 0 : index
    %get3A_0 = arith.constant 0 : index
    %get3A_1 = arith.constant 0 : index
    %get3A_2 = vector.load %arg1[%get3A, %get3A_0, %get3A_1] : memref<1x32x2000xf32, #tpu.memory_space<vmem>>, vector<1x32x2000xf32>
    %get3A_3 = vector.shape_cast %get3A_2 : vector<1x32x2000xf32> to vector<32x2000xf32>
    %reduce_sum3A = arith.constant dense<0.000000e+00> : vector<2000xf32>
    %reduce_sum3A_4 = vector.multi_reduction <add>, %get3A_3, %reduce_sum3A [0] : vector<32x2000xf32> to vector<2000xf32>
    %broadcast_in_dim3A = vector.shape_cast %reduce_sum3A_4 : vector<2000xf32> to vector<1x2000xf32>
    %add3A = arith.constant 1.000000e+00 : f32
    %add3A_5 = vector.broadcast %add3A : f32 to vector<1x2000xf32>
    %add3A_6 = arith.addf %broadcast_in_dim3A, %add3A_5 : vector<1x2000xf32>
    %rsqrt3A = math.rsqrt %add3A_6 : vector<1x2000xf32>
    %swap3A = arith.constant 0 : index
    %swap3A_7 = arith.constant 0 : index
    %swap3A_8 = arith.constant 0 : index
    %swap3A_9 = vector.load %arg2[%swap3A, %swap3A_7, %swap3A_8] : memref<1x1x2000xf32, #tpu.memory_space<vmem>>, vector<1x1x2000xf32>
    %swap3A_10 = vector.shape_cast %swap3A_9 : vector<1x1x2000xf32> to vector<1x2000xf32>
    %swap3A_11 = vector.shape_cast %rsqrt3A : vector<1x2000xf32> to vector<1x1x2000xf32>
    tpu.vector_store %arg2[%swap3A, %swap3A_7, %swap3A_8], %swap3A_11 {strides = array<i32>} : memref<1x1x2000xf32, #tpu.memory_space<vmem>>, vector<1x1x2000xf32>,
    return
  }
  func.func @transform_0(%arg0: i32) -> (i32, i32, i32) {
    %c0_i32 = arith.constant 0 : i32
    %c0_i32_0 = arith.constant 0 : i32
    %c0_i32_1 = arith.constant 0 : i32
    return %arg0, %c0_i32, %c0_i32_0 : i32, i32, i32
  }
  func.func @transform_1(%arg0: i32) -> (i32, i32, i32) {
    %c0_i32 = arith.constant 0 : i32
    %c0_i32_0 = arith.constant 0 : i32
    %c0_i32_1 = arith.constant 0 : i32
    return %arg0, %c0_i32, %c0_i32_0 : i32, i32, i32
  }
}

module attributes {stable_mosaic.version = 14 : i64} {
  func.func @_k1by_body(%arg0: memref<12500x128xf32, #tpu.memory_space<vmem>>, %arg1: memref<12500x8xf32, #tpu.memory_space<vmem>>, %arg2: memref<8x128xf32, #tpu.memory_space<vmem>>, %arg3: memref<12500x128xf32, #tpu.memory_space<vmem>>, %arg4: memref<12500x128xf32, #tpu.memory_space<vmem>>) attributes {dimension_semantics = [], scalar_prefetch = 0 : i64, scratch_operands = 0 : i64, tpu.core_type = #tpu.core_type<tc>} {
    %get3A = arith.constant 0 : index
    %get3A_0 = arith.constant 0 : index
    %get3A_1 = vector.load %arg1[%get3A, %get3A_0] : memref<12500x8xf32, #tpu.memory_space<vmem>>, vector<12500x8xf32>
    %get3A_2 = arith.constant 0 : index
    %get3A_3 = arith.constant 0 : index
    %get3A_4 = vector.load %arg2[%get3A_2, %get3A_3] : memref<8x128xf32, #tpu.memory_space<vmem>>, vector<8x128xf32>
    %dot_general3A = arith.constant dense<0.000000e+00> : vector<12500x128xf32>
    %dot_general3A_5 = tpu.matmul %get3A_1, %get3A_4, %dot_general3A {dimension_numbers = #tpu.dot_dimension_numbers<[1], [0], [0], [1], [0, 0, 1, 1], [], []>, transpose_lhs_hint = false} : vector<12500x8xf32>, vector<8x128xf32>, vector<12500x128xf32> -> vector<12500x128xf32>
    %swap3A = arith.constant 0 : index
    %swap3A_6 = arith.constant 0 : index
    %swap3A_7 = vector.load %arg4[%swap3A, %swap3A_6] : memref<12500x128xf32, #tpu.memory_space<vmem>>, vector<12500x128xf32>
    tpu.vector_store %arg4[%swap3A, %swap3A_6], %dot_general3A_5 {strides = array<i32>} : memref<12500x128xf32, #tpu.memory_space<vmem>>, vector<12500x128xf32>,
    %get3A_8 = arith.constant 0 : index
    %get3A_9 = arith.constant 0 : index
    %get3A_10 = vector.load %arg0[%get3A_8, %get3A_9] : memref<12500x128xf32, #tpu.memory_space<vmem>>, vector<12500x128xf32>
    %mul3A = arith.mulf %get3A_10, %dot_general3A_5 : vector<12500x128xf32>
    %swap3A_11 = arith.constant 0 : index
    %swap3A_12 = arith.constant 0 : index
    %swap3A_13 = vector.load %arg3[%swap3A_11, %swap3A_12] : memref<12500x128xf32, #tpu.memory_space<vmem>>, vector<12500x128xf32>
    tpu.vector_store %arg3[%swap3A_11, %swap3A_12], %mul3A {strides = array<i32>} : memref<12500x128xf32, #tpu.memory_space<vmem>>, vector<12500x128xf32>,
    return
  }
}

module attributes {stable_mosaic.version = 14 : i64} {
  func.func @_k4a_body(%arg0: memref<25000x128xf32, #tpu.memory_space<vmem>>, %arg1: memref<12500x128xf32, #tpu.memory_space<vmem>>, %arg2: memref<12500x128xf32, #tpu.memory_space<vmem>>, %arg3: memref<12500x128xf32, #tpu.memory_space<vmem>>, %arg4: memref<1x128xf32, #tpu.memory_space<vmem>>) attributes {dimension_semantics = [], scalar_prefetch = 0 : i64, scratch_operands = 0 : i64, tpu.core_type = #tpu.core_type<tc>} {
    %get3A = arith.constant 0 : index
    %get3A_0 = arith.constant 0 : index
    %get3A_1 = vector.load %arg2[%get3A, %get3A_0] : memref<12500x128xf32, #tpu.memory_space<vmem>>, vector<12500x128xf32>
    %get3A_2 = arith.constant 0 : index
    %get3A_3 = arith.constant 0 : index
    %get3A_4 = vector.load %arg0[%get3A_2, %get3A_3] : memref<25000x128xf32, #tpu.memory_space<vmem>>, vector<12500x128xf32>
    %get3A_5 = arith.constant 12500 : index
    %get3A_6 = arith.constant 0 : index
    %get3A_7 = vector.load %arg0[%get3A_5, %get3A_6] : memref<25000x128xf32, #tpu.memory_space<vmem>>, vector<12500x128xf32>
    %add3A = arith.addf %get3A_4, %get3A_7 : vector<12500x128xf32>
    %get3A_8 = arith.constant 0 : index
    %get3A_9 = arith.constant 0 : index
    %get3A_10 = vector.load %arg1[%get3A_8, %get3A_9] : memref<12500x128xf32, #tpu.memory_space<vmem>>, vector<12500x128xf32>
    %add3A_11 = arith.addf %add3A, %get3A_10 : vector<12500x128xf32>
    %mul3A = arith.mulf %get3A_1, %add3A_11 : vector<12500x128xf32>
    %max3A = arith.constant 0.000000e+00 : f32
    %max3A_12 = vector.broadcast %max3A : f32 to vector<12500x128xf32>
    %max3A_13 = arith.maximumf %mul3A, %max3A_12 : vector<12500x128xf32>
    %swap3A = arith.constant 0 : index
    %swap3A_14 = arith.constant 0 : index
    %swap3A_15 = vector.load %arg3[%swap3A, %swap3A_14] : memref<12500x128xf32, #tpu.memory_space<vmem>>, vector<12500x128xf32>
    tpu.vector_store %arg3[%swap3A, %swap3A_14], %max3A_13 {strides = array<i32>} : memref<12500x128xf32, #tpu.memory_space<vmem>>, vector<12500x128xf32>,
    %reduce_max3A = arith.constant dense<0xFF800000> : vector<128xf32>
    %reduce_max3A_16 = vector.multi_reduction <maximumf>, %mul3A, %reduce_max3A [0] : vector<12500x128xf32> to vector<128xf32>
    %broadcast_in_dim3A = vector.shape_cast %reduce_max3A_16 : vector<128xf32> to vector<1x128xf32>
    %swap3A_17 = arith.constant 0 : index
    %swap3A_18 = arith.constant 0 : index
    %swap3A_19 = vector.load %arg4[%swap3A_17, %swap3A_18] : memref<1x128xf32, #tpu.memory_space<vmem>>, vector<1x128xf32>
    tpu.vector_store %arg4[%swap3A_17, %swap3A_18], %broadcast_in_dim3A {strides = array<i32>} : memref<1x128xf32, #tpu.memory_space<vmem>>, vector<1x128xf32>,
    return
  }
}

module attributes {stable_mosaic.version = 14 : i64} {
  func.func @_k4b_body(%arg0: memref<12500x128xf32, #tpu.memory_space<vmem>>, %arg1: memref<12500x128xf32, #tpu.memory_space<vmem>>, %arg2: memref<1x128xf32, #tpu.memory_space<vmem>>, %arg3: memref<1x16xf32, #tpu.memory_space<vmem>>, %arg4: memref<16x16xf32, #tpu.memory_space<vmem>>, %arg5: memref<1x16xf32, #tpu.memory_space<vmem>>, %arg6: memref<16x16xf32, #tpu.memory_space<vmem>>, %arg7: memref<1x16xf32, #tpu.memory_space<vmem>>, %arg8: memref<16x16xf32, #tpu.memory_space<vmem>>, %arg9: memref<1x16xf32, #tpu.memory_space<vmem>>, %arg10: memref<128x128xf32, #tpu.memory_space<vmem>>, %arg11: memref<1x128xf32, #tpu.memory_space<vmem>>, %arg12: memref<12500x128xf32, #tpu.memory_space<vmem>>) attributes {dimension_semantics = [], scalar_prefetch = 0 : i64, scratch_operands = 0 : i64, tpu.core_type = #tpu.core_type<tc>} {
    %get3A = arith.constant 0 : index
    %get3A_0 = arith.constant 0 : index
    %get3A_1 = vector.load %arg2[%get3A, %get3A_0] : memref<1x128xf32, #tpu.memory_space<vmem>>, vector<1x128xf32>
    %slice3A = vector.extract_strided_slice %get3A_1 {offsets = [0, 0], sizes = [1, 16], strides = [1, 1]} : vector<1x128xf32> to vector<1x16xf32>
    %slice3A_2 = vector.extract_strided_slice %get3A_1 {offsets = [0, 16], sizes = [1, 16], strides = [1, 1]} : vector<1x128xf32> to vector<1x16xf32>
    %max3A = arith.maximumf %slice3A, %slice3A_2 : vector<1x16xf32>
    %slice3A_3 = vector.extract_strided_slice %get3A_1 {offsets = [0, 32], sizes = [1, 16], strides = [1, 1]} : vector<1x128xf32> to vector<1x16xf32>
    %max3A_4 = arith.maximumf %max3A, %slice3A_3 : vector<1x16xf32>
    %slice3A_5 = vector.extract_strided_slice %get3A_1 {offsets = [0, 48], sizes = [1, 16], strides = [1, 1]} : vector<1x128xf32> to vector<1x16xf32>
    %max3A_6 = arith.maximumf %max3A_4, %slice3A_5 : vector<1x16xf32>
    %slice3A_7 = vector.extract_strided_slice %get3A_1 {offsets = [0, 64], sizes = [1, 16], strides = [1, 1]} : vector<1x128xf32> to vector<1x16xf32>
    %max3A_8 = arith.maximumf %max3A_6, %slice3A_7 : vector<1x16xf32>
    %slice3A_9 = vector.extract_strided_slice %get3A_1 {offsets = [0, 80], sizes = [1, 16], strides = [1, 1]} : vector<1x128xf32> to vector<1x16xf32>
    %max3A_10 = arith.maximumf %max3A_8, %slice3A_9 : vector<1x16xf32>
    %slice3A_11 = vector.extract_strided_slice %get3A_1 {offsets = [0, 96], sizes = [1, 16], strides = [1, 1]} : vector<1x128xf32> to vector<1x16xf32>
    %max3A_12 = arith.maximumf %max3A_10, %slice3A_11 : vector<1x16xf32>
    %slice3A_13 = vector.extract_strided_slice %get3A_1 {offsets = [0, 112], sizes = [1, 16], strides = [1, 1]} : vector<1x128xf32> to vector<1x16xf32>
    %max3A_14 = arith.maximumf %max3A_12, %slice3A_13 : vector<1x16xf32>
    %get3A_15 = arith.constant 0 : index
    %get3A_16 = arith.constant 0 : index
    %get3A_17 = vector.load %arg3[%get3A_15, %get3A_16] : memref<1x16xf32, #tpu.memory_space<vmem>>, vector<1x16xf32>
    %get3A_18 = arith.constant 0 : index
    %get3A_19 = arith.constant 0 : index
    %get3A_20 = vector.load %arg4[%get3A_18, %get3A_19] : memref<16x16xf32, #tpu.memory_space<vmem>>, vector<16x16xf32>
    %dot_general3A = arith.constant dense<0.000000e+00> : vector<1x16xf32>
    %dot_general3A_21 = tpu.matmul %get3A_17, %get3A_20, %dot_general3A {dimension_numbers = #tpu.dot_dimension_numbers<[1], [0], [0], [1], [0, 0, 1, 1], [], []>, transpose_lhs_hint = false} : vector<1x16xf32>, vector<16x16xf32>, vector<1x16xf32> -> vector<1x16xf32>
    %get3A_22 = arith.constant 0 : index
    %get3A_23 = arith.constant 0 : index
    %get3A_24 = vector.load %arg5[%get3A_22, %get3A_23] : memref<1x16xf32, #tpu.memory_space<vmem>>, vector<1x16xf32>
    %add3A = arith.addf %dot_general3A_21, %get3A_24 : vector<1x16xf32>
    %get3A_25 = arith.constant 0 : index
    %get3A_26 = arith.constant 0 : index
    %get3A_27 = vector.load %arg6[%get3A_25, %get3A_26] : memref<16x16xf32, #tpu.memory_space<vmem>>, vector<16x16xf32>
    %dot_general3A_28 = arith.constant dense<0.000000e+00> : vector<1x16xf32>
    %dot_general3A_29 = tpu.matmul %max3A_14, %get3A_27, %dot_general3A_28 {dimension_numbers = #tpu.dot_dimension_numbers<[1], [0], [0], [1], [0, 0, 1, 1], [], []>, transpose_lhs_hint = false} : vector<1x16xf32>, vector<16x16xf32>, vector<1x16xf32> -> vector<1x16xf32>
    %add3A_30 = arith.addf %add3A, %dot_general3A_29 : vector<1x16xf32>
    %get3A_31 = arith.constant 0 : index
    %get3A_32 = arith.constant 0 : index
    %get3A_33 = vector.load %arg7[%get3A_31, %get3A_32] : memref<1x16xf32, #tpu.memory_space<vmem>>, vector<1x16xf32>
    %add3A_34 = arith.addf %add3A_30, %get3A_33 : vector<1x16xf32>
    %get3A_35 = arith.constant 0 : index
    %get3A_36 = arith.constant 0 : index
    %get3A_37 = vector.load %arg8[%get3A_35, %get3A_36] : memref<16x16xf32, #tpu.memory_space<vmem>>, vector<16x16xf32>
    %dot_general3A_38 = arith.constant dense<0.000000e+00> : vector<1x16xf32>
    %dot_general3A_39 = tpu.matmul %add3A_34, %get3A_37, %dot_general3A_38 {dimension_numbers = #tpu.dot_dimension_numbers<[1], [0], [0], [1], [0, 0, 1, 1], [], []>, transpose_lhs_hint = false} : vector<1x16xf32>, vector<16x16xf32>, vector<1x16xf32> -> vector<1x16xf32>
    %get3A_40 = arith.constant 0 : index
    %get3A_41 = arith.constant 0 : index
    %get3A_42 = vector.load %arg9[%get3A_40, %get3A_41] : memref<1x16xf32, #tpu.memory_space<vmem>>, vector<1x16xf32>
    %add3A_43 = arith.addf %dot_general3A_39, %get3A_42 : vector<1x16xf32>
    %concatenate3A = tpu.concatenate %add3A_43, %add3A_43, %add3A_43, %add3A_43, %add3A_43, %add3A_43, %add3A_43, %add3A_43 in 1 : vector<1x16xf32>, vector<1x16xf32>, vector<1x16xf32>, vector<1x16xf32>, vector<1x16xf32>, vector<1x16xf32>, vector<1x16xf32>, vector<1x16xf32> -> vector<1x128xf32>
    %get3A_44 = arith.constant 0 : index
    %get3A_45 = arith.constant 0 : index
    %get3A_46 = vector.load %arg0[%get3A_44, %get3A_45] : memref<12500x128xf32, #tpu.memory_space<vmem>>, vector<12500x128xf32>
    %get3A_47 = arith.constant 0 : index
    %get3A_48 = arith.constant 0 : index
    %get3A_49 = vector.load %arg10[%get3A_47, %get3A_48] : memref<128x128xf32, #tpu.memory_space<vmem>>, vector<128x128xf32>
    %dot_general3A_50 = arith.constant dense<0.000000e+00> : vector<12500x128xf32>
    %dot_general3A_51 = tpu.matmul %get3A_46, %get3A_49, %dot_general3A_50 {dimension_numbers = #tpu.dot_dimension_numbers<[1], [0], [0], [1], [0, 0, 1, 1], [], []>, transpose_lhs_hint = false} : vector<12500x128xf32>, vector<128x128xf32>, vector<12500x128xf32> -> vector<12500x128xf32>
    %get3A_52 = arith.constant 0 : index
    %get3A_53 = arith.constant 0 : index
    %get3A_54 = vector.load %arg11[%get3A_52, %get3A_53] : memref<1x128xf32, #tpu.memory_space<vmem>>, vector<1x128xf32>
    %add3A_55 = vector.broadcast %get3A_54 : vector<1x128xf32> to vector<12500x128xf32>
    %add3A_56 = arith.addf %dot_general3A_51, %add3A_55 : vector<12500x128xf32>
    %add3A_57 = vector.broadcast %concatenate3A : vector<1x128xf32> to vector<12500x128xf32>
    %add3A_58 = arith.addf %add3A_56, %add3A_57 : vector<12500x128xf32>
    %get3A_59 = arith.constant 0 : index
    %get3A_60 = arith.constant 0 : index
    %get3A_61 = vector.load %arg1[%get3A_59, %get3A_60] : memref<12500x128xf32, #tpu.memory_space<vmem>>, vector<12500x128xf32>
    %mul3A = arith.mulf %add3A_58, %get3A_61 : vector<12500x128xf32>
    %swap3A = arith.constant 0 : index
    %swap3A_62 = arith.constant 0 : index
    %swap3A_63 = vector.load %arg12[%swap3A, %swap3A_62] : memref<12500x128xf32, #tpu.memory_space<vmem>>, vector<12500x128xf32>
    tpu.vector_store %arg12[%swap3A, %swap3A_62], %mul3A {strides = array<i32>} : memref<12500x128xf32, #tpu.memory_space<vmem>>, vector<12500x128xf32>,
    return
  }
}

module attributes {stable_mosaic.version = 14 : i64} {
  func.func @_k6_body(%arg0: memref<25000x128xf32, #tpu.memory_space<vmem>>, %arg1: memref<12500x128xf32, #tpu.memory_space<vmem>>, %arg2: memref<12500x128xf32, #tpu.memory_space<vmem>>, %arg3: memref<12500x128xf32, #tpu.memory_space<vmem>>) attributes {dimension_semantics = [], scalar_prefetch = 0 : i64, scratch_operands = 0 : i64, tpu.core_type = #tpu.core_type<tc>} {
    %get3A = arith.constant 0 : index
    %get3A_0 = arith.constant 0 : index
    %get3A_1 = vector.load %arg2[%get3A, %get3A_0] : memref<12500x128xf32, #tpu.memory_space<vmem>>, vector<12500x128xf32>
    %get3A_2 = arith.constant 0 : index
    %get3A_3 = arith.constant 0 : index
    %get3A_4 = vector.load %arg0[%get3A_2, %get3A_3] : memref<25000x128xf32, #tpu.memory_space<vmem>>, vector<12500x128xf32>
    %get3A_5 = arith.constant 12500 : index
    %get3A_6 = arith.constant 0 : index
    %get3A_7 = vector.load %arg0[%get3A_5, %get3A_6] : memref<25000x128xf32, #tpu.memory_space<vmem>>, vector<12500x128xf32>
    %add3A = arith.addf %get3A_4, %get3A_7 : vector<12500x128xf32>
    %get3A_8 = arith.constant 0 : index
    %get3A_9 = arith.constant 0 : index
    %get3A_10 = vector.load %arg1[%get3A_8, %get3A_9] : memref<12500x128xf32, #tpu.memory_space<vmem>>, vector<12500x128xf32>
    %add3A_11 = arith.addf %add3A, %get3A_10 : vector<12500x128xf32>
    %mul3A = arith.mulf %get3A_1, %add3A_11 : vector<12500x128xf32>
    %neg3A = arith.constant 0.000000e+00 : f32
    %neg3A_12 = vector.broadcast %neg3A : f32 to vector<12500x128xf32>
    %neg3A_13 = arith.subf %neg3A_12, %mul3A : vector<12500x128xf32>
    %exp3A = math.exp %neg3A_13 : vector<12500x128xf32>
    %add3A_14 = arith.constant 1.000000e+00 : f32
    %add3A_15 = vector.broadcast %add3A_14 : f32 to vector<12500x128xf32>
    %add3A_16 = arith.addf %add3A_15, %exp3A : vector<12500x128xf32>
    %div3A = arith.constant 1.000000e+00 : f32
    %div3A_17 = vector.broadcast %div3A : f32 to vector<12500x128xf32>
    %div3A_18 = arith.divf %div3A_17, %add3A_16 : vector<12500x128xf32>
    %swap3A = arith.constant 0 : index
    %swap3A_19 = arith.constant 0 : index
    %swap3A_20 = vector.load %arg3[%swap3A, %swap3A_19] : memref<12500x128xf32, #tpu.memory_space<vmem>>, vector<12500x128xf32>
    tpu.vector_store %arg3[%swap3A, %swap3A_19], %div3A_18 {strides = array<i32>} : memref<12500x128xf32, #tpu.memory_space<vmem>>, vector<12500x128xf32>,
    return
  }
}

</mosaic_0001>

<sc_bundles>
// kernel: kernel.11.cloned.1.call-start
scs
__scs_entry_jumppad:
0x0: {  	(pc) =	sbr.rel $0x88, $3  }
0x1: {  	(tag) =	ssettag $0x0;
	lr =	simm.s32 $0x1  }
0x2: {  	[smem:$0x3F92] =	sst lr;
	_ =	strace $0xD0000000  }
0x3: {  	_ = 	snop  }
0x4: {  	_ = 	snop  }
0x5: {  	_ = 	snop  }
0x6: {  	_ = 	snop  }
0x7: {  	_ = 	snop  }
__scs_overlays_trampoline_lowered:
0x8: {  	[smem:$0x3FA1] =	sst s0  }
0x9: {  	[smem:$0x3FA2] =	sst s1  }
0xa: {  	[smem:$0x3FA3] =	sst s2  }
0xb: {  	[smem:$0x3FA4] =	sst s3  }
0xc: {  	[smem:$0x3FA5] =	sst s4  }
0xd: {  	[smem:$0x3FA6] =	sst s5  }
0xe: {  	[smem:$0x3FA7] =	sst s6  }
0xf: {  	[smem:$0x3FA8] =	sst s7  }
0x10: {  	[smem:$0x3FA9] =	sst s8  }
0x11: {  	[smem:$0x3FAA] =	sst s9;
	s0 =	simm.s32 @!p0 $0x0  }
0x12: {  	s1 =	sld [smem:$0x3F90];
	s0 =	simm.s32 @p0 $0x1  }
0x13: {  	[smem:$0x3FAB] =	sst s0;
	s0 =	simm.s32 @!p1 $0x0  }
0x14: {  	s2 =	sld [smem:$0x3F8F];
	s0 =	simm.s32 @p1 $0x1  }
0x15: {  	[smem:$0x3FAC] =	sst s0;
	s0 =	simm.s32 @!p2 $0x0  }
0x16: {  	s3 =	sld [smem:$0x3FDB];
	s0 =	simm.s32 @p2 $0x1  }
0x17: {  	s4 =	simm.s32 $0x1BF5;
	[smem:$0x3FAE] =	sst s0  }
0x18: {  	s0 =	sld [smem:$0x3F91];
	_ =	swait.ge [sflag:s4], $0x0  }
0x19: {  	s7 =	sld [smem:$0x3F92]  }
0x1a: {  	s8 =	sadd.s32 $0xFFFFE003, lr  }
0x1b: {  	s9 =	sadd.s32 $0xFFFFFEF7, lr;
	s5 =	simm.s32 $0xFFFFFFFF;
	p2 =	slt.u32 s8, $0xFFFFF086  }
0x1c: {  	p1 =	slt.u32 s9, $0xF7A;
	s5 =	simm.s32 @!p2 $0x0  }
0x1d: {  	s5 =	simm.s32 @p1 $0x1;
	p0 =	seq.s32 s7, s2  }
0x1e: {  	s7 =	smul.u32 @!p0 $0xF7A, s2;
	p2 =	seq.s32 @!p0 s5, $0x0  }
0x1f: {  	s9 =	smul.u32 $0xF7A, s1;
	s8 =	simm.s32 @!p0 $0x1BF5;
	p2 =	por !p2, p0  }
0x20: {  	[sflag:s8] =	ssyncset.s32 @!p0 $0xFFFFF086;
	s6 =	sadd.s32 @!p0 s3, s7;
	s7 =	simm.s32 @!p0 $0x108  }
0x21: {  	s3 =	sadd.s32 s3, s9;
	s6 =	sadd.s32 @!p0 $0x88, s6;
	s7 =	simm.s32 @p2 $0x1082  }
0x22: {  	[simem:s7], [sflag:s8] =	dma.local @!p0 [hbm:s6], $0xF7A  }
0x23: {  	s9 =	sor.u32 $0xD0000000, s2;
	s6 =	simm.s32 $0x108;
	_ =	swait.ge @!p0 [sflag:s8], $0x0  }
0x24: {  	s3 =	sadd.s32 $0x88, s3;
	s6 =	simm.s32 @!p1 $0x1082;
	[sflag:s4] =	ssyncset.s32 $0xFFFFF086  }
0x25: {  	[simem:s6], [sflag:s4] =	dma.local [hbm:s3], $0xF7A  }
0x26: {  	[smem:$0x3F92] =	sst s1;
	(tag) =	ssettag s2;
	_ =	strace s9  }
0x27: {  	s1 =	sld [smem:$0x3FA2]  }
0x28: {  	s2 =	sld [smem:$0x3FA3]  }
0x29: {  	s4 =	sld [smem:$0x3FA5]  }
0x2a: {  	p0 =	seq.s32 s5, $0x0;
	s5 =	sld [smem:$0x3FA6]  }
0x2b: {  	s6 =	sld [smem:$0x3FA7]  }
0x2c: {  	s7 =	sld [smem:$0x3FA8]  }
0x2d: {  	s3 =	simm.s32 $0x108;
	s8 =	sld [smem:$0x3FA9]  }
0x2e: {  	s3 =	simm.s32 @!p0 $0x1082;
	s9 =	sld [smem:$0x3FAA]  }
0x2f: {  	lr =	sadd.s32 s0, s3;
	s0 =	sld [smem:$0x3FA1]  }
0x30: {  	s3 =	sld [smem:$0x3FA4]  }
0x31: {  	[smem:$0x3FAD] =	sst s10  }
0x32: {  	s10 =	sld [smem:$0x3FAB];
	_ =	sdelay $0x3  }
0x33: {  	p0 =	seq.s32 s10, $0x1;
	s10 =	sld [smem:$0x3FAD];
	_ =	sdelay $0x3  }
0x34: {  	[smem:$0x3FAD] =	sst s10  }
0x35: {  	s10 =	sld [smem:$0x3FAC];
	_ =	sdelay $0x3  }
0x36: {  	p1 =	seq.s32 s10, $0x1;
	s10 =	sld [smem:$0x3FAD];
	_ =	sdelay $0x3  }
0x37: {  	[smem:$0x3FAD] =	sst s10  }
0x38: {  	s10 =	sld [smem:$0x3FAE]  }
0x39: {  	_ = 	snop;
	(pc) =	sbr.ind lr, $3  }
0x3a: {  	_ = 	snop  }
0x3b: {  	_ = 	snop  }
0x3c: {  	p2 =	seq.s32 s10, $0x1;
	s10 =	sld [smem:$0x3FAD]  }
0x3d: {  	_ =	shalt  }
0x3e: {  	_ =	shalt  }
0x3f: {  	_ =	shalt  }
0x40: {  	_ =	shalt  }
0x41: {  	_ =	shalt  }
0x42: {  	_ =	shalt  }
0x43: {  	_ =	shalt  }
0x44: {  	_ =	shalt  }
0x45: {  	_ =	shalt  }
0x46: {  	_ =	shalt  }
0x47: {  	_ =	shalt  }
0x48: {  	_ =	shalt  }
0x49: {  	_ =	shalt  }
0x4a: {  	_ =	shalt  }
0x4b: {  	_ =	shalt  }
0x4c: {  	_ =	shalt  }
0x4d: {  	_ =	shalt  }
0x4e: {  	_ =	shalt  }
0x4f: {  	_ =	shalt  }
0x50: {  	_ =	shalt  }
0x51: {  	_ =	shalt  }
0x52: {  	_ =	shalt  }
0x53: {  	_ =	shalt  }
0x54: {  	_ =	shalt  }
0x55: {  	_ =	shalt  }
0x56: {  	_ =	shalt  }
0x57: {  	_ =	shalt  }
0x58: {  	_ =	shalt  }
0x59: {  	_ =	shalt  }
0x5a: {  	_ =	shalt  }
0x5b: {  	_ =	shalt  }
0x5c: {  	_ =	shalt  }
0x5d: {  	_ =	shalt  }
0x5e: {  	_ =	shalt  }
0x5f: {  	_ =	shalt  }
0x60: {  	_ =	shalt  }
0x61: {  	_ =	shalt  }
0x62: {  	_ =	shalt  }
0x63: {  	_ =	shalt  }
0x64: {  	_ =	shalt  }
0x65: {  	_ =	shalt  }
0x66: {  	_ =	shalt  }
0x67: {  	_ =	shalt  }
0x68: {  	_ =	shalt  }
0x69: {  	_ =	shalt  }
0x6a: {  	_ =	shalt  }
0x6b: {  	_ =	shalt  }
0x6c: {  	_ =	shalt  }
0x6d: {  	_ =	shalt  }
0x6e: {  	_ =	shalt  }
0x6f: {  	_ =	shalt  }
0x70: {  	_ =	shalt  }
0x71: {  	_ =	shalt  }
0x72: {  	_ =	shalt  }
0x73: {  	_ =	shalt  }
0x74: {  	_ =	shalt  }
0x75: {  	_ =	shalt  }
0x76: {  	_ =	shalt  }
0x77: {  	_ =	shalt  }
0x78: {  	_ =	shalt  }
0x79: {  	_ =	shalt  }
0x7a: {  	_ =	shalt  }
0x7b: {  	_ =	shalt  }
0x7c: {  	_ =	shalt  }
0x7d: {  	_ =	shalt  }
0x7e: {  	_ =	shalt  }
0x7f: {  	_ =	shalt  }
0x80: {  	_ =	shalt  }
0x81: {  	_ =	shalt  }
0x82: {  	_ =	shalt  }
0x83: {  	_ =	shalt  }
0x84: {  	_ =	shalt  }
0x85: {  	_ =	shalt  }
0x86: {  	_ =	shalt  }
0x87: {  	_ =	shalt  }
.Lfunc_end0:
.L_simem_size_0:
called_computation_lowered:
.L_overlay_start_0:
0x88: {  	s2 =	sld [smem:$0x3FD9]  }
0x89: {  	s3 =	sld [smem:$0x3FFE];
	_ =	sdelay $0x1  }
0x8a: {  	s1 =	srdreg.scid  }
0x8b: {  	s0 =	sand.u32 $0x1, s1  }
0x8c: {  	s16 =	sshll.u32 s0, $0xA;
	s2 =	sadd.s32 s3, s2  }
0x8d: {  	s2 =	sadd.s32 s2, s16  }
0x8e: {  	[smem:$0x3FB9] =	sst s2  }
0x8f: {  	_ = 	snop  }
0x90: {  	(tm) =	ssettm $0x1  }
0x91: {  	s17 =	sld [smem:$0x3FFB];
	_ =	sdelay $0x3  }
0x92: {  	_ =	strace s17  }
0x93: {  	s2 =	sld [smem:$0x3FFC];
	_ =	sdelay $0x3  }
0x94: {  	_ =	strace s2  }
0x95: {  	s2 =	sld [smem:$0x3FFD];
	_ =	sdelay $0x3  }
0x96: {  	_ =	strace s2  }
0x97: {  	_ =	strace $0x8FFFFFFF  }
0x98: {  	s18 =	sld [smem:$0x3FDB];
	_ =	sdelay $0x1  }
0x99: {  	s19 =	simm.s32 $_scs_section_size  }
0x9a: {  	s4 =	simm.s32 $_size__tile_overlayer_lowered;
	s5 =	simm.s32 $_tile_overlayer_lowered  }
0x9b: {  	s22 =	simm.s32 $0x1BFF;
	s21 =	sshll.u32 s5, $0x1;
	s2 =	sadd.s32 s19, s18  }
0x9c: {  	s6 =	simm.s32 $0x0;
	s20 =	sshll.u32 s4, $0x1;
	s4 =	sadd.s32 s21, s2  }
0x9d: {  	[timem:s6], [sflag:s22] =	dma.local [hbm:s4], s20  }
0x9e: {  	_ =	swait.ge [sflag:s22], s20  }
0x9f: {  	s3 =	ssub.s32 $0x0, s20;
	[sflag:s22] =	ssyncset.done $0x0  }
0xa0: {  	[sflag:s22] =	ssyncadd.s32 s3;
	_ =	sdelay $0x1  }
0xa1: {  	s23 =	simm.s32 $0x1B8B  }
0xa2: {  	_ =	swait.ge [sflag:s23], $0x1  }
0xa3: {  	[sflag:s23] =	ssyncset.done $0x0  }
0xa4: {  	s25 =	simm.s32 $0x1B8E;
	s24 =	sld [smem:$0x3FFE];
	[sflag:s23] =	ssyncadd.s32 $0xFFFFFFFF  }
0xa5: {  	s26 =	simm.s32 $execute0_lowered;
	[smem:$0x3FD2] =	sst s25  }
0xa6: {  	s4 =	sshll.u32 s26, $0x1;
	_ =	strace $0x80000046;
	[dreg:$0x1] =	wrdreg $0xFFFFFFFF  }
0xa7: {  	s28 =	simm.s32 $_size_execute0_lowered;
	s2 =	sadd.s32 s2, s4;
	[dreg:$0x0] =	wrdreg $0x0  }
0xa8: {  	s4 =	sshll.u32 s28, $0x1;
	[dreg:$0x2] =	wrdreg s2  }
0xa9: {  	[dreg:$0x3] =	wrdreg s4  }
0xaa: {  	[dreg:$0x4] =	wrdreg $0xC0  }
0xab: {  	_ =	task [dreg:s6], $0x5FFFF  }
0xac: {  	[dreg:$0x1] =	wrdreg $0xFFFFFFFF  }
0xad: {  	[dreg:$0x0] =	wrdreg $0x60  }
0xae: {  	[dreg:$0x2] =	wrdreg s24  }
0xaf: {  	[dreg:$0x3] =	wrdreg $0x9  }
0xb0: {  	_ =	task.clear_ibuf [dreg:s6], $0x4FFFF;
	_ =	strace $0x90000046  }
0xb1: {  	s29 =	simm.s32 $0x9;
	_ =	strace $0x80000048  }
0xb2: {  	_ =	swait.ge [sflag:s29], $0x1  }
0xb3: {  	[sflag:s29] =	ssyncadd.s32 $0xFFFFFFFF  }
0xb4: {  	_ =	strace $0x90000048  }
0xb5: {  	_ =	sfence  }
0xb6: {  	s30 =	sld [smem:$0x0];
	_ =	sdelay $0x2  }
0xb7: {  	s31 =	sshll.u32 s1, $0xD;
	s1 =	sshrl.u32 s1, $0x2  }
0xb8: {  	s3 =	sand.u32 $0x4000, s31;
	s1 =	sadd.s32 s1, s30  }
0xb9: {  	s0 =	sor.u32 s3, s0;
	s1 =	sshll.u32 s1, $0x11  }
0xba: {  	s0 =	sor.u32 s1, s0  }
0xbb: {  	s0 =	sadd.s32 $0x8F2B, s0  }
0xbc: {  	[sflag:s0] =	ssyncadd.remote.s32 $0x1  }
0xbd: {  	_ =	sfence.sel $0xFFFF  }
0xbe: {  	[dreg:$0x0] =	wrdreg $0xFFFFFFFF;
	(pc) =	sbr.abs _section_cstart, $3  }
0xbf: {  	[dreg:$0x1] =	wrdreg $0xFFFFFFFF  }
0xc0: {  	_ =	task.clear_ibuf [dreg:s6], $0x2FFFF;
	_ =	strace $0x9FFFFFFF  }
0xc1: {  	(tm) =	ssettm $0x7FFFFFFF  }
tec
execute0_lowered:
.L_overlay_start_1:
0x0: {  	(tag) =	ssettag $0x1  }
0x1: {  	s4 =	rddreg [dreg:$0x0];
	s2 =	srdreg.scid  }
0x2: {  	s1 =	stileid.u32;
	s0 =	rddreg [dreg:$0x1];
	s10 =	simm.s32 $0x1ADB0  }
0x3: {  	s11 =	simm.s32 $0x1;
	s12 =	simm.s32 $0x2;
	s13 =	simm.s32 $0x3  }
0x4: {  	s14 =	simm.s32 $0x0;
	s5 =	sand.u32 $0x1, s2;
	s3 =	smul.u32 $0xFA0, s1  }
0x5: {  	s2 =	simm.s32 $0x0;
	s7 =	sshll.u32 s1, $0x1;
	s6 =	smul.u32 $0x7D0, s5  }
0x6: {  	[smem:$0x7FF] =	sst s2;
	s7 =	sor.u32 s5, s7;
	s5 =	ssub.s32 $0x2, s5  }
0x7: {  	_ =	strace $0x80000047;
	s7 =	smul.u32 $0x186A0, s7;
	s30 =	sshrl.u32 s5, $0x1  }
0x8: {  	s6 =	sadd.s32 s6, s3;
	s3 =	sadd.s32 $0x4000, s4;
	s9 =	ssub.s32 s5, s30  }
0x9: {  	s6 =	sshrl.u32 s6, $0x3;
	s31 =	sshrl.u32 s7, $0x3;
	s5 =	sadd.s32 $0x2710, s7  }
0xa: {  	s8 =	sadd.s32 s6, s4;
	s4 =	sadd.s32 s3, s31;
	s6 =	sadd.s32 $0x4E20, s7  }
0xb: {  	v0 =	vimm.f32 $0.0e+00;
	v1 =	vimm.f32 $1.000000000e+00;
	s7 =	smax.u32 s9, $0x1;
	s9 =	simm.s32 $0x186A0;
	s8 =	sadd.s32 $0x65C00, s8  }
.LBB2_1:
0xc: {  	s15 =	simm.s32 $0x40;
	s16 =	simm.s32 $0x0  }
.LBB2_2:
0xd: {  	p0 =	sne.s32 s15, $0x61A40;
	[tilespmem:s16+$0x0] =	vst v0;
	s16 =	smov.u32 s15;
	s15 =	sadd.s32 $0x40, s15  }
.Ltmp0:
0xe: {  	(pc) =	sbr.rel @p0 .LBB2_2-.Ltmp0, $2  }
0xf: {  	_ =	sdelay $0x2  }
0x10: {  	s16 =	sshra.s32 s16, $0x2  }
0x11: {  	[tilespmem:s16+$0x0] =	vst v0;
	s15 =	simm.s32 $0x0;
	s16 =	simm.s32 $0x0  }
0x12: {  	[tilespmem:s9], [sflag:$0x1] =	stream.linear.gather [hbm4b:s4+s15], $0x2710, $0x38;
	[tilespmem:$0x1D4C0] =	vst v63  }
.LBB2_4:
0x13: {  	s17 =	smul.u32 $0x4E20, s16;
	_ =	sdelay $0x1  }
0x14: {  	s18 =	sadd.s32 s17, s5  }
0x15: {  	s18 =	sshrl.u32 s18, $0x3  }
0x16: {  	s18 =	sadd.s32 s3, s18  }
0x17: {  	[tilespmem:s10], [sflag:$0x2] =	stream.linear.gather [hbm4b:s18+s15], $0x2710, $0x38;
	[tilespmem:$0x1D4C0] =	vst v63  }
0x18: {  	_ =	swait.ge [sflag:s11], $0x2710  }
0x19: {  	[sflag:s11] =	ssyncset.done $0x0  }
0x1a: {  	s19 =	simm.s32 $0x0;
	s18 =	simm.s32 $0x40;
	[sflag:s11] =	ssyncadd.s32 $0xFFFFD8F0  }
.LBB2_5:
0x1b: {  	p0 =	sne.s32 s18, $0x9C00;
	v2 =	vld [tilespmem:s19+$0x186A0];
	_ =	sdelay $0x3  }
.Ltmp1:
0x1c: {  	(pc) =	sbr.rel @p0 .LBB2_5-.Ltmp1, $2  }
0x1d: {  	_ =	sdelay $0x2  }
0x1e: {  	s19 =	sshra.s32 s18, $0x2;
	s18 =	sadd.s32 $0x40, s18;
	[tilespmem:v2+s2+$0x0] =	vst.idx.add.f32.msk $0xffff, v1  }
0x1f: {  	v2 =	vld [tilespmem:s19+$0x186A0];
	_ =	sdelay $0x4  }
0x20: {  	p0 =	seq.s32 s16, $0x4  }
0x21: {  	s17 =	sadd.s32 @!p0 s17, s6  }
0x22: {  	s17 =	sshrl.u32 @!p0 s17, $0x3  }
0x23: {  	s18 =	simm.s32 @!p0 $0x0;
	s19 =	simm.s32 @!p0 $0x186A0;
	s17 =	sadd.s32 @!p0 s3, s17;
	[tilespmem:v2+s2+$0x0] =	vst.idx.add.f32.msk $0xffff, v1  }
0x24: {  	[tilespmem:s19], [sflag:$0x1] =	stream.linear.gather @!p0 [hbm4b:s17+s18], $0x2710, $0x38;
	[tilespmem:$0x1D4C0] =	vst v63  }
0x25: {  	_ =	swait.ge [sflag:s12], $0x2710  }
0x26: {  	[sflag:s12] =	ssyncset.done $0x0  }
0x27: {  	s18 =	simm.s32 $0x0;
	s17 =	simm.s32 $0x40;
	[sflag:s12] =	ssyncadd.s32 $0xFFFFD8F0  }
.LBB2_7:
0x28: {  	p0 =	sne.s32 s17, $0x9C00;
	v2 =	vld [tilespmem:s18+$0x1ADB0];
	_ =	sdelay $0x3  }
.Ltmp2:
0x29: {  	(pc) =	sbr.rel @p0 .LBB2_7-.Ltmp2, $2  }
0x2a: {  	_ =	sdelay $0x2  }
0x2b: {  	s18 =	sshra.s32 s17, $0x2;
	s17 =	sadd.s32 $0x40, s17;
	[tilespmem:v2+s2+$0x0] =	vst.idx.add.f32.msk $0xffff, v1  }
0x2c: {  	v2 =	vld [tilespmem:s18+$0x1ADB0];
	_ =	sdelay $0x1  }
0x2d: {  	s16 =	sadd.s32 $0x1, s16  }
0x2e: {  	p0 =	seq.s32 s16, $0x5  }
.Ltmp3:
0x2f: {  	_ = 	snop;
	(pc) =	sbr.rel @!p0 .LBB2_4-.Ltmp3, $2  }
0x30: {  	_ =	sdelay $0x2  }
0x31: {  	[tilespmem:v2+s2+$0x0] =	vst.idx.add.f32.msk $0xffff, v1  }
0x32: {  	s15 =	sadd.s32 $0x0, s8;
	s16 =	simm.s32 $0x0  }
0x33: {  	[hbm4b:s15+s2] =	stream.linear.scatter [tilespmem:s16], [sflag:$0x3], $0x7D0, $0x38;
	[tilespmem:$0x1D4C0] =	vst v63  }
0x34: {  	_ =	swait.ge [sflag:s13], $0x7D0  }
0x35: {  	s15 =	simm.s32 $0x1F40;
	[sflag:s13] =	ssyncset.done $0x0  }
.LBB2_10:
0x36: {  	s16 =	sadd.s32 s15, s8  }
0x37: {  	s17 =	sshra.s32 s15, $0x2;
	[sflag:s13] =	ssyncadd.s32 $0xFFFFF830;
	p0 =	sne.s32 s15, $0x5FB40  }
0x38: {  	[hbm4b:s16+s2] =	stream.linear.scatter [tilespmem:s17], [sflag:$0x3], $0x7D0, $0x38;
	[tilespmem:$0x1D4C0] =	vst v63  }
.Ltmp4:
0x39: {  	_ = 	snop;
	(pc) =	sbr.rel @p0 .LBB2_10-.Ltmp4, $4  }
0x3a: {  	_ = 	snop  }
0x3b: {  	s15 =	sadd.s32 $0x1F40, s15  }
0x3c: {  	_ =	swait.ge [sflag:s13], $0x7D0  }
0x3d: {  	[sflag:s13] =	ssyncset.done $0x0  }
0x3e: {  	s14 =	sadd.s32 $0x1, s14  }
0x3f: {  	p0 =	sne.s32 s14, s7  }
.Ltmp5:
0x40: {  	_ = 	snop;
	(pc) =	sbr.rel @p0 .LBB2_1-.Ltmp5, $2  }
0x41: {  	_ =	sdelay $0x2  }
0x42: {  	[sflag:s13] =	ssyncadd.s32 $0xFFFFF830  }
0x43: {  	_ =	sfence.sel $0x180000  }
0x44: {  	[bflag:$0x0] =	sbarrier.arrive $0xFFFF  }
0x45: {  	p0 =	sne.s32 s1, $0x0;
	_ =	strace $0x90000047  }
0x46: {  	s0 =	sadd.s32 @!p0 $0x100000, s0;
	[bflag:$0x2] =	sbarrier.arrive $0xFFFF  }
0x47: {  	[sflag:s0] =	ssyncadd.tile.s32 @!p0 $0x1;
	_ =	shalt  }
.Lfunc_end2:
_tile_overlayer_lowered:
.L_overlay_start_2:
0x48: {  	(tag) =	ssettag $0x2  }
0x49: {  	s0 =	rddreg [dreg:$0x0];
	s2 =	stileid.u32  }
0x4a: {  	s1 =	rddreg [dreg:$0x1];
	p0 =	sne.s32 s2, $0x0  }
0x4b: {  	s3 =	rddreg [dreg:$0x2];
	[bflag:$0x3] =	sbarrier.arrive $0xFFFF;
	s2 =	simm.s32 @!p0 $0x1C03  }
0x4c: {  	[timem:s3], [sflag:s2] =	dma.local @!p0 [hbm:s0], s1  }
0x4d: {  	s0 =	simm.s32 @!p0 $0x3  }
0x4e: {  	_ =	swait.ge @!p0 [sflag:s0], s1  }
0x4f: {  	s1 =	ssub.s32 @!p0 $0x0, s1;
	[sflag:s0] =	ssyncset.done @!p0 $0x0  }
0x50: {  	[sflag:s0] =	ssyncadd.s32 @!p0 s1  }
0x51: {  	[bflag:$0x3] =	sbarrier.arrive $0xFFFF  }
0x52: {  	_ =	shalt  }

// kernel: kernel.14.cloned.1.call-start
scs
__scs_entry_jumppad:
0x0: {  	(pc) =	sbr.rel $0x88, $3  }
0x1: {  	(tag) =	ssettag $0x0;
	lr =	simm.s32 $0x1  }
0x2: {  	[smem:$0x3F92] =	sst lr;
	_ =	strace $0xD0000000  }
0x3: {  	_ = 	snop  }
0x4: {  	_ = 	snop  }
0x5: {  	_ = 	snop  }
0x6: {  	_ = 	snop  }
0x7: {  	_ = 	snop  }
__scs_overlays_trampoline_lowered:
0x8: {  	[smem:$0x3FA1] =	sst s0  }
0x9: {  	[smem:$0x3FA2] =	sst s1  }
0xa: {  	[smem:$0x3FA3] =	sst s2  }
0xb: {  	[smem:$0x3FA4] =	sst s3  }
0xc: {  	[smem:$0x3FA5] =	sst s4  }
0xd: {  	[smem:$0x3FA6] =	sst s5  }
0xe: {  	[smem:$0x3FA7] =	sst s6  }
0xf: {  	[smem:$0x3FA8] =	sst s7  }
0x10: {  	[smem:$0x3FA9] =	sst s8  }
0x11: {  	[smem:$0x3FAA] =	sst s9;
	s0 =	simm.s32 @!p0 $0x0  }
0x12: {  	s1 =	sld [smem:$0x3F90];
	s0 =	simm.s32 @p0 $0x1  }
0x13: {  	[smem:$0x3FAB] =	sst s0;
	s0 =	simm.s32 @!p1 $0x0  }
0x14: {  	s2 =	sld [smem:$0x3F8F];
	s0 =	simm.s32 @p1 $0x1  }
0x15: {  	[smem:$0x3FAC] =	sst s0;
	s0 =	simm.s32 @!p2 $0x0  }
0x16: {  	s3 =	sld [smem:$0x3FDB];
	s0 =	simm.s32 @p2 $0x1  }
0x17: {  	s4 =	simm.s32 $0x1BF5;
	[smem:$0x3FAE] =	sst s0  }
0x18: {  	s0 =	sld [smem:$0x3F91];
	_ =	swait.ge [sflag:s4], $0x0  }
0x19: {  	s7 =	sld [smem:$0x3F92]  }
0x1a: {  	s8 =	sadd.s32 $0xFFFFE003, lr  }
0x1b: {  	s9 =	sadd.s32 $0xFFFFFEF7, lr;
	s5 =	simm.s32 $0xFFFFFFFF;
	p2 =	slt.u32 s8, $0xFFFFF086  }
0x1c: {  	p1 =	slt.u32 s9, $0xF7A;
	s5 =	simm.s32 @!p2 $0x0  }
0x1d: {  	s5 =	simm.s32 @p1 $0x1;
	p0 =	seq.s32 s7, s2  }
0x1e: {  	s7 =	smul.u32 @!p0 $0xF7A, s2;
	p2 =	seq.s32 @!p0 s5, $0x0  }
0x1f: {  	s9 =	smul.u32 $0xF7A, s1;
	s8 =	simm.s32 @!p0 $0x1BF5;
	p2 =	por !p2, p0  }
0x20: {  	[sflag:s8] =	ssyncset.s32 @!p0 $0xFFFFF086;
	s6 =	sadd.s32 @!p0 s3, s7;
	s7 =	simm.s32 @!p0 $0x108  }
0x21: {  	s3 =	sadd.s32 s3, s9;
	s6 =	sadd.s32 @!p0 $0x88, s6;
	s7 =	simm.s32 @p2 $0x1082  }
0x22: {  	[simem:s7], [sflag:s8] =	dma.local @!p0 [hbm:s6], $0xF7A  }
0x23: {  	s9 =	sor.u32 $0xD0000000, s2;
	s6 =	simm.s32 $0x108;
	_ =	swait.ge @!p0 [sflag:s8], $0x0  }
0x24: {  	s3 =	sadd.s32 $0x88, s3;
	s6 =	simm.s32 @!p1 $0x1082;
	[sflag:s4] =	ssyncset.s32 $0xFFFFF086  }
0x25: {  	[simem:s6], [sflag:s4] =	dma.local [hbm:s3], $0xF7A  }
0x26: {  	[smem:$0x3F92] =	sst s1;
	(tag) =	ssettag s2;
	_ =	strace s9  }
0x27: {  	s1 =	sld [smem:$0x3FA2]  }
0x28: {  	s2 =	sld [smem:$0x3FA3]  }
0x29: {  	s4 =	sld [smem:$0x3FA5]  }
0x2a: {  	p0 =	seq.s32 s5, $0x0;
	s5 =	sld [smem:$0x3FA6]  }
0x2b: {  	s6 =	sld [smem:$0x3FA7]  }
0x2c: {  	s7 =	sld [smem:$0x3FA8]  }
0x2d: {  	s3 =	simm.s32 $0x108;
	s8 =	sld [smem:$0x3FA9]  }
0x2e: {  	s3 =	simm.s32 @!p0 $0x1082;
	s9 =	sld [smem:$0x3FAA]  }
0x2f: {  	lr =	sadd.s32 s0, s3;
	s0 =	sld [smem:$0x3FA1]  }
0x30: {  	s3 =	sld [smem:$0x3FA4]  }
0x31: {  	[smem:$0x3FAD] =	sst s10  }
0x32: {  	s10 =	sld [smem:$0x3FAB];
	_ =	sdelay $0x3  }
0x33: {  	p0 =	seq.s32 s10, $0x1;
	s10 =	sld [smem:$0x3FAD];
	_ =	sdelay $0x3  }
0x34: {  	[smem:$0x3FAD] =	sst s10  }
0x35: {  	s10 =	sld [smem:$0x3FAC];
	_ =	sdelay $0x3  }
0x36: {  	p1 =	seq.s32 s10, $0x1;
	s10 =	sld [smem:$0x3FAD];
	_ =	sdelay $0x3  }
0x37: {  	[smem:$0x3FAD] =	sst s10  }
0x38: {  	s10 =	sld [smem:$0x3FAE]  }
0x39: {  	_ = 	snop;
	(pc) =	sbr.ind lr, $3  }
0x3a: {  	_ = 	snop  }
0x3b: {  	_ = 	snop  }
0x3c: {  	p2 =	seq.s32 s10, $0x1;
	s10 =	sld [smem:$0x3FAD]  }
0x3d: {  	_ =	shalt  }
0x3e: {  	_ =	shalt  }
0x3f: {  	_ =	shalt  }
0x40: {  	_ =	shalt  }
0x41: {  	_ =	shalt  }
0x42: {  	_ =	shalt  }
0x43: {  	_ =	shalt  }
0x44: {  	_ =	shalt  }
0x45: {  	_ =	shalt  }
0x46: {  	_ =	shalt  }
0x47: {  	_ =	shalt  }
0x48: {  	_ =	shalt  }
0x49: {  	_ =	shalt  }
0x4a: {  	_ =	shalt  }
0x4b: {  	_ =	shalt  }
0x4c: {  	_ =	shalt  }
0x4d: {  	_ =	shalt  }
0x4e: {  	_ =	shalt  }
0x4f: {  	_ =	shalt  }
0x50: {  	_ =	shalt  }
0x51: {  	_ =	shalt  }
0x52: {  	_ =	shalt  }
0x53: {  	_ =	shalt  }
0x54: {  	_ =	shalt  }
0x55: {  	_ =	shalt  }
0x56: {  	_ =	shalt  }
0x57: {  	_ =	shalt  }
0x58: {  	_ =	shalt  }
0x59: {  	_ =	shalt  }
0x5a: {  	_ =	shalt  }
0x5b: {  	_ =	shalt  }
0x5c: {  	_ =	shalt  }
0x5d: {  	_ =	shalt  }
0x5e: {  	_ =	shalt  }
0x5f: {  	_ =	shalt  }
0x60: {  	_ =	shalt  }
0x61: {  	_ =	shalt  }
0x62: {  	_ =	shalt  }
0x63: {  	_ =	shalt  }
0x64: {  	_ =	shalt  }
0x65: {  	_ =	shalt  }
0x66: {  	_ =	shalt  }
0x67: {  	_ =	shalt  }
0x68: {  	_ =	shalt  }
0x69: {  	_ =	shalt  }
0x6a: {  	_ =	shalt  }
0x6b: {  	_ =	shalt  }
0x6c: {  	_ =	shalt  }
0x6d: {  	_ =	shalt  }
0x6e: {  	_ =	shalt  }
0x6f: {  	_ =	shalt  }
0x70: {  	_ =	shalt  }
0x71: {  	_ =	shalt  }
0x72: {  	_ =	shalt  }
0x73: {  	_ =	shalt  }
0x74: {  	_ =	shalt  }
0x75: {  	_ =	shalt  }
0x76: {  	_ =	shalt  }
0x77: {  	_ =	shalt  }
0x78: {  	_ =	shalt  }
0x79: {  	_ =	shalt  }
0x7a: {  	_ =	shalt  }
0x7b: {  	_ =	shalt  }
0x7c: {  	_ =	shalt  }
0x7d: {  	_ =	shalt  }
0x7e: {  	_ =	shalt  }
0x7f: {  	_ =	shalt  }
0x80: {  	_ =	shalt  }
0x81: {  	_ =	shalt  }
0x82: {  	_ =	shalt  }
0x83: {  	_ =	shalt  }
0x84: {  	_ =	shalt  }
0x85: {  	_ =	shalt  }
0x86: {  	_ =	shalt  }
0x87: {  	_ =	shalt  }
.Lfunc_end0:
.L_simem_size_0:
called_computation.1_lowered:
.L_overlay_start_0:
0x88: {  	s2 =	sld [smem:$0x3FD9]  }
0x89: {  	s3 =	sld [smem:$0x3FFE];
	_ =	sdelay $0x1  }
0x8a: {  	s1 =	srdreg.scid  }
0x8b: {  	s0 =	sand.u32 $0x1, s1  }
0x8c: {  	s17 =	sshll.u32 s0, $0xA;
	s2 =	sadd.s32 s3, s2  }
0x8d: {  	s2 =	sadd.s32 s2, s17  }
0x8e: {  	[smem:$0x3FB9] =	sst s2  }
0x8f: {  	_ = 	snop  }
0x90: {  	s2 =	sld [smem:$0x3FD0];
	(tm) =	ssettm $0x1  }
0x91: {  	s18 =	sld [smem:$0x3FFB];
	_ =	sdelay $0x3  }
0x92: {  	_ =	strace s18  }
0x93: {  	s3 =	sld [smem:$0x3FFC];
	_ =	sdelay $0x3  }
0x94: {  	_ =	strace s3  }
0x95: {  	s3 =	sld [smem:$0x3FFD];
	_ =	sdelay $0x3  }
0x96: {  	_ =	strace s3  }
0x97: {  	_ =	strace $0x8FFFFFFF  }
0x98: {  	s19 =	sld [smem:$0x3FDB];
	_ =	sdelay $0x1  }
0x99: {  	s4 =	simm.s32 $_scs_section_size  }
0x9a: {  	s5 =	simm.s32 $_size__tile_overlayer_lowered;
	s6 =	simm.s32 $_tile_overlayer_lowered  }
0x9b: {  	s22 =	simm.s32 $0x1BFF;
	s21 =	sshll.u32 s6, $0x1;
	s3 =	sadd.s32 s4, s19  }
0x9c: {  	s7 =	simm.s32 $0x0;
	s20 =	sshll.u32 s5, $0x1;
	s5 =	sadd.s32 s21, s3  }
0x9d: {  	[timem:s7], [sflag:s22] =	dma.local [hbm:s5], s20  }
0x9e: {  	_ =	swait.ge [sflag:s22], s20  }
0x9f: {  	s4 =	ssub.s32 $0x0, s20;
	[sflag:s22] =	ssyncset.done $0x0  }
0xa0: {  	[sflag:s22] =	ssyncadd.s32 s4;
	_ =	sdelay $0x1  }
0xa1: {  	s23 =	simm.s32 $0x1B8B  }
0xa2: {  	_ =	swait.ge [sflag:s23], $0x1  }
0xa3: {  	[sflag:s23] =	ssyncset.done $0x0  }
0xa4: {  	s25 =	simm.s32 $0x1B8E;
	s24 =	sld [smem:$0x3FFE];
	[sflag:s23] =	ssyncadd.s32 $0xFFFFFFFF  }
0xa5: {  	s26 =	simm.s32 $execute0_lowered;
	[smem:$0x3FD2] =	sst s25  }
0xa6: {  	s5 =	sshll.u32 s26, $0x1;
	_ =	strace $0x80000049;
	[dreg:$0x1] =	wrdreg $0xFFFFFFFF  }
0xa7: {  	s28 =	simm.s32 $_size_execute0_lowered;
	s3 =	sadd.s32 s3, s5;
	[dreg:$0x0] =	wrdreg $0x0  }
0xa8: {  	s5 =	sshll.u32 s28, $0x1;
	[dreg:$0x2] =	wrdreg s3  }
0xa9: {  	[dreg:$0x3] =	wrdreg s5  }
0xaa: {  	[dreg:$0x4] =	wrdreg $0xC0  }
0xab: {  	_ =	task [dreg:s7], $0x5FFFF  }
0xac: {  	[dreg:$0x1] =	wrdreg $0xFFFFFFFF  }
0xad: {  	[dreg:$0x0] =	wrdreg $0x60  }
0xae: {  	[dreg:$0x2] =	wrdreg s2  }
0xaf: {  	[dreg:$0x3] =	wrdreg s24  }
0xb0: {  	[dreg:$0x4] =	wrdreg $0x6CD00  }
0xb1: {  	[dreg:$0x5] =	wrdreg $0x9  }
0xb2: {  	_ =	task.clear_ibuf [dreg:s7], $0x6FFFF;
	_ =	strace $0x90000049  }
0xb3: {  	s29 =	simm.s32 $0x9;
	_ =	strace $0x8000004B  }
0xb4: {  	_ =	swait.ge [sflag:s29], $0x1  }
0xb5: {  	[sflag:s29] =	ssyncadd.s32 $0xFFFFFFFF  }
0xb6: {  	_ =	strace $0x9000004B  }
0xb7: {  	_ =	sfence  }
0xb8: {  	s30 =	sld [smem:$0x0];
	_ =	sdelay $0x2  }
0xb9: {  	s31 =	sshll.u32 s1, $0xD;
	s1 =	sshrl.u32 s1, $0x2  }
0xba: {  	s3 =	sand.u32 $0x4000, s31;
	s1 =	sadd.s32 s1, s30  }
0xbb: {  	s0 =	sor.u32 s3, s0;
	s1 =	sshll.u32 s1, $0x11  }
0xbc: {  	s0 =	sor.u32 s1, s0  }
0xbd: {  	s0 =	sadd.s32 $0x8F2B, s0  }
0xbe: {  	[sflag:s0] =	ssyncadd.remote.s32 $0x1  }
0xbf: {  	_ =	sfence.sel $0xFFFF  }
0xc0: {  	[dreg:$0x0] =	wrdreg $0xFFFFFFFF;
	(pc) =	sbr.abs _section_cstart, $3  }
0xc1: {  	[dreg:$0x1] =	wrdreg $0xFFFFFFFF  }
0xc2: {  	_ =	task.clear_ibuf [dreg:s7], $0x2FFFF;
	_ =	strace $0x9FFFFFFF  }
0xc3: {  	(tm) =	ssettm $0x7FFFFFFF  }
tec
execute0_lowered:
.L_overlay_start_1:
0x0: {  	(tag) =	ssettag $0x1  }
0x1: {  	s1 =	rddreg [dreg:$0x0]  }
0x2: {  	s2 =	rddreg [dreg:$0x1]  }
0x3: {  	s0 =	srdreg.scid;
	s3 =	rddreg [dreg:$0x2];
	s4 =	simm.s32 $0x0  }
0x4: {  	s12 =	stileid.u32;
	s19 =	simm.s32 $0x100;
	[smem:$0x7FF] =	sst s4  }
0x5: {  	s20 =	simm.s32 $0x180;
	_ =	strace $0x8000004A;
	[dreg:$0x8] =	wrdreg s19  }
0x6: {  	s21 =	simm.s32 $0x200;
	s23 =	simm.s32 $0xB00;
	[dreg:$0x9] =	wrdreg s20  }
0x7: {  	s25 =	simm.s32 $0xB80;
	s26 =	simm.s32 $0xC00;
	[dreg:$0xa] =	wrdreg s21  }
0x8: {  	s13 =	simm.s32 $0x280;
	s14 =	simm.s32 $0x300;
	[dreg:$0xb] =	wrdreg s23  }
0x9: {  	s15 =	simm.s32 $0x380;
	s28 =	simm.s32 $0x3400;
	[dreg:$0xc] =	wrdreg s25  }
0xa: {  	s29 =	simm.s32 $0x1;
	s30 =	simm.s32 $0xA80;
	[dreg:$0xd] =	wrdreg s26  }
0xb: {  	s31 =	simm.s32 $0x4;
	s0 =	sand.u32 $0x1, s0;
	[dreg:$0xe] =	wrdreg s13  }
0xc: {  	s5 =	smul.u32 $0x61C, s12;
	s8 =	sadd.s32 $0x2B0000, s2;
	[dreg:$0xf] =	wrdreg s14  }
0xd: {  	s11 =	sshll.u32 s12, $0x1;
	[dreg:$0x10] =	wrdreg s15;
	s20 =	simm.s32 $0xC80  }
0xe: {  	s6 =	smul.u32 $0x30E, s0;
	s21 =	simm.s32 $0xD00;
	[dreg:$0x13] =	wrdreg s20  }
0xf: {  	s9 =	smul.u32 $0x186A00, s0;
	s23 =	simm.s32 $0xE00;
	[dreg:$0x14] =	wrdreg s21  }
0x10: {  	s22 =	ssub.s32 $0x2, s0;
	s25 =	simm.s32 $0x580;
	[dreg:$0x16] =	wrdreg s23  }
0x11: {  	s0 =	sor.u32 s0, s11;
	s13 =	simm.s32 $0x1000;
	[dreg:$0x18] =	wrdreg s25  }
0x12: {  	s14 =	simm.s32 $0x1080;
	s15 =	simm.s32 $0x1100;
	[dreg:$0x1d] =	wrdreg s13  }
0x13: {  	s24 =	sshrl.u32 s22, $0x1;
	s11 =	smul.u32 $0x30E0, s0;
	[dreg:$0x1e] =	wrdreg s14  }
0x14: {  	s0 =	smul.u32 $0x18700, s0;
	[dreg:$0x1f] =	wrdreg s15;
	s20 =	simm.s32 $0x980  }
0x15: {  	s13 =	simm.s32 $0x7;
	s21 =	simm.s32 $0x1180;
	[smem:$0x7F7] =	sst s20  }
0x16: {  	s23 =	simm.s32 $0x1280;
	s25 =	simm.s32 $0x1380;
	[smem:$0x7F8] =	sst s21  }
0x17: {  	s5 =	sadd.s32 s6, s5;
	s6 =	sadd.s32 $0x24E400, s2;
	[smem:$0x7FA] =	sst s23  }
0x18: {  	s14 =	simm.s32 $0x80;
	[smem:$0x7FC] =	sst s25;
	s16 =	sadd.s32 s6, s11  }
0x19: {  	s20 =	simm.s32 $0xF00;
	s19 =	sadd.s32 s8, s11;
	[smem:$0x7ED] =	sst s16  }
0x1a: {  	s21 =	simm.s32 $0x5;
	s11 =	simm.s32 $0x700;
	[smem:$0x7EE] =	sst s19  }
0x1b: {  	s5 =	sshll.u32 s5, $0x4;
	[dreg:$0x1b] =	wrdreg s11;
	s16 =	simm.s32 $0x780  }
0x1c: {  	s7 =	sadd.s32 $0x140, s5;
	s19 =	simm.s32 $0x900;
	[smem:$0x7F3] =	sst s16  }
0x1d: {  	s23 =	simm.s32 $0x1C00;
	s10 =	sadd.s32 s7, s6;
	[smem:$0x7F6] =	sst s19  }
0x1e: {  	s5 =	sadd.s32 $0xA0, s5;
	s7 =	sadd.s32 s7, s8;
	[dreg:$0x4] =	wrdreg s10  }
0x1f: {  	s0 =	sshrl.u32 s0, $0x3;
	s17 =	sadd.s32 s5, s6;
	[dreg:$0x5] =	wrdreg s7  }
0x20: {  	s0 =	sadd.s32 $0x30C0, s0;
	s5 =	sadd.s32 s5, s8;
	[dreg:$0x6] =	wrdreg s17  }
0x21: {  	s6 =	sadd.s32 s6, s0;
	s0 =	sadd.s32 s8, s0;
	[dreg:$0x7] =	wrdreg s5  }
0x22: {  	s8 =	smul.u32 $0x61AC0, s12;
	s16 =	simm.s32 $0x1400;
	[smem:$0x7EF] =	sst s6  }
0x23: {  	s19 =	simm.s32 $0x500;
	s17 =	simm.s32 $0x400;
	[smem:$0x7F0] =	sst s0  }
0x24: {  	s10 =	smul.u32 $0x186A0, s12;
	s6 =	simm.s32 $0x600;
	[dreg:$0x11] =	wrdreg s17  }
0x25: {  	s12 =	simm.s32 $0xF80;
	s0 =	simm.s32 $0x4C00;
	[dreg:$0x19] =	wrdreg s6  }
0x26: {  	s5 =	sshrl.u32 s8, $0x2;
	[dreg:$0x1c] =	wrdreg s12;
	s12 =	simm.s32 $0x6480  }
0x27: {  	s17 =	simm.s32 $0x800;
	s6 =	simm.s32 $0x5C00;
	s18 =	sadd.s32 s10, s9  }
0x28: {  	s26 =	sadd.s32 s10, s3;
	s9 =	simm.s32 $0x680;
	[smem:$0x7F4] =	sst s17  }
0x29: {  	s7 =	sshrl.u32 s18, $0x3;
	s18 =	simm.s32 $0x480;
	[dreg:$0x1a] =	wrdreg s9  }
0x2a: {  	s26 =	sshrl.u32 s26, $0x3;
	s2 =	sadd.s32 s7, s2;
	[dreg:$0x12] =	wrdreg s18  }
0x2b: {  	s7 =	ssub.s32 s22, s24;
	s22 =	simm.s32 $0xD80;
	[smem:$0x7FD] =	sst s26  }
0x2c: {  	s8 =	simm.s32 $0x6;
	s24 =	simm.s32 $0xE80;
	[dreg:$0x15] =	wrdreg s22  }
0x2d: {  	s11 =	sadd.s32 s5, s3;
	s18 =	simm.s32 $0x880;
	[dreg:$0x17] =	wrdreg s24  }
0x2e: {  	s17 =	simm.s32 $0x3C00;
	s2 =	sadd.s32 $0x4000, s2;
	[smem:$0x7F5] =	sst s18  }
0x2f: {  	s5 =	simm.s32 $0x5400;
	s10 =	smax.u32 s7, $0x1;
	[smem:$0x7F1] =	sst s2  }
0x30: {  	s26 =	simm.s32 $0x2C00;
	s22 =	simm.s32 $0x1200;
	[smem:$0x7F2] =	sst s10  }
0x31: {  	s18 =	simm.s32 $0xA00;
	s24 =	simm.s32 $0x1300;
	[smem:$0x7F9] =	sst s22  }
0x32: {  	s7 =	simm.s32 $0x2;
	s22 =	simm.s32 $0x3;
	[smem:$0x7FB] =	sst s24  }
0x33: {  	v0 =	vimm.f32 $0.0e+00;
	v1 =	vimm.s32 $0x186A0;
	s24 =	simm.s32 $0x2400;
	s2 =	simm.s32 $0x4400;
	s10 =	simm.s32 $0x0  }
.LBB2_1:
0x34: {  	[smem:$0x7EC] =	sst s10;
	s9 =	simm.s32 $0x0  }
.LBB2_2:
0x35: {  	p0 =	sne.s32 s9, $0x2100  }
.Ltmp0:
0x36: {  	_ = 	snop;
	(pc) =	sbr.rel @p0 .LBB2_2-.Ltmp0, $3  }
0x37: {  	_ =	sdelay $0x1  }
0x38: {  	s10 =	sshra.s32 s9, $0x2  }
0x39: {  	s9 =	sadd.s32 $0x40, s9;
	[tilespmem:s10+$0x6480] =	vst v0  }
0x3a: {  	s9 =	sadd.s32 $0x0, s11  }
0x3b: {  	[spmem:s9] =	stream.linear.scatter [tilespmem:s12], [sflag:$0x7], $0x850, $0x38;
	[tilespmem:$0x1F380] =	vst v63  }
0x3c: {  	s10 =	simm.s32 $0x2140;
	_ =	swait.ge [sflag:s13], $0x850  }
.LBB2_4:
0x3d: {  	s9 =	sshra.s32 s10, $0x2;
	[sflag:s13] =	ssyncset.done $0x0;
	p0 =	sne.s32 s10, $0x5F980  }
.Ltmp1:
0x3e: {  	s9 =	sadd.s32 s9, s11;
	[sflag:s13] =	ssyncadd.s32 $0xFFFFF7B0;
	(pc) =	sbr.rel @p0 .LBB2_4-.Ltmp1, $3  }
0x3f: {  	[spmem:s9] =	stream.linear.scatter [tilespmem:s12], [sflag:$0x7], $0x850, $0x38;
	[tilespmem:$0x1F380] =	vst v63  }
0x40: {  	s10 =	sadd.s32 $0x2140, s10;
	_ =	sdelay $0x1  }
0x41: {  	_ =	swait.ge [sflag:s13], $0x850  }
0x42: {  	[sflag:s13] =	ssyncset.done $0x0  }
0x43: {  	[sflag:s13] =	ssyncadd.s32 $0xFFFFF7B0  }
0x44: {  	[tilespmem:$0x6400] =	vst v1  }
0x45: {  	[tilespmem:$0x6410] =	vst v1  }
0x46: {  	[tilespmem:$0x6420] =	vst v1  }
0x47: {  	[tilespmem:$0x6430] =	vst v1  }
0x48: {  	s10 =	simm.s32 $0x0;
	p0 =	por $0x1, $0x1;
	s9 =	simm.s32 $0xFFFF6000;
	[tilespmem:$0x6440] =	vst v1  }
0x49: {  	p1 =	por $0x0, $0x0;
	s15 =	simm.s32 $0x2800;
	s9 =	smov.u32 @p0 s10;
	[tilespmem:$0x6450] =	vst v1  }
0x4a: {  	s15 =	simm.s32 @!p1 $0x0;
	[tilespmem:$0x6460] =	vst v1;
	s9 =	sshra.s32 s9, $0x2  }
0x4b: {  	[tilespmem:$0x6470] =	vst v1;
	s9 =	sadd.s32 s9, s15  }
0x4c: {  	s15 =	simm.s32 $0x1;
	[tilespmem:s9+$0x1400] =	vst v0  }
.LBB2_6:
0x4d: {  	p0 =	slt.u32 s15, $0x280  }
0x4e: {  	s10 =	sadd.s32 $0x40, s10;
	s9 =	smov.u32 s15;
	p1 =	sne.s32 s15, $0x4FF  }
.Ltmp2:
0x4f: {  	s15 =	sadd.s32 $0x1, s15;
	s25 =	sadd.s32 $0xFFFF6000, s10;
	(pc) =	sbr.rel @p1 .LBB2_6-.Ltmp2, $4  }
0x50: {  	p2 =	sgt.u32 s9, $0x27F;
	s9 =	simm.s32 $0x2800;
	s25 =	smov.u32 @p0 s10  }
0x51: {  	s9 =	simm.s32 @!p2 $0x0;
	s25 =	sshra.s32 s25, $0x2  }
0x52: {  	s9 =	sadd.s32 s25, s9  }
0x53: {  	[tilespmem:s9+$0x1400] =	vst v0  }
0x54: {  	[bflag:$0x0] =	sbarrier.arrive $0xFFFF;
	s9 =	simm.s32 $0x6400  }
0x55: {  	[spmem:s3] =	stream.indirect.scatter.add.f32 [tilespmem:s16], [sflag:$0x3], $0x10, s9, s14, $0xb8;
	[tilespmem:$0x1F380] =	vst v63  }
0x56: {  	_ = 	snop  }
0x57: {  	[spmem:s3] =	stream.indirect.scatter.add.f32 [tilespmem:s17], [sflag:$0x4], $0x10, s9, s14, $0xb8;
	[tilespmem:$0x1F380] =	vst v63  }
0x58: {  	_ = 	snop  }
0x59: {  	[spmem:s3] =	stream.indirect.scatter.add.f32 [tilespmem:s16], [sflag:$0x3], $0x10, s9, s14, $0xb8;
	[tilespmem:$0x1F380] =	vst v63  }
0x5a: {  	_ = 	snop  }
0x5b: {  	[spmem:s3] =	stream.indirect.scatter.add.f32 [tilespmem:s17], [sflag:$0x4], $0x10, s9, s14, $0xb8;
	[tilespmem:$0x1F380] =	vst v63  }
0x5c: {  	_ = 	snop  }
0x5d: {  	[spmem:s3] =	stream.indirect.scatter.add.f32 [tilespmem:s16], [sflag:$0x3], $0x10, s9, s14, $0xb8;
	[tilespmem:$0x1F380] =	vst v63  }
0x5e: {  	_ = 	snop  }
0x5f: {  	[spmem:s3] =	stream.indirect.scatter.add.f32 [tilespmem:s17], [sflag:$0x4], $0x10, s9, s14, $0xb8;
	[tilespmem:$0x1F380] =	vst v63  }
0x60: {  	_ = 	snop  }
0x61: {  	[spmem:s3] =	stream.indirect.scatter.add.f32 [tilespmem:s16], [sflag:$0x3], $0x10, s9, s14, $0xb8;
	[tilespmem:$0x1F380] =	vst v63  }
0x62: {  	_ = 	snop  }
0x63: {  	[spmem:s3] =	stream.indirect.scatter.add.f32 [tilespmem:s17], [sflag:$0x4], $0x10, s9, s14, $0xb8;
	[tilespmem:$0x1F380] =	vst v63  }
0x64: {  	_ = 	snop  }
0x65: {  	[spmem:s3] =	stream.indirect.scatter.add.f32 [tilespmem:s16], [sflag:$0x3], $0x10, s9, s14, $0xb8;
	[tilespmem:$0x1F380] =	vst v63  }
0x66: {  	s10 =	sld [smem:$0x7ED]  }
0x67: {  	[spmem:s3] =	stream.indirect.scatter.add.f32 [tilespmem:s17], [sflag:$0x4], $0x10, s9, s14, $0xb8;
	[tilespmem:$0x1F380] =	vst v63  }
0x68: {  	s15 =	simm.s32 $0x0;
	s12 =	sld [smem:$0x7EE]  }
0x69: {  	[tilespmem:s15], [sflag:$0x5] =	stream.linear.gather [hbm4b:s10+s15], $0x500, $0x38;
	[tilespmem:$0x1F380] =	vst v63  }
0x6a: {  	s25 =	rddreg [dreg:$0x6]  }
0x6b: {  	[tilespmem:s18], [sflag:$0x5] =	stream.linear.gather [hbm4b:s12+s15], $0x500, $0x38;
	[tilespmem:$0x1F380] =	vst v63  }
0x6c: {  	s10 =	sadd.s32 $0x0, s25;
	s12 =	rddreg [dreg:$0x7]  }
0x6d: {  	[tilespmem:s19], [sflag:$0x6] =	stream.linear.gather [hbm4b:s10+s4], $0x500, $0x38;
	[tilespmem:$0x1F380] =	vst v63  }
0x6e: {  	s9 =	sadd.s32 $0x0, s12  }
0x6f: {  	[tilespmem:s20], [sflag:$0x6] =	stream.linear.gather [hbm4b:s9+s4], $0x500, $0x38;
	[tilespmem:$0x1F380] =	vst v63  }
0x70: {  	_ =	swait.ge [sflag:s21], $0x500  }
0x71: {  	[sflag:s21] =	ssyncset.done $0x0  }
0x72: {  	[sflag:s21] =	ssyncadd.s32 $0xFFFFFB00  }
0x73: {  	_ =	swait.ge [sflag:s21], $0x500  }
0x74: {  	[sflag:s21] =	ssyncset.done $0x0  }
0x75: {  	[sflag:s21] =	ssyncadd.s32 $0xFFFFFB00  }
0x76: {  	_ =	swait.ge [sflag:s22], $0x2800  }
0x77: {  	[sflag:s22] =	ssyncset.done $0x0  }
0x78: {  	[sflag:s22] =	ssyncadd.s32 $0xFFFFD800  }
0x79: {  	[tilespmem:s16], [sflag:$0x1] =	stream.indirect.gather [hbm4b:s1+s14], $0x10, s4, s14, $0xb8;
	[tilespmem:$0x1F380] =	vst v63  }
0x7a: {  	_ = 	snop  }
0x7b: {  	[tilespmem:s23], [sflag:$0x1] =	stream.indirect.gather [hbm4b:s1+s14], $0x10, s14, s14, $0xb8;
	[tilespmem:$0x1F380] =	vst v63  }
0x7c: {  	s15 =	rddreg [dreg:$0x8]  }
0x7d: {  	[tilespmem:s24], [sflag:$0x1] =	stream.indirect.gather [hbm4b:s1+s14], $0x10, s15, s14, $0xb8;
	[tilespmem:$0x1F380] =	vst v63  }
0x7e: {  	s25 =	rddreg [dreg:$0x9]  }
0x7f: {  	[tilespmem:s26], [sflag:$0x1] =	stream.indirect.gather [hbm4b:s1+s14], $0x10, s25, s14, $0xb8;
	[tilespmem:$0x1F380] =	vst v63  }
0x80: {  	s12 =	rddreg [dreg:$0xa]  }
0x81: {  	[tilespmem:s28], [sflag:$0x1] =	stream.indirect.gather [hbm4b:s1+s14], $0x10, s12, s14, $0xb8;
	[tilespmem:$0x1F380] =	vst v63  }
0x82: {  	_ =	swait.ge [sflag:s29], $0x800  }
0x83: {  	[sflag:s29] =	ssyncset.done $0x0  }
0x84: {  	[sflag:s29] =	ssyncadd.s32 $0xFFFFF800  }
0x85: {  	[spmem:s3] =	stream.indirect.scatter.add.f32 [tilespmem:s16], [sflag:$0x3], $0x10, s18, s14, $0xb8;
	[tilespmem:$0x1F380] =	vst v63  }
0x86: {  	_ =	swait.ge [sflag:s29], $0x800  }
0x87: {  	[sflag:s29] =	ssyncset.done $0x0  }
0x88: {  	[sflag:s29] =	ssyncadd.s32 $0xFFFFF800  }
0x89: {  	[spmem:s3] =	stream.indirect.scatter.add.f32 [tilespmem:s23], [sflag:$0x3], $0x10, s30, s14, $0xb8;
	[tilespmem:$0x1F380] =	vst v63  }
0x8a: {  	_ =	swait.ge [sflag:s29], $0x800  }
0x8b: {  	[sflag:s29] =	ssyncset.done $0x0  }
0x8c: {  	s15 =	rddreg [dreg:$0xb];
	[sflag:s29] =	ssyncadd.s32 $0xFFFFF800  }
0x8d: {  	[spmem:s3] =	stream.indirect.scatter.add.f32 [tilespmem:s24], [sflag:$0x3], $0x10, s15, s14, $0xb8;
	[tilespmem:$0x1F380] =	vst v63  }
0x8e: {  	_ =	swait.ge [sflag:s29], $0x800  }
0x8f: {  	[sflag:s29] =	ssyncset.done $0x0  }
0x90: {  	s25 =	rddreg [dreg:$0xc];
	[sflag:s29] =	ssyncadd.s32 $0xFFFFF800  }
0x91: {  	[spmem:s3] =	stream.indirect.scatter.add.f32 [tilespmem:s26], [sflag:$0x3], $0x10, s25, s14, $0xb8;
	[tilespmem:$0x1F380] =	vst v63  }
0x92: {  	_ =	swait.ge [sflag:s29], $0x800  }
0x93: {  	[sflag:s29] =	ssyncset.done $0x0  }
0x94: {  	s10 =	rddreg [dreg:$0xd];
	[sflag:s29] =	ssyncadd.s32 $0xFFFFF800  }
0x95: {  	[spmem:s3] =	stream.indirect.scatter.add.f32 [tilespmem:s28], [sflag:$0x3], $0x10, s10, s14, $0xb8;
	[tilespmem:$0x1F380] =	vst v63  }
0x96: {  	_ =	swait.ge [sflag:s31], $0x2800  }
0x97: {  	[sflag:s31] =	ssyncset.done $0x0  }
0x98: {  	s12 =	rddreg [dreg:$0xe];
	[sflag:s31] =	ssyncadd.s32 $0xFFFFD800  }
0x99: {  	[tilespmem:s17], [sflag:$0x2] =	stream.indirect.gather [hbm4b:s1+s14], $0x10, s12, s14, $0xb8;
	[tilespmem:$0x1F380] =	vst v63  }
0x9a: {  	s15 =	rddreg [dreg:$0xf]  }
0x9b: {  	[tilespmem:s2], [sflag:$0x2] =	stream.indirect.gather [hbm4b:s1+s14], $0x10, s15, s14, $0xb8;
	[tilespmem:$0x1F380] =	vst v63  }
0x9c: {  	s25 =	rddreg [dreg:$0x10]  }
0x9d: {  	[tilespmem:s0], [sflag:$0x2] =	stream.indirect.gather [hbm4b:s1+s14], $0x10, s25, s14, $0xb8;
	[tilespmem:$0x1F380] =	vst v63  }
0x9e: {  	s12 =	rddreg [dreg:$0x11]  }
0x9f: {  	[tilespmem:s5], [sflag:$0x2] =	stream.indirect.gather [hbm4b:s1+s14], $0x10, s12, s14, $0xb8;
	[tilespmem:$0x1F380] =	vst v63  }
0xa0: {  	s15 =	rddreg [dreg:$0x12]  }
0xa1: {  	[tilespmem:s6], [sflag:$0x2] =	stream.indirect.gather [hbm4b:s1+s14], $0x10, s15, s14, $0xb8;
	[tilespmem:$0x1F380] =	vst v63  }
0xa2: {  	_ =	swait.ge [sflag:s7], $0x800  }
0xa3: {  	[sflag:s7] =	ssyncset.done $0x0  }
0xa4: {  	s25 =	rddreg [dreg:$0x13];
	[sflag:s7] =	ssyncadd.s32 $0xFFFFF800  }
0xa5: {  	[spmem:s3] =	stream.indirect.scatter.add.f32 [tilespmem:s17], [sflag:$0x4], $0x10, s25, s14, $0xb8;
	[tilespmem:$0x1F380] =	vst v63  }
0xa6: {  	_ =	swait.ge [sflag:s7], $0x800  }
0xa7: {  	[sflag:s7] =	ssyncset.done $0x0  }
0xa8: {  	s10 =	rddreg [dreg:$0x14];
	[sflag:s7] =	ssyncadd.s32 $0xFFFFF800  }
0xa9: {  	[spmem:s3] =	stream.indirect.scatter.add.f32 [tilespmem:s2], [sflag:$0x4], $0x10, s10, s14, $0xb8;
	[tilespmem:$0x1F380] =	vst v63  }
0xaa: {  	_ =	swait.ge [sflag:s7], $0x800  }
0xab: {  	[sflag:s7] =	ssyncset.done $0x0  }
0xac: {  	s12 =	rddreg [dreg:$0x15];
	[sflag:s7] =	ssyncadd.s32 $0xFFFFF800  }
0xad: {  	[spmem:s3] =	stream.indirect.scatter.add.f32 [tilespmem:s0], [sflag:$0x4], $0x10, s12, s14, $0xb8;
	[tilespmem:$0x1F380] =	vst v63  }
0xae: {  	_ =	swait.ge [sflag:s7], $0x800  }
0xaf: {  	[sflag:s7] =	ssyncset.done $0x0  }
0xb0: {  	s15 =	rddreg [dreg:$0x16];
	[sflag:s7] =	ssyncadd.s32 $0xFFFFF800  }
0xb1: {  	[spmem:s3] =	stream.indirect.scatter.add.f32 [tilespmem:s5], [sflag:$0x4], $0x10, s15, s14, $0xb8;
	[tilespmem:$0x1F380] =	vst v63  }
0xb2: {  	_ =	swait.ge [sflag:s7], $0x800  }
0xb3: {  	s25 =	rddreg [dreg:$0x17];
	[sflag:s7] =	ssyncset.done $0x0  }
0xb4: {  	p0 =	por $0x0, $0x0;
	s10 =	rddreg [dreg:$0x4];
	[sflag:s7] =	ssyncadd.s32 $0xFFFFF800  }
0xb5: {  	[spmem:s3] =	stream.indirect.scatter.add.f32 [tilespmem:s6], [sflag:$0x4], $0x10, s25, s14, $0xb8;
	[tilespmem:$0x1F380] =	vst v63  }
0xb6: {  	s15 =	rddreg [dreg:$0x5];
	s9 =	sadd.s32 @!p0 $0x0, s10;
	s10 =	simm.s32 @!p0 $0x0  }
0xb7: {  	[tilespmem:s10], [sflag:$0x5] =	stream.linear.gather @!p0 [hbm4b:s9+s10], $0x500, $0x38;
	[tilespmem:$0x1F380] =	vst v63  }
0xb8: {  	s9 =	sadd.s32 @!p0 $0x0, s15;
	s15 =	simm.s32 @!p0 $0xA00  }
0xb9: {  	[tilespmem:s15], [sflag:$0x5] =	stream.linear.gather @!p0 [hbm4b:s9+s10], $0x500, $0x38;
	[tilespmem:$0x1F380] =	vst v63  }
0xba: {  	_ =	swait.ge [sflag:s8], $0x500  }
0xbb: {  	[sflag:s8] =	ssyncset.done $0x0  }
0xbc: {  	[sflag:s8] =	ssyncadd.s32 $0xFFFFFB00  }
0xbd: {  	_ =	swait.ge [sflag:s8], $0x500  }
0xbe: {  	[sflag:s8] =	ssyncset.done $0x0  }
0xbf: {  	[sflag:s8] =	ssyncadd.s32 $0xFFFFFB00  }
0xc0: {  	_ =	swait.ge [sflag:s22], $0x2800  }
0xc1: {  	[sflag:s22] =	ssyncset.done $0x0  }
0xc2: {  	[sflag:s22] =	ssyncadd.s32 $0xFFFFD800  }
0xc3: {  	[tilespmem:s16], [sflag:$0x1] =	stream.indirect.gather [hbm4b:s1+s14], $0x10, s19, s14, $0xb8;
	[tilespmem:$0x1F380] =	vst v63  }
0xc4: {  	s12 =	rddreg [dreg:$0x18]  }
0xc5: {  	[tilespmem:s23], [sflag:$0x1] =	stream.indirect.gather [hbm4b:s1+s14], $0x10, s12, s14, $0xb8;
	[tilespmem:$0x1F380] =	vst v63  }
0xc6: {  	s15 =	rddreg [dreg:$0x19]  }
0xc7: {  	[tilespmem:s24], [sflag:$0x1] =	stream.indirect.gather [hbm4b:s1+s14], $0x10, s15, s14, $0xb8;
	[tilespmem:$0x1F380] =	vst v63  }
0xc8: {  	s25 =	rddreg [dreg:$0x1a]  }
0xc9: {  	[tilespmem:s26], [sflag:$0x1] =	stream.indirect.gather [hbm4b:s1+s14], $0x10, s25, s14, $0xb8;
	[tilespmem:$0x1F380] =	vst v63  }
0xca: {  	s12 =	rddreg [dreg:$0x1b]  }
0xcb: {  	[tilespmem:s28], [sflag:$0x1] =	stream.indirect.gather [hbm4b:s1+s14], $0x10, s12, s14, $0xb8;
	[tilespmem:$0x1F380] =	vst v63  }
0xcc: {  	_ =	swait.ge [sflag:s29], $0x800  }
0xcd: {  	[sflag:s29] =	ssyncset.done $0x0  }
0xce: {  	[sflag:s29] =	ssyncadd.s32 $0xFFFFF800  }
0xcf: {  	[spmem:s3] =	stream.indirect.scatter.add.f32 [tilespmem:s16], [sflag:$0x3], $0x10, s20, s14, $0xb8;
	[tilespmem:$0x1F380] =	vst v63  }
0xd0: {  	_ =	swait.ge [sflag:s29], $0x800  }
0xd1: {  	[sflag:s29] =	ssyncset.done $0x0  }
0xd2: {  	s15 =	rddreg [dreg:$0x1c];
	[sflag:s29] =	ssyncadd.s32 $0xFFFFF800  }
0xd3: {  	[spmem:s3] =	stream.indirect.scatter.add.f32 [tilespmem:s23], [sflag:$0x3], $0x10, s15, s14, $0xb8;
	[tilespmem:$0x1F380] =	vst v63  }
0xd4: {  	_ =	swait.ge [sflag:s29], $0x800  }
0xd5: {  	[sflag:s29] =	ssyncset.done $0x0  }
0xd6: {  	s25 =	rddreg [dreg:$0x1d];
	[sflag:s29] =	ssyncadd.s32 $0xFFFFF800  }
0xd7: {  	[spmem:s3] =	stream.indirect.scatter.add.f32 [tilespmem:s24], [sflag:$0x3], $0x10, s25, s14, $0xb8;
	[tilespmem:$0x1F380] =	vst v63  }
0xd8: {  	_ =	swait.ge [sflag:s29], $0x800  }
0xd9: {  	[sflag:s29] =	ssyncset.done $0x0  }
0xda: {  	s10 =	rddreg [dreg:$0x1e];
	[sflag:s29] =	ssyncadd.s32 $0xFFFFF800  }
0xdb: {  	[spmem:s3] =	stream.indirect.scatter.add.f32 [tilespmem:s26], [sflag:$0x3], $0x10, s10, s14, $0xb8;
	[tilespmem:$0x1F380] =	vst v63  }
0xdc: {  	_ =	swait.ge [sflag:s29], $0x800  }
0xdd: {  	[sflag:s29] =	ssyncset.done $0x0  }
0xde: {  	s12 =	rddreg [dreg:$0x1f];
	[sflag:s29] =	ssyncadd.s32 $0xFFFFF800  }
0xdf: {  	[spmem:s3] =	stream.indirect.scatter.add.f32 [tilespmem:s28], [sflag:$0x3], $0x10, s12, s14, $0xb8;
	[tilespmem:$0x1F380] =	vst v63  }
0xe0: {  	_ =	swait.ge [sflag:s31], $0x2800  }
0xe1: {  	s15 =	sld [smem:$0x7F3]  }
0xe2: {  	[sflag:s31] =	ssyncset.done $0x0  }
0xe3: {  	s25 =	sld [smem:$0x7F4];
	[sflag:s31] =	ssyncadd.s32 $0xFFFFD800  }
0xe4: {  	[tilespmem:s17], [sflag:$0x2] =	stream.indirect.gather [hbm4b:s1+s14], $0x10, s15, s14, $0xb8;
	[tilespmem:$0x1F380] =	vst v63  }
0xe5: {  	s12 =	sld [smem:$0x7F5]  }
0xe6: {  	[tilespmem:s2], [sflag:$0x2] =	stream.indirect.gather [hbm4b:s1+s14], $0x10, s25, s14, $0xb8;
	[tilespmem:$0x1F380] =	vst v63  }
0xe7: {  	s15 =	sld [smem:$0x7F6]  }
0xe8: {  	[tilespmem:s0], [sflag:$0x2] =	stream.indirect.gather [hbm4b:s1+s14], $0x10, s12, s14, $0xb8;
	[tilespmem:$0x1F380] =	vst v63  }
0xe9: {  	s25 =	sld [smem:$0x7F7]  }
0xea: {  	[tilespmem:s5], [sflag:$0x2] =	stream.indirect.gather [hbm4b:s1+s14], $0x10, s15, s14, $0xb8;
	[tilespmem:$0x1F380] =	vst v63  }
0xeb: {  	_ = 	snop  }
0xec: {  	[tilespmem:s6], [sflag:$0x2] =	stream.indirect.gather [hbm4b:s1+s14], $0x10, s25, s14, $0xb8;
	[tilespmem:$0x1F380] =	vst v63  }
0xed: {  	_ =	swait.ge [sflag:s7], $0x800  }
0xee: {  	s10 =	sld [smem:$0x7F8]  }
0xef: {  	[sflag:s7] =	ssyncset.done $0x0  }
0xf0: {  	[sflag:s7] =	ssyncadd.s32 $0xFFFFF800  }
0xf1: {  	[spmem:s3] =	stream.indirect.scatter.add.f32 [tilespmem:s17], [sflag:$0x4], $0x10, s10, s14, $0xb8;
	[tilespmem:$0x1F380] =	vst v63  }
0xf2: {  	_ =	swait.ge [sflag:s7], $0x800  }
0xf3: {  	s12 =	sld [smem:$0x7F9]  }
0xf4: {  	[sflag:s7] =	ssyncset.done $0x0  }
0xf5: {  	[sflag:s7] =	ssyncadd.s32 $0xFFFFF800  }
0xf6: {  	[spmem:s3] =	stream.indirect.scatter.add.f32 [tilespmem:s2], [sflag:$0x4], $0x10, s12, s14, $0xb8;
	[tilespmem:$0x1F380] =	vst v63  }
0xf7: {  	_ =	swait.ge [sflag:s7], $0x800  }
0xf8: {  	s15 =	sld [smem:$0x7FA]  }
0xf9: {  	[sflag:s7] =	ssyncset.done $0x0  }
0xfa: {  	[sflag:s7] =	ssyncadd.s32 $0xFFFFF800  }
0xfb: {  	[spmem:s3] =	stream.indirect.scatter.add.f32 [tilespmem:s0], [sflag:$0x4], $0x10, s15, s14, $0xb8;
	[tilespmem:$0x1F380] =	vst v63  }
0xfc: {  	_ =	swait.ge [sflag:s7], $0x800  }
0xfd: {  	s25 =	sld [smem:$0x7FB]  }
0xfe: {  	[sflag:s7] =	ssyncset.done $0x0  }
0xff: {  	[sflag:s7] =	ssyncadd.s32 $0xFFFFF800  }
0x100: {  	[spmem:s3] =	stream.indirect.scatter.add.f32 [tilespmem:s5], [sflag:$0x4], $0x10, s25, s14, $0xb8;
	[tilespmem:$0x1F380] =	vst v63  }
0x101: {  	_ =	swait.ge [sflag:s7], $0x800  }
0x102: {  	s10 =	simm.s32 $0x140;
	[sflag:s7] =	ssyncset.done $0x0;
	s15 =	sld [smem:$0x7FC]  }
0x103: {  	s25 =	simm.s32 $0x280;
	s9 =	rddreg [dreg:$0x6];
	[sflag:s7] =	ssyncadd.s32 $0xFFFFF800  }
.LBB2_8:
0x104: {  	_ = 	snop  }
0x105: {  	[spmem:s3] =	stream.indirect.scatter.add.f32 [tilespmem:s6], [sflag:$0x4], $0x10, s15, s14, $0xb8;
	[tilespmem:$0x1F380] =	vst v63  }
0x106: {  	s12 =	rddreg [dreg:$0x7];
	s9 =	sadd.s32 s10, s9  }
0x107: {  	[tilespmem:s19], [sflag:$0x6] =	stream.linear.gather [hbm4b:s9+s4], $0x500, $0x38;
	[tilespmem:$0x1F380] =	vst v63  }
0x108: {  	s12 =	sadd.s32 s10, s12  }
0x109: {  	[tilespmem:s20], [sflag:$0x6] =	stream.linear.gather [hbm4b:s12+s4], $0x500, $0x38;
	[tilespmem:$0x1F380] =	vst v63  }
0x10a: {  	_ =	swait.ge [sflag:s21], $0x500  }
0x10b: {  	[sflag:s21] =	ssyncset.done $0x0  }
0x10c: {  	[sflag:s21] =	ssyncadd.s32 $0xFFFFFB00  }
0x10d: {  	_ =	swait.ge [sflag:s21], $0x500  }
0x10e: {  	[sflag:s21] =	ssyncset.done $0x0  }
0x10f: {  	[sflag:s21] =	ssyncadd.s32 $0xFFFFFB00  }
0x110: {  	_ =	swait.ge [sflag:s22], $0x2800  }
0x111: {  	[sflag:s22] =	ssyncset.done $0x0  }
0x112: {  	[sflag:s22] =	ssyncadd.s32 $0xFFFFD800  }
0x113: {  	[tilespmem:s16], [sflag:$0x1] =	stream.indirect.gather [hbm4b:s1+s14], $0x10, s4, s14, $0xb8;
	[tilespmem:$0x1F380] =	vst v63  }
0x114: {  	_ = 	snop  }
0x115: {  	[tilespmem:s23], [sflag:$0x1] =	stream.indirect.gather [hbm4b:s1+s14], $0x10, s14, s14, $0xb8;
	[tilespmem:$0x1F380] =	vst v63  }
0x116: {  	s9 =	rddreg [dreg:$0x8]  }
0x117: {  	[tilespmem:s24], [sflag:$0x1] =	stream.indirect.gather [hbm4b:s1+s14], $0x10, s9, s14, $0xb8;
	[tilespmem:$0x1F380] =	vst v63  }
0x118: {  	s12 =	rddreg [dreg:$0x9]  }
0x119: {  	[tilespmem:s26], [sflag:$0x1] =	stream.indirect.gather [hbm4b:s1+s14], $0x10, s12, s14, $0xb8;
	[tilespmem:$0x1F380] =	vst v63  }
0x11a: {  	s9 =	rddreg [dreg:$0xa]  }
0x11b: {  	[tilespmem:s28], [sflag:$0x1] =	stream.indirect.gather [hbm4b:s1+s14], $0x10, s9, s14, $0xb8;
	[tilespmem:$0x1F380] =	vst v63  }
0x11c: {  	_ =	swait.ge [sflag:s29], $0x800  }
0x11d: {  	[sflag:s29] =	ssyncset.done $0x0  }
0x11e: {  	[sflag:s29] =	ssyncadd.s32 $0xFFFFF800  }
0x11f: {  	[spmem:s3] =	stream.indirect.scatter.add.f32 [tilespmem:s16], [sflag:$0x3], $0x10, s18, s14, $0xb8;
	[tilespmem:$0x1F380] =	vst v63  }
0x120: {  	_ =	swait.ge [sflag:s29], $0x800  }
0x121: {  	[sflag:s29] =	ssyncset.done $0x0  }
0x122: {  	[sflag:s29] =	ssyncadd.s32 $0xFFFFF800  }
0x123: {  	[spmem:s3] =	stream.indirect.scatter.add.f32 [tilespmem:s23], [sflag:$0x3], $0x10, s30, s14, $0xb8;
	[tilespmem:$0x1F380] =	vst v63  }
0x124: {  	_ =	swait.ge [sflag:s29], $0x800  }
0x125: {  	[sflag:s29] =	ssyncset.done $0x0  }
0x126: {  	s12 =	rddreg [dreg:$0xb];
	[sflag:s29] =	ssyncadd.s32 $0xFFFFF800  }
0x127: {  	[spmem:s3] =	stream.indirect.scatter.add.f32 [tilespmem:s24], [sflag:$0x3], $0x10, s12, s14, $0xb8;
	[tilespmem:$0x1F380] =	vst v63  }
0x128: {  	_ =	swait.ge [sflag:s29], $0x800  }
0x129: {  	[sflag:s29] =	ssyncset.done $0x0  }
0x12a: {  	s18 =	rddreg [dreg:$0xc];
	[sflag:s29] =	ssyncadd.s32 $0xFFFFF800  }
0x12b: {  	[spmem:s3] =	stream.indirect.scatter.add.f32 [tilespmem:s26], [sflag:$0x3], $0x10, s18, s14, $0xb8;
	[tilespmem:$0x1F380] =	vst v63  }
0x12c: {  	_ =	swait.ge [sflag:s29], $0x800  }
0x12d: {  	[sflag:s29] =	ssyncset.done $0x0  }
0x12e: {  	s12 =	rddreg [dreg:$0xd];
	[sflag:s29] =	ssyncadd.s32 $0xFFFFF800  }
0x12f: {  	[spmem:s3] =	stream.indirect.scatter.add.f32 [tilespmem:s28], [sflag:$0x3], $0x10, s12, s14, $0xb8;
	[tilespmem:$0x1F380] =	vst v63  }
0x130: {  	_ =	swait.ge [sflag:s31], $0x2800  }
0x131: {  	[sflag:s31] =	ssyncset.done $0x0  }
0x132: {  	s18 =	rddreg [dreg:$0xe];
	[sflag:s31] =	ssyncadd.s32 $0xFFFFD800  }
0x133: {  	[tilespmem:s17], [sflag:$0x2] =	stream.indirect.gather [hbm4b:s1+s14], $0x10, s18, s14, $0xb8;
	[tilespmem:$0x1F380] =	vst v63  }
0x134: {  	s12 =	rddreg [dreg:$0xf]  }
0x135: {  	[tilespmem:s2], [sflag:$0x2] =	stream.indirect.gather [hbm4b:s1+s14], $0x10, s12, s14, $0xb8;
	[tilespmem:$0x1F380] =	vst v63  }
0x136: {  	s18 =	rddreg [dreg:$0x10]  }
0x137: {  	[tilespmem:s0], [sflag:$0x2] =	stream.indirect.gather [hbm4b:s1+s14], $0x10, s18, s14, $0xb8;
	[tilespmem:$0x1F380] =	vst v63  }
0x138: {  	s12 =	rddreg [dreg:$0x11]  }
0x139: {  	[tilespmem:s5], [sflag:$0x2] =	stream.indirect.gather [hbm4b:s1+s14], $0x10, s12, s14, $0xb8;
	[tilespmem:$0x1F380] =	vst v63  }
0x13a: {  	s18 =	rddreg [dreg:$0x12]  }
0x13b: {  	[tilespmem:s6], [sflag:$0x2] =	stream.indirect.gather [hbm4b:s1+s14], $0x10, s18, s14, $0xb8;
	[tilespmem:$0x1F380] =	vst v63  }
0x13c: {  	_ =	swait.ge [sflag:s7], $0x800  }
0x13d: {  	[sflag:s7] =	ssyncset.done $0x0  }
0x13e: {  	s12 =	rddreg [dreg:$0x13];
	[sflag:s7] =	ssyncadd.s32 $0xFFFFF800  }
0x13f: {  	[spmem:s3] =	stream.indirect.scatter.add.f32 [tilespmem:s17], [sflag:$0x4], $0x10, s12, s14, $0xb8;
	[tilespmem:$0x1F380] =	vst v63  }
0x140: {  	_ =	swait.ge [sflag:s7], $0x800  }
0x141: {  	[sflag:s7] =	ssyncset.done $0x0  }
0x142: {  	s18 =	rddreg [dreg:$0x14];
	[sflag:s7] =	ssyncadd.s32 $0xFFFFF800  }
0x143: {  	[spmem:s3] =	stream.indirect.scatter.add.f32 [tilespmem:s2], [sflag:$0x4], $0x10, s18, s14, $0xb8;
	[tilespmem:$0x1F380] =	vst v63  }
0x144: {  	_ =	swait.ge [sflag:s7], $0x800  }
0x145: {  	[sflag:s7] =	ssyncset.done $0x0  }
0x146: {  	s12 =	rddreg [dreg:$0x15];
	[sflag:s7] =	ssyncadd.s32 $0xFFFFF800  }
0x147: {  	[spmem:s3] =	stream.indirect.scatter.add.f32 [tilespmem:s0], [sflag:$0x4], $0x10, s12, s14, $0xb8;
	[tilespmem:$0x1F380] =	vst v63  }
0x148: {  	_ =	swait.ge [sflag:s7], $0x800  }
0x149: {  	[sflag:s7] =	ssyncset.done $0x0  }
0x14a: {  	s18 =	rddreg [dreg:$0x16];
	[sflag:s7] =	ssyncadd.s32 $0xFFFFF800  }
0x14b: {  	[spmem:s3] =	stream.indirect.scatter.add.f32 [tilespmem:s5], [sflag:$0x4], $0x10, s18, s14, $0xb8;
	[tilespmem:$0x1F380] =	vst v63  }
0x14c: {  	_ =	swait.ge [sflag:s7], $0x800  }
0x14d: {  	s9 =	rddreg [dreg:$0x17];
	[sflag:s7] =	ssyncset.done $0x0  }
0x14e: {  	p1 =	seq.s32 s10, $0x2F80;
	s12 =	rddreg [dreg:$0x4];
	[sflag:s7] =	ssyncadd.s32 $0xFFFFF800  }
0x14f: {  	[spmem:s3] =	stream.indirect.scatter.add.f32 [tilespmem:s6], [sflag:$0x4], $0x10, s9, s14, $0xb8;
	[tilespmem:$0x1F380] =	vst v63  }
0x150: {  	s18 =	rddreg [dreg:$0x5];
	s9 =	sadd.s32 @!p1 s10, s12;
	s12 =	simm.s32 @!p1 $0x0  }
0x151: {  	[tilespmem:s12], [sflag:$0x5] =	stream.linear.gather @!p1 [hbm4b:s9+s12], $0x500, $0x38;
	[tilespmem:$0x1F380] =	vst v63  }
0x152: {  	s9 =	sadd.s32 @!p1 s10, s18;
	s18 =	simm.s32 @!p1 $0xA00  }
0x153: {  	[tilespmem:s18], [sflag:$0x5] =	stream.linear.gather @!p1 [hbm4b:s9+s12], $0x500, $0x38;
	[tilespmem:$0x1F380] =	vst v63  }
0x154: {  	_ =	swait.ge [sflag:s8], $0x500  }
0x155: {  	[sflag:s8] =	ssyncset.done $0x0  }
0x156: {  	[sflag:s8] =	ssyncadd.s32 $0xFFFFFB00  }
0x157: {  	_ =	swait.ge [sflag:s8], $0x500  }
0x158: {  	[sflag:s8] =	ssyncset.done $0x0  }
0x159: {  	[sflag:s8] =	ssyncadd.s32 $0xFFFFFB00  }
0x15a: {  	_ =	swait.ge [sflag:s22], $0x2800  }
0x15b: {  	[sflag:s22] =	ssyncset.done $0x0  }
0x15c: {  	[sflag:s22] =	ssyncadd.s32 $0xFFFFD800  }
0x15d: {  	[tilespmem:s16], [sflag:$0x1] =	stream.indirect.gather [hbm4b:s1+s14], $0x10, s19, s14, $0xb8;
	[tilespmem:$0x1F380] =	vst v63  }
0x15e: {  	s15 =	smov.u32 s25;
	s12 =	rddreg [dreg:$0x18]  }
0x15f: {  	[tilespmem:s23], [sflag:$0x1] =	stream.indirect.gather [hbm4b:s1+s14], $0x10, s12, s14, $0xb8;
	[tilespmem:$0x1F380] =	vst v63  }
0x160: {  	s10 =	smov.u32 s15;
	s15 =	rddreg [dreg:$0x19]  }
0x161: {  	[tilespmem:s24], [sflag:$0x1] =	stream.indirect.gather [hbm4b:s1+s14], $0x10, s15, s14, $0xb8;
	[tilespmem:$0x1F380] =	vst v63  }
0x162: {  	s9 =	rddreg [dreg:$0x1a]  }
0x163: {  	[tilespmem:s26], [sflag:$0x1] =	stream.indirect.gather [hbm4b:s1+s14], $0x10, s9, s14, $0xb8;
	[tilespmem:$0x1F380] =	vst v63  }
0x164: {  	s15 =	rddreg [dreg:$0x1b]  }
0x165: {  	[tilespmem:s28], [sflag:$0x1] =	stream.indirect.gather [hbm4b:s1+s14], $0x10, s15, s14, $0xb8;
	[tilespmem:$0x1F380] =	vst v63  }
0x166: {  	_ =	swait.ge [sflag:s29], $0x800  }
0x167: {  	[sflag:s29] =	ssyncset.done $0x0  }
0x168: {  	[sflag:s29] =	ssyncadd.s32 $0xFFFFF800  }
0x169: {  	[spmem:s3] =	stream.indirect.scatter.add.f32 [tilespmem:s16], [sflag:$0x3], $0x10, s20, s14, $0xb8;
	[tilespmem:$0x1F380] =	vst v63  }
0x16a: {  	_ =	swait.ge [sflag:s29], $0x800  }
0x16b: {  	[sflag:s29] =	ssyncset.done $0x0  }
0x16c: {  	s15 =	rddreg [dreg:$0x1c];
	[sflag:s29] =	ssyncadd.s32 $0xFFFFF800  }
0x16d: {  	[spmem:s3] =	stream.indirect.scatter.add.f32 [tilespmem:s23], [sflag:$0x3], $0x10, s15, s14, $0xb8;
	[tilespmem:$0x1F380] =	vst v63  }
0x16e: {  	_ =	swait.ge [sflag:s29], $0x800  }
0x16f: {  	[sflag:s29] =	ssyncset.done $0x0  }
0x170: {  	s12 =	rddreg [dreg:$0x1d];
	[sflag:s29] =	ssyncadd.s32 $0xFFFFF800  }
0x171: {  	[spmem:s3] =	stream.indirect.scatter.add.f32 [tilespmem:s24], [sflag:$0x3], $0x10, s12, s14, $0xb8;
	[tilespmem:$0x1F380] =	vst v63  }
0x172: {  	_ =	swait.ge [sflag:s29], $0x800  }
0x173: {  	[sflag:s29] =	ssyncset.done $0x0  }
0x174: {  	s15 =	rddreg [dreg:$0x1e];
	[sflag:s29] =	ssyncadd.s32 $0xFFFFF800  }
0x175: {  	[spmem:s3] =	stream.indirect.scatter.add.f32 [tilespmem:s26], [sflag:$0x3], $0x10, s15, s14, $0xb8;
	[tilespmem:$0x1F380] =	vst v63  }
0x176: {  	_ =	swait.ge [sflag:s29], $0x800  }
0x177: {  	[sflag:s29] =	ssyncset.done $0x0  }
0x178: {  	s12 =	rddreg [dreg:$0x1f];
	[sflag:s29] =	ssyncadd.s32 $0xFFFFF800  }
0x179: {  	[spmem:s3] =	stream.indirect.scatter.add.f32 [tilespmem:s28], [sflag:$0x3], $0x10, s12, s14, $0xb8;
	[tilespmem:$0x1F380] =	vst v63  }
0x17a: {  	_ =	swait.ge [sflag:s31], $0x2800  }
0x17b: {  	s15 =	sld [smem:$0x7F3]  }
0x17c: {  	[sflag:s31] =	ssyncset.done $0x0  }
0x17d: {  	s12 =	sld [smem:$0x7F4];
	[sflag:s31] =	ssyncadd.s32 $0xFFFFD800  }
0x17e: {  	[tilespmem:s17], [sflag:$0x2] =	stream.indirect.gather [hbm4b:s1+s14], $0x10, s15, s14, $0xb8;
	[tilespmem:$0x1F380] =	vst v63  }
0x17f: {  	s15 =	sld [smem:$0x7F5]  }
0x180: {  	[tilespmem:s2], [sflag:$0x2] =	stream.indirect.gather [hbm4b:s1+s14], $0x10, s12, s14, $0xb8;
	[tilespmem:$0x1F380] =	vst v63  }
0x181: {  	s12 =	sld [smem:$0x7F6]  }
0x182: {  	[tilespmem:s0], [sflag:$0x2] =	stream.indirect.gather [hbm4b:s1+s14], $0x10, s15, s14, $0xb8;
	[tilespmem:$0x1F380] =	vst v63  }
0x183: {  	s15 =	sld [smem:$0x7F7]  }
0x184: {  	[tilespmem:s5], [sflag:$0x2] =	stream.indirect.gather [hbm4b:s1+s14], $0x10, s12, s14, $0xb8;
	[tilespmem:$0x1F380] =	vst v63  }
0x185: {  	_ = 	snop  }
0x186: {  	[tilespmem:s6], [sflag:$0x2] =	stream.indirect.gather [hbm4b:s1+s14], $0x10, s15, s14, $0xb8;
	[tilespmem:$0x1F380] =	vst v63  }
0x187: {  	_ =	swait.ge [sflag:s7], $0x800  }
0x188: {  	s12 =	sld [smem:$0x7F8]  }
0x189: {  	[sflag:s7] =	ssyncset.done $0x0  }
0x18a: {  	[sflag:s7] =	ssyncadd.s32 $0xFFFFF800  }
0x18b: {  	[spmem:s3] =	stream.indirect.scatter.add.f32 [tilespmem:s17], [sflag:$0x4], $0x10, s12, s14, $0xb8;
	[tilespmem:$0x1F380] =	vst v63  }
0x18c: {  	_ =	swait.ge [sflag:s7], $0x800  }
0x18d: {  	s15 =	sld [smem:$0x7F9]  }
0x18e: {  	[sflag:s7] =	ssyncset.done $0x0  }
0x18f: {  	[sflag:s7] =	ssyncadd.s32 $0xFFFFF800  }
0x190: {  	[spmem:s3] =	stream.indirect.scatter.add.f32 [tilespmem:s2], [sflag:$0x4], $0x10, s15, s14, $0xb8;
	[tilespmem:$0x1F380] =	vst v63  }
0x191: {  	_ =	swait.ge [sflag:s7], $0x800  }
0x192: {  	s12 =	sld [smem:$0x7FA]  }
0x193: {  	[sflag:s7] =	ssyncset.done $0x0  }
0x194: {  	[sflag:s7] =	ssyncadd.s32 $0xFFFFF800  }
0x195: {  	[spmem:s3] =	stream.indirect.scatter.add.f32 [tilespmem:s0], [sflag:$0x4], $0x10, s12, s14, $0xb8;
	[tilespmem:$0x1F380] =	vst v63  }
0x196: {  	_ =	swait.ge [sflag:s7], $0x800  }
0x197: {  	s25 =	sadd.s32 $0x140, s25;
	s15 =	sld [smem:$0x7FB]  }
0x198: {  	p0 =	sne.s32 s25, $0x30C0;
	[sflag:s7] =	ssyncset.done $0x0  }
.Ltmp3:
0x199: {  	[sflag:s7] =	ssyncadd.s32 $0xFFFFF800;
	(pc) =	sbr.rel @p0 .LBB2_8-.Ltmp3, $4  }
0x19a: {  	[spmem:s3] =	stream.indirect.scatter.add.f32 [tilespmem:s5], [sflag:$0x4], $0x10, s15, s14, $0xb8;
	[tilespmem:$0x1F380] =	vst v63  }
0x19b: {  	_ =	swait.ge [sflag:s7], $0x800  }
0x19c: {  	[sflag:s7] =	ssyncset.done $0x0;
	s15 =	sld [smem:$0x7FC]  }
0x19d: {  	s18 =	simm.s32 $0xA00;
	s9 =	rddreg [dreg:$0x6];
	[sflag:s7] =	ssyncadd.s32 $0xFFFFF800  }
0x19e: {  	_ = 	snop  }
0x19f: {  	[spmem:s3] =	stream.indirect.scatter.add.f32 [tilespmem:s6], [sflag:$0x4], $0x10, s15, s14, $0xb8;
	[tilespmem:$0x1F380] =	vst v63  }
0x1a0: {  	s12 =	rddreg [dreg:$0x7];
	s9 =	sadd.s32 s10, s9  }
0x1a1: {  	[tilespmem:s19], [sflag:$0x6] =	stream.linear.gather [hbm4b:s9+s4], $0x500, $0x38;
	[tilespmem:$0x1F380] =	vst v63  }
0x1a2: {  	s25 =	sadd.s32 s10, s12  }
0x1a3: {  	[tilespmem:s20], [sflag:$0x6] =	stream.linear.gather [hbm4b:s25+s4], $0x500, $0x38;
	[tilespmem:$0x1F380] =	vst v63  }
0x1a4: {  	_ =	swait.ge [sflag:s21], $0x500  }
0x1a5: {  	[sflag:s21] =	ssyncset.done $0x0  }
0x1a6: {  	[sflag:s21] =	ssyncadd.s32 $0xFFFFFB00  }
0x1a7: {  	_ =	swait.ge [sflag:s21], $0x500  }
0x1a8: {  	[sflag:s21] =	ssyncset.done $0x0  }
0x1a9: {  	[sflag:s21] =	ssyncadd.s32 $0xFFFFFB00  }
0x1aa: {  	_ =	swait.ge [sflag:s22], $0x2800  }
0x1ab: {  	[sflag:s22] =	ssyncset.done $0x0  }
0x1ac: {  	[sflag:s22] =	ssyncadd.s32 $0xFFFFD800  }
0x1ad: {  	[tilespmem:s16], [sflag:$0x1] =	stream.indirect.gather [hbm4b:s1+s14], $0x10, s4, s14, $0xb8;
	[tilespmem:$0x1F380] =	vst v63  }
0x1ae: {  	_ = 	snop  }
0x1af: {  	[tilespmem:s23], [sflag:$0x1] =	stream.indirect.gather [hbm4b:s1+s14], $0x10, s14, s14, $0xb8;
	[tilespmem:$0x1F380] =	vst v63  }
0x1b0: {  	s12 =	rddreg [dreg:$0x8]  }
0x1b1: {  	[tilespmem:s24], [sflag:$0x1] =	stream.indirect.gather [hbm4b:s1+s14], $0x10, s12, s14, $0xb8;
	[tilespmem:$0x1F380] =	vst v63  }
0x1b2: {  	s15 =	rddreg [dreg:$0x9]  }
0x1b3: {  	[tilespmem:s26], [sflag:$0x1] =	stream.indirect.gather [hbm4b:s1+s14], $0x10, s15, s14, $0xb8;
	[tilespmem:$0x1F380] =	vst v63  }
0x1b4: {  	s25 =	rddreg [dreg:$0xa]  }
0x1b5: {  	[tilespmem:s28], [sflag:$0x1] =	stream.indirect.gather [hbm4b:s1+s14], $0x10, s25, s14, $0xb8;
	[tilespmem:$0x1F380] =	vst v63  }
0x1b6: {  	_ =	swait.ge [sflag:s29], $0x800  }
0x1b7: {  	[sflag:s29] =	ssyncset.done $0x0  }
0x1b8: {  	[sflag:s29] =	ssyncadd.s32 $0xFFFFF800  }
0x1b9: {  	[spmem:s3] =	stream.indirect.scatter.add.f32 [tilespmem:s16], [sflag:$0x3], $0x10, s18, s14, $0xb8;
	[tilespmem:$0x1F380] =	vst v63  }
0x1ba: {  	_ =	swait.ge [sflag:s29], $0x800  }
0x1bb: {  	[sflag:s29] =	ssyncset.done $0x0  }
0x1bc: {  	[sflag:s29] =	ssyncadd.s32 $0xFFFFF800  }
0x1bd: {  	[spmem:s3] =	stream.indirect.scatter.add.f32 [tilespmem:s23], [sflag:$0x3], $0x10, s30, s14, $0xb8;
	[tilespmem:$0x1F380] =	vst v63  }
0x1be: {  	_ =	swait.ge [sflag:s29], $0x800  }
0x1bf: {  	[sflag:s29] =	ssyncset.done $0x0  }
0x1c0: {  	s12 =	rddreg [dreg:$0xb];
	[sflag:s29] =	ssyncadd.s32 $0xFFFFF800  }
0x1c1: {  	[spmem:s3] =	stream.indirect.scatter.add.f32 [tilespmem:s24], [sflag:$0x3], $0x10, s12, s14, $0xb8;
	[tilespmem:$0x1F380] =	vst v63  }
0x1c2: {  	_ =	swait.ge [sflag:s29], $0x800  }
0x1c3: {  	[sflag:s29] =	ssyncset.done $0x0  }
0x1c4: {  	s15 =	rddreg [dreg:$0xc];
	[sflag:s29] =	ssyncadd.s32 $0xFFFFF800  }
0x1c5: {  	[spmem:s3] =	stream.indirect.scatter.add.f32 [tilespmem:s26], [sflag:$0x3], $0x10, s15, s14, $0xb8;
	[tilespmem:$0x1F380] =	vst v63  }
0x1c6: {  	_ =	swait.ge [sflag:s29], $0x800  }
0x1c7: {  	[sflag:s29] =	ssyncset.done $0x0  }
0x1c8: {  	s25 =	rddreg [dreg:$0xd];
	[sflag:s29] =	ssyncadd.s32 $0xFFFFF800  }
0x1c9: {  	[spmem:s3] =	stream.indirect.scatter.add.f32 [tilespmem:s28], [sflag:$0x3], $0x10, s25, s14, $0xb8;
	[tilespmem:$0x1F380] =	vst v63  }
0x1ca: {  	_ =	swait.ge [sflag:s31], $0x2800  }
0x1cb: {  	[sflag:s31] =	ssyncset.done $0x0  }
0x1cc: {  	s12 =	rddreg [dreg:$0xe];
	[sflag:s31] =	ssyncadd.s32 $0xFFFFD800  }
0x1cd: {  	[tilespmem:s17], [sflag:$0x2] =	stream.indirect.gather [hbm4b:s1+s14], $0x10, s12, s14, $0xb8;
	[tilespmem:$0x1F380] =	vst v63  }
0x1ce: {  	s15 =	rddreg [dreg:$0xf]  }
0x1cf: {  	[tilespmem:s2], [sflag:$0x2] =	stream.indirect.gather [hbm4b:s1+s14], $0x10, s15, s14, $0xb8;
	[tilespmem:$0x1F380] =	vst v63  }
0x1d0: {  	s25 =	rddreg [dreg:$0x10]  }
0x1d1: {  	[tilespmem:s0], [sflag:$0x2] =	stream.indirect.gather [hbm4b:s1+s14], $0x10, s25, s14, $0xb8;
	[tilespmem:$0x1F380] =	vst v63  }
0x1d2: {  	s15 =	rddreg [dreg:$0x11]  }
0x1d3: {  	[tilespmem:s5], [sflag:$0x2] =	stream.indirect.gather [hbm4b:s1+s14], $0x10, s15, s14, $0xb8;
	[tilespmem:$0x1F380] =	vst v63  }
0x1d4: {  	s25 =	rddreg [dreg:$0x12]  }
0x1d5: {  	[tilespmem:s6], [sflag:$0x2] =	stream.indirect.gather [hbm4b:s1+s14], $0x10, s25, s14, $0xb8;
	[tilespmem:$0x1F380] =	vst v63  }
0x1d6: {  	_ =	swait.ge [sflag:s7], $0x800  }
0x1d7: {  	[sflag:s7] =	ssyncset.done $0x0  }
0x1d8: {  	s15 =	rddreg [dreg:$0x13];
	[sflag:s7] =	ssyncadd.s32 $0xFFFFF800  }
0x1d9: {  	[spmem:s3] =	stream.indirect.scatter.add.f32 [tilespmem:s17], [sflag:$0x4], $0x10, s15, s14, $0xb8;
	[tilespmem:$0x1F380] =	vst v63  }
0x1da: {  	_ =	swait.ge [sflag:s7], $0x800  }
0x1db: {  	[sflag:s7] =	ssyncset.done $0x0  }
0x1dc: {  	s25 =	rddreg [dreg:$0x14];
	[sflag:s7] =	ssyncadd.s32 $0xFFFFF800  }
0x1dd: {  	[spmem:s3] =	stream.indirect.scatter.add.f32 [tilespmem:s2], [sflag:$0x4], $0x10, s25, s14, $0xb8;
	[tilespmem:$0x1F380] =	vst v63  }
0x1de: {  	_ =	swait.ge [sflag:s7], $0x800  }
0x1df: {  	[sflag:s7] =	ssyncset.done $0x0  }
0x1e0: {  	s12 =	rddreg [dreg:$0x15];
	[sflag:s7] =	ssyncadd.s32 $0xFFFFF800  }
0x1e1: {  	[spmem:s3] =	stream.indirect.scatter.add.f32 [tilespmem:s0], [sflag:$0x4], $0x10, s12, s14, $0xb8;
	[tilespmem:$0x1F380] =	vst v63  }
0x1e2: {  	_ =	swait.ge [sflag:s7], $0x800  }
0x1e3: {  	[sflag:s7] =	ssyncset.done $0x0  }
0x1e4: {  	s15 =	rddreg [dreg:$0x16];
	[sflag:s7] =	ssyncadd.s32 $0xFFFFF800  }
0x1e5: {  	[spmem:s3] =	stream.indirect.scatter.add.f32 [tilespmem:s5], [sflag:$0x4], $0x10, s15, s14, $0xb8;
	[tilespmem:$0x1F380] =	vst v63  }
0x1e6: {  	_ =	swait.ge [sflag:s7], $0x800  }
0x1e7: {  	s25 =	rddreg [dreg:$0x17];
	[sflag:s7] =	ssyncset.done $0x0  }
0x1e8: {  	p0 =	seq.s32 s10, $0x2F80;
	s12 =	rddreg [dreg:$0x4];
	[sflag:s7] =	ssyncadd.s32 $0xFFFFF800  }
0x1e9: {  	[spmem:s3] =	stream.indirect.scatter.add.f32 [tilespmem:s6], [sflag:$0x4], $0x10, s25, s14, $0xb8;
	[tilespmem:$0x1F380] =	vst v63  }
0x1ea: {  	s15 =	rddreg [dreg:$0x5];
	s9 =	sadd.s32 @!p0 s10, s12;
	s12 =	simm.s32 @!p0 $0x0  }
0x1eb: {  	[tilespmem:s12], [sflag:$0x5] =	stream.linear.gather @!p0 [hbm4b:s9+s12], $0x500, $0x38;
	[tilespmem:$0x1F380] =	vst v63  }
0x1ec: {  	s9 =	sadd.s32 @!p0 s10, s15;
	s10 =	simm.s32 @!p0 $0xA00  }
0x1ed: {  	[tilespmem:s10], [sflag:$0x5] =	stream.linear.gather @!p0 [hbm4b:s9+s12], $0x500, $0x38;
	[tilespmem:$0x1F380] =	vst v63  }
0x1ee: {  	_ =	swait.ge [sflag:s8], $0x500  }
0x1ef: {  	[sflag:s8] =	ssyncset.done $0x0  }
0x1f0: {  	[sflag:s8] =	ssyncadd.s32 $0xFFFFFB00  }
0x1f1: {  	_ =	swait.ge [sflag:s8], $0x500  }
0x1f2: {  	[sflag:s8] =	ssyncset.done $0x0  }
0x1f3: {  	[sflag:s8] =	ssyncadd.s32 $0xFFFFFB00  }
0x1f4: {  	_ =	swait.ge [sflag:s22], $0x2800  }
0x1f5: {  	[sflag:s22] =	ssyncset.done $0x0  }
0x1f6: {  	[sflag:s22] =	ssyncadd.s32 $0xFFFFD800  }
0x1f7: {  	[tilespmem:s16], [sflag:$0x1] =	stream.indirect.gather [hbm4b:s1+s14], $0x10, s19, s14, $0xb8;
	[tilespmem:$0x1F380] =	vst v63  }
0x1f8: {  	s10 =	rddreg [dreg:$0x18]  }
0x1f9: {  	[tilespmem:s23], [sflag:$0x1] =	stream.indirect.gather [hbm4b:s1+s14], $0x10, s10, s14, $0xb8;
	[tilespmem:$0x1F380] =	vst v63  }
0x1fa: {  	s12 =	rddreg [dreg:$0x19]  }
0x1fb: {  	[tilespmem:s24], [sflag:$0x1] =	stream.indirect.gather [hbm4b:s1+s14], $0x10, s12, s14, $0xb8;
	[tilespmem:$0x1F380] =	vst v63  }
0x1fc: {  	s15 =	rddreg [dreg:$0x1a]  }
0x1fd: {  	[tilespmem:s26], [sflag:$0x1] =	stream.indirect.gather [hbm4b:s1+s14], $0x10, s15, s14, $0xb8;
	[tilespmem:$0x1F380] =	vst v63  }
0x1fe: {  	s25 =	rddreg [dreg:$0x1b]  }
0x1ff: {  	[tilespmem:s28], [sflag:$0x1] =	stream.indirect.gather [hbm4b:s1+s14], $0x10, s25, s14, $0xb8;
	[tilespmem:$0x1F380] =	vst v63  }
0x200: {  	_ =	swait.ge [sflag:s29], $0x800  }
0x201: {  	[sflag:s29] =	ssyncset.done $0x0  }
0x202: {  	[sflag:s29] =	ssyncadd.s32 $0xFFFFF800  }
0x203: {  	[spmem:s3] =	stream.indirect.scatter.add.f32 [tilespmem:s16], [sflag:$0x3], $0x10, s20, s14, $0xb8;
	[tilespmem:$0x1F380] =	vst v63  }
0x204: {  	_ =	swait.ge [sflag:s29], $0x800  }
0x205: {  	[sflag:s29] =	ssyncset.done $0x0  }
0x206: {  	s10 =	rddreg [dreg:$0x1c];
	[sflag:s29] =	ssyncadd.s32 $0xFFFFF800  }
0x207: {  	[spmem:s3] =	stream.indirect.scatter.add.f32 [tilespmem:s23], [sflag:$0x3], $0x10, s10, s14, $0xb8;
	[tilespmem:$0x1F380] =	vst v63  }
0x208: {  	_ =	swait.ge [sflag:s29], $0x800  }
0x209: {  	[sflag:s29] =	ssyncset.done $0x0  }
0x20a: {  	s12 =	rddreg [dreg:$0x1d];
	[sflag:s29] =	ssyncadd.s32 $0xFFFFF800  }
0x20b: {  	[spmem:s3] =	stream.indirect.scatter.add.f32 [tilespmem:s24], [sflag:$0x3], $0x10, s12, s14, $0xb8;
	[tilespmem:$0x1F380] =	vst v63  }
0x20c: {  	_ =	swait.ge [sflag:s29], $0x800  }
0x20d: {  	[sflag:s29] =	ssyncset.done $0x0  }
0x20e: {  	s15 =	rddreg [dreg:$0x1e];
	[sflag:s29] =	ssyncadd.s32 $0xFFFFF800  }
0x20f: {  	[spmem:s3] =	stream.indirect.scatter.add.f32 [tilespmem:s26], [sflag:$0x3], $0x10, s15, s14, $0xb8;
	[tilespmem:$0x1F380] =	vst v63  }
0x210: {  	_ =	swait.ge [sflag:s29], $0x800  }
0x211: {  	[sflag:s29] =	ssyncset.done $0x0  }
0x212: {  	s25 =	rddreg [dreg:$0x1f];
	[sflag:s29] =	ssyncadd.s32 $0xFFFFF800  }
0x213: {  	[spmem:s3] =	stream.indirect.scatter.add.f32 [tilespmem:s28], [sflag:$0x3], $0x10, s25, s14, $0xb8;
	[tilespmem:$0x1F380] =	vst v63  }
0x214: {  	_ =	swait.ge [sflag:s31], $0x2800  }
0x215: {  	s10 =	sld [smem:$0x7F3]  }
0x216: {  	[sflag:s31] =	ssyncset.done $0x0  }
0x217: {  	s12 =	sld [smem:$0x7F4];
	[sflag:s31] =	ssyncadd.s32 $0xFFFFD800  }
0x218: {  	[tilespmem:s17], [sflag:$0x2] =	stream.indirect.gather [hbm4b:s1+s14], $0x10, s10, s14, $0xb8;
	[tilespmem:$0x1F380] =	vst v63  }
0x219: {  	s15 =	sld [smem:$0x7F5]  }
0x21a: {  	[tilespmem:s2], [sflag:$0x2] =	stream.indirect.gather [hbm4b:s1+s14], $0x10, s12, s14, $0xb8;
	[tilespmem:$0x1F380] =	vst v63  }
0x21b: {  	s25 =	sld [smem:$0x7F6]  }
0x21c: {  	[tilespmem:s0], [sflag:$0x2] =	stream.indirect.gather [hbm4b:s1+s14], $0x10, s15, s14, $0xb8;
	[tilespmem:$0x1F380] =	vst v63  }
0x21d: {  	s12 =	sld [smem:$0x7F7]  }
0x21e: {  	[tilespmem:s5], [sflag:$0x2] =	stream.indirect.gather [hbm4b:s1+s14], $0x10, s25, s14, $0xb8;
	[tilespmem:$0x1F380] =	vst v63  }
0x21f: {  	_ = 	snop  }
0x220: {  	[tilespmem:s6], [sflag:$0x2] =	stream.indirect.gather [hbm4b:s1+s14], $0x10, s12, s14, $0xb8;
	[tilespmem:$0x1F380] =	vst v63  }
0x221: {  	_ =	swait.ge [sflag:s7], $0x800  }
0x222: {  	s15 =	sld [smem:$0x7F8]  }
0x223: {  	[sflag:s7] =	ssyncset.done $0x0  }
0x224: {  	[sflag:s7] =	ssyncadd.s32 $0xFFFFF800  }
0x225: {  	[spmem:s3] =	stream.indirect.scatter.add.f32 [tilespmem:s17], [sflag:$0x4], $0x10, s15, s14, $0xb8;
	[tilespmem:$0x1F380] =	vst v63  }
0x226: {  	_ =	swait.ge [sflag:s7], $0x800  }
0x227: {  	s25 =	sld [smem:$0x7F9]  }
0x228: {  	[sflag:s7] =	ssyncset.done $0x0  }
0x229: {  	[sflag:s7] =	ssyncadd.s32 $0xFFFFF800  }
0x22a: {  	[spmem:s3] =	stream.indirect.scatter.add.f32 [tilespmem:s2], [sflag:$0x4], $0x10, s25, s14, $0xb8;
	[tilespmem:$0x1F380] =	vst v63  }
0x22b: {  	_ =	swait.ge [sflag:s7], $0x800  }
0x22c: {  	s10 =	sld [smem:$0x7FA]  }
0x22d: {  	[sflag:s7] =	ssyncset.done $0x0  }
0x22e: {  	[sflag:s7] =	ssyncadd.s32 $0xFFFFF800  }
0x22f: {  	[spmem:s3] =	stream.indirect.scatter.add.f32 [tilespmem:s0], [sflag:$0x4], $0x10, s10, s14, $0xb8;
	[tilespmem:$0x1F380] =	vst v63  }
0x230: {  	_ =	swait.ge [sflag:s7], $0x800  }
0x231: {  	s12 =	sld [smem:$0x7FB]  }
0x232: {  	[sflag:s7] =	ssyncset.done $0x0  }
0x233: {  	[sflag:s7] =	ssyncadd.s32 $0xFFFFF800  }
0x234: {  	[spmem:s3] =	stream.indirect.scatter.add.f32 [tilespmem:s5], [sflag:$0x4], $0x10, s12, s14, $0xb8;
	[tilespmem:$0x1F380] =	vst v63  }
0x235: {  	_ =	swait.ge [sflag:s7], $0x800  }
0x236: {  	s15 =	sld [smem:$0x7FC]  }
0x237: {  	[sflag:s7] =	ssyncset.done $0x0  }
0x238: {  	[sflag:s7] =	ssyncadd.s32 $0xFFFFF800  }
0x239: {  	[spmem:s3] =	stream.indirect.scatter.add.f32 [tilespmem:s6], [sflag:$0x4], $0x10, s15, s14, $0xb8;
	[tilespmem:$0x1F380] =	vst v63  }
0x23a: {  	_ =	swait.ge [sflag:s22], $0x2800  }
0x23b: {  	[sflag:s22] =	ssyncset.done $0x0  }
0x23c: {  	[sflag:s22] =	ssyncadd.s32 $0xFFFFD800  }
0x23d: {  	_ =	swait.ge [sflag:s31], $0x2800  }
0x23e: {  	s25 =	sld [smem:$0x7EF]  }
0x23f: {  	[sflag:s31] =	ssyncset.done $0x0  }
0x240: {  	[sflag:s31] =	ssyncadd.s32 $0xFFFFD800  }
0x241: {  	[tilespmem:s4], [sflag:$0x7] =	stream.linear.gather [hbm4b:s25+s4], $0x100, $0x38;
	[tilespmem:$0x1F380] =	vst v63  }
0x242: {  	_ =	swait.ge [sflag:s13], $0x100  }
0x243: {  	s10 =	sld [smem:$0x7F0]  }
0x244: {  	[sflag:s13] =	ssyncset.done $0x0  }
0x245: {  	[sflag:s13] =	ssyncadd.s32 $0xFFFFFF00  }
0x246: {  	[tilespmem:s18], [sflag:$0x7] =	stream.linear.gather [hbm4b:s10+s4], $0x100, $0x38;
	[tilespmem:$0x1F380] =	vst v63  }
0x247: {  	_ =	swait.ge [sflag:s13], $0x100  }
0x248: {  	[sflag:s13] =	ssyncset.done $0x0  }
0x249: {  	[sflag:s13] =	ssyncadd.s32 $0xFFFFFF00  }
0x24a: {  	[tilespmem:s16], [sflag:$0x1] =	stream.indirect.gather [hbm4b:s1+s14], $0x10, s4, s14, $0xb8;
	[tilespmem:$0x1F380] =	vst v63  }
0x24b: {  	_ =	swait.ge [sflag:s29], $0x800  }
0x24c: {  	[sflag:s29] =	ssyncset.done $0x0  }
0x24d: {  	[sflag:s29] =	ssyncadd.s32 $0xFFFFF800  }
0x24e: {  	[spmem:s3] =	stream.indirect.scatter.add.f32 [tilespmem:s16], [sflag:$0x3], $0x10, s18, s14, $0xb8;
	[tilespmem:$0x1F380] =	vst v63  }
0x24f: {  	_ =	swait.ge [sflag:s22], $0x800  }
0x250: {  	[sflag:s22] =	ssyncset.done $0x0  }
0x251: {  	[sflag:s22] =	ssyncadd.s32 $0xFFFFF800  }
0x252: {  	[tilespmem:s16], [sflag:$0x1] =	stream.indirect.gather [hbm4b:s1+s14], $0x10, s14, s14, $0xb8;
	[tilespmem:$0x1F380] =	vst v63  }
0x253: {  	_ =	swait.ge [sflag:s29], $0x800  }
0x254: {  	[sflag:s29] =	ssyncset.done $0x0  }
0x255: {  	[sflag:s29] =	ssyncadd.s32 $0xFFFFF800  }
0x256: {  	[spmem:s3] =	stream.indirect.scatter.add.f32 [tilespmem:s16], [sflag:$0x3], $0x10, s30, s14, $0xb8;
	[tilespmem:$0x1F380] =	vst v63  }
0x257: {  	_ =	swait.ge [sflag:s22], $0x800  }
0x258: {  	[sflag:s22] =	ssyncset.done $0x0  }
0x259: {  	[sflag:s22] =	ssyncadd.s32 $0xFFFFF800  }
0x25a: {  	[bflag:$0x0] =	sbarrier.arrive $0xFFFF  }
0x25b: {  	s15 =	sld [smem:$0x7F1]  }
0x25c: {  	s12 =	stileid.u32;
	s25 =	sld [smem:$0x7FD]  }
0x25d: {  	s9 =	sshll.u32 s12, $0x6  }
0x25e: {  	s9 =	sor.u32 $0x1C07, s9  }
0x25f: {  	[hbm:s15], [sflag:s9] =	dma.local [spmem:s25], $0x30D4  }
0x260: {  	_ =	swait.ge [sflag:s13], $0x30D4  }
0x261: {  	s15 =	sld [smem:$0x7EC]  }
0x262: {  	s25 =	sld [smem:$0x7F2];
	_ =	sdelay $0x1  }
0x263: {  	s10 =	sadd.s32 $0x1, s15  }
0x264: {  	p0 =	sne.s32 s10, s25  }
.Ltmp4:
0x265: {  	_ = 	snop;
	(pc) =	sbr.rel @p0 .LBB2_1-.Ltmp4, $3  }
0x266: {  	_ =	sdelay $0x1  }
0x267: {  	[sflag:s13] =	ssyncset.done $0x0  }
0x268: {  	s12 =	simm.s32 $0x6480;
	[sflag:s13] =	ssyncadd.s32 $0xFFFFCF2C  }
0x269: {  	_ =	sfence.sel $0x180000  }
0x26a: {  	[bflag:$0x0] =	sbarrier.arrive $0xFFFF  }
0x26b: {  	_ =	strace $0x9000004A  }
0x26c: {  	s0 =	stileid.u32;
	[bflag:$0x2] =	sbarrier.arrive $0xFFFF  }
0x26d: {  	p0 =	sne.s32 s0, $0x0;
	s0 =	rddreg [dreg:$0x3]  }
0x26e: {  	s0 =	sadd.s32 @!p0 $0x100000, s0  }
0x26f: {  	[sflag:s0] =	ssyncadd.tile.s32 @!p0 $0x1;
	_ =	shalt  }
.Lfunc_end2:
_tile_overlayer_lowered:
.L_overlay_start_2:
0x270: {  	(tag) =	ssettag $0x2  }
0x271: {  	s0 =	rddreg [dreg:$0x0];
	s2 =	stileid.u32  }
0x272: {  	s1 =	rddreg [dreg:$0x1];
	p0 =	sne.s32 s2, $0x0  }
0x273: {  	s3 =	rddreg [dreg:$0x2];
	[bflag:$0x3] =	sbarrier.arrive $0xFFFF;
	s2 =	simm.s32 @!p0 $0x1C07  }
0x274: {  	[timem:s3], [sflag:s2] =	dma.local @!p0 [hbm:s0], s1  }
0x275: {  	s0 =	simm.s32 @!p0 $0x7  }
0x276: {  	_ =	swait.ge @!p0 [sflag:s0], s1  }
0x277: {  	s1 =	ssub.s32 @!p0 $0x0, s1;
	[sflag:s0] =	ssyncset.done @!p0 $0x0  }
0x278: {  	[sflag:s0] =	ssyncadd.s32 @!p0 s1  }
0x279: {  	[bflag:$0x3] =	sbarrier.arrive $0xFFFF  }
0x27a: {  	_ =	shalt  }

// kernel: kernel.17.cloned.1.call-start
scs
__scs_entry_jumppad:
0x0: {  	(pc) =	sbr.rel $0x88, $3  }
0x1: {  	(tag) =	ssettag $0x0;
	lr =	simm.s32 $0x1  }
0x2: {  	[smem:$0x3F92] =	sst lr;
	_ =	strace $0xD0000000  }
0x3: {  	_ = 	snop  }
0x4: {  	_ = 	snop  }
0x5: {  	_ = 	snop  }
0x6: {  	_ = 	snop  }
0x7: {  	_ = 	snop  }
__scs_overlays_trampoline_lowered:
0x8: {  	[smem:$0x3FA1] =	sst s0  }
0x9: {  	[smem:$0x3FA2] =	sst s1  }
0xa: {  	[smem:$0x3FA3] =	sst s2  }
0xb: {  	[smem:$0x3FA4] =	sst s3  }
0xc: {  	[smem:$0x3FA5] =	sst s4  }
0xd: {  	[smem:$0x3FA6] =	sst s5  }
0xe: {  	[smem:$0x3FA7] =	sst s6  }
0xf: {  	[smem:$0x3FA8] =	sst s7  }
0x10: {  	[smem:$0x3FA9] =	sst s8  }
0x11: {  	[smem:$0x3FAA] =	sst s9;
	s0 =	simm.s32 @!p0 $0x0  }
0x12: {  	s1 =	sld [smem:$0x3F90];
	s0 =	simm.s32 @p0 $0x1  }
0x13: {  	[smem:$0x3FAB] =	sst s0;
	s0 =	simm.s32 @!p1 $0x0  }
0x14: {  	s2 =	sld [smem:$0x3F8F];
	s0 =	simm.s32 @p1 $0x1  }
0x15: {  	[smem:$0x3FAC] =	sst s0;
	s0 =	simm.s32 @!p2 $0x0  }
0x16: {  	s3 =	sld [smem:$0x3FDB];
	s0 =	simm.s32 @p2 $0x1  }
0x17: {  	s4 =	simm.s32 $0x1BF5;
	[smem:$0x3FAE] =	sst s0  }
0x18: {  	s0 =	sld [smem:$0x3F91];
	_ =	swait.ge [sflag:s4], $0x0  }
0x19: {  	s7 =	sld [smem:$0x3F92]  }
0x1a: {  	s8 =	sadd.s32 $0xFFFFE003, lr  }
0x1b: {  	s9 =	sadd.s32 $0xFFFFFEF7, lr;
	s5 =	simm.s32 $0xFFFFFFFF;
	p2 =	slt.u32 s8, $0xFFFFF086  }
0x1c: {  	p1 =	slt.u32 s9, $0xF7A;
	s5 =	simm.s32 @!p2 $0x0  }
0x1d: {  	s5 =	simm.s32 @p1 $0x1;
	p0 =	seq.s32 s7, s2  }
0x1e: {  	s7 =	smul.u32 @!p0 $0xF7A, s2;
	p2 =	seq.s32 @!p0 s5, $0x0  }
0x1f: {  	s9 =	smul.u32 $0xF7A, s1;
	s8 =	simm.s32 @!p0 $0x1BF5;
	p2 =	por !p2, p0  }
0x20: {  	[sflag:s8] =	ssyncset.s32 @!p0 $0xFFFFF086;
	s6 =	sadd.s32 @!p0 s3, s7;
	s7 =	simm.s32 @!p0 $0x108  }
0x21: {  	s3 =	sadd.s32 s3, s9;
	s6 =	sadd.s32 @!p0 $0x88, s6;
	s7 =	simm.s32 @p2 $0x1082  }
0x22: {  	[simem:s7], [sflag:s8] =	dma.local @!p0 [hbm:s6], $0xF7A  }
0x23: {  	s9 =	sor.u32 $0xD0000000, s2;
	s6 =	simm.s32 $0x108;
	_ =	swait.ge @!p0 [sflag:s8], $0x0  }
0x24: {  	s3 =	sadd.s32 $0x88, s3;
	s6 =	simm.s32 @!p1 $0x1082;
	[sflag:s4] =	ssyncset.s32 $0xFFFFF086  }
0x25: {  	[simem:s6], [sflag:s4] =	dma.local [hbm:s3], $0xF7A  }
0x26: {  	[smem:$0x3F92] =	sst s1;
	(tag) =	ssettag s2;
	_ =	strace s9  }
0x27: {  	s1 =	sld [smem:$0x3FA2]  }
0x28: {  	s2 =	sld [smem:$0x3FA3]  }
0x29: {  	s4 =	sld [smem:$0x3FA5]  }
0x2a: {  	p0 =	seq.s32 s5, $0x0;
	s5 =	sld [smem:$0x3FA6]  }
0x2b: {  	s6 =	sld [smem:$0x3FA7]  }
0x2c: {  	s7 =	sld [smem:$0x3FA8]  }
0x2d: {  	s3 =	simm.s32 $0x108;
	s8 =	sld [smem:$0x3FA9]  }
0x2e: {  	s3 =	simm.s32 @!p0 $0x1082;
	s9 =	sld [smem:$0x3FAA]  }
0x2f: {  	lr =	sadd.s32 s0, s3;
	s0 =	sld [smem:$0x3FA1]  }
0x30: {  	s3 =	sld [smem:$0x3FA4]  }
0x31: {  	[smem:$0x3FAD] =	sst s10  }
0x32: {  	s10 =	sld [smem:$0x3FAB];
	_ =	sdelay $0x3  }
0x33: {  	p0 =	seq.s32 s10, $0x1;
	s10 =	sld [smem:$0x3FAD];
	_ =	sdelay $0x3  }
0x34: {  	[smem:$0x3FAD] =	sst s10  }
0x35: {  	s10 =	sld [smem:$0x3FAC];
	_ =	sdelay $0x3  }
0x36: {  	p1 =	seq.s32 s10, $0x1;
	s10 =	sld [smem:$0x3FAD];
	_ =	sdelay $0x3  }
0x37: {  	[smem:$0x3FAD] =	sst s10  }
0x38: {  	s10 =	sld [smem:$0x3FAE]  }
0x39: {  	_ = 	snop;
	(pc) =	sbr.ind lr, $3  }
0x3a: {  	_ = 	snop  }
0x3b: {  	_ = 	snop  }
0x3c: {  	p2 =	seq.s32 s10, $0x1;
	s10 =	sld [smem:$0x3FAD]  }
0x3d: {  	_ =	shalt  }
0x3e: {  	_ =	shalt  }
0x3f: {  	_ =	shalt  }
0x40: {  	_ =	shalt  }
0x41: {  	_ =	shalt  }
0x42: {  	_ =	shalt  }
0x43: {  	_ =	shalt  }
0x44: {  	_ =	shalt  }
0x45: {  	_ =	shalt  }
0x46: {  	_ =	shalt  }
0x47: {  	_ =	shalt  }
0x48: {  	_ =	shalt  }
0x49: {  	_ =	shalt  }
0x4a: {  	_ =	shalt  }
0x4b: {  	_ =	shalt  }
0x4c: {  	_ =	shalt  }
0x4d: {  	_ =	shalt  }
0x4e: {  	_ =	shalt  }
0x4f: {  	_ =	shalt  }
0x50: {  	_ =	shalt  }
0x51: {  	_ =	shalt  }
0x52: {  	_ =	shalt  }
0x53: {  	_ =	shalt  }
0x54: {  	_ =	shalt  }
0x55: {  	_ =	shalt  }
0x56: {  	_ =	shalt  }
0x57: {  	_ =	shalt  }
0x58: {  	_ =	shalt  }
0x59: {  	_ =	shalt  }
0x5a: {  	_ =	shalt  }
0x5b: {  	_ =	shalt  }
0x5c: {  	_ =	shalt  }
0x5d: {  	_ =	shalt  }
0x5e: {  	_ =	shalt  }
0x5f: {  	_ =	shalt  }
0x60: {  	_ =	shalt  }
0x61: {  	_ =	shalt  }
0x62: {  	_ =	shalt  }
0x63: {  	_ =	shalt  }
0x64: {  	_ =	shalt  }
0x65: {  	_ =	shalt  }
0x66: {  	_ =	shalt  }
0x67: {  	_ =	shalt  }
0x68: {  	_ =	shalt  }
0x69: {  	_ =	shalt  }
0x6a: {  	_ =	shalt  }
0x6b: {  	_ =	shalt  }
0x6c: {  	_ =	shalt  }
0x6d: {  	_ =	shalt  }
0x6e: {  	_ =	shalt  }
0x6f: {  	_ =	shalt  }
0x70: {  	_ =	shalt  }
0x71: {  	_ =	shalt  }
0x72: {  	_ =	shalt  }
0x73: {  	_ =	shalt  }
0x74: {  	_ =	shalt  }
0x75: {  	_ =	shalt  }
0x76: {  	_ =	shalt  }
0x77: {  	_ =	shalt  }
0x78: {  	_ =	shalt  }
0x79: {  	_ =	shalt  }
0x7a: {  	_ =	shalt  }
0x7b: {  	_ =	shalt  }
0x7c: {  	_ =	shalt  }
0x7d: {  	_ =	shalt  }
0x7e: {  	_ =	shalt  }
0x7f: {  	_ =	shalt  }
0x80: {  	_ =	shalt  }
0x81: {  	_ =	shalt  }
0x82: {  	_ =	shalt  }
0x83: {  	_ =	shalt  }
0x84: {  	_ =	shalt  }
0x85: {  	_ =	shalt  }
0x86: {  	_ =	shalt  }
0x87: {  	_ =	shalt  }
.Lfunc_end0:
.L_simem_size_0:
called_computation.2_lowered:
.L_overlay_start_0:
0x88: {  	s2 =	sld [smem:$0x3FD9]  }
0x89: {  	s3 =	sld [smem:$0x3FFE];
	_ =	sdelay $0x1  }
0x8a: {  	s1 =	srdreg.scid  }
0x8b: {  	s0 =	sand.u32 $0x1, s1  }
0x8c: {  	s17 =	sshll.u32 s0, $0xA;
	s2 =	sadd.s32 s3, s2  }
0x8d: {  	s2 =	sadd.s32 s2, s17  }
0x8e: {  	[smem:$0x3FB9] =	sst s2  }
0x8f: {  	_ = 	snop  }
0x90: {  	s2 =	sld [smem:$0x3FD0];
	(tm) =	ssettm $0x1  }
0x91: {  	s18 =	sld [smem:$0x3FFB];
	_ =	sdelay $0x3  }
0x92: {  	_ =	strace s18  }
0x93: {  	s3 =	sld [smem:$0x3FFC];
	_ =	sdelay $0x3  }
0x94: {  	_ =	strace s3  }
0x95: {  	s3 =	sld [smem:$0x3FFD];
	_ =	sdelay $0x3  }
0x96: {  	_ =	strace s3  }
0x97: {  	_ =	strace $0x8FFFFFFF  }
0x98: {  	s19 =	sld [smem:$0x3FDB];
	_ =	sdelay $0x1  }
0x99: {  	s4 =	simm.s32 $_scs_section_size  }
0x9a: {  	s5 =	simm.s32 $_size__tile_overlayer_lowered;
	s6 =	simm.s32 $_tile_overlayer_lowered  }
0x9b: {  	s22 =	simm.s32 $0x1BFF;
	s21 =	sshll.u32 s6, $0x1;
	s3 =	sadd.s32 s4, s19  }
0x9c: {  	s7 =	simm.s32 $0x0;
	s20 =	sshll.u32 s5, $0x1;
	s5 =	sadd.s32 s21, s3  }
0x9d: {  	[timem:s7], [sflag:s22] =	dma.local [hbm:s5], s20  }
0x9e: {  	_ =	swait.ge [sflag:s22], s20  }
0x9f: {  	s4 =	ssub.s32 $0x0, s20;
	[sflag:s22] =	ssyncset.done $0x0  }
0xa0: {  	[sflag:s22] =	ssyncadd.s32 s4;
	_ =	sdelay $0x1  }
0xa1: {  	s23 =	simm.s32 $0x1B8B  }
0xa2: {  	_ =	swait.ge [sflag:s23], $0x1  }
0xa3: {  	[sflag:s23] =	ssyncset.done $0x0  }
0xa4: {  	s25 =	simm.s32 $0x1B8E;
	s24 =	sld [smem:$0x3FFE];
	[sflag:s23] =	ssyncadd.s32 $0xFFFFFFFF  }
0xa5: {  	s26 =	simm.s32 $execute0_lowered;
	[smem:$0x3FD2] =	sst s25  }
0xa6: {  	s5 =	sshll.u32 s26, $0x1;
	_ =	strace $0x8000004C;
	[dreg:$0x1] =	wrdreg $0xFFFFFFFF  }
0xa7: {  	s28 =	simm.s32 $_size_execute0_lowered;
	s3 =	sadd.s32 s3, s5;
	[dreg:$0x0] =	wrdreg $0x0  }
0xa8: {  	s5 =	sshll.u32 s28, $0x1;
	[dreg:$0x2] =	wrdreg s3  }
0xa9: {  	[dreg:$0x3] =	wrdreg s5  }
0xaa: {  	[dreg:$0x4] =	wrdreg $0xC0  }
0xab: {  	_ =	task [dreg:s7], $0x5FFFF  }
0xac: {  	[dreg:$0x1] =	wrdreg $0xFFFFFFFF  }
0xad: {  	[dreg:$0x0] =	wrdreg $0x60  }
0xae: {  	[dreg:$0x2] =	wrdreg s2  }
0xaf: {  	[dreg:$0x3] =	wrdreg s24  }
0xb0: {  	[dreg:$0x4] =	wrdreg $0x6CD00  }
0xb1: {  	[dreg:$0x5] =	wrdreg $0x9  }
0xb2: {  	_ =	task.clear_ibuf [dreg:s7], $0x6FFFF;
	_ =	strace $0x9000004C  }
0xb3: {  	s29 =	simm.s32 $0x9;
	_ =	strace $0x8000004E  }
0xb4: {  	_ =	swait.ge [sflag:s29], $0x1  }
0xb5: {  	[sflag:s29] =	ssyncadd.s32 $0xFFFFFFFF  }
0xb6: {  	_ =	strace $0x9000004E  }
0xb7: {  	_ =	sfence  }
0xb8: {  	s30 =	sld [smem:$0x0];
	_ =	sdelay $0x2  }
0xb9: {  	s31 =	sshll.u32 s1, $0xD;
	s1 =	sshrl.u32 s1, $0x2  }
0xba: {  	s3 =	sand.u32 $0x4000, s31;
	s1 =	sadd.s32 s1, s30  }
0xbb: {  	s0 =	sor.u32 s3, s0;
	s1 =	sshll.u32 s1, $0x11  }
0xbc: {  	s0 =	sor.u32 s1, s0  }
0xbd: {  	s0 =	sadd.s32 $0x8F2B, s0  }
0xbe: {  	[sflag:s0] =	ssyncadd.remote.s32 $0x1  }
0xbf: {  	_ =	sfence.sel $0xFFFF  }
0xc0: {  	[dreg:$0x0] =	wrdreg $0xFFFFFFFF;
	(pc) =	sbr.abs _section_cstart, $3  }
0xc1: {  	[dreg:$0x1] =	wrdreg $0xFFFFFFFF  }
0xc2: {  	_ =	task.clear_ibuf [dreg:s7], $0x2FFFF;
	_ =	strace $0x9FFFFFFF  }
0xc3: {  	(tm) =	ssettm $0x7FFFFFFF  }
tec
execute0_lowered:
.L_overlay_start_1:
0x0: {  	(tag) =	ssettag $0x1  }
0x1: {  	s1 =	rddreg [dreg:$0x0]  }
0x2: {  	s2 =	rddreg [dreg:$0x1]  }
0x3: {  	s0 =	srdreg.scid;
	s3 =	rddreg [dreg:$0x2];
	s4 =	simm.s32 $0x0  }
0x4: {  	s12 =	stileid.u32;
	s19 =	simm.s32 $0x100;
	[smem:$0x7FF] =	sst s4  }
0x5: {  	s20 =	simm.s32 $0x180;
	_ =	strace $0x8000004D;
	[dreg:$0x8] =	wrdreg s19  }
0x6: {  	s21 =	simm.s32 $0x200;
	s23 =	simm.s32 $0xB00;
	[dreg:$0x9] =	wrdreg s20  }
0x7: {  	s25 =	simm.s32 $0xB80;
	s26 =	simm.s32 $0xC00;
	[dreg:$0xa] =	wrdreg s21  }
0x8: {  	s13 =	simm.s32 $0x280;
	s14 =	simm.s32 $0x300;
	[dreg:$0xb] =	wrdreg s23  }
0x9: {  	s15 =	simm.s32 $0x380;
	s28 =	simm.s32 $0x3400;
	[dreg:$0xc] =	wrdreg s25  }
0xa: {  	s29 =	simm.s32 $0x1;
	s30 =	simm.s32 $0xA80;
	[dreg:$0xd] =	wrdreg s26  }
0xb: {  	s31 =	simm.s32 $0x4;
	s0 =	sand.u32 $0x1, s0;
	[dreg:$0xe] =	wrdreg s13  }
0xc: {  	s5 =	smul.u32 $0x61C, s12;
	s8 =	sadd.s32 $0x2B0000, s2;
	[dreg:$0xf] =	wrdreg s14  }
0xd: {  	s11 =	sshll.u32 s12, $0x1;
	[dreg:$0x10] =	wrdreg s15;
	s20 =	simm.s32 $0xC80  }
0xe: {  	s6 =	smul.u32 $0x30E, s0;
	s21 =	simm.s32 $0xD00;
	[dreg:$0x13] =	wrdreg s20  }
0xf: {  	s9 =	smul.u32 $0x186A00, s0;
	s23 =	simm.s32 $0xE00;
	[dreg:$0x14] =	wrdreg s21  }
0x10: {  	s22 =	ssub.s32 $0x2, s0;
	s25 =	simm.s32 $0x580;
	[dreg:$0x16] =	wrdreg s23  }
0x11: {  	s0 =	sor.u32 s0, s11;
	s13 =	simm.s32 $0x1000;
	[dreg:$0x18] =	wrdreg s25  }
0x12: {  	s14 =	simm.s32 $0x1080;
	s15 =	simm.s32 $0x1100;
	[dreg:$0x1d] =	wrdreg s13  }
0x13: {  	s24 =	sshrl.u32 s22, $0x1;
	s11 =	smul.u32 $0x30E0, s0;
	[dreg:$0x1e] =	wrdreg s14  }
0x14: {  	s0 =	smul.u32 $0x18700, s0;
	[dreg:$0x1f] =	wrdreg s15;
	s20 =	simm.s32 $0x980  }
0x15: {  	s13 =	simm.s32 $0x7;
	s21 =	simm.s32 $0x1180;
	[smem:$0x7F7] =	sst s20  }
0x16: {  	s23 =	simm.s32 $0x1280;
	s25 =	simm.s32 $0x1380;
	[smem:$0x7F8] =	sst s21  }
0x17: {  	s5 =	sadd.s32 s6, s5;
	s6 =	sadd.s32 $0x24E400, s2;
	[smem:$0x7FA] =	sst s23  }
0x18: {  	s14 =	simm.s32 $0x80;
	[smem:$0x7FC] =	sst s25;
	s16 =	sadd.s32 s6, s11  }
0x19: {  	s20 =	simm.s32 $0xF00;
	s19 =	sadd.s32 s8, s11;
	[smem:$0x7ED] =	sst s16  }
0x1a: {  	s21 =	simm.s32 $0x5;
	s11 =	simm.s32 $0x700;
	[smem:$0x7EE] =	sst s19  }
0x1b: {  	s5 =	sshll.u32 s5, $0x4;
	[dreg:$0x1b] =	wrdreg s11;
	s16 =	simm.s32 $0x780  }
0x1c: {  	s7 =	sadd.s32 $0x140, s5;
	s19 =	simm.s32 $0x900;
	[smem:$0x7F3] =	sst s16  }
0x1d: {  	s23 =	simm.s32 $0x1C00;
	s10 =	sadd.s32 s7, s6;
	[smem:$0x7F6] =	sst s19  }
0x1e: {  	s5 =	sadd.s32 $0xA0, s5;
	s7 =	sadd.s32 s7, s8;
	[dreg:$0x4] =	wrdreg s10  }
0x1f: {  	s0 =	sshrl.u32 s0, $0x3;
	s17 =	sadd.s32 s5, s6;
	[dreg:$0x5] =	wrdreg s7  }
0x20: {  	s0 =	sadd.s32 $0x30C0, s0;
	s5 =	sadd.s32 s5, s8;
	[dreg:$0x6] =	wrdreg s17  }
0x21: {  	s6 =	sadd.s32 s6, s0;
	s0 =	sadd.s32 s8, s0;
	[dreg:$0x7] =	wrdreg s5  }
0x22: {  	s8 =	smul.u32 $0x61AC0, s12;
	s16 =	simm.s32 $0x1400;
	[smem:$0x7EF] =	sst s6  }
0x23: {  	s19 =	simm.s32 $0x500;
	s17 =	simm.s32 $0x400;
	[smem:$0x7F0] =	sst s0  }
0x24: {  	s10 =	smul.u32 $0x186A0, s12;
	s6 =	simm.s32 $0x600;
	[dreg:$0x11] =	wrdreg s17  }
0x25: {  	s12 =	simm.s32 $0xF80;
	s0 =	simm.s32 $0x4C00;
	[dreg:$0x19] =	wrdreg s6  }
0x26: {  	s5 =	sshrl.u32 s8, $0x2;
	[dreg:$0x1c] =	wrdreg s12;
	s12 =	simm.s32 $0x6480  }
0x27: {  	s17 =	simm.s32 $0x800;
	s6 =	simm.s32 $0x5C00;
	s18 =	sadd.s32 s10, s9  }
0x28: {  	s26 =	sadd.s32 s10, s3;
	s9 =	simm.s32 $0x680;
	[smem:$0x7F4] =	sst s17  }
0x29: {  	s7 =	sshrl.u32 s18, $0x3;
	s18 =	simm.s32 $0x480;
	[dreg:$0x1a] =	wrdreg s9  }
0x2a: {  	s26 =	sshrl.u32 s26, $0x3;
	s2 =	sadd.s32 s7, s2;
	[dreg:$0x12] =	wrdreg s18  }
0x2b: {  	s7 =	ssub.s32 s22, s24;
	s22 =	simm.s32 $0xD80;
	[smem:$0x7FD] =	sst s26  }
0x2c: {  	s8 =	simm.s32 $0x6;
	s24 =	simm.s32 $0xE80;
	[dreg:$0x15] =	wrdreg s22  }
0x2d: {  	s11 =	sadd.s32 s5, s3;
	s18 =	simm.s32 $0x880;
	[dreg:$0x17] =	wrdreg s24  }
0x2e: {  	s17 =	simm.s32 $0x3C00;
	s2 =	sadd.s32 $0x4000, s2;
	[smem:$0x7F5] =	sst s18  }
0x2f: {  	s5 =	simm.s32 $0x5400;
	s10 =	smax.u32 s7, $0x1;
	[smem:$0x7F1] =	sst s2  }
0x30: {  	s26 =	simm.s32 $0x2C00;
	s22 =	simm.s32 $0x1200;
	[smem:$0x7F2] =	sst s10  }
0x31: {  	s18 =	simm.s32 $0xA00;
	s24 =	simm.s32 $0x1300;
	[smem:$0x7F9] =	sst s22  }
0x32: {  	s7 =	simm.s32 $0x2;
	s22 =	simm.s32 $0x3;
	[smem:$0x7FB] =	sst s24  }
0x33: {  	v0 =	vimm.f32 $0.0e+00;
	v1 =	vimm.s32 $0x186A0;
	s24 =	simm.s32 $0x2400;
	s2 =	simm.s32 $0x4400;
	s10 =	simm.s32 $0x0  }
.LBB2_1:
0x34: {  	[smem:$0x7EC] =	sst s10;
	s9 =	simm.s32 $0x0  }
.LBB2_2:
0x35: {  	p0 =	sne.s32 s9, $0x2100  }
.Ltmp0:
0x36: {  	_ = 	snop;
	(pc) =	sbr.rel @p0 .LBB2_2-.Ltmp0, $3  }
0x37: {  	_ =	sdelay $0x1  }
0x38: {  	s10 =	sshra.s32 s9, $0x2  }
0x39: {  	s9 =	sadd.s32 $0x40, s9;
	[tilespmem:s10+$0x6480] =	vst v0  }
0x3a: {  	s9 =	sadd.s32 $0x0, s11  }
0x3b: {  	[spmem:s9] =	stream.linear.scatter [tilespmem:s12], [sflag:$0x7], $0x850, $0x38;
	[tilespmem:$0x1F380] =	vst v63  }
0x3c: {  	s10 =	simm.s32 $0x2140;
	_ =	swait.ge [sflag:s13], $0x850  }
.LBB2_4:
0x3d: {  	s9 =	sshra.s32 s10, $0x2;
	[sflag:s13] =	ssyncset.done $0x0;
	p0 =	sne.s32 s10, $0x5F980  }
.Ltmp1:
0x3e: {  	s9 =	sadd.s32 s9, s11;
	[sflag:s13] =	ssyncadd.s32 $0xFFFFF7B0;
	(pc) =	sbr.rel @p0 .LBB2_4-.Ltmp1, $3  }
0x3f: {  	[spmem:s9] =	stream.linear.scatter [tilespmem:s12], [sflag:$0x7], $0x850, $0x38;
	[tilespmem:$0x1F380] =	vst v63  }
0x40: {  	s10 =	sadd.s32 $0x2140, s10;
	_ =	sdelay $0x1  }
0x41: {  	_ =	swait.ge [sflag:s13], $0x850  }
0x42: {  	[sflag:s13] =	ssyncset.done $0x0  }
0x43: {  	[sflag:s13] =	ssyncadd.s32 $0xFFFFF7B0  }
0x44: {  	[tilespmem:$0x6400] =	vst v1  }
0x45: {  	[tilespmem:$0x6410] =	vst v1  }
0x46: {  	[tilespmem:$0x6420] =	vst v1  }
0x47: {  	[tilespmem:$0x6430] =	vst v1  }
0x48: {  	s10 =	simm.s32 $0x0;
	p0 =	por $0x1, $0x1;
	s9 =	simm.s32 $0xFFFF6000;
	[tilespmem:$0x6440] =	vst v1  }
0x49: {  	p1 =	por $0x0, $0x0;
	s15 =	simm.s32 $0x2800;
	s9 =	smov.u32 @p0 s10;
	[tilespmem:$0x6450] =	vst v1  }
0x4a: {  	s15 =	simm.s32 @!p1 $0x0;
	[tilespmem:$0x6460] =	vst v1;
	s9 =	sshra.s32 s9, $0x2  }
0x4b: {  	[tilespmem:$0x6470] =	vst v1;
	s9 =	sadd.s32 s9, s15  }
0x4c: {  	s15 =	simm.s32 $0x1;
	[tilespmem:s9+$0x1400] =	vst v0  }
.LBB2_6:
0x4d: {  	p0 =	slt.u32 s15, $0x280  }
0x4e: {  	s10 =	sadd.s32 $0x40, s10;
	s9 =	smov.u32 s15;
	p1 =	sne.s32 s15, $0x4FF  }
.Ltmp2:
0x4f: {  	s15 =	sadd.s32 $0x1, s15;
	s25 =	sadd.s32 $0xFFFF6000, s10;
	(pc) =	sbr.rel @p1 .LBB2_6-.Ltmp2, $4  }
0x50: {  	p2 =	sgt.u32 s9, $0x27F;
	s9 =	simm.s32 $0x2800;
	s25 =	smov.u32 @p0 s10  }
0x51: {  	s9 =	simm.s32 @!p2 $0x0;
	s25 =	sshra.s32 s25, $0x2  }
0x52: {  	s9 =	sadd.s32 s25, s9  }
0x53: {  	[tilespmem:s9+$0x1400] =	vst v0  }
0x54: {  	[bflag:$0x0] =	sbarrier.arrive $0xFFFF;
	s9 =	simm.s32 $0x6400  }
0x55: {  	[spmem:s3] =	stream.indirect.scatter.add.f32 [tilespmem:s16], [sflag:$0x3], $0x10, s9, s14, $0xb8;
	[tilespmem:$0x1F380] =	vst v63  }
0x56: {  	_ = 	snop  }
0x57: {  	[spmem:s3] =	stream.indirect.scatter.add.f32 [tilespmem:s17], [sflag:$0x4], $0x10, s9, s14, $0xb8;
	[tilespmem:$0x1F380] =	vst v63  }
0x58: {  	_ = 	snop  }
0x59: {  	[spmem:s3] =	stream.indirect.scatter.add.f32 [tilespmem:s16], [sflag:$0x3], $0x10, s9, s14, $0xb8;
	[tilespmem:$0x1F380] =	vst v63  }
0x5a: {  	_ = 	snop  }
0x5b: {  	[spmem:s3] =	stream.indirect.scatter.add.f32 [tilespmem:s17], [sflag:$0x4], $0x10, s9, s14, $0xb8;
	[tilespmem:$0x1F380] =	vst v63  }
0x5c: {  	_ = 	snop  }
0x5d: {  	[spmem:s3] =	stream.indirect.scatter.add.f32 [tilespmem:s16], [sflag:$0x3], $0x10, s9, s14, $0xb8;
	[tilespmem:$0x1F380] =	vst v63  }
0x5e: {  	_ = 	snop  }
0x5f: {  	[spmem:s3] =	stream.indirect.scatter.add.f32 [tilespmem:s17], [sflag:$0x4], $0x10, s9, s14, $0xb8;
	[tilespmem:$0x1F380] =	vst v63  }
0x60: {  	_ = 	snop  }
0x61: {  	[spmem:s3] =	stream.indirect.scatter.add.f32 [tilespmem:s16], [sflag:$0x3], $0x10, s9, s14, $0xb8;
	[tilespmem:$0x1F380] =	vst v63  }
0x62: {  	_ = 	snop  }
0x63: {  	[spmem:s3] =	stream.indirect.scatter.add.f32 [tilespmem:s17], [sflag:$0x4], $0x10, s9, s14, $0xb8;
	[tilespmem:$0x1F380] =	vst v63  }
0x64: {  	_ = 	snop  }
0x65: {  	[spmem:s3] =	stream.indirect.scatter.add.f32 [tilespmem:s16], [sflag:$0x3], $0x10, s9, s14, $0xb8;
	[tilespmem:$0x1F380] =	vst v63  }
0x66: {  	s10 =	sld [smem:$0x7ED]  }
0x67: {  	[spmem:s3] =	stream.indirect.scatter.add.f32 [tilespmem:s17], [sflag:$0x4], $0x10, s9, s14, $0xb8;
	[tilespmem:$0x1F380] =	vst v63  }
0x68: {  	s15 =	simm.s32 $0x0;
	s12 =	sld [smem:$0x7EE]  }
0x69: {  	[tilespmem:s15], [sflag:$0x5] =	stream.linear.gather [hbm4b:s10+s15], $0x500, $0x38;
	[tilespmem:$0x1F380] =	vst v63  }
0x6a: {  	s25 =	rddreg [dreg:$0x6]  }
0x6b: {  	[tilespmem:s18], [sflag:$0x5] =	stream.linear.gather [hbm4b:s12+s15], $0x500, $0x38;
	[tilespmem:$0x1F380] =	vst v63  }
0x6c: {  	s10 =	sadd.s32 $0x0, s25;
	s12 =	rddreg [dreg:$0x7]  }
0x6d: {  	[tilespmem:s19], [sflag:$0x6] =	stream.linear.gather [hbm4b:s10+s4], $0x500, $0x38;
	[tilespmem:$0x1F380] =	vst v63  }
0x6e: {  	s9 =	sadd.s32 $0x0, s12  }
0x6f: {  	[tilespmem:s20], [sflag:$0x6] =	stream.linear.gather [hbm4b:s9+s4], $0x500, $0x38;
	[tilespmem:$0x1F380] =	vst v63  }
0x70: {  	_ =	swait.ge [sflag:s21], $0x500  }
0x71: {  	[sflag:s21] =	ssyncset.done $0x0  }
0x72: {  	[sflag:s21] =	ssyncadd.s32 $0xFFFFFB00  }
0x73: {  	_ =	swait.ge [sflag:s21], $0x500  }
0x74: {  	[sflag:s21] =	ssyncset.done $0x0  }
0x75: {  	[sflag:s21] =	ssyncadd.s32 $0xFFFFFB00  }
0x76: {  	_ =	swait.ge [sflag:s22], $0x2800  }
0x77: {  	[sflag:s22] =	ssyncset.done $0x0  }
0x78: {  	[sflag:s22] =	ssyncadd.s32 $0xFFFFD800  }
0x79: {  	[tilespmem:s16], [sflag:$0x1] =	stream.indirect.gather [hbm4b:s1+s14], $0x10, s4, s14, $0xb8;
	[tilespmem:$0x1F380] =	vst v63  }
0x7a: {  	_ = 	snop  }
0x7b: {  	[tilespmem:s23], [sflag:$0x1] =	stream.indirect.gather [hbm4b:s1+s14], $0x10, s14, s14, $0xb8;
	[tilespmem:$0x1F380] =	vst v63  }
0x7c: {  	s15 =	rddreg [dreg:$0x8]  }
0x7d: {  	[tilespmem:s24], [sflag:$0x1] =	stream.indirect.gather [hbm4b:s1+s14], $0x10, s15, s14, $0xb8;
	[tilespmem:$0x1F380] =	vst v63  }
0x7e: {  	s25 =	rddreg [dreg:$0x9]  }
0x7f: {  	[tilespmem:s26], [sflag:$0x1] =	stream.indirect.gather [hbm4b:s1+s14], $0x10, s25, s14, $0xb8;
	[tilespmem:$0x1F380] =	vst v63  }
0x80: {  	s12 =	rddreg [dreg:$0xa]  }
0x81: {  	[tilespmem:s28], [sflag:$0x1] =	stream.indirect.gather [hbm4b:s1+s14], $0x10, s12, s14, $0xb8;
	[tilespmem:$0x1F380] =	vst v63  }
0x82: {  	_ =	swait.ge [sflag:s29], $0x800  }
0x83: {  	[sflag:s29] =	ssyncset.done $0x0  }
0x84: {  	[sflag:s29] =	ssyncadd.s32 $0xFFFFF800  }
0x85: {  	[spmem:s3] =	stream.indirect.scatter.add.f32 [tilespmem:s16], [sflag:$0x3], $0x10, s18, s14, $0xb8;
	[tilespmem:$0x1F380] =	vst v63  }
0x86: {  	_ =	swait.ge [sflag:s29], $0x800  }
0x87: {  	[sflag:s29] =	ssyncset.done $0x0  }
0x88: {  	[sflag:s29] =	ssyncadd.s32 $0xFFFFF800  }
0x89: {  	[spmem:s3] =	stream.indirect.scatter.add.f32 [tilespmem:s23], [sflag:$0x3], $0x10, s30, s14, $0xb8;
	[tilespmem:$0x1F380] =	vst v63  }
0x8a: {  	_ =	swait.ge [sflag:s29], $0x800  }
0x8b: {  	[sflag:s29] =	ssyncset.done $0x0  }
0x8c: {  	s15 =	rddreg [dreg:$0xb];
	[sflag:s29] =	ssyncadd.s32 $0xFFFFF800  }
0x8d: {  	[spmem:s3] =	stream.indirect.scatter.add.f32 [tilespmem:s24], [sflag:$0x3], $0x10, s15, s14, $0xb8;
	[tilespmem:$0x1F380] =	vst v63  }
0x8e: {  	_ =	swait.ge [sflag:s29], $0x800  }
0x8f: {  	[sflag:s29] =	ssyncset.done $0x0  }
0x90: {  	s25 =	rddreg [dreg:$0xc];
	[sflag:s29] =	ssyncadd.s32 $0xFFFFF800  }
0x91: {  	[spmem:s3] =	stream.indirect.scatter.add.f32 [tilespmem:s26], [sflag:$0x3], $0x10, s25, s14, $0xb8;
	[tilespmem:$0x1F380] =	vst v63  }
0x92: {  	_ =	swait.ge [sflag:s29], $0x800  }
0x93: {  	[sflag:s29] =	ssyncset.done $0x0  }
0x94: {  	s10 =	rddreg [dreg:$0xd];
	[sflag:s29] =	ssyncadd.s32 $0xFFFFF800  }
0x95: {  	[spmem:s3] =	stream.indirect.scatter.add.f32 [tilespmem:s28], [sflag:$0x3], $0x10, s10, s14, $0xb8;
	[tilespmem:$0x1F380] =	vst v63  }
0x96: {  	_ =	swait.ge [sflag:s31], $0x2800  }
0x97: {  	[sflag:s31] =	ssyncset.done $0x0  }
0x98: {  	s12 =	rddreg [dreg:$0xe];
	[sflag:s31] =	ssyncadd.s32 $0xFFFFD800  }
0x99: {  	[tilespmem:s17], [sflag:$0x2] =	stream.indirect.gather [hbm4b:s1+s14], $0x10, s12, s14, $0xb8;
	[tilespmem:$0x1F380] =	vst v63  }
0x9a: {  	s15 =	rddreg [dreg:$0xf]  }
0x9b: {  	[tilespmem:s2], [sflag:$0x2] =	stream.indirect.gather [hbm4b:s1+s14], $0x10, s15, s14, $0xb8;
	[tilespmem:$0x1F380] =	vst v63  }
0x9c: {  	s25 =	rddreg [dreg:$0x10]  }
0x9d: {  	[tilespmem:s0], [sflag:$0x2] =	stream.indirect.gather [hbm4b:s1+s14], $0x10, s25, s14, $0xb8;
	[tilespmem:$0x1F380] =	vst v63  }
0x9e: {  	s12 =	rddreg [dreg:$0x11]  }
0x9f: {  	[tilespmem:s5], [sflag:$0x2] =	stream.indirect.gather [hbm4b:s1+s14], $0x10, s12, s14, $0xb8;
	[tilespmem:$0x1F380] =	vst v63  }
0xa0: {  	s15 =	rddreg [dreg:$0x12]  }
0xa1: {  	[tilespmem:s6], [sflag:$0x2] =	stream.indirect.gather [hbm4b:s1+s14], $0x10, s15, s14, $0xb8;
	[tilespmem:$0x1F380] =	vst v63  }
0xa2: {  	_ =	swait.ge [sflag:s7], $0x800  }
0xa3: {  	[sflag:s7] =	ssyncset.done $0x0  }
0xa4: {  	s25 =	rddreg [dreg:$0x13];
	[sflag:s7] =	ssyncadd.s32 $0xFFFFF800  }
0xa5: {  	[spmem:s3] =	stream.indirect.scatter.add.f32 [tilespmem:s17], [sflag:$0x4], $0x10, s25, s14, $0xb8;
	[tilespmem:$0x1F380] =	vst v63  }
0xa6: {  	_ =	swait.ge [sflag:s7], $0x800  }
0xa7: {  	[sflag:s7] =	ssyncset.done $0x0  }
0xa8: {  	s10 =	rddreg [dreg:$0x14];
	[sflag:s7] =	ssyncadd.s32 $0xFFFFF800  }
0xa9: {  	[spmem:s3] =	stream.indirect.scatter.add.f32 [tilespmem:s2], [sflag:$0x4], $0x10, s10, s14, $0xb8;
	[tilespmem:$0x1F380] =	vst v63  }
0xaa: {  	_ =	swait.ge [sflag:s7], $0x800  }
0xab: {  	[sflag:s7] =	ssyncset.done $0x0  }
0xac: {  	s12 =	rddreg [dreg:$0x15];
	[sflag:s7] =	ssyncadd.s32 $0xFFFFF800  }
0xad: {  	[spmem:s3] =	stream.indirect.scatter.add.f32 [tilespmem:s0], [sflag:$0x4], $0x10, s12, s14, $0xb8;
	[tilespmem:$0x1F380] =	vst v63  }
0xae: {  	_ =	swait.ge [sflag:s7], $0x800  }
0xaf: {  	[sflag:s7] =	ssyncset.done $0x0  }
0xb0: {  	s15 =	rddreg [dreg:$0x16];
	[sflag:s7] =	ssyncadd.s32 $0xFFFFF800  }
0xb1: {  	[spmem:s3] =	stream.indirect.scatter.add.f32 [tilespmem:s5], [sflag:$0x4], $0x10, s15, s14, $0xb8;
	[tilespmem:$0x1F380] =	vst v63  }
0xb2: {  	_ =	swait.ge [sflag:s7], $0x800  }
0xb3: {  	s25 =	rddreg [dreg:$0x17];
	[sflag:s7] =	ssyncset.done $0x0  }
0xb4: {  	p0 =	por $0x0, $0x0;
	s10 =	rddreg [dreg:$0x4];
	[sflag:s7] =	ssyncadd.s32 $0xFFFFF800  }
0xb5: {  	[spmem:s3] =	stream.indirect.scatter.add.f32 [tilespmem:s6], [sflag:$0x4], $0x10, s25, s14, $0xb8;
	[tilespmem:$0x1F380] =	vst v63  }
0xb6: {  	s15 =	rddreg [dreg:$0x5];
	s9 =	sadd.s32 @!p0 $0x0, s10;
	s10 =	simm.s32 @!p0 $0x0  }
0xb7: {  	[tilespmem:s10], [sflag:$0x5] =	stream.linear.gather @!p0 [hbm4b:s9+s10], $0x500, $0x38;
	[tilespmem:$0x1F380] =	vst v63  }
0xb8: {  	s9 =	sadd.s32 @!p0 $0x0, s15;
	s15 =	simm.s32 @!p0 $0xA00  }
0xb9: {  	[tilespmem:s15], [sflag:$0x5] =	stream.linear.gather @!p0 [hbm4b:s9+s10], $0x500, $0x38;
	[tilespmem:$0x1F380] =	vst v63  }
0xba: {  	_ =	swait.ge [sflag:s8], $0x500  }
0xbb: {  	[sflag:s8] =	ssyncset.done $0x0  }
0xbc: {  	[sflag:s8] =	ssyncadd.s32 $0xFFFFFB00  }
0xbd: {  	_ =	swait.ge [sflag:s8], $0x500  }
0xbe: {  	[sflag:s8] =	ssyncset.done $0x0  }
0xbf: {  	[sflag:s8] =	ssyncadd.s32 $0xFFFFFB00  }
0xc0: {  	_ =	swait.ge [sflag:s22], $0x2800  }
0xc1: {  	[sflag:s22] =	ssyncset.done $0x0  }
0xc2: {  	[sflag:s22] =	ssyncadd.s32 $0xFFFFD800  }
0xc3: {  	[tilespmem:s16], [sflag:$0x1] =	stream.indirect.gather [hbm4b:s1+s14], $0x10, s19, s14, $0xb8;
	[tilespmem:$0x1F380] =	vst v63  }
0xc4: {  	s12 =	rddreg [dreg:$0x18]  }
0xc5: {  	[tilespmem:s23], [sflag:$0x1] =	stream.indirect.gather [hbm4b:s1+s14], $0x10, s12, s14, $0xb8;
	[tilespmem:$0x1F380] =	vst v63  }
0xc6: {  	s15 =	rddreg [dreg:$0x19]  }
0xc7: {  	[tilespmem:s24], [sflag:$0x1] =	stream.indirect.gather [hbm4b:s1+s14], $0x10, s15, s14, $0xb8;
	[tilespmem:$0x1F380] =	vst v63  }
0xc8: {  	s25 =	rddreg [dreg:$0x1a]  }
0xc9: {  	[tilespmem:s26], [sflag:$0x1] =	stream.indirect.gather [hbm4b:s1+s14], $0x10, s25, s14, $0xb8;
	[tilespmem:$0x1F380] =	vst v63  }
0xca: {  	s12 =	rddreg [dreg:$0x1b]  }
0xcb: {  	[tilespmem:s28], [sflag:$0x1] =	stream.indirect.gather [hbm4b:s1+s14], $0x10, s12, s14, $0xb8;
	[tilespmem:$0x1F380] =	vst v63  }
0xcc: {  	_ =	swait.ge [sflag:s29], $0x800  }
0xcd: {  	[sflag:s29] =	ssyncset.done $0x0  }
0xce: {  	[sflag:s29] =	ssyncadd.s32 $0xFFFFF800  }
0xcf: {  	[spmem:s3] =	stream.indirect.scatter.add.f32 [tilespmem:s16], [sflag:$0x3], $0x10, s20, s14, $0xb8;
	[tilespmem:$0x1F380] =	vst v63  }
0xd0: {  	_ =	swait.ge [sflag:s29], $0x800  }
0xd1: {  	[sflag:s29] =	ssyncset.done $0x0  }
0xd2: {  	s15 =	rddreg [dreg:$0x1c];
	[sflag:s29] =	ssyncadd.s32 $0xFFFFF800  }
0xd3: {  	[spmem:s3] =	stream.indirect.scatter.add.f32 [tilespmem:s23], [sflag:$0x3], $0x10, s15, s14, $0xb8;
	[tilespmem:$0x1F380] =	vst v63  }
0xd4: {  	_ =	swait.ge [sflag:s29], $0x800  }
0xd5: {  	[sflag:s29] =	ssyncset.done $0x0  }
0xd6: {  	s25 =	rddreg [dreg:$0x1d];
	[sflag:s29] =	ssyncadd.s32 $0xFFFFF800  }
0xd7: {  	[spmem:s3] =	stream.indirect.scatter.add.f32 [tilespmem:s24], [sflag:$0x3], $0x10, s25, s14, $0xb8;
	[tilespmem:$0x1F380] =	vst v63  }
0xd8: {  	_ =	swait.ge [sflag:s29], $0x800  }
0xd9: {  	[sflag:s29] =	ssyncset.done $0x0  }
0xda: {  	s10 =	rddreg [dreg:$0x1e];
	[sflag:s29] =	ssyncadd.s32 $0xFFFFF800  }
0xdb: {  	[spmem:s3] =	stream.indirect.scatter.add.f32 [tilespmem:s26], [sflag:$0x3], $0x10, s10, s14, $0xb8;
	[tilespmem:$0x1F380] =	vst v63  }
0xdc: {  	_ =	swait.ge [sflag:s29], $0x800  }
0xdd: {  	[sflag:s29] =	ssyncset.done $0x0  }
0xde: {  	s12 =	rddreg [dreg:$0x1f];
	[sflag:s29] =	ssyncadd.s32 $0xFFFFF800  }
0xdf: {  	[spmem:s3] =	stream.indirect.scatter.add.f32 [tilespmem:s28], [sflag:$0x3], $0x10, s12, s14, $0xb8;
	[tilespmem:$0x1F380] =	vst v63  }
0xe0: {  	_ =	swait.ge [sflag:s31], $0x2800  }
0xe1: {  	s15 =	sld [smem:$0x7F3]  }
0xe2: {  	[sflag:s31] =	ssyncset.done $0x0  }
0xe3: {  	s25 =	sld [smem:$0x7F4];
	[sflag:s31] =	ssyncadd.s32 $0xFFFFD800  }
0xe4: {  	[tilespmem:s17], [sflag:$0x2] =	stream.indirect.gather [hbm4b:s1+s14], $0x10, s15, s14, $0xb8;
	[tilespmem:$0x1F380] =	vst v63  }
0xe5: {  	s12 =	sld [smem:$0x7F5]  }
0xe6: {  	[tilespmem:s2], [sflag:$0x2] =	stream.indirect.gather [hbm4b:s1+s14], $0x10, s25, s14, $0xb8;
	[tilespmem:$0x1F380] =	vst v63  }
0xe7: {  	s15 =	sld [smem:$0x7F6]  }
0xe8: {  	[tilespmem:s0], [sflag:$0x2] =	stream.indirect.gather [hbm4b:s1+s14], $0x10, s12, s14, $0xb8;
	[tilespmem:$0x1F380] =	vst v63  }
0xe9: {  	s25 =	sld [smem:$0x7F7]  }
0xea: {  	[tilespmem:s5], [sflag:$0x2] =	stream.indirect.gather [hbm4b:s1+s14], $0x10, s15, s14, $0xb8;
	[tilespmem:$0x1F380] =	vst v63  }
0xeb: {  	_ = 	snop  }
0xec: {  	[tilespmem:s6], [sflag:$0x2] =	stream.indirect.gather [hbm4b:s1+s14], $0x10, s25, s14, $0xb8;
	[tilespmem:$0x1F380] =	vst v63  }
0xed: {  	_ =	swait.ge [sflag:s7], $0x800  }
0xee: {  	s10 =	sld [smem:$0x7F8]  }
0xef: {  	[sflag:s7] =	ssyncset.done $0x0  }
0xf0: {  	[sflag:s7] =	ssyncadd.s32 $0xFFFFF800  }
0xf1: {  	[spmem:s3] =	stream.indirect.scatter.add.f32 [tilespmem:s17], [sflag:$0x4], $0x10, s10, s14, $0xb8;
	[tilespmem:$0x1F380] =	vst v63  }
0xf2: {  	_ =	swait.ge [sflag:s7], $0x800  }
0xf3: {  	s12 =	sld [smem:$0x7F9]  }
0xf4: {  	[sflag:s7] =	ssyncset.done $0x0  }
0xf5: {  	[sflag:s7] =	ssyncadd.s32 $0xFFFFF800  }
0xf6: {  	[spmem:s3] =	stream.indirect.scatter.add.f32 [tilespmem:s2], [sflag:$0x4], $0x10, s12, s14, $0xb8;
	[tilespmem:$0x1F380] =	vst v63  }
0xf7: {  	_ =	swait.ge [sflag:s7], $0x800  }
0xf8: {  	s15 =	sld [smem:$0x7FA]  }
0xf9: {  	[sflag:s7] =	ssyncset.done $0x0  }
0xfa: {  	[sflag:s7] =	ssyncadd.s32 $0xFFFFF800  }
0xfb: {  	[spmem:s3] =	stream.indirect.scatter.add.f32 [tilespmem:s0], [sflag:$0x4], $0x10, s15, s14, $0xb8;
	[tilespmem:$0x1F380] =	vst v63  }
0xfc: {  	_ =	swait.ge [sflag:s7], $0x800  }
0xfd: {  	s25 =	sld [smem:$0x7FB]  }
0xfe: {  	[sflag:s7] =	ssyncset.done $0x0  }
0xff: {  	[sflag:s7] =	ssyncadd.s32 $0xFFFFF800  }
0x100: {  	[spmem:s3] =	stream.indirect.scatter.add.f32 [tilespmem:s5], [sflag:$0x4], $0x10, s25, s14, $0xb8;
	[tilespmem:$0x1F380] =	vst v63  }
0x101: {  	_ =	swait.ge [sflag:s7], $0x800  }
0x102: {  	s10 =	simm.s32 $0x140;
	[sflag:s7] =	ssyncset.done $0x0;
	s15 =	sld [smem:$0x7FC]  }
0x103: {  	s25 =	simm.s32 $0x280;
	s9 =	rddreg [dreg:$0x6];
	[sflag:s7] =	ssyncadd.s32 $0xFFFFF800  }
.LBB2_8:
0x104: {  	_ = 	snop  }
0x105: {  	[spmem:s3] =	stream.indirect.scatter.add.f32 [tilespmem:s6], [sflag:$0x4], $0x10, s15, s14, $0xb8;
	[tilespmem:$0x1F380] =	vst v63  }
0x106: {  	s12 =	rddreg [dreg:$0x7];
	s9 =	sadd.s32 s10, s9  }
0x107: {  	[tilespmem:s19], [sflag:$0x6] =	stream.linear.gather [hbm4b:s9+s4], $0x500, $0x38;
	[tilespmem:$0x1F380] =	vst v63  }
0x108: {  	s12 =	sadd.s32 s10, s12  }
0x109: {  	[tilespmem:s20], [sflag:$0x6] =	stream.linear.gather [hbm4b:s12+s4], $0x500, $0x38;
	[tilespmem:$0x1F380] =	vst v63  }
0x10a: {  	_ =	swait.ge [sflag:s21], $0x500  }
0x10b: {  	[sflag:s21] =	ssyncset.done $0x0  }
0x10c: {  	[sflag:s21] =	ssyncadd.s32 $0xFFFFFB00  }
0x10d: {  	_ =	swait.ge [sflag:s21], $0x500  }
0x10e: {  	[sflag:s21] =	ssyncset.done $0x0  }
0x10f: {  	[sflag:s21] =	ssyncadd.s32 $0xFFFFFB00  }
0x110: {  	_ =	swait.ge [sflag:s22], $0x2800  }
0x111: {  	[sflag:s22] =	ssyncset.done $0x0  }
0x112: {  	[sflag:s22] =	ssyncadd.s32 $0xFFFFD800  }
0x113: {  	[tilespmem:s16], [sflag:$0x1] =	stream.indirect.gather [hbm4b:s1+s14], $0x10, s4, s14, $0xb8;
	[tilespmem:$0x1F380] =	vst v63  }
0x114: {  	_ = 	snop  }
0x115: {  	[tilespmem:s23], [sflag:$0x1] =	stream.indirect.gather [hbm4b:s1+s14], $0x10, s14, s14, $0xb8;
	[tilespmem:$0x1F380] =	vst v63  }
0x116: {  	s9 =	rddreg [dreg:$0x8]  }
0x117: {  	[tilespmem:s24], [sflag:$0x1] =	stream.indirect.gather [hbm4b:s1+s14], $0x10, s9, s14, $0xb8;
	[tilespmem:$0x1F380] =	vst v63  }
0x118: {  	s12 =	rddreg [dreg:$0x9]  }
0x119: {  	[tilespmem:s26], [sflag:$0x1] =	stream.indirect.gather [hbm4b:s1+s14], $0x10, s12, s14, $0xb8;
	[tilespmem:$0x1F380] =	vst v63  }
0x11a: {  	s9 =	rddreg [dreg:$0xa]  }
0x11b: {  	[tilespmem:s28], [sflag:$0x1] =	stream.indirect.gather [hbm4b:s1+s14], $0x10, s9, s14, $0xb8;
	[tilespmem:$0x1F380] =	vst v63  }
0x11c: {  	_ =	swait.ge [sflag:s29], $0x800  }
0x11d: {  	[sflag:s29] =	ssyncset.done $0x0  }
0x11e: {  	[sflag:s29] =	ssyncadd.s32 $0xFFFFF800  }
0x11f: {  	[spmem:s3] =	stream.indirect.scatter.add.f32 [tilespmem:s16], [sflag:$0x3], $0x10, s18, s14, $0xb8;
	[tilespmem:$0x1F380] =	vst v63  }
0x120: {  	_ =	swait.ge [sflag:s29], $0x800  }
0x121: {  	[sflag:s29] =	ssyncset.done $0x0  }
0x122: {  	[sflag:s29] =	ssyncadd.s32 $0xFFFFF800  }
0x123: {  	[spmem:s3] =	stream.indirect.scatter.add.f32 [tilespmem:s23], [sflag:$0x3], $0x10, s30, s14, $0xb8;
	[tilespmem:$0x1F380] =	vst v63  }
0x124: {  	_ =	swait.ge [sflag:s29], $0x800  }
0x125: {  	[sflag:s29] =	ssyncset.done $0x0  }
0x126: {  	s12 =	rddreg [dreg:$0xb];
	[sflag:s29] =	ssyncadd.s32 $0xFFFFF800  }
0x127: {  	[spmem:s3] =	stream.indirect.scatter.add.f32 [tilespmem:s24], [sflag:$0x3], $0x10, s12, s14, $0xb8;
	[tilespmem:$0x1F380] =	vst v63  }
0x128: {  	_ =	swait.ge [sflag:s29], $0x800  }
0x129: {  	[sflag:s29] =	ssyncset.done $0x0  }
0x12a: {  	s18 =	rddreg [dreg:$0xc];
	[sflag:s29] =	ssyncadd.s32 $0xFFFFF800  }
0x12b: {  	[spmem:s3] =	stream.indirect.scatter.add.f32 [tilespmem:s26], [sflag:$0x3], $0x10, s18, s14, $0xb8;
	[tilespmem:$0x1F380] =	vst v63  }
0x12c: {  	_ =	swait.ge [sflag:s29], $0x800  }
0x12d: {  	[sflag:s29] =	ssyncset.done $0x0  }
0x12e: {  	s12 =	rddreg [dreg:$0xd];
	[sflag:s29] =	ssyncadd.s32 $0xFFFFF800  }
0x12f: {  	[spmem:s3] =	stream.indirect.scatter.add.f32 [tilespmem:s28], [sflag:$0x3], $0x10, s12, s14, $0xb8;
	[tilespmem:$0x1F380] =	vst v63  }
0x130: {  	_ =	swait.ge [sflag:s31], $0x2800  }
0x131: {  	[sflag:s31] =	ssyncset.done $0x0  }
0x132: {  	s18 =	rddreg [dreg:$0xe];
	[sflag:s31] =	ssyncadd.s32 $0xFFFFD800  }
0x133: {  	[tilespmem:s17], [sflag:$0x2] =	stream.indirect.gather [hbm4b:s1+s14], $0x10, s18, s14, $0xb8;
	[tilespmem:$0x1F380] =	vst v63  }
0x134: {  	s12 =	rddreg [dreg:$0xf]  }
0x135: {  	[tilespmem:s2], [sflag:$0x2] =	stream.indirect.gather [hbm4b:s1+s14], $0x10, s12, s14, $0xb8;
	[tilespmem:$0x1F380] =	vst v63  }
0x136: {  	s18 =	rddreg [dreg:$0x10]  }
0x137: {  	[tilespmem:s0], [sflag:$0x2] =	stream.indirect.gather [hbm4b:s1+s14], $0x10, s18, s14, $0xb8;
	[tilespmem:$0x1F380] =	vst v63  }
0x138: {  	s12 =	rddreg [dreg:$0x11]  }
0x139: {  	[tilespmem:s5], [sflag:$0x2] =	stream.indirect.gather [hbm4b:s1+s14], $0x10, s12, s14, $0xb8;
	[tilespmem:$0x1F380] =	vst v63  }
0x13a: {  	s18 =	rddreg [dreg:$0x12]  }
0x13b: {  	[tilespmem:s6], [sflag:$0x2] =	stream.indirect.gather [hbm4b:s1+s14], $0x10, s18, s14, $0xb8;
	[tilespmem:$0x1F380] =	vst v63  }
0x13c: {  	_ =	swait.ge [sflag:s7], $0x800  }
0x13d: {  	[sflag:s7] =	ssyncset.done $0x0  }
0x13e: {  	s12 =	rddreg [dreg:$0x13];
	[sflag:s7] =	ssyncadd.s32 $0xFFFFF800  }
0x13f: {  	[spmem:s3] =	stream.indirect.scatter.add.f32 [tilespmem:s17], [sflag:$0x4], $0x10, s12, s14, $0xb8;
	[tilespmem:$0x1F380] =	vst v63  }
0x140: {  	_ =	swait.ge [sflag:s7], $0x800  }
0x141: {  	[sflag:s7] =	ssyncset.done $0x0  }
0x142: {  	s18 =	rddreg [dreg:$0x14];
	[sflag:s7] =	ssyncadd.s32 $0xFFFFF800  }
0x143: {  	[spmem:s3] =	stream.indirect.scatter.add.f32 [tilespmem:s2], [sflag:$0x4], $0x10, s18, s14, $0xb8;
	[tilespmem:$0x1F380] =	vst v63  }
0x144: {  	_ =	swait.ge [sflag:s7], $0x800  }
0x145: {  	[sflag:s7] =	ssyncset.done $0x0  }
0x146: {  	s12 =	rddreg [dreg:$0x15];
	[sflag:s7] =	ssyncadd.s32 $0xFFFFF800  }
0x147: {  	[spmem:s3] =	stream.indirect.scatter.add.f32 [tilespmem:s0], [sflag:$0x4], $0x10, s12, s14, $0xb8;
	[tilespmem:$0x1F380] =	vst v63  }
0x148: {  	_ =	swait.ge [sflag:s7], $0x800  }
0x149: {  	[sflag:s7] =	ssyncset.done $0x0  }
0x14a: {  	s18 =	rddreg [dreg:$0x16];
	[sflag:s7] =	ssyncadd.s32 $0xFFFFF800  }
0x14b: {  	[spmem:s3] =	stream.indirect.scatter.add.f32 [tilespmem:s5], [sflag:$0x4], $0x10, s18, s14, $0xb8;
	[tilespmem:$0x1F380] =	vst v63  }
0x14c: {  	_ =	swait.ge [sflag:s7], $0x800  }
0x14d: {  	s9 =	rddreg [dreg:$0x17];
	[sflag:s7] =	ssyncset.done $0x0  }
0x14e: {  	p1 =	seq.s32 s10, $0x2F80;
	s12 =	rddreg [dreg:$0x4];
	[sflag:s7] =	ssyncadd.s32 $0xFFFFF800  }
0x14f: {  	[spmem:s3] =	stream.indirect.scatter.add.f32 [tilespmem:s6], [sflag:$0x4], $0x10, s9, s14, $0xb8;
	[tilespmem:$0x1F380] =	vst v63  }
0x150: {  	s18 =	rddreg [dreg:$0x5];
	s9 =	sadd.s32 @!p1 s10, s12;
	s12 =	simm.s32 @!p1 $0x0  }
0x151: {  	[tilespmem:s12], [sflag:$0x5] =	stream.linear.gather @!p1 [hbm4b:s9+s12], $0x500, $0x38;
	[tilespmem:$0x1F380] =	vst v63  }
0x152: {  	s9 =	sadd.s32 @!p1 s10, s18;
	s18 =	simm.s32 @!p1 $0xA00  }
0x153: {  	[tilespmem:s18], [sflag:$0x5] =	stream.linear.gather @!p1 [hbm4b:s9+s12], $0x500, $0x38;
	[tilespmem:$0x1F380] =	vst v63  }
0x154: {  	_ =	swait.ge [sflag:s8], $0x500  }
0x155: {  	[sflag:s8] =	ssyncset.done $0x0  }
0x156: {  	[sflag:s8] =	ssyncadd.s32 $0xFFFFFB00  }
0x157: {  	_ =	swait.ge [sflag:s8], $0x500  }
0x158: {  	[sflag:s8] =	ssyncset.done $0x0  }
0x159: {  	[sflag:s8] =	ssyncadd.s32 $0xFFFFFB00  }
0x15a: {  	_ =	swait.ge [sflag:s22], $0x2800  }
0x15b: {  	[sflag:s22] =	ssyncset.done $0x0  }
0x15c: {  	[sflag:s22] =	ssyncadd.s32 $0xFFFFD800  }
0x15d: {  	[tilespmem:s16], [sflag:$0x1] =	stream.indirect.gather [hbm4b:s1+s14], $0x10, s19, s14, $0xb8;
	[tilespmem:$0x1F380] =	vst v63  }
0x15e: {  	s15 =	smov.u32 s25;
	s12 =	rddreg [dreg:$0x18]  }
0x15f: {  	[tilespmem:s23], [sflag:$0x1] =	stream.indirect.gather [hbm4b:s1+s14], $0x10, s12, s14, $0xb8;
	[tilespmem:$0x1F380] =	vst v63  }
0x160: {  	s10 =	smov.u32 s15;
	s15 =	rddreg [dreg:$0x19]  }
0x161: {  	[tilespmem:s24], [sflag:$0x1] =	stream.indirect.gather [hbm4b:s1+s14], $0x10, s15, s14, $0xb8;
	[tilespmem:$0x1F380] =	vst v63  }
0x162: {  	s9 =	rddreg [dreg:$0x1a]  }
0x163: {  	[tilespmem:s26], [sflag:$0x1] =	stream.indirect.gather [hbm4b:s1+s14], $0x10, s9, s14, $0xb8;
	[tilespmem:$0x1F380] =	vst v63  }
0x164: {  	s15 =	rddreg [dreg:$0x1b]  }
0x165: {  	[tilespmem:s28], [sflag:$0x1] =	stream.indirect.gather [hbm4b:s1+s14], $0x10, s15, s14, $0xb8;
	[tilespmem:$0x1F380] =	vst v63  }
0x166: {  	_ =	swait.ge [sflag:s29], $0x800  }
0x167: {  	[sflag:s29] =	ssyncset.done $0x0  }
0x168: {  	[sflag:s29] =	ssyncadd.s32 $0xFFFFF800  }
0x169: {  	[spmem:s3] =	stream.indirect.scatter.add.f32 [tilespmem:s16], [sflag:$0x3], $0x10, s20, s14, $0xb8;
	[tilespmem:$0x1F380] =	vst v63  }
0x16a: {  	_ =	swait.ge [sflag:s29], $0x800  }
0x16b: {  	[sflag:s29] =	ssyncset.done $0x0  }
0x16c: {  	s15 =	rddreg [dreg:$0x1c];
	[sflag:s29] =	ssyncadd.s32 $0xFFFFF800  }
0x16d: {  	[spmem:s3] =	stream.indirect.scatter.add.f32 [tilespmem:s23], [sflag:$0x3], $0x10, s15, s14, $0xb8;
	[tilespmem:$0x1F380] =	vst v63  }
0x16e: {  	_ =	swait.ge [sflag:s29], $0x800  }
0x16f: {  	[sflag:s29] =	ssyncset.done $0x0  }
0x170: {  	s12 =	rddreg [dreg:$0x1d];
	[sflag:s29] =	ssyncadd.s32 $0xFFFFF800  }
0x171: {  	[spmem:s3] =	stream.indirect.scatter.add.f32 [tilespmem:s24], [sflag:$0x3], $0x10, s12, s14, $0xb8;
	[tilespmem:$0x1F380] =	vst v63  }
0x172: {  	_ =	swait.ge [sflag:s29], $0x800  }
0x173: {  	[sflag:s29] =	ssyncset.done $0x0  }
0x174: {  	s15 =	rddreg [dreg:$0x1e];
	[sflag:s29] =	ssyncadd.s32 $0xFFFFF800  }
0x175: {  	[spmem:s3] =	stream.indirect.scatter.add.f32 [tilespmem:s26], [sflag:$0x3], $0x10, s15, s14, $0xb8;
	[tilespmem:$0x1F380] =	vst v63  }
0x176: {  	_ =	swait.ge [sflag:s29], $0x800  }
0x177: {  	[sflag:s29] =	ssyncset.done $0x0  }
0x178: {  	s12 =	rddreg [dreg:$0x1f];
	[sflag:s29] =	ssyncadd.s32 $0xFFFFF800  }
0x179: {  	[spmem:s3] =	stream.indirect.scatter.add.f32 [tilespmem:s28], [sflag:$0x3], $0x10, s12, s14, $0xb8;
	[tilespmem:$0x1F380] =	vst v63  }
0x17a: {  	_ =	swait.ge [sflag:s31], $0x2800  }
0x17b: {  	s15 =	sld [smem:$0x7F3]  }
0x17c: {  	[sflag:s31] =	ssyncset.done $0x0  }
0x17d: {  	s12 =	sld [smem:$0x7F4];
	[sflag:s31] =	ssyncadd.s32 $0xFFFFD800  }
0x17e: {  	[tilespmem:s17], [sflag:$0x2] =	stream.indirect.gather [hbm4b:s1+s14], $0x10, s15, s14, $0xb8;
	[tilespmem:$0x1F380] =	vst v63  }
0x17f: {  	s15 =	sld [smem:$0x7F5]  }
0x180: {  	[tilespmem:s2], [sflag:$0x2] =	stream.indirect.gather [hbm4b:s1+s14], $0x10, s12, s14, $0xb8;
	[tilespmem:$0x1F380] =	vst v63  }
0x181: {  	s12 =	sld [smem:$0x7F6]  }
0x182: {  	[tilespmem:s0], [sflag:$0x2] =	stream.indirect.gather [hbm4b:s1+s14], $0x10, s15, s14, $0xb8;
	[tilespmem:$0x1F380] =	vst v63  }
0x183: {  	s15 =	sld [smem:$0x7F7]  }
0x184: {  	[tilespmem:s5], [sflag:$0x2] =	stream.indirect.gather [hbm4b:s1+s14], $0x10, s12, s14, $0xb8;
	[tilespmem:$0x1F380] =	vst v63  }
0x185: {  	_ = 	snop  }
0x186: {  	[tilespmem:s6], [sflag:$0x2] =	stream.indirect.gather [hbm4b:s1+s14], $0x10, s15, s14, $0xb8;
	[tilespmem:$0x1F380] =	vst v63  }
0x187: {  	_ =	swait.ge [sflag:s7], $0x800  }
0x188: {  	s12 =	sld [smem:$0x7F8]  }
0x189: {  	[sflag:s7] =	ssyncset.done $0x0  }
0x18a: {  	[sflag:s7] =	ssyncadd.s32 $0xFFFFF800  }
0x18b: {  	[spmem:s3] =	stream.indirect.scatter.add.f32 [tilespmem:s17], [sflag:$0x4], $0x10, s12, s14, $0xb8;
	[tilespmem:$0x1F380] =	vst v63  }
0x18c: {  	_ =	swait.ge [sflag:s7], $0x800  }
0x18d: {  	s15 =	sld [smem:$0x7F9]  }
0x18e: {  	[sflag:s7] =	ssyncset.done $0x0  }
0x18f: {  	[sflag:s7] =	ssyncadd.s32 $0xFFFFF800  }
0x190: {  	[spmem:s3] =	stream.indirect.scatter.add.f32 [tilespmem:s2], [sflag:$0x4], $0x10, s15, s14, $0xb8;
	[tilespmem:$0x1F380] =	vst v63  }
0x191: {  	_ =	swait.ge [sflag:s7], $0x800  }
0x192: {  	s12 =	sld [smem:$0x7FA]  }
0x193: {  	[sflag:s7] =	ssyncset.done $0x0  }
0x194: {  	[sflag:s7] =	ssyncadd.s32 $0xFFFFF800  }
0x195: {  	[spmem:s3] =	stream.indirect.scatter.add.f32 [tilespmem:s0], [sflag:$0x4], $0x10, s12, s14, $0xb8;
	[tilespmem:$0x1F380] =	vst v63  }
0x196: {  	_ =	swait.ge [sflag:s7], $0x800  }
0x197: {  	s25 =	sadd.s32 $0x140, s25;
	s15 =	sld [smem:$0x7FB]  }
0x198: {  	p0 =	sne.s32 s25, $0x30C0;
	[sflag:s7] =	ssyncset.done $0x0  }
.Ltmp3:
0x199: {  	[sflag:s7] =	ssyncadd.s32 $0xFFFFF800;
	(pc) =	sbr.rel @p0 .LBB2_8-.Ltmp3, $4  }
0x19a: {  	[spmem:s3] =	stream.indirect.scatter.add.f32 [tilespmem:s5], [sflag:$0x4], $0x10, s15, s14, $0xb8;
	[tilespmem:$0x1F380] =	vst v63  }
0x19b: {  	_ =	swait.ge [sflag:s7], $0x800  }
0x19c: {  	[sflag:s7] =	ssyncset.done $0x0;
	s15 =	sld [smem:$0x7FC]  }
0x19d: {  	s18 =	simm.s32 $0xA00;
	s9 =	rddreg [dreg:$0x6];
	[sflag:s7] =	ssyncadd.s32 $0xFFFFF800  }
0x19e: {  	_ = 	snop  }
0x19f: {  	[spmem:s3] =	stream.indirect.scatter.add.f32 [tilespmem:s6], [sflag:$0x4], $0x10, s15, s14, $0xb8;
	[tilespmem:$0x1F380] =	vst v63  }
0x1a0: {  	s12 =	rddreg [dreg:$0x7];
	s9 =	sadd.s32 s10, s9  }
0x1a1: {  	[tilespmem:s19], [sflag:$0x6] =	stream.linear.gather [hbm4b:s9+s4], $0x500, $0x38;
	[tilespmem:$0x1F380] =	vst v63  }
0x1a2: {  	s25 =	sadd.s32 s10, s12  }
0x1a3: {  	[tilespmem:s20], [sflag:$0x6] =	stream.linear.gather [hbm4b:s25+s4], $0x500, $0x38;
	[tilespmem:$0x1F380] =	vst v63  }
0x1a4: {  	_ =	swait.ge [sflag:s21], $0x500  }
0x1a5: {  	[sflag:s21] =	ssyncset.done $0x0  }
0x1a6: {  	[sflag:s21] =	ssyncadd.s32 $0xFFFFFB00  }
0x1a7: {  	_ =	swait.ge [sflag:s21], $0x500  }
0x1a8: {  	[sflag:s21] =	ssyncset.done $0x0  }
0x1a9: {  	[sflag:s21] =	ssyncadd.s32 $0xFFFFFB00  }
0x1aa: {  	_ =	swait.ge [sflag:s22], $0x2800  }
0x1ab: {  	[sflag:s22] =	ssyncset.done $0x0  }
0x1ac: {  	[sflag:s22] =	ssyncadd.s32 $0xFFFFD800  }
0x1ad: {  	[tilespmem:s16], [sflag:$0x1] =	stream.indirect.gather [hbm4b:s1+s14], $0x10, s4, s14, $0xb8;
	[tilespmem:$0x1F380] =	vst v63  }
0x1ae: {  	_ = 	snop  }
0x1af: {  	[tilespmem:s23], [sflag:$0x1] =	stream.indirect.gather [hbm4b:s1+s14], $0x10, s14, s14, $0xb8;
	[tilespmem:$0x1F380] =	vst v63  }
0x1b0: {  	s12 =	rddreg [dreg:$0x8]  }
0x1b1: {  	[tilespmem:s24], [sflag:$0x1] =	stream.indirect.gather [hbm4b:s1+s14], $0x10, s12, s14, $0xb8;
	[tilespmem:$0x1F380] =	vst v63  }
0x1b2: {  	s15 =	rddreg [dreg:$0x9]  }
0x1b3: {  	[tilespmem:s26], [sflag:$0x1] =	stream.indirect.gather [hbm4b:s1+s14], $0x10, s15, s14, $0xb8;
	[tilespmem:$0x1F380] =	vst v63  }
0x1b4: {  	s25 =	rddreg [dreg:$0xa]  }
0x1b5: {  	[tilespmem:s28], [sflag:$0x1] =	stream.indirect.gather [hbm4b:s1+s14], $0x10, s25, s14, $0xb8;
	[tilespmem:$0x1F380] =	vst v63  }
0x1b6: {  	_ =	swait.ge [sflag:s29], $0x800  }
0x1b7: {  	[sflag:s29] =	ssyncset.done $0x0  }
0x1b8: {  	[sflag:s29] =	ssyncadd.s32 $0xFFFFF800  }
0x1b9: {  	[spmem:s3] =	stream.indirect.scatter.add.f32 [tilespmem:s16], [sflag:$0x3], $0x10, s18, s14, $0xb8;
	[tilespmem:$0x1F380] =	vst v63  }
0x1ba: {  	_ =	swait.ge [sflag:s29], $0x800  }
0x1bb: {  	[sflag:s29] =	ssyncset.done $0x0  }
0x1bc: {  	[sflag:s29] =	ssyncadd.s32 $0xFFFFF800  }
0x1bd: {  	[spmem:s3] =	stream.indirect.scatter.add.f32 [tilespmem:s23], [sflag:$0x3], $0x10, s30, s14, $0xb8;
	[tilespmem:$0x1F380] =	vst v63  }
0x1be: {  	_ =	swait.ge [sflag:s29], $0x800  }
0x1bf: {  	[sflag:s29] =	ssyncset.done $0x0  }
0x1c0: {  	s12 =	rddreg [dreg:$0xb];
	[sflag:s29] =	ssyncadd.s32 $0xFFFFF800  }
0x1c1: {  	[spmem:s3] =	stream.indirect.scatter.add.f32 [tilespmem:s24], [sflag:$0x3], $0x10, s12, s14, $0xb8;
	[tilespmem:$0x1F380] =	vst v63  }
0x1c2: {  	_ =	swait.ge [sflag:s29], $0x800  }
0x1c3: {  	[sflag:s29] =	ssyncset.done $0x0  }
0x1c4: {  	s15 =	rddreg [dreg:$0xc];
	[sflag:s29] =	ssyncadd.s32 $0xFFFFF800  }
0x1c5: {  	[spmem:s3] =	stream.indirect.scatter.add.f32 [tilespmem:s26], [sflag:$0x3], $0x10, s15, s14, $0xb8;
	[tilespmem:$0x1F380] =	vst v63  }
0x1c6: {  	_ =	swait.ge [sflag:s29], $0x800  }
0x1c7: {  	[sflag:s29] =	ssyncset.done $0x0  }
0x1c8: {  	s25 =	rddreg [dreg:$0xd];
	[sflag:s29] =	ssyncadd.s32 $0xFFFFF800  }
0x1c9: {  	[spmem:s3] =	stream.indirect.scatter.add.f32 [tilespmem:s28], [sflag:$0x3], $0x10, s25, s14, $0xb8;
	[tilespmem:$0x1F380] =	vst v63  }
0x1ca: {  	_ =	swait.ge [sflag:s31], $0x2800  }
0x1cb: {  	[sflag:s31] =	ssyncset.done $0x0  }
0x1cc: {  	s12 =	rddreg [dreg:$0xe];
	[sflag:s31] =	ssyncadd.s32 $0xFFFFD800  }
0x1cd: {  	[tilespmem:s17], [sflag:$0x2] =	stream.indirect.gather [hbm4b:s1+s14], $0x10, s12, s14, $0xb8;
	[tilespmem:$0x1F380] =	vst v63  }
0x1ce: {  	s15 =	rddreg [dreg:$0xf]  }
0x1cf: {  	[tilespmem:s2], [sflag:$0x2] =	stream.indirect.gather [hbm4b:s1+s14], $0x10, s15, s14, $0xb8;
	[tilespmem:$0x1F380] =	vst v63  }
0x1d0: {  	s25 =	rddreg [dreg:$0x10]  }
0x1d1: {  	[tilespmem:s0], [sflag:$0x2] =	stream.indirect.gather [hbm4b:s1+s14], $0x10, s25, s14, $0xb8;
	[tilespmem:$0x1F380] =	vst v63  }
0x1d2: {  	s15 =	rddreg [dreg:$0x11]  }
0x1d3: {  	[tilespmem:s5], [sflag:$0x2] =	stream.indirect.gather [hbm4b:s1+s14], $0x10, s15, s14, $0xb8;
	[tilespmem:$0x1F380] =	vst v63  }
0x1d4: {  	s25 =	rddreg [dreg:$0x12]  }
0x1d5: {  	[tilespmem:s6], [sflag:$0x2] =	stream.indirect.gather [hbm4b:s1+s14], $0x10, s25, s14, $0xb8;
	[tilespmem:$0x1F380] =	vst v63  }
0x1d6: {  	_ =	swait.ge [sflag:s7], $0x800  }
0x1d7: {  	[sflag:s7] =	ssyncset.done $0x0  }
0x1d8: {  	s15 =	rddreg [dreg:$0x13];
	[sflag:s7] =	ssyncadd.s32 $0xFFFFF800  }
0x1d9: {  	[spmem:s3] =	stream.indirect.scatter.add.f32 [tilespmem:s17], [sflag:$0x4], $0x10, s15, s14, $0xb8;
	[tilespmem:$0x1F380] =	vst v63  }
0x1da: {  	_ =	swait.ge [sflag:s7], $0x800  }
0x1db: {  	[sflag:s7] =	ssyncset.done $0x0  }
0x1dc: {  	s25 =	rddreg [dreg:$0x14];
	[sflag:s7] =	ssyncadd.s32 $0xFFFFF800  }
0x1dd: {  	[spmem:s3] =	stream.indirect.scatter.add.f32 [tilespmem:s2], [sflag:$0x4], $0x10, s25, s14, $0xb8;
	[tilespmem:$0x1F380] =	vst v63  }
0x1de: {  	_ =	swait.ge [sflag:s7], $0x800  }
0x1df: {  	[sflag:s7] =	ssyncset.done $0x0  }
0x1e0: {  	s12 =	rddreg [dreg:$0x15];
	[sflag:s7] =	ssyncadd.s32 $0xFFFFF800  }
0x1e1: {  	[spmem:s3] =	stream.indirect.scatter.add.f32 [tilespmem:s0], [sflag:$0x4], $0x10, s12, s14, $0xb8;
	[tilespmem:$0x1F380] =	vst v63  }
0x1e2: {  	_ =	swait.ge [sflag:s7], $0x800  }
0x1e3: {  	[sflag:s7] =	ssyncset.done $0x0  }
0x1e4: {  	s15 =	rddreg [dreg:$0x16];
	[sflag:s7] =	ssyncadd.s32 $0xFFFFF800  }
0x1e5: {  	[spmem:s3] =	stream.indirect.scatter.add.f32 [tilespmem:s5], [sflag:$0x4], $0x10, s15, s14, $0xb8;
	[tilespmem:$0x1F380] =	vst v63  }
0x1e6: {  	_ =	swait.ge [sflag:s7], $0x800  }
0x1e7: {  	s25 =	rddreg [dreg:$0x17];
	[sflag:s7] =	ssyncset.done $0x0  }
0x1e8: {  	p0 =	seq.s32 s10, $0x2F80;
	s12 =	rddreg [dreg:$0x4];
	[sflag:s7] =	ssyncadd.s32 $0xFFFFF800  }
0x1e9: {  	[spmem:s3] =	stream.indirect.scatter.add.f32 [tilespmem:s6], [sflag:$0x4], $0x10, s25, s14, $0xb8;
	[tilespmem:$0x1F380] =	vst v63  }
0x1ea: {  	s15 =	rddreg [dreg:$0x5];
	s9 =	sadd.s32 @!p0 s10, s12;
	s12 =	simm.s32 @!p0 $0x0  }
0x1eb: {  	[tilespmem:s12], [sflag:$0x5] =	stream.linear.gather @!p0 [hbm4b:s9+s12], $0x500, $0x38;
	[tilespmem:$0x1F380] =	vst v63  }
0x1ec: {  	s9 =	sadd.s32 @!p0 s10, s15;
	s10 =	simm.s32 @!p0 $0xA00  }
0x1ed: {  	[tilespmem:s10], [sflag:$0x5] =	stream.linear.gather @!p0 [hbm4b:s9+s12], $0x500, $0x38;
	[tilespmem:$0x1F380] =	vst v63  }
0x1ee: {  	_ =	swait.ge [sflag:s8], $0x500  }
0x1ef: {  	[sflag:s8] =	ssyncset.done $0x0  }
0x1f0: {  	[sflag:s8] =	ssyncadd.s32 $0xFFFFFB00  }
0x1f1: {  	_ =	swait.ge [sflag:s8], $0x500  }
0x1f2: {  	[sflag:s8] =	ssyncset.done $0x0  }
0x1f3: {  	[sflag:s8] =	ssyncadd.s32 $0xFFFFFB00  }
0x1f4: {  	_ =	swait.ge [sflag:s22], $0x2800  }
0x1f5: {  	[sflag:s22] =	ssyncset.done $0x0  }
0x1f6: {  	[sflag:s22] =	ssyncadd.s32 $0xFFFFD800  }
0x1f7: {  	[tilespmem:s16], [sflag:$0x1] =	stream.indirect.gather [hbm4b:s1+s14], $0x10, s19, s14, $0xb8;
	[tilespmem:$0x1F380] =	vst v63  }
0x1f8: {  	s10 =	rddreg [dreg:$0x18]  }
0x1f9: {  	[tilespmem:s23], [sflag:$0x1] =	stream.indirect.gather [hbm4b:s1+s14], $0x10, s10, s14, $0xb8;
	[tilespmem:$0x1F380] =	vst v63  }
0x1fa: {  	s12 =	rddreg [dreg:$0x19]  }
0x1fb: {  	[tilespmem:s24], [sflag:$0x1] =	stream.indirect.gather [hbm4b:s1+s14], $0x10, s12, s14, $0xb8;
	[tilespmem:$0x1F380] =	vst v63  }
0x1fc: {  	s15 =	rddreg [dreg:$0x1a]  }
0x1fd: {  	[tilespmem:s26], [sflag:$0x1] =	stream.indirect.gather [hbm4b:s1+s14], $0x10, s15, s14, $0xb8;
	[tilespmem:$0x1F380] =	vst v63  }
0x1fe: {  	s25 =	rddreg [dreg:$0x1b]  }
0x1ff: {  	[tilespmem:s28], [sflag:$0x1] =	stream.indirect.gather [hbm4b:s1+s14], $0x10, s25, s14, $0xb8;
	[tilespmem:$0x1F380] =	vst v63  }
0x200: {  	_ =	swait.ge [sflag:s29], $0x800  }
0x201: {  	[sflag:s29] =	ssyncset.done $0x0  }
0x202: {  	[sflag:s29] =	ssyncadd.s32 $0xFFFFF800  }
0x203: {  	[spmem:s3] =	stream.indirect.scatter.add.f32 [tilespmem:s16], [sflag:$0x3], $0x10, s20, s14, $0xb8;
	[tilespmem:$0x1F380] =	vst v63  }
0x204: {  	_ =	swait.ge [sflag:s29], $0x800  }
0x205: {  	[sflag:s29] =	ssyncset.done $0x0  }
0x206: {  	s10 =	rddreg [dreg:$0x1c];
	[sflag:s29] =	ssyncadd.s32 $0xFFFFF800  }
0x207: {  	[spmem:s3] =	stream.indirect.scatter.add.f32 [tilespmem:s23], [sflag:$0x3], $0x10, s10, s14, $0xb8;
	[tilespmem:$0x1F380] =	vst v63  }
0x208: {  	_ =	swait.ge [sflag:s29], $0x800  }
0x209: {  	[sflag:s29] =	ssyncset.done $0x0  }
0x20a: {  	s12 =	rddreg [dreg:$0x1d];
	[sflag:s29] =	ssyncadd.s32 $0xFFFFF800  }
0x20b: {  	[spmem:s3] =	stream.indirect.scatter.add.f32 [tilespmem:s24], [sflag:$0x3], $0x10, s12, s14, $0xb8;
	[tilespmem:$0x1F380] =	vst v63  }
0x20c: {  	_ =	swait.ge [sflag:s29], $0x800  }
0x20d: {  	[sflag:s29] =	ssyncset.done $0x0  }
0x20e: {  	s15 =	rddreg [dreg:$0x1e];
	[sflag:s29] =	ssyncadd.s32 $0xFFFFF800  }
0x20f: {  	[spmem:s3] =	stream.indirect.scatter.add.f32 [tilespmem:s26], [sflag:$0x3], $0x10, s15, s14, $0xb8;
	[tilespmem:$0x1F380] =	vst v63  }
0x210: {  	_ =	swait.ge [sflag:s29], $0x800  }
0x211: {  	[sflag:s29] =	ssyncset.done $0x0  }
0x212: {  	s25 =	rddreg [dreg:$0x1f];
	[sflag:s29] =	ssyncadd.s32 $0xFFFFF800  }
0x213: {  	[spmem:s3] =	stream.indirect.scatter.add.f32 [tilespmem:s28], [sflag:$0x3], $0x10, s25, s14, $0xb8;
	[tilespmem:$0x1F380] =	vst v63  }
0x214: {  	_ =	swait.ge [sflag:s31], $0x2800  }
0x215: {  	s10 =	sld [smem:$0x7F3]  }
0x216: {  	[sflag:s31] =	ssyncset.done $0x0  }
0x217: {  	s12 =	sld [smem:$0x7F4];
	[sflag:s31] =	ssyncadd.s32 $0xFFFFD800  }
0x218: {  	[tilespmem:s17], [sflag:$0x2] =	stream.indirect.gather [hbm4b:s1+s14], $0x10, s10, s14, $0xb8;
	[tilespmem:$0x1F380] =	vst v63  }
0x219: {  	s15 =	sld [smem:$0x7F5]  }
0x21a: {  	[tilespmem:s2], [sflag:$0x2] =	stream.indirect.gather [hbm4b:s1+s14], $0x10, s12, s14, $0xb8;
	[tilespmem:$0x1F380] =	vst v63  }
0x21b: {  	s25 =	sld [smem:$0x7F6]  }
0x21c: {  	[tilespmem:s0], [sflag:$0x2] =	stream.indirect.gather [hbm4b:s1+s14], $0x10, s15, s14, $0xb8;
	[tilespmem:$0x1F380] =	vst v63  }
0x21d: {  	s12 =	sld [smem:$0x7F7]  }
0x21e: {  	[tilespmem:s5], [sflag:$0x2] =	stream.indirect.gather [hbm4b:s1+s14], $0x10, s25, s14, $0xb8;
	[tilespmem:$0x1F380] =	vst v63  }
0x21f: {  	_ = 	snop  }
0x220: {  	[tilespmem:s6], [sflag:$0x2] =	stream.indirect.gather [hbm4b:s1+s14], $0x10, s12, s14, $0xb8;
	[tilespmem:$0x1F380] =	vst v63  }
0x221: {  	_ =	swait.ge [sflag:s7], $0x800  }
0x222: {  	s15 =	sld [smem:$0x7F8]  }
0x223: {  	[sflag:s7] =	ssyncset.done $0x0  }
0x224: {  	[sflag:s7] =	ssyncadd.s32 $0xFFFFF800  }
0x225: {  	[spmem:s3] =	stream.indirect.scatter.add.f32 [tilespmem:s17], [sflag:$0x4], $0x10, s15, s14, $0xb8;
	[tilespmem:$0x1F380] =	vst v63  }
0x226: {  	_ =	swait.ge [sflag:s7], $0x800  }
0x227: {  	s25 =	sld [smem:$0x7F9]  }
0x228: {  	[sflag:s7] =	ssyncset.done $0x0  }
0x229: {  	[sflag:s7] =	ssyncadd.s32 $0xFFFFF800  }
0x22a: {  	[spmem:s3] =	stream.indirect.scatter.add.f32 [tilespmem:s2], [sflag:$0x4], $0x10, s25, s14, $0xb8;
	[tilespmem:$0x1F380] =	vst v63  }
0x22b: {  	_ =	swait.ge [sflag:s7], $0x800  }
0x22c: {  	s10 =	sld [smem:$0x7FA]  }
0x22d: {  	[sflag:s7] =	ssyncset.done $0x0  }
0x22e: {  	[sflag:s7] =	ssyncadd.s32 $0xFFFFF800  }
0x22f: {  	[spmem:s3] =	stream.indirect.scatter.add.f32 [tilespmem:s0], [sflag:$0x4], $0x10, s10, s14, $0xb8;
	[tilespmem:$0x1F380] =	vst v63  }
0x230: {  	_ =	swait.ge [sflag:s7], $0x800  }
0x231: {  	s12 =	sld [smem:$0x7FB]  }
0x232: {  	[sflag:s7] =	ssyncset.done $0x0  }
0x233: {  	[sflag:s7] =	ssyncadd.s32 $0xFFFFF800  }
0x234: {  	[spmem:s3] =	stream.indirect.scatter.add.f32 [tilespmem:s5], [sflag:$0x4], $0x10, s12, s14, $0xb8;
	[tilespmem:$0x1F380] =	vst v63  }
0x235: {  	_ =	swait.ge [sflag:s7], $0x800  }
0x236: {  	s15 =	sld [smem:$0x7FC]  }
0x237: {  	[sflag:s7] =	ssyncset.done $0x0  }
0x238: {  	[sflag:s7] =	ssyncadd.s32 $0xFFFFF800  }
0x239: {  	[spmem:s3] =	stream.indirect.scatter.add.f32 [tilespmem:s6], [sflag:$0x4], $0x10, s15, s14, $0xb8;
	[tilespmem:$0x1F380] =	vst v63  }
0x23a: {  	_ =	swait.ge [sflag:s22], $0x2800  }
0x23b: {  	[sflag:s22] =	ssyncset.done $0x0  }
0x23c: {  	[sflag:s22] =	ssyncadd.s32 $0xFFFFD800  }
0x23d: {  	_ =	swait.ge [sflag:s31], $0x2800  }
0x23e: {  	s25 =	sld [smem:$0x7EF]  }
0x23f: {  	[sflag:s31] =	ssyncset.done $0x0  }
0x240: {  	[sflag:s31] =	ssyncadd.s32 $0xFFFFD800  }
0x241: {  	[tilespmem:s4], [sflag:$0x7] =	stream.linear.gather [hbm4b:s25+s4], $0x100, $0x38;
	[tilespmem:$0x1F380] =	vst v63  }
0x242: {  	_ =	swait.ge [sflag:s13], $0x100  }
0x243: {  	s10 =	sld [smem:$0x7F0]  }
0x244: {  	[sflag:s13] =	ssyncset.done $0x0  }
0x245: {  	[sflag:s13] =	ssyncadd.s32 $0xFFFFFF00  }
0x246: {  	[tilespmem:s18], [sflag:$0x7] =	stream.linear.gather [hbm4b:s10+s4], $0x100, $0x38;
	[tilespmem:$0x1F380] =	vst v63  }
0x247: {  	_ =	swait.ge [sflag:s13], $0x100  }
0x248: {  	[sflag:s13] =	ssyncset.done $0x0  }
0x249: {  	[sflag:s13] =	ssyncadd.s32 $0xFFFFFF00  }
0x24a: {  	[tilespmem:s16], [sflag:$0x1] =	stream.indirect.gather [hbm4b:s1+s14], $0x10, s4, s14, $0xb8;
	[tilespmem:$0x1F380] =	vst v63  }
0x24b: {  	_ =	swait.ge [sflag:s29], $0x800  }
0x24c: {  	[sflag:s29] =	ssyncset.done $0x0  }
0x24d: {  	[sflag:s29] =	ssyncadd.s32 $0xFFFFF800  }
0x24e: {  	[spmem:s3] =	stream.indirect.scatter.add.f32 [tilespmem:s16], [sflag:$0x3], $0x10, s18, s14, $0xb8;
	[tilespmem:$0x1F380] =	vst v63  }
0x24f: {  	_ =	swait.ge [sflag:s22], $0x800  }
0x250: {  	[sflag:s22] =	ssyncset.done $0x0  }
0x251: {  	[sflag:s22] =	ssyncadd.s32 $0xFFFFF800  }
0x252: {  	[tilespmem:s16], [sflag:$0x1] =	stream.indirect.gather [hbm4b:s1+s14], $0x10, s14, s14, $0xb8;
	[tilespmem:$0x1F380] =	vst v63  }
0x253: {  	_ =	swait.ge [sflag:s29], $0x800  }
0x254: {  	[sflag:s29] =	ssyncset.done $0x0  }
0x255: {  	[sflag:s29] =	ssyncadd.s32 $0xFFFFF800  }
0x256: {  	[spmem:s3] =	stream.indirect.scatter.add.f32 [tilespmem:s16], [sflag:$0x3], $0x10, s30, s14, $0xb8;
	[tilespmem:$0x1F380] =	vst v63  }
0x257: {  	_ =	swait.ge [sflag:s22], $0x800  }
0x258: {  	[sflag:s22] =	ssyncset.done $0x0  }
0x259: {  	[sflag:s22] =	ssyncadd.s32 $0xFFFFF800  }
0x25a: {  	[bflag:$0x0] =	sbarrier.arrive $0xFFFF  }
0x25b: {  	s15 =	sld [smem:$0x7F1]  }
0x25c: {  	s12 =	stileid.u32;
	s25 =	sld [smem:$0x7FD]  }
0x25d: {  	s9 =	sshll.u32 s12, $0x6  }
0x25e: {  	s9 =	sor.u32 $0x1C07, s9  }
0x25f: {  	[hbm:s15], [sflag:s9] =	dma.local [spmem:s25], $0x30D4  }
0x260: {  	_ =	swait.ge [sflag:s13], $0x30D4  }
0x261: {  	s15 =	sld [smem:$0x7EC]  }
0x262: {  	s25 =	sld [smem:$0x7F2];
	_ =	sdelay $0x1  }
0x263: {  	s10 =	sadd.s32 $0x1, s15  }
0x264: {  	p0 =	sne.s32 s10, s25  }
.Ltmp4:
0x265: {  	_ = 	snop;
	(pc) =	sbr.rel @p0 .LBB2_1-.Ltmp4, $3  }
0x266: {  	_ =	sdelay $0x1  }
0x267: {  	[sflag:s13] =	ssyncset.done $0x0  }
0x268: {  	s12 =	simm.s32 $0x6480;
	[sflag:s13] =	ssyncadd.s32 $0xFFFFCF2C  }
0x269: {  	_ =	sfence.sel $0x180000  }
0x26a: {  	[bflag:$0x0] =	sbarrier.arrive $0xFFFF  }
0x26b: {  	_ =	strace $0x9000004D  }
0x26c: {  	s0 =	stileid.u32;
	[bflag:$0x2] =	sbarrier.arrive $0xFFFF  }
0x26d: {  	p0 =	sne.s32 s0, $0x0;
	s0 =	rddreg [dreg:$0x3]  }
0x26e: {  	s0 =	sadd.s32 @!p0 $0x100000, s0  }
0x26f: {  	[sflag:s0] =	ssyncadd.tile.s32 @!p0 $0x1;
	_ =	shalt  }
.Lfunc_end2:
_tile_overlayer_lowered:
.L_overlay_start_2:
0x270: {  	(tag) =	ssettag $0x2  }
0x271: {  	s0 =	rddreg [dreg:$0x0];
	s2 =	stileid.u32  }
0x272: {  	s1 =	rddreg [dreg:$0x1];
	p0 =	sne.s32 s2, $0x0  }
0x273: {  	s3 =	rddreg [dreg:$0x2];
	[bflag:$0x3] =	sbarrier.arrive $0xFFFF;
	s2 =	simm.s32 @!p0 $0x1C07  }
0x274: {  	[timem:s3], [sflag:s2] =	dma.local @!p0 [hbm:s0], s1  }
0x275: {  	s0 =	simm.s32 @!p0 $0x7  }
0x276: {  	_ =	swait.ge @!p0 [sflag:s0], s1  }
0x277: {  	s1 =	ssub.s32 @!p0 $0x0, s1;
	[sflag:s0] =	ssyncset.done @!p0 $0x0  }
0x278: {  	[sflag:s0] =	ssyncadd.s32 @!p0 s1  }
0x279: {  	[bflag:$0x3] =	sbarrier.arrive $0xFFFF  }
0x27a: {  	_ =	shalt  }

</sc_bundles>
